<compile_context>
chip_gen: v7x
topology: tpu7x:2x2x1
jax: 0.10.2.dev20260603
libtpu: 0.0.44.dev20260713+nightly
codegen_flags: <defaults>
</compile_context>

<pallas_src>
import functools

import jax
import jax.numpy as jnp
from jax import lax
from jax.experimental import pallas as pl
from jax.experimental.pallas import tpu as pltpu
from jax.experimental.pallas import tpu_sc as plsc

B, C, T = 128, 16, 16384
M = 2
BS = 8
NC, NS, L = 2, 16, 16
NW = NC * NS
SPB = B // NW
WINW = 384


def _tc_copy_body(x_ref, o_ref):
    o_ref[...] = x_ref[...]


def _tc_copy(x):
    return pl.pallas_call(
        _tc_copy_body,
        out_shape=jax.ShapeDtypeStruct((B, C, T), jnp.float32),
        grid=(B // BS,),
        in_specs=[pl.BlockSpec((BS, C, T), lambda g: (g, 0, 0))],
        out_specs=pl.BlockSpec((BS, C, T), lambda g: (g, 0, 0)),
    )(x)


def _sc_body(y_hbm, w_hbm, s_hbm, s_v, w_v, win_v):
    wid = lax.axis_index("s") * NC + lax.axis_index("c")
    b0 = wid * SPB

    pltpu.sync_copy(s_hbm, s_v)
    pltpu.sync_copy(w_hbm, w_v)

    lanes = lax.broadcasted_iota(jnp.int32, (L,), 0)

    for j in range(SPB):
        b = b0 + j
        for m in range(M):
            idx = jnp.full((L,), m * B, dtype=jnp.int32) + b
            svec = plsc.load_gather(s_v, [idx])
            wvec = plsc.load_gather(w_v, [idx])
            evec = jnp.minimum(svec + wvec, T)
            s = svec[0]
            win = pl.multiple_of(
                jnp.minimum((s // 128) * 128, T - WINW), 128)

            pltpu.sync_copy(y_hbm.at[b, :, pl.ds(win, WINW)], win_v)

            keeps = []
            for t in range(WINW // L):
                p = win + t * L + lanes
                keeps.append((p < svec) | (p >= evec))

            def body(c, _):
                for t in range(WINW // L):
                    vec = win_v[c, pl.ds(t * L, L)]
                    win_v[c, pl.ds(t * L, L)] = jnp.where(
                        keeps[t], vec, 0.0)
                return 0

            lax.fori_loop(0, C, body, 0)
            pltpu.sync_copy(win_v, y_hbm.at[b, :, pl.ds(win, WINW)])


def kernel(x, widths, starts):
    y = _tc_copy(x)
    mesh = plsc.VectorSubcoreMesh(
        core_axis_name="c", subcore_axis_name="s",
        num_cores=NC, num_subcores=NS)
    sc_fn = functools.partial(
        pl.kernel,
        mesh=mesh,
        compiler_params=pltpu.CompilerParams(needs_layout_passes=False),
        scratch_types=[
            pltpu.VMEM((M * B,), jnp.int32),
            pltpu.VMEM((M * B,), jnp.int32),
            pltpu.VMEM((C, WINW), jnp.float32),
        ],
    )(_sc_body)
    y_ref = jax.new_ref(y)
    sc_fn(y_ref, widths.reshape(M * B), starts.reshape(M * B))
    return y_ref[...]

# --- scband reference (transcript-rebuilt; emitter-appended) ---
"""Pipeline reference for scband-gputime-mask-38010460570421 (READ-ONLY COPY).

The authoritative reference and input builder live on the scoring server;
editing this copy changes nothing except your own understanding.
"""

import jax, jax.numpy as jnp
import numpy as np

B, C, T = 128, 16, 16384
NUM_MASKS = 2
MAX_MASK_RATIO = 0.1
MAX_MASK_WIDTH = 150


def setup_inputs(seed: int = 0) -> dict:
    key = jax.random.key(seed)
    k1, k2, k3 = jax.random.split(key, 3)
    x = jax.random.normal(k1, (B, C, T), dtype=jnp.float32)
    # Per-sample random mask widths/starts, matching the torch module's
    # torch.randint calls inside apply(). These are the RNG draws materialized
    # as explicit int inputs so the computation is deterministic.
    max_total = int(T * MAX_MASK_RATIO)
    max_single = min(MAX_MASK_WIDTH, max(1, max_total // NUM_MASKS))
    max_start = max(1, T - max_single)
    widths = jax.random.randint(k2, (NUM_MASKS, B), 1, max_single + 1, dtype=jnp.int32)
    starts = jax.random.randint(k3, (NUM_MASKS, B), 0, max_start, dtype=jnp.int32)
    return {"x": x, "widths": widths, "starts": starts}


def reference(x, widths, starts):
    # x: [B, C, T]; widths/starts: [NUM_MASKS, B]
    # For each mask m and sample b, zero out x[b, :, s:min(s+w, T)].
    T_ = x.shape[2]
    pos = jnp.arange(T_)                                   # [T]
    ends = jnp.minimum(starts + widths, T_)                # [M, B]
    in_mask = (pos[None, None, :] >= starts[:, :, None]) & (
        pos[None, None, :] < ends[:, :, None]
    )                                                      # [M, B, T]
    combined = jnp.any(in_mask, axis=0)                    # [B, T]
    return jnp.where(combined[:, None, :], jnp.zeros_like(x), x)

if __name__ == "__main__":
    import jax
    _d = setup_inputs()
    print(jax.jit(kernel)(*tuple(_d.values())))

</pallas_src>

<mosaic_0001>
#map = affine_map<(d0, d1) -> (0, 0, 0)>
#map1 = affine_map<(d0, d1) -> (0)>
module attributes {stable_mosaic.version = 14 : i64} {
  func.func @new_body(%arg0: i32, %arg1: i32, %arg2: memref<128x16x16384xf32, #tpu.memory_space<hbm>>, %arg3: memref<256xi32, #tpu.memory_space<hbm>>, %arg4: memref<256xi32, #tpu.memory_space<hbm>>, %arg5: memref<128x16x16384xf32, #tpu.memory_space<hbm>>, %arg6: memref<256xi32, #tpu.memory_space<vmem>>, %arg7: memref<256xi32, #tpu.memory_space<vmem>>, %arg8: memref<16x384xf32, #tpu.memory_space<vmem>>) attributes {dimension_semantics = [#tpu.dimension_semantics<core_parallel>, #tpu.dimension_semantics<subcore_parallel>], iteration_bounds = array<i64: 2, 16>, scalar_prefetch = 0 : i64, scratch_operands = 3 : i64, tpu.core_type = #tpu.core_type<sc_vector_subcore>, window_params = [{transform_indices = #map}, {transform_indices = #map1}, {transform_indices = #map1}, {transform_indices = #map}]} {
    %mul3A = arith.constant 2 : i32
    %mul3A_0 = arith.muli %arg1, %mul3A : i32
    %add3A = arith.addi %mul3A_0, %arg0 : i32
    %mul3A_1 = arith.constant 4 : i32
    %mul3A_2 = arith.muli %add3A, %mul3A_1 : i32
    "tpu.region"() ({
      %run_scoped3A = tpu.sem_alloc : memref<!tpu.dma_semaphore, #tpu.memory_space<semaphore_mem>>
      tpu.enqueue_dma source(%arg4 : memref<256xi32, #tpu.memory_space<hbm>>) target(%arg6 : memref<256xi32, #tpu.memory_space<vmem>>) target_semaphore(%run_scoped3A : memref<!tpu.dma_semaphore, #tpu.memory_space<semaphore_mem>>)
      tpu.wait_dma2 semaphore(%run_scoped3A : memref<!tpu.dma_semaphore, #tpu.memory_space<semaphore_mem>>) src(%arg4 : memref<256xi32, #tpu.memory_space<hbm>>) dst(%arg6 : memref<256xi32, #tpu.memory_space<vmem>>)
      tpu.yield
    }) : () -> ()
    "tpu.region"() ({
      %run_scoped3A = tpu.sem_alloc : memref<!tpu.dma_semaphore, #tpu.memory_space<semaphore_mem>>
      tpu.enqueue_dma source(%arg3 : memref<256xi32, #tpu.memory_space<hbm>>) target(%arg7 : memref<256xi32, #tpu.memory_space<vmem>>) target_semaphore(%run_scoped3A : memref<!tpu.dma_semaphore, #tpu.memory_space<semaphore_mem>>)
      tpu.wait_dma2 semaphore(%run_scoped3A : memref<!tpu.dma_semaphore, #tpu.memory_space<semaphore_mem>>) src(%arg3 : memref<256xi32, #tpu.memory_space<hbm>>) dst(%arg7 : memref<256xi32, #tpu.memory_space<vmem>>)
      tpu.yield
    }) : () -> ()
    %iota3A = tpu.iota {dimensions = array<i32: 0>} : vector<16xi32>
    %add3A_3 = arith.constant 0 : i32
    %add3A_4 = arith.addi %mul3A_2, %add3A_3 : i32
    %broadcast_in_dim3A = arith.constant 0 : i32
    %broadcast_in_dim3A_5 = vector.broadcast %broadcast_in_dim3A : i32 to vector<16xi32>
    %add3A_6 = vector.broadcast %add3A_4 : i32 to vector<16xi32>
    %add3A_7 = arith.addi %broadcast_in_dim3A_5, %add3A_6 : vector<16xi32>
    %gather3A = tpu.vector_load_idx %arg6[%add3A_7] : memref<256xi32, #tpu.memory_space<vmem>>[vector<16xi32>], vector<16xi32>,
    %gather3A_8 = tpu.vector_load_idx %arg7[%add3A_7] : memref<256xi32, #tpu.memory_space<vmem>>[vector<16xi32>], vector<16xi32>,
    %add3A_9 = arith.addi %gather3A, %gather3A_8 : vector<16xi32>
    %min3A = arith.constant 16384 : i32
    %min3A_10 = vector.broadcast %min3A : i32 to vector<16xi32>
    %min3A_11 = arith.minsi %add3A_9, %min3A_10 : vector<16xi32>
    %slice3A = vector.extract_strided_slice %gather3A {offsets = [0], sizes = [1], strides = [1]} : vector<16xi32> to vector<1xi32>
    %squeeze3A = vector.extract %slice3A[0] : i32 from vector<1xi32>
    %jit3A = arith.constant 128 : i32
    %div3A = arith.divsi %squeeze3A, %jit3A : i32
    %sign3A = arith.constant 0 : i32
    %sign3A_12 = arith.cmpi sgt, %squeeze3A, %sign3A : i32
    %sign3A_13 = arith.extui %sign3A_12 : i1 to i32
    %sign3A_14 = arith.constant 0 : i32
    %sign3A_15 = arith.cmpi slt, %squeeze3A, %sign3A_14 : i32
    %sign3A_16 = arith.extui %sign3A_15 : i1 to i32
    %sign3A_17 = arith.subi %sign3A_13, %sign3A_16 : i32
    %sign3A_18 = arith.constant 0 : i32
    %sign3A_19 = arith.cmpi sgt, %jit3A, %sign3A_18 : i32
    %sign3A_20 = arith.extui %sign3A_19 : i1 to i32
    %sign3A_21 = arith.constant 0 : i32
    %sign3A_22 = arith.cmpi slt, %jit3A, %sign3A_21 : i32
    %sign3A_23 = arith.extui %sign3A_22 : i1 to i32
    %sign3A_24 = arith.subi %sign3A_20, %sign3A_23 : i32
    %ne3A = arith.cmpi ne, %sign3A_17, %sign3A_24 : i32
    %rem3A = arith.remsi %squeeze3A, %jit3A : i32
    %ne3A_25 = arith.constant 0 : i32
    %ne3A_26 = arith.cmpi ne, %rem3A, %ne3A_25 : i32
    %and3A = arith.andi %ne3A, %ne3A_26 : i1
    %sub3A = arith.constant 1 : i32
    %sub3A_27 = arith.subi %div3A, %sub3A : i32
    %select_n3A = arith.select %and3A, %sub3A_27, %div3A : i32
    %mul3A_28 = arith.constant 128 : i32
    %mul3A_29 = arith.muli %select_n3A, %mul3A_28 : i32
    %min3A_30 = arith.constant 16000 : i32
    %min3A_31 = arith.minsi %mul3A_29, %min3A_30 : i32
    %multiple_of3A = tpu.assume_multiple %min3A_31, 128 : i32
    "tpu.region"() ({
      %run_scoped3A = tpu.sem_alloc : memref<!tpu.dma_semaphore, #tpu.memory_space<semaphore_mem>>
      %dma_start3A = arith.constant 0 : i32
      %dma_start3A_1721 = tpu.memref_slice %arg2[%add3A_4, %dma_start3A, %multiple_of3A] : memref<128x16x16384xf32, #tpu.memory_space<hbm>> -> memref<1x16x384xf32, #tpu.memory_space<hbm>>
      %dma_start3A_1722 = tpu.memref_squeeze %dma_start3A_1721 : memref<1x16x384xf32, #tpu.memory_space<hbm>> -> memref<16x384xf32, #tpu.memory_space<hbm>>
      %dma_start3A_1723 = arith.constant 0 : i32
      %dma_start3A_1724 = tpu.memref_slice %arg2[%add3A_4, %dma_start3A_1723, %multiple_of3A] : memref<128x16x16384xf32, #tpu.memory_space<hbm>> -> memref<1x16x384xf32, #tpu.memory_space<hbm>>
      %dma_start3A_1725 = tpu.memref_squeeze %dma_start3A_1724 : memref<1x16x384xf32, #tpu.memory_space<hbm>> -> memref<16x384xf32, #tpu.memory_space<hbm>>
      tpu.enqueue_dma source(%dma_start3A_1725 : memref<16x384xf32, #tpu.memory_space<hbm>>) target(%arg8 : memref<16x384xf32, #tpu.memory_space<vmem>>) target_semaphore(%run_scoped3A : memref<!tpu.dma_semaphore, #tpu.memory_space<semaphore_mem>>)
      %dma_wait3A = arith.constant 0 : i32
      %dma_wait3A_1726 = tpu.memref_slice %arg2[%add3A_4, %dma_wait3A, %multiple_of3A] : memref<128x16x16384xf32, #tpu.memory_space<hbm>> -> memref<1x16x384xf32, #tpu.memory_space<hbm>>
      %dma_wait3A_1727 = tpu.memref_squeeze %dma_wait3A_1726 : memref<1x16x384xf32, #tpu.memory_space<hbm>> -> memref<16x384xf32, #tpu.memory_space<hbm>>
      %dma_wait3A_1728 = arith.constant 0 : i32
      %dma_wait3A_1729 = tpu.memref_slice %arg2[%add3A_4, %dma_wait3A_1728, %multiple_of3A] : memref<128x16x16384xf32, #tpu.memory_space<hbm>> -> memref<1x16x384xf32, #tpu.memory_space<hbm>>
      %dma_wait3A_1730 = tpu.memref_squeeze %dma_wait3A_1729 : memref<1x16x384xf32, #tpu.memory_space<hbm>> -> memref<16x384xf32, #tpu.memory_space<hbm>>
      tpu.wait_dma2 semaphore(%run_scoped3A : memref<!tpu.dma_semaphore, #tpu.memory_space<semaphore_mem>>) src(%dma_wait3A_1730 : memref<16x384xf32, #tpu.memory_space<hbm>>) dst(%arg8 : memref<16x384xf32, #tpu.memory_space<vmem>>)
      tpu.yield
    }) : () -> ()
    %add3A_32 = arith.constant 0 : i32
    %add3A_33 = arith.addi %multiple_of3A, %add3A_32 : i32
    %add3A_34 = vector.broadcast %add3A_33 : i32 to vector<16xi32>
    %add3A_35 = arith.addi %add3A_34, %iota3A : vector<16xi32>
    %lt3A = arith.cmpi slt, %add3A_35, %gather3A : vector<16xi32>
    %ge3A = arith.cmpi sge, %add3A_35, %min3A_11 : vector<16xi32>
    %or3A = arith.ori %lt3A, %ge3A : vector<16xi1>
    %add3A_36 = arith.constant 16 : i32
    %add3A_37 = arith.addi %multiple_of3A, %add3A_36 : i32
    %add3A_38 = vector.broadcast %add3A_37 : i32 to vector<16xi32>
    %add3A_39 = arith.addi %add3A_38, %iota3A : vector<16xi32>
    %lt3A_40 = arith.cmpi slt, %add3A_39, %gather3A : vector<16xi32>
    %ge3A_41 = arith.cmpi sge, %add3A_39, %min3A_11 : vector<16xi32>
    %or3A_42 = arith.ori %lt3A_40, %ge3A_41 : vector<16xi1>
    %add3A_43 = arith.constant 32 : i32
    %add3A_44 = arith.addi %multiple_of3A, %add3A_43 : i32
    %add3A_45 = vector.broadcast %add3A_44 : i32 to vector<16xi32>
    %add3A_46 = arith.addi %add3A_45, %iota3A : vector<16xi32>
    %lt3A_47 = arith.cmpi slt, %add3A_46, %gather3A : vector<16xi32>
    %ge3A_48 = arith.cmpi sge, %add3A_46, %min3A_11 : vector<16xi32>
    %or3A_49 = arith.ori %lt3A_47, %ge3A_48 : vector<16xi1>
    %add3A_50 = arith.constant 48 : i32
    %add3A_51 = arith.addi %multiple_of3A, %add3A_50 : i32
    %add3A_52 = vector.broadcast %add3A_51 : i32 to vector<16xi32>
    %add3A_53 = arith.addi %add3A_52, %iota3A : vector<16xi32>
    %lt3A_54 = arith.cmpi slt, %add3A_53, %gather3A : vector<16xi32>
    %ge3A_55 = arith.cmpi sge, %add3A_53, %min3A_11 : vector<16xi32>
    %or3A_56 = arith.ori %lt3A_54, %ge3A_55 : vector<16xi1>
    %add3A_57 = arith.constant 64 : i32
    %add3A_58 = arith.addi %multiple_of3A, %add3A_57 : i32
    %add3A_59 = vector.broadcast %add3A_58 : i32 to vector<16xi32>
    %add3A_60 = arith.addi %add3A_59, %iota3A : vector<16xi32>
    %lt3A_61 = arith.cmpi slt, %add3A_60, %gather3A : vector<16xi32>
    %ge3A_62 = arith.cmpi sge, %add3A_60, %min3A_11 : vector<16xi32>
    %or3A_63 = arith.ori %lt3A_61, %ge3A_62 : vector<16xi1>
    %add3A_64 = arith.constant 80 : i32
    %add3A_65 = arith.addi %multiple_of3A, %add3A_64 : i32
    %add3A_66 = vector.broadcast %add3A_65 : i32 to vector<16xi32>
    %add3A_67 = arith.addi %add3A_66, %iota3A : vector<16xi32>
    %lt3A_68 = arith.cmpi slt, %add3A_67, %gather3A : vector<16xi32>
    %ge3A_69 = arith.cmpi sge, %add3A_67, %min3A_11 : vector<16xi32>
    %or3A_70 = arith.ori %lt3A_68, %ge3A_69 : vector<16xi1>
    %add3A_71 = arith.constant 96 : i32
    %add3A_72 = arith.addi %multiple_of3A, %add3A_71 : i32
    %add3A_73 = vector.broadcast %add3A_72 : i32 to vector<16xi32>
    %add3A_74 = arith.addi %add3A_73, %iota3A : vector<16xi32>
    %lt3A_75 = arith.cmpi slt, %add3A_74, %gather3A : vector<16xi32>
    %ge3A_76 = arith.cmpi sge, %add3A_74, %min3A_11 : vector<16xi32>
    %or3A_77 = arith.ori %lt3A_75, %ge3A_76 : vector<16xi1>
    %add3A_78 = arith.constant 112 : i32
    %add3A_79 = arith.addi %multiple_of3A, %add3A_78 : i32
    %add3A_80 = vector.broadcast %add3A_79 : i32 to vector<16xi32>
    %add3A_81 = arith.addi %add3A_80, %iota3A : vector<16xi32>
    %lt3A_82 = arith.cmpi slt, %add3A_81, %gather3A : vector<16xi32>
    %ge3A_83 = arith.cmpi sge, %add3A_81, %min3A_11 : vector<16xi32>
    %or3A_84 = arith.ori %lt3A_82, %ge3A_83 : vector<16xi1>
    %add3A_85 = arith.constant 128 : i32
    %add3A_86 = arith.addi %multiple_of3A, %add3A_85 : i32
    %add3A_87 = vector.broadcast %add3A_86 : i32 to vector<16xi32>
    %add3A_88 = arith.addi %add3A_87, %iota3A : vector<16xi32>
    %lt3A_89 = arith.cmpi slt, %add3A_88, %gather3A : vector<16xi32>
    %ge3A_90 = arith.cmpi sge, %add3A_88, %min3A_11 : vector<16xi32>
    %or3A_91 = arith.ori %lt3A_89, %ge3A_90 : vector<16xi1>
    %add3A_92 = arith.constant 144 : i32
    %add3A_93 = arith.addi %multiple_of3A, %add3A_92 : i32
    %add3A_94 = vector.broadcast %add3A_93 : i32 to vector<16xi32>
    %add3A_95 = arith.addi %add3A_94, %iota3A : vector<16xi32>
    %lt3A_96 = arith.cmpi slt, %add3A_95, %gather3A : vector<16xi32>
    %ge3A_97 = arith.cmpi sge, %add3A_95, %min3A_11 : vector<16xi32>
    %or3A_98 = arith.ori %lt3A_96, %ge3A_97 : vector<16xi1>
    %add3A_99 = arith.constant 160 : i32
    %add3A_100 = arith.addi %multiple_of3A, %add3A_99 : i32
    %add3A_101 = vector.broadcast %add3A_100 : i32 to vector<16xi32>
    %add3A_102 = arith.addi %add3A_101, %iota3A : vector<16xi32>
    %lt3A_103 = arith.cmpi slt, %add3A_102, %gather3A : vector<16xi32>
    %ge3A_104 = arith.cmpi sge, %add3A_102, %min3A_11 : vector<16xi32>
    %or3A_105 = arith.ori %lt3A_103, %ge3A_104 : vector<16xi1>
    %add3A_106 = arith.constant 176 : i32
    %add3A_107 = arith.addi %multiple_of3A, %add3A_106 : i32
    %add3A_108 = vector.broadcast %add3A_107 : i32 to vector<16xi32>
    %add3A_109 = arith.addi %add3A_108, %iota3A : vector<16xi32>
    %lt3A_110 = arith.cmpi slt, %add3A_109, %gather3A : vector<16xi32>
    %ge3A_111 = arith.cmpi sge, %add3A_109, %min3A_11 : vector<16xi32>
    %or3A_112 = arith.ori %lt3A_110, %ge3A_111 : vector<16xi1>
    %add3A_113 = arith.constant 192 : i32
    %add3A_114 = arith.addi %multiple_of3A, %add3A_113 : i32
    %add3A_115 = vector.broadcast %add3A_114 : i32 to vector<16xi32>
    %add3A_116 = arith.addi %add3A_115, %iota3A : vector<16xi32>
    %lt3A_117 = arith.cmpi slt, %add3A_116, %gather3A : vector<16xi32>
    %ge3A_118 = arith.cmpi sge, %add3A_116, %min3A_11 : vector<16xi32>
    %or3A_119 = arith.ori %lt3A_117, %ge3A_118 : vector<16xi1>
    %add3A_120 = arith.constant 208 : i32
    %add3A_121 = arith.addi %multiple_of3A, %add3A_120 : i32
    %add3A_122 = vector.broadcast %add3A_121 : i32 to vector<16xi32>
    %add3A_123 = arith.addi %add3A_122, %iota3A : vector<16xi32>
    %lt3A_124 = arith.cmpi slt, %add3A_123, %gather3A : vector<16xi32>
    %ge3A_125 = arith.cmpi sge, %add3A_123, %min3A_11 : vector<16xi32>
    %or3A_126 = arith.ori %lt3A_124, %ge3A_125 : vector<16xi1>
    %add3A_127 = arith.constant 224 : i32
    %add3A_128 = arith.addi %multiple_of3A, %add3A_127 : i32
    %add3A_129 = vector.broadcast %add3A_128 : i32 to vector<16xi32>
    %add3A_130 = arith.addi %add3A_129, %iota3A : vector<16xi32>
    %lt3A_131 = arith.cmpi slt, %add3A_130, %gather3A : vector<16xi32>
    %ge3A_132 = arith.cmpi sge, %add3A_130, %min3A_11 : vector<16xi32>
    %or3A_133 = arith.ori %lt3A_131, %ge3A_132 : vector<16xi1>
    %add3A_134 = arith.constant 240 : i32
    %add3A_135 = arith.addi %multiple_of3A, %add3A_134 : i32
    %add3A_136 = vector.broadcast %add3A_135 : i32 to vector<16xi32>
    %add3A_137 = arith.addi %add3A_136, %iota3A : vector<16xi32>
    %lt3A_138 = arith.cmpi slt, %add3A_137, %gather3A : vector<16xi32>
    %ge3A_139 = arith.cmpi sge, %add3A_137, %min3A_11 : vector<16xi32>
    %or3A_140 = arith.ori %lt3A_138, %ge3A_139 : vector<16xi1>
    %add3A_141 = arith.constant 256 : i32
    %add3A_142 = arith.addi %multiple_of3A, %add3A_141 : i32
    %add3A_143 = vector.broadcast %add3A_142 : i32 to vector<16xi32>
    %add3A_144 = arith.addi %add3A_143, %iota3A : vector<16xi32>
    %lt3A_145 = arith.cmpi slt, %add3A_144, %gather3A : vector<16xi32>
    %ge3A_146 = arith.cmpi sge, %add3A_144, %min3A_11 : vector<16xi32>
    %or3A_147 = arith.ori %lt3A_145, %ge3A_146 : vector<16xi1>
    %add3A_148 = arith.constant 272 : i32
    %add3A_149 = arith.addi %multiple_of3A, %add3A_148 : i32
    %add3A_150 = vector.broadcast %add3A_149 : i32 to vector<16xi32>
    %add3A_151 = arith.addi %add3A_150, %iota3A : vector<16xi32>
    %lt3A_152 = arith.cmpi slt, %add3A_151, %gather3A : vector<16xi32>
    %ge3A_153 = arith.cmpi sge, %add3A_151, %min3A_11 : vector<16xi32>
    %or3A_154 = arith.ori %lt3A_152, %ge3A_153 : vector<16xi1>
    %add3A_155 = arith.constant 288 : i32
    %add3A_156 = arith.addi %multiple_of3A, %add3A_155 : i32
    %add3A_157 = vector.broadcast %add3A_156 : i32 to vector<16xi32>
    %add3A_158 = arith.addi %add3A_157, %iota3A : vector<16xi32>
    %lt3A_159 = arith.cmpi slt, %add3A_158, %gather3A : vector<16xi32>
    %ge3A_160 = arith.cmpi sge, %add3A_158, %min3A_11 : vector<16xi32>
    %or3A_161 = arith.ori %lt3A_159, %ge3A_160 : vector<16xi1>
    %add3A_162 = arith.constant 304 : i32
    %add3A_163 = arith.addi %multiple_of3A, %add3A_162 : i32
    %add3A_164 = vector.broadcast %add3A_163 : i32 to vector<16xi32>
    %add3A_165 = arith.addi %add3A_164, %iota3A : vector<16xi32>
    %lt3A_166 = arith.cmpi slt, %add3A_165, %gather3A : vector<16xi32>
    %ge3A_167 = arith.cmpi sge, %add3A_165, %min3A_11 : vector<16xi32>
    %or3A_168 = arith.ori %lt3A_166, %ge3A_167 : vector<16xi1>
    %add3A_169 = arith.constant 320 : i32
    %add3A_170 = arith.addi %multiple_of3A, %add3A_169 : i32
    %add3A_171 = vector.broadcast %add3A_170 : i32 to vector<16xi32>
    %add3A_172 = arith.addi %add3A_171, %iota3A : vector<16xi32>
    %lt3A_173 = arith.cmpi slt, %add3A_172, %gather3A : vector<16xi32>
    %ge3A_174 = arith.cmpi sge, %add3A_172, %min3A_11 : vector<16xi32>
    %or3A_175 = arith.ori %lt3A_173, %ge3A_174 : vector<16xi1>
    %add3A_176 = arith.constant 336 : i32
    %add3A_177 = arith.addi %multiple_of3A, %add3A_176 : i32
    %add3A_178 = vector.broadcast %add3A_177 : i32 to vector<16xi32>
    %add3A_179 = arith.addi %add3A_178, %iota3A : vector<16xi32>
    %lt3A_180 = arith.cmpi slt, %add3A_179, %gather3A : vector<16xi32>
    %ge3A_181 = arith.cmpi sge, %add3A_179, %min3A_11 : vector<16xi32>
    %or3A_182 = arith.ori %lt3A_180, %ge3A_181 : vector<16xi1>
    %add3A_183 = arith.constant 352 : i32
    %add3A_184 = arith.addi %multiple_of3A, %add3A_183 : i32
    %add3A_185 = vector.broadcast %add3A_184 : i32 to vector<16xi32>
    %add3A_186 = arith.addi %add3A_185, %iota3A : vector<16xi32>
    %lt3A_187 = arith.cmpi slt, %add3A_186, %gather3A : vector<16xi32>
    %ge3A_188 = arith.cmpi sge, %add3A_186, %min3A_11 : vector<16xi32>
    %or3A_189 = arith.ori %lt3A_187, %ge3A_188 : vector<16xi1>
    %add3A_190 = arith.constant 368 : i32
    %add3A_191 = arith.addi %multiple_of3A, %add3A_190 : i32
    %add3A_192 = vector.broadcast %add3A_191 : i32 to vector<16xi32>
    %add3A_193 = arith.addi %add3A_192, %iota3A : vector<16xi32>
    %lt3A_194 = arith.cmpi slt, %add3A_193, %gather3A : vector<16xi32>
    %ge3A_195 = arith.cmpi sge, %add3A_193, %min3A_11 : vector<16xi32>
    %or3A_196 = arith.ori %lt3A_194, %ge3A_195 : vector<16xi1>
    %scan3A = arith.constant 0 : i32
    %scan3A_197 = arith.constant 0 : i32
    %scan3A_198 = arith.constant 16 : i32
    %scan3A_199 = arith.addi %scan3A_197, %scan3A_198 : i32
    %scan3A_200 = arith.constant 1 : i32
    %scan3A_201 = scf.for %scan3A_1721 = %scan3A_197 to %scan3A_199 step %scan3A_200 iter_args(%scan3A_1722 = %scan3A) -> (i32)  : i32 {
      %get3A = arith.index_cast %scan3A_1721 : i32 to index
      %get3A_1723 = arith.constant 0 : index
      %get3A_1724 = tpu.vector_load %arg8[%get3A, %get3A_1723] {strides = array<i32>} : memref<16x384xf32, #tpu.memory_space<vmem>>, vector<16xf32>,
      %jit3A_1725 = arith.constant 0.000000e+00 : f32
      %broadcast_in_dim3A_1726 = vector.broadcast %jit3A_1725 : f32 to vector<16xf32>
      %select_n3A_1727 = arith.select %or3A, %get3A_1724, %broadcast_in_dim3A_1726 : vector<16xi1>, vector<16xf32>
      %swap3A = arith.index_cast %scan3A_1721 : i32 to index
      %swap3A_1728 = arith.constant 0 : index
      %swap3A_1729 = tpu.vector_load %arg8[%swap3A, %swap3A_1728] {strides = array<i32>} : memref<16x384xf32, #tpu.memory_space<vmem>>, vector<16xf32>,
      tpu.vector_store %arg8[%swap3A, %swap3A_1728], %select_n3A_1727 {strides = array<i32>} : memref<16x384xf32, #tpu.memory_space<vmem>>, vector<16xf32>,
      %get3A_1730 = arith.index_cast %scan3A_1721 : i32 to index
      %get3A_1731 = arith.constant 16 : index
      %get3A_1732 = tpu.vector_load %arg8[%get3A_1730, %get3A_1731] {strides = array<i32>} : memref<16x384xf32, #tpu.memory_space<vmem>>, vector<16xf32>,
      %jit3A_1733 = arith.constant 0.000000e+00 : f32
      %broadcast_in_dim3A_1734 = vector.broadcast %jit3A_1733 : f32 to vector<16xf32>
      %select_n3A_1735 = arith.select %or3A_42, %get3A_1732, %broadcast_in_dim3A_1734 : vector<16xi1>, vector<16xf32>
      %swap3A_1736 = arith.index_cast %scan3A_1721 : i32 to index
      %swap3A_1737 = arith.constant 16 : index
      %swap3A_1738 = tpu.vector_load %arg8[%swap3A_1736, %swap3A_1737] {strides = array<i32>} : memref<16x384xf32, #tpu.memory_space<vmem>>, vector<16xf32>,
      tpu.vector_store %arg8[%swap3A_1736, %swap3A_1737], %select_n3A_1735 {strides = array<i32>} : memref<16x384xf32, #tpu.memory_space<vmem>>, vector<16xf32>,
      %get3A_1739 = arith.index_cast %scan3A_1721 : i32 to index
      %get3A_1740 = arith.constant 32 : index
      %get3A_1741 = tpu.vector_load %arg8[%get3A_1739, %get3A_1740] {strides = array<i32>} : memref<16x384xf32, #tpu.memory_space<vmem>>, vector<16xf32>,
      %jit3A_1742 = arith.constant 0.000000e+00 : f32
      %broadcast_in_dim3A_1743 = vector.broadcast %jit3A_1742 : f32 to vector<16xf32>
      %select_n3A_1744 = arith.select %or3A_49, %get3A_1741, %broadcast_in_dim3A_1743 : vector<16xi1>, vector<16xf32>
      %swap3A_1745 = arith.index_cast %scan3A_1721 : i32 to index
      %swap3A_1746 = arith.constant 32 : index
      %swap3A_1747 = tpu.vector_load %arg8[%swap3A_1745, %swap3A_1746] {strides = array<i32>} : memref<16x384xf32, #tpu.memory_space<vmem>>, vector<16xf32>,
      tpu.vector_store %arg8[%swap3A_1745, %swap3A_1746], %select_n3A_1744 {strides = array<i32>} : memref<16x384xf32, #tpu.memory_space<vmem>>, vector<16xf32>,
      %get3A_1748 = arith.index_cast %scan3A_1721 : i32 to index
      %get3A_1749 = arith.constant 48 : index
      %get3A_1750 = tpu.vector_load %arg8[%get3A_1748, %get3A_1749] {strides = array<i32>} : memref<16x384xf32, #tpu.memory_space<vmem>>, vector<16xf32>,
      %jit3A_1751 = arith.constant 0.000000e+00 : f32
      %broadcast_in_dim3A_1752 = vector.broadcast %jit3A_1751 : f32 to vector<16xf32>
      %select_n3A_1753 = arith.select %or3A_56, %get3A_1750, %broadcast_in_dim3A_1752 : vector<16xi1>, vector<16xf32>
      %swap3A_1754 = arith.index_cast %scan3A_1721 : i32 to index
      %swap3A_1755 = arith.constant 48 : index
      %swap3A_1756 = tpu.vector_load %arg8[%swap3A_1754, %swap3A_1755] {strides = array<i32>} : memref<16x384xf32, #tpu.memory_space<vmem>>, vector<16xf32>,
      tpu.vector_store %arg8[%swap3A_1754, %swap3A_1755], %select_n3A_1753 {strides = array<i32>} : memref<16x384xf32, #tpu.memory_space<vmem>>, vector<16xf32>,
      %get3A_1757 = arith.index_cast %scan3A_1721 : i32 to index
      %get3A_1758 = arith.constant 64 : index
      %get3A_1759 = tpu.vector_load %arg8[%get3A_1757, %get3A_1758] {strides = array<i32>} : memref<16x384xf32, #tpu.memory_space<vmem>>, vector<16xf32>,
      %jit3A_1760 = arith.constant 0.000000e+00 : f32
      %broadcast_in_dim3A_1761 = vector.broadcast %jit3A_1760 : f32 to vector<16xf32>
      %select_n3A_1762 = arith.select %or3A_63, %get3A_1759, %broadcast_in_dim3A_1761 : vector<16xi1>, vector<16xf32>
      %swap3A_1763 = arith.index_cast %scan3A_1721 : i32 to index
      %swap3A_1764 = arith.constant 64 : index
      %swap3A_1765 = tpu.vector_load %arg8[%swap3A_1763, %swap3A_1764] {strides = array<i32>} : memref<16x384xf32, #tpu.memory_space<vmem>>, vector<16xf32>,
      tpu.vector_store %arg8[%swap3A_1763, %swap3A_1764], %select_n3A_1762 {strides = array<i32>} : memref<16x384xf32, #tpu.memory_space<vmem>>, vector<16xf32>,
      %get3A_1766 = arith.index_cast %scan3A_1721 : i32 to index
      %get3A_1767 = arith.constant 80 : index
      %get3A_1768 = tpu.vector_load %arg8[%get3A_1766, %get3A_1767] {strides = array<i32>} : memref<16x384xf32, #tpu.memory_space<vmem>>, vector<16xf32>,
      %jit3A_1769 = arith.constant 0.000000e+00 : f32
      %broadcast_in_dim3A_1770 = vector.broadcast %jit3A_1769 : f32 to vector<16xf32>
      %select_n3A_1771 = arith.select %or3A_70, %get3A_1768, %broadcast_in_dim3A_1770 : vector<16xi1>, vector<16xf32>
      %swap3A_1772 = arith.index_cast %scan3A_1721 : i32 to index
      %swap3A_1773 = arith.constant 80 : index
      %swap3A_1774 = tpu.vector_load %arg8[%swap3A_1772, %swap3A_1773] {strides = array<i32>} : memref<16x384xf32, #tpu.memory_space<vmem>>, vector<16xf32>,
      tpu.vector_store %arg8[%swap3A_1772, %swap3A_1773], %select_n3A_1771 {strides = array<i32>} : memref<16x384xf32, #tpu.memory_space<vmem>>, vector<16xf32>,
      %get3A_1775 = arith.index_cast %scan3A_1721 : i32 to index
      %get3A_1776 = arith.constant 96 : index
      %get3A_1777 = tpu.vector_load %arg8[%get3A_1775, %get3A_1776] {strides = array<i32>} : memref<16x384xf32, #tpu.memory_space<vmem>>, vector<16xf32>,
      %jit3A_1778 = arith.constant 0.000000e+00 : f32
      %broadcast_in_dim3A_1779 = vector.broadcast %jit3A_1778 : f32 to vector<16xf32>
      %select_n3A_1780 = arith.select %or3A_77, %get3A_1777, %broadcast_in_dim3A_1779 : vector<16xi1>, vector<16xf32>
      %swap3A_1781 = arith.index_cast %scan3A_1721 : i32 to index
      %swap3A_1782 = arith.constant 96 : index
      %swap3A_1783 = tpu.vector_load %arg8[%swap3A_1781, %swap3A_1782] {strides = array<i32>} : memref<16x384xf32, #tpu.memory_space<vmem>>, vector<16xf32>,
      tpu.vector_store %arg8[%swap3A_1781, %swap3A_1782], %select_n3A_1780 {strides = array<i32>} : memref<16x384xf32, #tpu.memory_space<vmem>>, vector<16xf32>,
      %get3A_1784 = arith.index_cast %scan3A_1721 : i32 to index
      %get3A_1785 = arith.constant 112 : index
      %get3A_1786 = tpu.vector_load %arg8[%get3A_1784, %get3A_1785] {strides = array<i32>} : memref<16x384xf32, #tpu.memory_space<vmem>>, vector<16xf32>,
      %jit3A_1787 = arith.constant 0.000000e+00 : f32
      %broadcast_in_dim3A_1788 = vector.broadcast %jit3A_1787 : f32 to vector<16xf32>
      %select_n3A_1789 = arith.select %or3A_84, %get3A_1786, %broadcast_in_dim3A_1788 : vector<16xi1>, vector<16xf32>
      %swap3A_1790 = arith.index_cast %scan3A_1721 : i32 to index
      %swap3A_1791 = arith.constant 112 : index
      %swap3A_1792 = tpu.vector_load %arg8[%swap3A_1790, %swap3A_1791] {strides = array<i32>} : memref<16x384xf32, #tpu.memory_space<vmem>>, vector<16xf32>,
      tpu.vector_store %arg8[%swap3A_1790, %swap3A_1791], %select_n3A_1789 {strides = array<i32>} : memref<16x384xf32, #tpu.memory_space<vmem>>, vector<16xf32>,
      %get3A_1793 = arith.index_cast %scan3A_1721 : i32 to index
      %get3A_1794 = arith.constant 128 : index
      %get3A_1795 = tpu.vector_load %arg8[%get3A_1793, %get3A_1794] {strides = array<i32>} : memref<16x384xf32, #tpu.memory_space<vmem>>, vector<16xf32>,
      %jit3A_1796 = arith.constant 0.000000e+00 : f32
      %broadcast_in_dim3A_1797 = vector.broadcast %jit3A_1796 : f32 to vector<16xf32>
      %select_n3A_1798 = arith.select %or3A_91, %get3A_1795, %broadcast_in_dim3A_1797 : vector<16xi1>, vector<16xf32>
      %swap3A_1799 = arith.index_cast %scan3A_1721 : i32 to index
      %swap3A_1800 = arith.constant 128 : index
      %swap3A_1801 = tpu.vector_load %arg8[%swap3A_1799, %swap3A_1800] {strides = array<i32>} : memref<16x384xf32, #tpu.memory_space<vmem>>, vector<16xf32>,
      tpu.vector_store %arg8[%swap3A_1799, %swap3A_1800], %select_n3A_1798 {strides = array<i32>} : memref<16x384xf32, #tpu.memory_space<vmem>>, vector<16xf32>,
      %get3A_1802 = arith.index_cast %scan3A_1721 : i32 to index
      %get3A_1803 = arith.constant 144 : index
      %get3A_1804 = tpu.vector_load %arg8[%get3A_1802, %get3A_1803] {strides = array<i32>} : memref<16x384xf32, #tpu.memory_space<vmem>>, vector<16xf32>,
      %jit3A_1805 = arith.constant 0.000000e+00 : f32
      %broadcast_in_dim3A_1806 = vector.broadcast %jit3A_1805 : f32 to vector<16xf32>
      %select_n3A_1807 = arith.select %or3A_98, %get3A_1804, %broadcast_in_dim3A_1806 : vector<16xi1>, vector<16xf32>
      %swap3A_1808 = arith.index_cast %scan3A_1721 : i32 to index
      %swap3A_1809 = arith.constant 144 : index
      %swap3A_1810 = tpu.vector_load %arg8[%swap3A_1808, %swap3A_1809] {strides = array<i32>} : memref<16x384xf32, #tpu.memory_space<vmem>>, vector<16xf32>,
      tpu.vector_store %arg8[%swap3A_1808, %swap3A_1809], %select_n3A_1807 {strides = array<i32>} : memref<16x384xf32, #tpu.memory_space<vmem>>, vector<16xf32>,
      %get3A_1811 = arith.index_cast %scan3A_1721 : i32 to index
      %get3A_1812 = arith.constant 160 : index
      %get3A_1813 = tpu.vector_load %arg8[%get3A_1811, %get3A_1812] {strides = array<i32>} : memref<16x384xf32, #tpu.memory_space<vmem>>, vector<16xf32>,
      %jit3A_1814 = arith.constant 0.000000e+00 : f32
      %broadcast_in_dim3A_1815 = vector.broadcast %jit3A_1814 : f32 to vector<16xf32>
      %select_n3A_1816 = arith.select %or3A_105, %get3A_1813, %broadcast_in_dim3A_1815 : vector<16xi1>, vector<16xf32>
      %swap3A_1817 = arith.index_cast %scan3A_1721 : i32 to index
      %swap3A_1818 = arith.constant 160 : index
      %swap3A_1819 = tpu.vector_load %arg8[%swap3A_1817, %swap3A_1818] {strides = array<i32>} : memref<16x384xf32, #tpu.memory_space<vmem>>, vector<16xf32>,
      tpu.vector_store %arg8[%swap3A_1817, %swap3A_1818], %select_n3A_1816 {strides = array<i32>} : memref<16x384xf32, #tpu.memory_space<vmem>>, vector<16xf32>,
      %get3A_1820 = arith.index_cast %scan3A_1721 : i32 to index
      %get3A_1821 = arith.constant 176 : index
      %get3A_1822 = tpu.vector_load %arg8[%get3A_1820, %get3A_1821] {strides = array<i32>} : memref<16x384xf32, #tpu.memory_space<vmem>>, vector<16xf32>,
      %jit3A_1823 = arith.constant 0.000000e+00 : f32
      %broadcast_in_dim3A_1824 = vector.broadcast %jit3A_1823 : f32 to vector<16xf32>
      %select_n3A_1825 = arith.select %or3A_112, %get3A_1822, %broadcast_in_dim3A_1824 : vector<16xi1>, vector<16xf32>
      %swap3A_1826 = arith.index_cast %scan3A_1721 : i32 to index
      %swap3A_1827 = arith.constant 176 : index
      %swap3A_1828 = tpu.vector_load %arg8[%swap3A_1826, %swap3A_1827] {strides = array<i32>} : memref<16x384xf32, #tpu.memory_space<vmem>>, vector<16xf32>,
      tpu.vector_store %arg8[%swap3A_1826, %swap3A_1827], %select_n3A_1825 {strides = array<i32>} : memref<16x384xf32, #tpu.memory_space<vmem>>, vector<16xf32>,
      %get3A_1829 = arith.index_cast %scan3A_1721 : i32 to index
      %get3A_1830 = arith.constant 192 : index
      %get3A_1831 = tpu.vector_load %arg8[%get3A_1829, %get3A_1830] {strides = array<i32>} : memref<16x384xf32, #tpu.memory_space<vmem>>, vector<16xf32>,
      %jit3A_1832 = arith.constant 0.000000e+00 : f32
      %broadcast_in_dim3A_1833 = vector.broadcast %jit3A_1832 : f32 to vector<16xf32>
      %select_n3A_1834 = arith.select %or3A_119, %get3A_1831, %broadcast_in_dim3A_1833 : vector<16xi1>, vector<16xf32>
      %swap3A_1835 = arith.index_cast %scan3A_1721 : i32 to index
      %swap3A_1836 = arith.constant 192 : index
      %swap3A_1837 = tpu.vector_load %arg8[%swap3A_1835, %swap3A_1836] {strides = array<i32>} : memref<16x384xf32, #tpu.memory_space<vmem>>, vector<16xf32>,
      tpu.vector_store %arg8[%swap3A_1835, %swap3A_1836], %select_n3A_1834 {strides = array<i32>} : memref<16x384xf32, #tpu.memory_space<vmem>>, vector<16xf32>,
      %get3A_1838 = arith.index_cast %scan3A_1721 : i32 to index
      %get3A_1839 = arith.constant 208 : index
      %get3A_1840 = tpu.vector_load %arg8[%get3A_1838, %get3A_1839] {strides = array<i32>} : memref<16x384xf32, #tpu.memory_space<vmem>>, vector<16xf32>,
      %jit3A_1841 = arith.constant 0.000000e+00 : f32
      %broadcast_in_dim3A_1842 = vector.broadcast %jit3A_1841 : f32 to vector<16xf32>
      %select_n3A_1843 = arith.select %or3A_126, %get3A_1840, %broadcast_in_dim3A_1842 : vector<16xi1>, vector<16xf32>
      %swap3A_1844 = arith.index_cast %scan3A_1721 : i32 to index
      %swap3A_1845 = arith.constant 208 : index
      %swap3A_1846 = tpu.vector_load %arg8[%swap3A_1844, %swap3A_1845] {strides = array<i32>} : memref<16x384xf32, #tpu.memory_space<vmem>>, vector<16xf32>,
      tpu.vector_store %arg8[%swap3A_1844, %swap3A_1845], %select_n3A_1843 {strides = array<i32>} : memref<16x384xf32, #tpu.memory_space<vmem>>, vector<16xf32>,
      %get3A_1847 = arith.index_cast %scan3A_1721 : i32 to index
      %get3A_1848 = arith.constant 224 : index
      %get3A_1849 = tpu.vector_load %arg8[%get3A_1847, %get3A_1848] {strides = array<i32>} : memref<16x384xf32, #tpu.memory_space<vmem>>, vector<16xf32>,
      %jit3A_1850 = arith.constant 0.000000e+00 : f32
      %broadcast_in_dim3A_1851 = vector.broadcast %jit3A_1850 : f32 to vector<16xf32>
      %select_n3A_1852 = arith.select %or3A_133, %get3A_1849, %broadcast_in_dim3A_1851 : vector<16xi1>, vector<16xf32>
      %swap3A_1853 = arith.index_cast %scan3A_1721 : i32 to index
      %swap3A_1854 = arith.constant 224 : index
      %swap3A_1855 = tpu.vector_load %arg8[%swap3A_1853, %swap3A_1854] {strides = array<i32>} : memref<16x384xf32, #tpu.memory_space<vmem>>, vector<16xf32>,
      tpu.vector_store %arg8[%swap3A_1853, %swap3A_1854], %select_n3A_1852 {strides = array<i32>} : memref<16x384xf32, #tpu.memory_space<vmem>>, vector<16xf32>,
      %get3A_1856 = arith.index_cast %scan3A_1721 : i32 to index
      %get3A_1857 = arith.constant 240 : index
      %get3A_1858 = tpu.vector_load %arg8[%get3A_1856, %get3A_1857] {strides = array<i32>} : memref<16x384xf32, #tpu.memory_space<vmem>>, vector<16xf32>,
      %jit3A_1859 = arith.constant 0.000000e+00 : f32
      %broadcast_in_dim3A_1860 = vector.broadcast %jit3A_1859 : f32 to vector<16xf32>
      %select_n3A_1861 = arith.select %or3A_140, %get3A_1858, %broadcast_in_dim3A_1860 : vector<16xi1>, vector<16xf32>
      %swap3A_1862 = arith.index_cast %scan3A_1721 : i32 to index
      %swap3A_1863 = arith.constant 240 : index
      %swap3A_1864 = tpu.vector_load %arg8[%swap3A_1862, %swap3A_1863] {strides = array<i32>} : memref<16x384xf32, #tpu.memory_space<vmem>>, vector<16xf32>,
      tpu.vector_store %arg8[%swap3A_1862, %swap3A_1863], %select_n3A_1861 {strides = array<i32>} : memref<16x384xf32, #tpu.memory_space<vmem>>, vector<16xf32>,
      %get3A_1865 = arith.index_cast %scan3A_1721 : i32 to index
      %get3A_1866 = arith.constant 256 : index
      %get3A_1867 = tpu.vector_load %arg8[%get3A_1865, %get3A_1866] {strides = array<i32>} : memref<16x384xf32, #tpu.memory_space<vmem>>, vector<16xf32>,
      %jit3A_1868 = arith.constant 0.000000e+00 : f32
      %broadcast_in_dim3A_1869 = vector.broadcast %jit3A_1868 : f32 to vector<16xf32>
      %select_n3A_1870 = arith.select %or3A_147, %get3A_1867, %broadcast_in_dim3A_1869 : vector<16xi1>, vector<16xf32>
      %swap3A_1871 = arith.index_cast %scan3A_1721 : i32 to index
      %swap3A_1872 = arith.constant 256 : index
      %swap3A_1873 = tpu.vector_load %arg8[%swap3A_1871, %swap3A_1872] {strides = array<i32>} : memref<16x384xf32, #tpu.memory_space<vmem>>, vector<16xf32>,
      tpu.vector_store %arg8[%swap3A_1871, %swap3A_1872], %select_n3A_1870 {strides = array<i32>} : memref<16x384xf32, #tpu.memory_space<vmem>>, vector<16xf32>,
      %get3A_1874 = arith.index_cast %scan3A_1721 : i32 to index
      %get3A_1875 = arith.constant 272 : index
      %get3A_1876 = tpu.vector_load %arg8[%get3A_1874, %get3A_1875] {strides = array<i32>} : memref<16x384xf32, #tpu.memory_space<vmem>>, vector<16xf32>,
      %jit3A_1877 = arith.constant 0.000000e+00 : f32
      %broadcast_in_dim3A_1878 = vector.broadcast %jit3A_1877 : f32 to vector<16xf32>
      %select_n3A_1879 = arith.select %or3A_154, %get3A_1876, %broadcast_in_dim3A_1878 : vector<16xi1>, vector<16xf32>
      %swap3A_1880 = arith.index_cast %scan3A_1721 : i32 to index
      %swap3A_1881 = arith.constant 272 : index
      %swap3A_1882 = tpu.vector_load %arg8[%swap3A_1880, %swap3A_1881] {strides = array<i32>} : memref<16x384xf32, #tpu.memory_space<vmem>>, vector<16xf32>,
      tpu.vector_store %arg8[%swap3A_1880, %swap3A_1881], %select_n3A_1879 {strides = array<i32>} : memref<16x384xf32, #tpu.memory_space<vmem>>, vector<16xf32>,
      %get3A_1883 = arith.index_cast %scan3A_1721 : i32 to index
      %get3A_1884 = arith.constant 288 : index
      %get3A_1885 = tpu.vector_load %arg8[%get3A_1883, %get3A_1884] {strides = array<i32>} : memref<16x384xf32, #tpu.memory_space<vmem>>, vector<16xf32>,
      %jit3A_1886 = arith.constant 0.000000e+00 : f32
      %broadcast_in_dim3A_1887 = vector.broadcast %jit3A_1886 : f32 to vector<16xf32>
      %select_n3A_1888 = arith.select %or3A_161, %get3A_1885, %broadcast_in_dim3A_1887 : vector<16xi1>, vector<16xf32>
      %swap3A_1889 = arith.index_cast %scan3A_1721 : i32 to index
      %swap3A_1890 = arith.constant 288 : index
      %swap3A_1891 = tpu.vector_load %arg8[%swap3A_1889, %swap3A_1890] {strides = array<i32>} : memref<16x384xf32, #tpu.memory_space<vmem>>, vector<16xf32>,
      tpu.vector_store %arg8[%swap3A_1889, %swap3A_1890], %select_n3A_1888 {strides = array<i32>} : memref<16x384xf32, #tpu.memory_space<vmem>>, vector<16xf32>,
      %get3A_1892 = arith.index_cast %scan3A_1721 : i32 to index
      %get3A_1893 = arith.constant 304 : index
      %get3A_1894 = tpu.vector_load %arg8[%get3A_1892, %get3A_1893] {strides = array<i32>} : memref<16x384xf32, #tpu.memory_space<vmem>>, vector<16xf32>,
      %jit3A_1895 = arith.constant 0.000000e+00 : f32
      %broadcast_in_dim3A_1896 = vector.broadcast %jit3A_1895 : f32 to vector<16xf32>
      %select_n3A_1897 = arith.select %or3A_168, %get3A_1894, %broadcast_in_dim3A_1896 : vector<16xi1>, vector<16xf32>
      %swap3A_1898 = arith.index_cast %scan3A_1721 : i32 to index
      %swap3A_1899 = arith.constant 304 : index
      %swap3A_1900 = tpu.vector_load %arg8[%swap3A_1898, %swap3A_1899] {strides = array<i32>} : memref<16x384xf32, #tpu.memory_space<vmem>>, vector<16xf32>,
      tpu.vector_store %arg8[%swap3A_1898, %swap3A_1899], %select_n3A_1897 {strides = array<i32>} : memref<16x384xf32, #tpu.memory_space<vmem>>, vector<16xf32>,
      %get3A_1901 = arith.index_cast %scan3A_1721 : i32 to index
      %get3A_1902 = arith.constant 320 : index
      %get3A_1903 = tpu.vector_load %arg8[%get3A_1901, %get3A_1902] {strides = array<i32>} : memref<16x384xf32, #tpu.memory_space<vmem>>, vector<16xf32>,
      %jit3A_1904 = arith.constant 0.000000e+00 : f32
      %broadcast_in_dim3A_1905 = vector.broadcast %jit3A_1904 : f32 to vector<16xf32>
      %select_n3A_1906 = arith.select %or3A_175, %get3A_1903, %broadcast_in_dim3A_1905 : vector<16xi1>, vector<16xf32>
      %swap3A_1907 = arith.index_cast %scan3A_1721 : i32 to index
      %swap3A_1908 = arith.constant 320 : index
      %swap3A_1909 = tpu.vector_load %arg8[%swap3A_1907, %swap3A_1908] {strides = array<i32>} : memref<16x384xf32, #tpu.memory_space<vmem>>, vector<16xf32>,
      tpu.vector_store %arg8[%swap3A_1907, %swap3A_1908], %select_n3A_1906 {strides = array<i32>} : memref<16x384xf32, #tpu.memory_space<vmem>>, vector<16xf32>,
      %get3A_1910 = arith.index_cast %scan3A_1721 : i32 to index
      %get3A_1911 = arith.constant 336 : index
      %get3A_1912 = tpu.vector_load %arg8[%get3A_1910, %get3A_1911] {strides = array<i32>} : memref<16x384xf32, #tpu.memory_space<vmem>>, vector<16xf32>,
      %jit3A_1913 = arith.constant 0.000000e+00 : f32
      %broadcast_in_dim3A_1914 = vector.broadcast %jit3A_1913 : f32 to vector<16xf32>
      %select_n3A_1915 = arith.select %or3A_182, %get3A_1912, %broadcast_in_dim3A_1914 : vector<16xi1>, vector<16xf32>
      %swap3A_1916 = arith.index_cast %scan3A_1721 : i32 to index
      %swap3A_1917 = arith.constant 336 : index
      %swap3A_1918 = tpu.vector_load %arg8[%swap3A_1916, %swap3A_1917] {strides = array<i32>} : memref<16x384xf32, #tpu.memory_space<vmem>>, vector<16xf32>,
      tpu.vector_store %arg8[%swap3A_1916, %swap3A_1917], %select_n3A_1915 {strides = array<i32>} : memref<16x384xf32, #tpu.memory_space<vmem>>, vector<16xf32>,
      %get3A_1919 = arith.index_cast %scan3A_1721 : i32 to index
      %get3A_1920 = arith.constant 352 : index
      %get3A_1921 = tpu.vector_load %arg8[%get3A_1919, %get3A_1920] {strides = array<i32>} : memref<16x384xf32, #tpu.memory_space<vmem>>, vector<16xf32>,
      %jit3A_1922 = arith.constant 0.000000e+00 : f32
      %broadcast_in_dim3A_1923 = vector.broadcast %jit3A_1922 : f32 to vector<16xf32>
      %select_n3A_1924 = arith.select %or3A_189, %get3A_1921, %broadcast_in_dim3A_1923 : vector<16xi1>, vector<16xf32>
      %swap3A_1925 = arith.index_cast %scan3A_1721 : i32 to index
      %swap3A_1926 = arith.constant 352 : index
      %swap3A_1927 = tpu.vector_load %arg8[%swap3A_1925, %swap3A_1926] {strides = array<i32>} : memref<16x384xf32, #tpu.memory_space<vmem>>, vector<16xf32>,
      tpu.vector_store %arg8[%swap3A_1925, %swap3A_1926], %select_n3A_1924 {strides = array<i32>} : memref<16x384xf32, #tpu.memory_space<vmem>>, vector<16xf32>,
      %get3A_1928 = arith.index_cast %scan3A_1721 : i32 to index
      %get3A_1929 = arith.constant 368 : index
      %get3A_1930 = tpu.vector_load %arg8[%get3A_1928, %get3A_1929] {strides = array<i32>} : memref<16x384xf32, #tpu.memory_space<vmem>>, vector<16xf32>,
      %jit3A_1931 = arith.constant 0.000000e+00 : f32
      %broadcast_in_dim3A_1932 = vector.broadcast %jit3A_1931 : f32 to vector<16xf32>
      %select_n3A_1933 = arith.select %or3A_196, %get3A_1930, %broadcast_in_dim3A_1932 : vector<16xi1>, vector<16xf32>
      %swap3A_1934 = arith.index_cast %scan3A_1721 : i32 to index
      %swap3A_1935 = arith.constant 368 : index
      %swap3A_1936 = tpu.vector_load %arg8[%swap3A_1934, %swap3A_1935] {strides = array<i32>} : memref<16x384xf32, #tpu.memory_space<vmem>>, vector<16xf32>,
      tpu.vector_store %arg8[%swap3A_1934, %swap3A_1935], %select_n3A_1933 {strides = array<i32>} : memref<16x384xf32, #tpu.memory_space<vmem>>, vector<16xf32>,
      %scan3A_1937 = arith.constant 0 : i32
      scf.yield %scan3A_1937 : i32
    }
    %scan3A_202 = arith.constant 16 : i32
    "tpu.region"() ({
      %run_scoped3A = tpu.sem_alloc : memref<!tpu.dma_semaphore, #tpu.memory_space<semaphore_mem>>
      %dma_start3A = arith.constant 0 : i32
      %dma_start3A_1721 = tpu.memref_slice %arg2[%add3A_4, %dma_start3A, %multiple_of3A] : memref<128x16x16384xf32, #tpu.memory_space<hbm>> -> memref<1x16x384xf32, #tpu.memory_space<hbm>>
      %dma_start3A_1722 = tpu.memref_squeeze %dma_start3A_1721 : memref<1x16x384xf32, #tpu.memory_space<hbm>> -> memref<16x384xf32, #tpu.memory_space<hbm>>
      %dma_start3A_1723 = arith.constant 0 : i32
      %dma_start3A_1724 = tpu.memref_slice %arg2[%add3A_4, %dma_start3A_1723, %multiple_of3A] : memref<128x16x16384xf32, #tpu.memory_space<hbm>> -> memref<1x16x384xf32, #tpu.memory_space<hbm>>
      %dma_start3A_1725 = tpu.memref_squeeze %dma_start3A_1724 : memref<1x16x384xf32, #tpu.memory_space<hbm>> -> memref<16x384xf32, #tpu.memory_space<hbm>>
      tpu.enqueue_dma source(%arg8 : memref<16x384xf32, #tpu.memory_space<vmem>>) target(%dma_start3A_1725 : memref<16x384xf32, #tpu.memory_space<hbm>>) target_semaphore(%run_scoped3A : memref<!tpu.dma_semaphore, #tpu.memory_space<semaphore_mem>>)
      %dma_wait3A = arith.constant 0 : i32
      %dma_wait3A_1726 = tpu.memref_slice %arg2[%add3A_4, %dma_wait3A, %multiple_of3A] : memref<128x16x16384xf32, #tpu.memory_space<hbm>> -> memref<1x16x384xf32, #tpu.memory_space<hbm>>
      %dma_wait3A_1727 = tpu.memref_squeeze %dma_wait3A_1726 : memref<1x16x384xf32, #tpu.memory_space<hbm>> -> memref<16x384xf32, #tpu.memory_space<hbm>>
      %dma_wait3A_1728 = arith.constant 0 : i32
      %dma_wait3A_1729 = tpu.memref_slice %arg2[%add3A_4, %dma_wait3A_1728, %multiple_of3A] : memref<128x16x16384xf32, #tpu.memory_space<hbm>> -> memref<1x16x384xf32, #tpu.memory_space<hbm>>
      %dma_wait3A_1730 = tpu.memref_squeeze %dma_wait3A_1729 : memref<1x16x384xf32, #tpu.memory_space<hbm>> -> memref<16x384xf32, #tpu.memory_space<hbm>>
      tpu.wait_dma2 semaphore(%run_scoped3A : memref<!tpu.dma_semaphore, #tpu.memory_space<semaphore_mem>>) src(%arg8 : memref<16x384xf32, #tpu.memory_space<vmem>>) dst(%dma_wait3A_1730 : memref<16x384xf32, #tpu.memory_space<hbm>>)
      tpu.yield
    }) : () -> ()
    %broadcast_in_dim3A_203 = arith.constant 128 : i32
    %broadcast_in_dim3A_204 = vector.broadcast %broadcast_in_dim3A_203 : i32 to vector<16xi32>
    %add3A_205 = vector.broadcast %add3A_4 : i32 to vector<16xi32>
    %add3A_206 = arith.addi %broadcast_in_dim3A_204, %add3A_205 : vector<16xi32>
    %gather3A_207 = tpu.vector_load_idx %arg6[%add3A_206] : memref<256xi32, #tpu.memory_space<vmem>>[vector<16xi32>], vector<16xi32>,
    %gather3A_208 = tpu.vector_load_idx %arg7[%add3A_206] : memref<256xi32, #tpu.memory_space<vmem>>[vector<16xi32>], vector<16xi32>,
    %add3A_209 = arith.addi %gather3A_207, %gather3A_208 : vector<16xi32>
    %min3A_210 = arith.constant 16384 : i32
    %min3A_211 = vector.broadcast %min3A_210 : i32 to vector<16xi32>
    %min3A_212 = arith.minsi %add3A_209, %min3A_211 : vector<16xi32>
    %slice3A_213 = vector.extract_strided_slice %gather3A_207 {offsets = [0], sizes = [1], strides = [1]} : vector<16xi32> to vector<1xi32>
    %squeeze3A_214 = vector.extract %slice3A_213[0] : i32 from vector<1xi32>
    %jit3A_215 = arith.constant 128 : i32
    %div3A_216 = arith.divsi %squeeze3A_214, %jit3A_215 : i32
    %sign3A_217 = arith.constant 0 : i32
    %sign3A_218 = arith.cmpi sgt, %squeeze3A_214, %sign3A_217 : i32
    %sign3A_219 = arith.extui %sign3A_218 : i1 to i32
    %sign3A_220 = arith.constant 0 : i32
    %sign3A_221 = arith.cmpi slt, %squeeze3A_214, %sign3A_220 : i32
    %sign3A_222 = arith.extui %sign3A_221 : i1 to i32
    %sign3A_223 = arith.subi %sign3A_219, %sign3A_222 : i32
    %sign3A_224 = arith.constant 0 : i32
    %sign3A_225 = arith.cmpi sgt, %jit3A_215, %sign3A_224 : i32
    %sign3A_226 = arith.extui %sign3A_225 : i1 to i32
    %sign3A_227 = arith.constant 0 : i32
    %sign3A_228 = arith.cmpi slt, %jit3A_215, %sign3A_227 : i32
    %sign3A_229 = arith.extui %sign3A_228 : i1 to i32
    %sign3A_230 = arith.subi %sign3A_226, %sign3A_229 : i32
    %ne3A_231 = arith.cmpi ne, %sign3A_223, %sign3A_230 : i32
    %rem3A_232 = arith.remsi %squeeze3A_214, %jit3A_215 : i32
    %ne3A_233 = arith.constant 0 : i32
    %ne3A_234 = arith.cmpi ne, %rem3A_232, %ne3A_233 : i32
    %and3A_235 = arith.andi %ne3A_231, %ne3A_234 : i1
    %sub3A_236 = arith.constant 1 : i32
    %sub3A_237 = arith.subi %div3A_216, %sub3A_236 : i32
    %select_n3A_238 = arith.select %and3A_235, %sub3A_237, %div3A_216 : i32
    %mul3A_239 = arith.constant 128 : i32
    %mul3A_240 = arith.muli %select_n3A_238, %mul3A_239 : i32
    %min3A_241 = arith.constant 16000 : i32
    %min3A_242 = arith.minsi %mul3A_240, %min3A_241 : i32
    %multiple_of3A_243 = tpu.assume_multiple %min3A_242, 128 : i32
    "tpu.region"() ({
      %run_scoped3A = tpu.sem_alloc : memref<!tpu.dma_semaphore, #tpu.memory_space<semaphore_mem>>
      %dma_start3A = arith.constant 0 : i32
      %dma_start3A_1721 = tpu.memref_slice %arg2[%add3A_4, %dma_start3A, %multiple_of3A_243] : memref<128x16x16384xf32, #tpu.memory_space<hbm>> -> memref<1x16x384xf32, #tpu.memory_space<hbm>>
      %dma_start3A_1722 = tpu.memref_squeeze %dma_start3A_1721 : memref<1x16x384xf32, #tpu.memory_space<hbm>> -> memref<16x384xf32, #tpu.memory_space<hbm>>
      %dma_start3A_1723 = arith.constant 0 : i32
      %dma_start3A_1724 = tpu.memref_slice %arg2[%add3A_4, %dma_start3A_1723, %multiple_of3A_243] : memref<128x16x16384xf32, #tpu.memory_space<hbm>> -> memref<1x16x384xf32, #tpu.memory_space<hbm>>
      %dma_start3A_1725 = tpu.memref_squeeze %dma_start3A_1724 : memref<1x16x384xf32, #tpu.memory_space<hbm>> -> memref<16x384xf32, #tpu.memory_space<hbm>>
      tpu.enqueue_dma source(%dma_start3A_1725 : memref<16x384xf32, #tpu.memory_space<hbm>>) target(%arg8 : memref<16x384xf32, #tpu.memory_space<vmem>>) target_semaphore(%run_scoped3A : memref<!tpu.dma_semaphore, #tpu.memory_space<semaphore_mem>>)
      %dma_wait3A = arith.constant 0 : i32
      %dma_wait3A_1726 = tpu.memref_slice %arg2[%add3A_4, %dma_wait3A, %multiple_of3A_243] : memref<128x16x16384xf32, #tpu.memory_space<hbm>> -> memref<1x16x384xf32, #tpu.memory_space<hbm>>
      %dma_wait3A_1727 = tpu.memref_squeeze %dma_wait3A_1726 : memref<1x16x384xf32, #tpu.memory_space<hbm>> -> memref<16x384xf32, #tpu.memory_space<hbm>>
      %dma_wait3A_1728 = arith.constant 0 : i32
      %dma_wait3A_1729 = tpu.memref_slice %arg2[%add3A_4, %dma_wait3A_1728, %multiple_of3A_243] : memref<128x16x16384xf32, #tpu.memory_space<hbm>> -> memref<1x16x384xf32, #tpu.memory_space<hbm>>
      %dma_wait3A_1730 = tpu.memref_squeeze %dma_wait3A_1729 : memref<1x16x384xf32, #tpu.memory_space<hbm>> -> memref<16x384xf32, #tpu.memory_space<hbm>>
      tpu.wait_dma2 semaphore(%run_scoped3A : memref<!tpu.dma_semaphore, #tpu.memory_space<semaphore_mem>>) src(%dma_wait3A_1730 : memref<16x384xf32, #tpu.memory_space<hbm>>) dst(%arg8 : memref<16x384xf32, #tpu.memory_space<vmem>>)
      tpu.yield
    }) : () -> ()
    %add3A_244 = arith.constant 0 : i32
    %add3A_245 = arith.addi %multiple_of3A_243, %add3A_244 : i32
    %add3A_246 = vector.broadcast %add3A_245 : i32 to vector<16xi32>
    %add3A_247 = arith.addi %add3A_246, %iota3A : vector<16xi32>
    %lt3A_248 = arith.cmpi slt, %add3A_247, %gather3A_207 : vector<16xi32>
    %ge3A_249 = arith.cmpi sge, %add3A_247, %min3A_212 : vector<16xi32>
    %or3A_250 = arith.ori %lt3A_248, %ge3A_249 : vector<16xi1>
    %add3A_251 = arith.constant 16 : i32
    %add3A_252 = arith.addi %multiple_of3A_243, %add3A_251 : i32
    %add3A_253 = vector.broadcast %add3A_252 : i32 to vector<16xi32>
    %add3A_254 = arith.addi %add3A_253, %iota3A : vector<16xi32>
    %lt3A_255 = arith.cmpi slt, %add3A_254, %gather3A_207 : vector<16xi32>
    %ge3A_256 = arith.cmpi sge, %add3A_254, %min3A_212 : vector<16xi32>
    %or3A_257 = arith.ori %lt3A_255, %ge3A_256 : vector<16xi1>
    %add3A_258 = arith.constant 32 : i32
    %add3A_259 = arith.addi %multiple_of3A_243, %add3A_258 : i32
    %add3A_260 = vector.broadcast %add3A_259 : i32 to vector<16xi32>
    %add3A_261 = arith.addi %add3A_260, %iota3A : vector<16xi32>
    %lt3A_262 = arith.cmpi slt, %add3A_261, %gather3A_207 : vector<16xi32>
    %ge3A_263 = arith.cmpi sge, %add3A_261, %min3A_212 : vector<16xi32>
    %or3A_264 = arith.ori %lt3A_262, %ge3A_263 : vector<16xi1>
    %add3A_265 = arith.constant 48 : i32
    %add3A_266 = arith.addi %multiple_of3A_243, %add3A_265 : i32
    %add3A_267 = vector.broadcast %add3A_266 : i32 to vector<16xi32>
    %add3A_268 = arith.addi %add3A_267, %iota3A : vector<16xi32>
    %lt3A_269 = arith.cmpi slt, %add3A_268, %gather3A_207 : vector<16xi32>
    %ge3A_270 = arith.cmpi sge, %add3A_268, %min3A_212 : vector<16xi32>
    %or3A_271 = arith.ori %lt3A_269, %ge3A_270 : vector<16xi1>
    %add3A_272 = arith.constant 64 : i32
    %add3A_273 = arith.addi %multiple_of3A_243, %add3A_272 : i32
    %add3A_274 = vector.broadcast %add3A_273 : i32 to vector<16xi32>
    %add3A_275 = arith.addi %add3A_274, %iota3A : vector<16xi32>
    %lt3A_276 = arith.cmpi slt, %add3A_275, %gather3A_207 : vector<16xi32>
    %ge3A_277 = arith.cmpi sge, %add3A_275, %min3A_212 : vector<16xi32>
    %or3A_278 = arith.ori %lt3A_276, %ge3A_277 : vector<16xi1>
    %add3A_279 = arith.constant 80 : i32
    %add3A_280 = arith.addi %multiple_of3A_243, %add3A_279 : i32
    %add3A_281 = vector.broadcast %add3A_280 : i32 to vector<16xi32>
    %add3A_282 = arith.addi %add3A_281, %iota3A : vector<16xi32>
    %lt3A_283 = arith.cmpi slt, %add3A_282, %gather3A_207 : vector<16xi32>
    %ge3A_284 = arith.cmpi sge, %add3A_282, %min3A_212 : vector<16xi32>
    %or3A_285 = arith.ori %lt3A_283, %ge3A_284 : vector<16xi1>
    %add3A_286 = arith.constant 96 : i32
    %add3A_287 = arith.addi %multiple_of3A_243, %add3A_286 : i32
    %add3A_288 = vector.broadcast %add3A_287 : i32 to vector<16xi32>
    %add3A_289 = arith.addi %add3A_288, %iota3A : vector<16xi32>
    %lt3A_290 = arith.cmpi slt, %add3A_289, %gather3A_207 : vector<16xi32>
    %ge3A_291 = arith.cmpi sge, %add3A_289, %min3A_212 : vector<16xi32>
    %or3A_292 = arith.ori %lt3A_290, %ge3A_291 : vector<16xi1>
    %add3A_293 = arith.constant 112 : i32
    %add3A_294 = arith.addi %multiple_of3A_243, %add3A_293 : i32
    %add3A_295 = vector.broadcast %add3A_294 : i32 to vector<16xi32>
    %add3A_296 = arith.addi %add3A_295, %iota3A : vector<16xi32>
    %lt3A_297 = arith.cmpi slt, %add3A_296, %gather3A_207 : vector<16xi32>
    %ge3A_298 = arith.cmpi sge, %add3A_296, %min3A_212 : vector<16xi32>
    %or3A_299 = arith.ori %lt3A_297, %ge3A_298 : vector<16xi1>
    %add3A_300 = arith.constant 128 : i32
    %add3A_301 = arith.addi %multiple_of3A_243, %add3A_300 : i32
    %add3A_302 = vector.broadcast %add3A_301 : i32 to vector<16xi32>
    %add3A_303 = arith.addi %add3A_302, %iota3A : vector<16xi32>
    %lt3A_304 = arith.cmpi slt, %add3A_303, %gather3A_207 : vector<16xi32>
    %ge3A_305 = arith.cmpi sge, %add3A_303, %min3A_212 : vector<16xi32>
    %or3A_306 = arith.ori %lt3A_304, %ge3A_305 : vector<16xi1>
    %add3A_307 = arith.constant 144 : i32
    %add3A_308 = arith.addi %multiple_of3A_243, %add3A_307 : i32
    %add3A_309 = vector.broadcast %add3A_308 : i32 to vector<16xi32>
    %add3A_310 = arith.addi %add3A_309, %iota3A : vector<16xi32>
    %lt3A_311 = arith.cmpi slt, %add3A_310, %gather3A_207 : vector<16xi32>
    %ge3A_312 = arith.cmpi sge, %add3A_310, %min3A_212 : vector<16xi32>
    %or3A_313 = arith.ori %lt3A_311, %ge3A_312 : vector<16xi1>
    %add3A_314 = arith.constant 160 : i32
    %add3A_315 = arith.addi %multiple_of3A_243, %add3A_314 : i32
    %add3A_316 = vector.broadcast %add3A_315 : i32 to vector<16xi32>
    %add3A_317 = arith.addi %add3A_316, %iota3A : vector<16xi32>
    %lt3A_318 = arith.cmpi slt, %add3A_317, %gather3A_207 : vector<16xi32>
    %ge3A_319 = arith.cmpi sge, %add3A_317, %min3A_212 : vector<16xi32>
    %or3A_320 = arith.ori %lt3A_318, %ge3A_319 : vector<16xi1>
    %add3A_321 = arith.constant 176 : i32
    %add3A_322 = arith.addi %multiple_of3A_243, %add3A_321 : i32
    %add3A_323 = vector.broadcast %add3A_322 : i32 to vector<16xi32>
    %add3A_324 = arith.addi %add3A_323, %iota3A : vector<16xi32>
    %lt3A_325 = arith.cmpi slt, %add3A_324, %gather3A_207 : vector<16xi32>
    %ge3A_326 = arith.cmpi sge, %add3A_324, %min3A_212 : vector<16xi32>
    %or3A_327 = arith.ori %lt3A_325, %ge3A_326 : vector<16xi1>
    %add3A_328 = arith.constant 192 : i32
    %add3A_329 = arith.addi %multiple_of3A_243, %add3A_328 : i32
    %add3A_330 = vector.broadcast %add3A_329 : i32 to vector<16xi32>
    %add3A_331 = arith.addi %add3A_330, %iota3A : vector<16xi32>
    %lt3A_332 = arith.cmpi slt, %add3A_331, %gather3A_207 : vector<16xi32>
    %ge3A_333 = arith.cmpi sge, %add3A_331, %min3A_212 : vector<16xi32>
    %or3A_334 = arith.ori %lt3A_332, %ge3A_333 : vector<16xi1>
    %add3A_335 = arith.constant 208 : i32
    %add3A_336 = arith.addi %multiple_of3A_243, %add3A_335 : i32
    %add3A_337 = vector.broadcast %add3A_336 : i32 to vector<16xi32>
    %add3A_338 = arith.addi %add3A_337, %iota3A : vector<16xi32>
    %lt3A_339 = arith.cmpi slt, %add3A_338, %gather3A_207 : vector<16xi32>
    %ge3A_340 = arith.cmpi sge, %add3A_338, %min3A_212 : vector<16xi32>
    %or3A_341 = arith.ori %lt3A_339, %ge3A_340 : vector<16xi1>
    %add3A_342 = arith.constant 224 : i32
    %add3A_343 = arith.addi %multiple_of3A_243, %add3A_342 : i32
    %add3A_344 = vector.broadcast %add3A_343 : i32 to vector<16xi32>
    %add3A_345 = arith.addi %add3A_344, %iota3A : vector<16xi32>
    %lt3A_346 = arith.cmpi slt, %add3A_345, %gather3A_207 : vector<16xi32>
    %ge3A_347 = arith.cmpi sge, %add3A_345, %min3A_212 : vector<16xi32>
    %or3A_348 = arith.ori %lt3A_346, %ge3A_347 : vector<16xi1>
    %add3A_349 = arith.constant 240 : i32
    %add3A_350 = arith.addi %multiple_of3A_243, %add3A_349 : i32
    %add3A_351 = vector.broadcast %add3A_350 : i32 to vector<16xi32>
    %add3A_352 = arith.addi %add3A_351, %iota3A : vector<16xi32>
    %lt3A_353 = arith.cmpi slt, %add3A_352, %gather3A_207 : vector<16xi32>
    %ge3A_354 = arith.cmpi sge, %add3A_352, %min3A_212 : vector<16xi32>
    %or3A_355 = arith.ori %lt3A_353, %ge3A_354 : vector<16xi1>
    %add3A_356 = arith.constant 256 : i32
    %add3A_357 = arith.addi %multiple_of3A_243, %add3A_356 : i32
    %add3A_358 = vector.broadcast %add3A_357 : i32 to vector<16xi32>
    %add3A_359 = arith.addi %add3A_358, %iota3A : vector<16xi32>
    %lt3A_360 = arith.cmpi slt, %add3A_359, %gather3A_207 : vector<16xi32>
    %ge3A_361 = arith.cmpi sge, %add3A_359, %min3A_212 : vector<16xi32>
    %or3A_362 = arith.ori %lt3A_360, %ge3A_361 : vector<16xi1>
    %add3A_363 = arith.constant 272 : i32
    %add3A_364 = arith.addi %multiple_of3A_243, %add3A_363 : i32
    %add3A_365 = vector.broadcast %add3A_364 : i32 to vector<16xi32>
    %add3A_366 = arith.addi %add3A_365, %iota3A : vector<16xi32>
    %lt3A_367 = arith.cmpi slt, %add3A_366, %gather3A_207 : vector<16xi32>
    %ge3A_368 = arith.cmpi sge, %add3A_366, %min3A_212 : vector<16xi32>
    %or3A_369 = arith.ori %lt3A_367, %ge3A_368 : vector<16xi1>
    %add3A_370 = arith.constant 288 : i32
    %add3A_371 = arith.addi %multiple_of3A_243, %add3A_370 : i32
    %add3A_372 = vector.broadcast %add3A_371 : i32 to vector<16xi32>
    %add3A_373 = arith.addi %add3A_372, %iota3A : vector<16xi32>
    %lt3A_374 = arith.cmpi slt, %add3A_373, %gather3A_207 : vector<16xi32>
    %ge3A_375 = arith.cmpi sge, %add3A_373, %min3A_212 : vector<16xi32>
    %or3A_376 = arith.ori %lt3A_374, %ge3A_375 : vector<16xi1>
    %add3A_377 = arith.constant 304 : i32
    %add3A_378 = arith.addi %multiple_of3A_243, %add3A_377 : i32
    %add3A_379 = vector.broadcast %add3A_378 : i32 to vector<16xi32>
    %add3A_380 = arith.addi %add3A_379, %iota3A : vector<16xi32>
    %lt3A_381 = arith.cmpi slt, %add3A_380, %gather3A_207 : vector<16xi32>
    %ge3A_382 = arith.cmpi sge, %add3A_380, %min3A_212 : vector<16xi32>
    %or3A_383 = arith.ori %lt3A_381, %ge3A_382 : vector<16xi1>
    %add3A_384 = arith.constant 320 : i32
    %add3A_385 = arith.addi %multiple_of3A_243, %add3A_384 : i32
    %add3A_386 = vector.broadcast %add3A_385 : i32 to vector<16xi32>
    %add3A_387 = arith.addi %add3A_386, %iota3A : vector<16xi32>
    %lt3A_388 = arith.cmpi slt, %add3A_387, %gather3A_207 : vector<16xi32>
    %ge3A_389 = arith.cmpi sge, %add3A_387, %min3A_212 : vector<16xi32>
    %or3A_390 = arith.ori %lt3A_388, %ge3A_389 : vector<16xi1>
    %add3A_391 = arith.constant 336 : i32
    %add3A_392 = arith.addi %multiple_of3A_243, %add3A_391 : i32
    %add3A_393 = vector.broadcast %add3A_392 : i32 to vector<16xi32>
    %add3A_394 = arith.addi %add3A_393, %iota3A : vector<16xi32>
    %lt3A_395 = arith.cmpi slt, %add3A_394, %gather3A_207 : vector<16xi32>
    %ge3A_396 = arith.cmpi sge, %add3A_394, %min3A_212 : vector<16xi32>
    %or3A_397 = arith.ori %lt3A_395, %ge3A_396 : vector<16xi1>
    %add3A_398 = arith.constant 352 : i32
    %add3A_399 = arith.addi %multiple_of3A_243, %add3A_398 : i32
    %add3A_400 = vector.broadcast %add3A_399 : i32 to vector<16xi32>
    %add3A_401 = arith.addi %add3A_400, %iota3A : vector<16xi32>
    %lt3A_402 = arith.cmpi slt, %add3A_401, %gather3A_207 : vector<16xi32>
    %ge3A_403 = arith.cmpi sge, %add3A_401, %min3A_212 : vector<16xi32>
    %or3A_404 = arith.ori %lt3A_402, %ge3A_403 : vector<16xi1>
    %add3A_405 = arith.constant 368 : i32
    %add3A_406 = arith.addi %multiple_of3A_243, %add3A_405 : i32
    %add3A_407 = vector.broadcast %add3A_406 : i32 to vector<16xi32>
    %add3A_408 = arith.addi %add3A_407, %iota3A : vector<16xi32>
    %lt3A_409 = arith.cmpi slt, %add3A_408, %gather3A_207 : vector<16xi32>
    %ge3A_410 = arith.cmpi sge, %add3A_408, %min3A_212 : vector<16xi32>
    %or3A_411 = arith.ori %lt3A_409, %ge3A_410 : vector<16xi1>
    %scan3A_412 = arith.constant 0 : i32
    %scan3A_413 = arith.constant 0 : i32
    %scan3A_414 = arith.constant 16 : i32
    %scan3A_415 = arith.addi %scan3A_413, %scan3A_414 : i32
    %scan3A_416 = arith.constant 1 : i32
    %scan3A_417 = scf.for %scan3A_1721 = %scan3A_413 to %scan3A_415 step %scan3A_416 iter_args(%scan3A_1722 = %scan3A_412) -> (i32)  : i32 {
      %get3A = arith.index_cast %scan3A_1721 : i32 to index
      %get3A_1723 = arith.constant 0 : index
      %get3A_1724 = tpu.vector_load %arg8[%get3A, %get3A_1723] {strides = array<i32>} : memref<16x384xf32, #tpu.memory_space<vmem>>, vector<16xf32>,
      %jit3A_1725 = arith.constant 0.000000e+00 : f32
      %broadcast_in_dim3A_1726 = vector.broadcast %jit3A_1725 : f32 to vector<16xf32>
      %select_n3A_1727 = arith.select %or3A_250, %get3A_1724, %broadcast_in_dim3A_1726 : vector<16xi1>, vector<16xf32>
      %swap3A = arith.index_cast %scan3A_1721 : i32 to index
      %swap3A_1728 = arith.constant 0 : index
      %swap3A_1729 = tpu.vector_load %arg8[%swap3A, %swap3A_1728] {strides = array<i32>} : memref<16x384xf32, #tpu.memory_space<vmem>>, vector<16xf32>,
      tpu.vector_store %arg8[%swap3A, %swap3A_1728], %select_n3A_1727 {strides = array<i32>} : memref<16x384xf32, #tpu.memory_space<vmem>>, vector<16xf32>,
      %get3A_1730 = arith.index_cast %scan3A_1721 : i32 to index
      %get3A_1731 = arith.constant 16 : index
      %get3A_1732 = tpu.vector_load %arg8[%get3A_1730, %get3A_1731] {strides = array<i32>} : memref<16x384xf32, #tpu.memory_space<vmem>>, vector<16xf32>,
      %jit3A_1733 = arith.constant 0.000000e+00 : f32
      %broadcast_in_dim3A_1734 = vector.broadcast %jit3A_1733 : f32 to vector<16xf32>
      %select_n3A_1735 = arith.select %or3A_257, %get3A_1732, %broadcast_in_dim3A_1734 : vector<16xi1>, vector<16xf32>
      %swap3A_1736 = arith.index_cast %scan3A_1721 : i32 to index
      %swap3A_1737 = arith.constant 16 : index
      %swap3A_1738 = tpu.vector_load %arg8[%swap3A_1736, %swap3A_1737] {strides = array<i32>} : memref<16x384xf32, #tpu.memory_space<vmem>>, vector<16xf32>,
      tpu.vector_store %arg8[%swap3A_1736, %swap3A_1737], %select_n3A_1735 {strides = array<i32>} : memref<16x384xf32, #tpu.memory_space<vmem>>, vector<16xf32>,
      %get3A_1739 = arith.index_cast %scan3A_1721 : i32 to index
      %get3A_1740 = arith.constant 32 : index
      %get3A_1741 = tpu.vector_load %arg8[%get3A_1739, %get3A_1740] {strides = array<i32>} : memref<16x384xf32, #tpu.memory_space<vmem>>, vector<16xf32>,
      %jit3A_1742 = arith.constant 0.000000e+00 : f32
      %broadcast_in_dim3A_1743 = vector.broadcast %jit3A_1742 : f32 to vector<16xf32>
      %select_n3A_1744 = arith.select %or3A_264, %get3A_1741, %broadcast_in_dim3A_1743 : vector<16xi1>, vector<16xf32>
      %swap3A_1745 = arith.index_cast %scan3A_1721 : i32 to index
      %swap3A_1746 = arith.constant 32 : index
      %swap3A_1747 = tpu.vector_load %arg8[%swap3A_1745, %swap3A_1746] {strides = array<i32>} : memref<16x384xf32, #tpu.memory_space<vmem>>, vector<16xf32>,
      tpu.vector_store %arg8[%swap3A_1745, %swap3A_1746], %select_n3A_1744 {strides = array<i32>} : memref<16x384xf32, #tpu.memory_space<vmem>>, vector<16xf32>,
      %get3A_1748 = arith.index_cast %scan3A_1721 : i32 to index
      %get3A_1749 = arith.constant 48 : index
      %get3A_1750 = tpu.vector_load %arg8[%get3A_1748, %get3A_1749] {strides = array<i32>} : memref<16x384xf32, #tpu.memory_space<vmem>>, vector<16xf32>,
      %jit3A_1751 = arith.constant 0.000000e+00 : f32
      %broadcast_in_dim3A_1752 = vector.broadcast %jit3A_1751 : f32 to vector<16xf32>
      %select_n3A_1753 = arith.select %or3A_271, %get3A_1750, %broadcast_in_dim3A_1752 : vector<16xi1>, vector<16xf32>
      %swap3A_1754 = arith.index_cast %scan3A_1721 : i32 to index
      %swap3A_1755 = arith.constant 48 : index
      %swap3A_1756 = tpu.vector_load %arg8[%swap3A_1754, %swap3A_1755] {strides = array<i32>} : memref<16x384xf32, #tpu.memory_space<vmem>>, vector<16xf32>,
      tpu.vector_store %arg8[%swap3A_1754, %swap3A_1755], %select_n3A_1753 {strides = array<i32>} : memref<16x384xf32, #tpu.memory_space<vmem>>, vector<16xf32>,
      %get3A_1757 = arith.index_cast %scan3A_1721 : i32 to index
      %get3A_1758 = arith.constant 64 : index
      %get3A_1759 = tpu.vector_load %arg8[%get3A_1757, %get3A_1758] {strides = array<i32>} : memref<16x384xf32, #tpu.memory_space<vmem>>, vector<16xf32>,
      %jit3A_1760 = arith.constant 0.000000e+00 : f32
      %broadcast_in_dim3A_1761 = vector.broadcast %jit3A_1760 : f32 to vector<16xf32>
      %select_n3A_1762 = arith.select %or3A_278, %get3A_1759, %broadcast_in_dim3A_1761 : vector<16xi1>, vector<16xf32>
      %swap3A_1763 = arith.index_cast %scan3A_1721 : i32 to index
      %swap3A_1764 = arith.constant 64 : index
      %swap3A_1765 = tpu.vector_load %arg8[%swap3A_1763, %swap3A_1764] {strides = array<i32>} : memref<16x384xf32, #tpu.memory_space<vmem>>, vector<16xf32>,
      tpu.vector_store %arg8[%swap3A_1763, %swap3A_1764], %select_n3A_1762 {strides = array<i32>} : memref<16x384xf32, #tpu.memory_space<vmem>>, vector<16xf32>,
      %get3A_1766 = arith.index_cast %scan3A_1721 : i32 to index
      %get3A_1767 = arith.constant 80 : index
      %get3A_1768 = tpu.vector_load %arg8[%get3A_1766, %get3A_1767] {strides = array<i32>} : memref<16x384xf32, #tpu.memory_space<vmem>>, vector<16xf32>,
      %jit3A_1769 = arith.constant 0.000000e+00 : f32
      %broadcast_in_dim3A_1770 = vector.broadcast %jit3A_1769 : f32 to vector<16xf32>
      %select_n3A_1771 = arith.select %or3A_285, %get3A_1768, %broadcast_in_dim3A_1770 : vector<16xi1>, vector<16xf32>
      %swap3A_1772 = arith.index_cast %scan3A_1721 : i32 to index
      %swap3A_1773 = arith.constant 80 : index
      %swap3A_1774 = tpu.vector_load %arg8[%swap3A_1772, %swap3A_1773] {strides = array<i32>} : memref<16x384xf32, #tpu.memory_space<vmem>>, vector<16xf32>,
      tpu.vector_store %arg8[%swap3A_1772, %swap3A_1773], %select_n3A_1771 {strides = array<i32>} : memref<16x384xf32, #tpu.memory_space<vmem>>, vector<16xf32>,
      %get3A_1775 = arith.index_cast %scan3A_1721 : i32 to index
      %get3A_1776 = arith.constant 96 : index
      %get3A_1777 = tpu.vector_load %arg8[%get3A_1775, %get3A_1776] {strides = array<i32>} : memref<16x384xf32, #tpu.memory_space<vmem>>, vector<16xf32>,
      %jit3A_1778 = arith.constant 0.000000e+00 : f32
      %broadcast_in_dim3A_1779 = vector.broadcast %jit3A_1778 : f32 to vector<16xf32>
      %select_n3A_1780 = arith.select %or3A_292, %get3A_1777, %broadcast_in_dim3A_1779 : vector<16xi1>, vector<16xf32>
      %swap3A_1781 = arith.index_cast %scan3A_1721 : i32 to index
      %swap3A_1782 = arith.constant 96 : index
      %swap3A_1783 = tpu.vector_load %arg8[%swap3A_1781, %swap3A_1782] {strides = array<i32>} : memref<16x384xf32, #tpu.memory_space<vmem>>, vector<16xf32>,
      tpu.vector_store %arg8[%swap3A_1781, %swap3A_1782], %select_n3A_1780 {strides = array<i32>} : memref<16x384xf32, #tpu.memory_space<vmem>>, vector<16xf32>,
      %get3A_1784 = arith.index_cast %scan3A_1721 : i32 to index
      %get3A_1785 = arith.constant 112 : index
      %get3A_1786 = tpu.vector_load %arg8[%get3A_1784, %get3A_1785] {strides = array<i32>} : memref<16x384xf32, #tpu.memory_space<vmem>>, vector<16xf32>,
      %jit3A_1787 = arith.constant 0.000000e+00 : f32
      %broadcast_in_dim3A_1788 = vector.broadcast %jit3A_1787 : f32 to vector<16xf32>
      %select_n3A_1789 = arith.select %or3A_299, %get3A_1786, %broadcast_in_dim3A_1788 : vector<16xi1>, vector<16xf32>
      %swap3A_1790 = arith.index_cast %scan3A_1721 : i32 to index
      %swap3A_1791 = arith.constant 112 : index
      %swap3A_1792 = tpu.vector_load %arg8[%swap3A_1790, %swap3A_1791] {strides = array<i32>} : memref<16x384xf32, #tpu.memory_space<vmem>>, vector<16xf32>,
      tpu.vector_store %arg8[%swap3A_1790, %swap3A_1791], %select_n3A_1789 {strides = array<i32>} : memref<16x384xf32, #tpu.memory_space<vmem>>, vector<16xf32>,
      %get3A_1793 = arith.index_cast %scan3A_1721 : i32 to index
      %get3A_1794 = arith.constant 128 : index
      %get3A_1795 = tpu.vector_load %arg8[%get3A_1793, %get3A_1794] {strides = array<i32>} : memref<16x384xf32, #tpu.memory_space<vmem>>, vector<16xf32>,
      %jit3A_1796 = arith.constant 0.000000e+00 : f32
      %broadcast_in_dim3A_1797 = vector.broadcast %jit3A_1796 : f32 to vector<16xf32>
      %select_n3A_1798 = arith.select %or3A_306, %get3A_1795, %broadcast_in_dim3A_1797 : vector<16xi1>, vector<16xf32>
      %swap3A_1799 = arith.index_cast %scan3A_1721 : i32 to index
      %swap3A_1800 = arith.constant 128 : index
      %swap3A_1801 = tpu.vector_load %arg8[%swap3A_1799, %swap3A_1800] {strides = array<i32>} : memref<16x384xf32, #tpu.memory_space<vmem>>, vector<16xf32>,
      tpu.vector_store %arg8[%swap3A_1799, %swap3A_1800], %select_n3A_1798 {strides = array<i32>} : memref<16x384xf32, #tpu.memory_space<vmem>>, vector<16xf32>,
      %get3A_1802 = arith.index_cast %scan3A_1721 : i32 to index
      %get3A_1803 = arith.constant 144 : index
      %get3A_1804 = tpu.vector_load %arg8[%get3A_1802, %get3A_1803] {strides = array<i32>} : memref<16x384xf32, #tpu.memory_space<vmem>>, vector<16xf32>,
      %jit3A_1805 = arith.constant 0.000000e+00 : f32
      %broadcast_in_dim3A_1806 = vector.broadcast %jit3A_1805 : f32 to vector<16xf32>
      %select_n3A_1807 = arith.select %or3A_313, %get3A_1804, %broadcast_in_dim3A_1806 : vector<16xi1>, vector<16xf32>
      %swap3A_1808 = arith.index_cast %scan3A_1721 : i32 to index
      %swap3A_1809 = arith.constant 144 : index
      %swap3A_1810 = tpu.vector_load %arg8[%swap3A_1808, %swap3A_1809] {strides = array<i32>} : memref<16x384xf32, #tpu.memory_space<vmem>>, vector<16xf32>,
      tpu.vector_store %arg8[%swap3A_1808, %swap3A_1809], %select_n3A_1807 {strides = array<i32>} : memref<16x384xf32, #tpu.memory_space<vmem>>, vector<16xf32>,
      %get3A_1811 = arith.index_cast %scan3A_1721 : i32 to index
      %get3A_1812 = arith.constant 160 : index
      %get3A_1813 = tpu.vector_load %arg8[%get3A_1811, %get3A_1812] {strides = array<i32>} : memref<16x384xf32, #tpu.memory_space<vmem>>, vector<16xf32>,
      %jit3A_1814 = arith.constant 0.000000e+00 : f32
      %broadcast_in_dim3A_1815 = vector.broadcast %jit3A_1814 : f32 to vector<16xf32>
      %select_n3A_1816 = arith.select %or3A_320, %get3A_1813, %broadcast_in_dim3A_1815 : vector<16xi1>, vector<16xf32>
      %swap3A_1817 = arith.index_cast %scan3A_1721 : i32 to index
      %swap3A_1818 = arith.constant 160 : index
      %swap3A_1819 = tpu.vector_load %arg8[%swap3A_1817, %swap3A_1818] {strides = array<i32>} : memref<16x384xf32, #tpu.memory_space<vmem>>, vector<16xf32>,
      tpu.vector_store %arg8[%swap3A_1817, %swap3A_1818], %select_n3A_1816 {strides = array<i32>} : memref<16x384xf32, #tpu.memory_space<vmem>>, vector<16xf32>,
      %get3A_1820 = arith.index_cast %scan3A_1721 : i32 to index
      %get3A_1821 = arith.constant 176 : index
      %get3A_1822 = tpu.vector_load %arg8[%get3A_1820, %get3A_1821] {strides = array<i32>} : memref<16x384xf32, #tpu.memory_space<vmem>>, vector<16xf32>,
      %jit3A_1823 = arith.constant 0.000000e+00 : f32
      %broadcast_in_dim3A_1824 = vector.broadcast %jit3A_1823 : f32 to vector<16xf32>
      %select_n3A_1825 = arith.select %or3A_327, %get3A_1822, %broadcast_in_dim3A_1824 : vector<16xi1>, vector<16xf32>
      %swap3A_1826 = arith.index_cast %scan3A_1721 : i32 to index
      %swap3A_1827 = arith.constant 176 : index
      %swap3A_1828 = tpu.vector_load %arg8[%swap3A_1826, %swap3A_1827] {strides = array<i32>} : memref<16x384xf32, #tpu.memory_space<vmem>>, vector<16xf32>,
      tpu.vector_store %arg8[%swap3A_1826, %swap3A_1827], %select_n3A_1825 {strides = array<i32>} : memref<16x384xf32, #tpu.memory_space<vmem>>, vector<16xf32>,
      %get3A_1829 = arith.index_cast %scan3A_1721 : i32 to index
      %get3A_1830 = arith.constant 192 : index
      %get3A_1831 = tpu.vector_load %arg8[%get3A_1829, %get3A_1830] {strides = array<i32>} : memref<16x384xf32, #tpu.memory_space<vmem>>, vector<16xf32>,
      %jit3A_1832 = arith.constant 0.000000e+00 : f32
      %broadcast_in_dim3A_1833 = vector.broadcast %jit3A_1832 : f32 to vector<16xf32>
      %select_n3A_1834 = arith.select %or3A_334, %get3A_1831, %broadcast_in_dim3A_1833 : vector<16xi1>, vector<16xf32>
      %swap3A_1835 = arith.index_cast %scan3A_1721 : i32 to index
      %swap3A_1836 = arith.constant 192 : index
      %swap3A_1837 = tpu.vector_load %arg8[%swap3A_1835, %swap3A_1836] {strides = array<i32>} : memref<16x384xf32, #tpu.memory_space<vmem>>, vector<16xf32>,
      tpu.vector_store %arg8[%swap3A_1835, %swap3A_1836], %select_n3A_1834 {strides = array<i32>} : memref<16x384xf32, #tpu.memory_space<vmem>>, vector<16xf32>,
      %get3A_1838 = arith.index_cast %scan3A_1721 : i32 to index
      %get3A_1839 = arith.constant 208 : index
      %get3A_1840 = tpu.vector_load %arg8[%get3A_1838, %get3A_1839] {strides = array<i32>} : memref<16x384xf32, #tpu.memory_space<vmem>>, vector<16xf32>,
      %jit3A_1841 = arith.constant 0.000000e+00 : f32
      %broadcast_in_dim3A_1842 = vector.broadcast %jit3A_1841 : f32 to vector<16xf32>
      %select_n3A_1843 = arith.select %or3A_341, %get3A_1840, %broadcast_in_dim3A_1842 : vector<16xi1>, vector<16xf32>
      %swap3A_1844 = arith.index_cast %scan3A_1721 : i32 to index
      %swap3A_1845 = arith.constant 208 : index
      %swap3A_1846 = tpu.vector_load %arg8[%swap3A_1844, %swap3A_1845] {strides = array<i32>} : memref<16x384xf32, #tpu.memory_space<vmem>>, vector<16xf32>,
      tpu.vector_store %arg8[%swap3A_1844, %swap3A_1845], %select_n3A_1843 {strides = array<i32>} : memref<16x384xf32, #tpu.memory_space<vmem>>, vector<16xf32>,
      %get3A_1847 = arith.index_cast %scan3A_1721 : i32 to index
      %get3A_1848 = arith.constant 224 : index
      %get3A_1849 = tpu.vector_load %arg8[%get3A_1847, %get3A_1848] {strides = array<i32>} : memref<16x384xf32, #tpu.memory_space<vmem>>, vector<16xf32>,
      %jit3A_1850 = arith.constant 0.000000e+00 : f32
      %broadcast_in_dim3A_1851 = vector.broadcast %jit3A_1850 : f32 to vector<16xf32>
      %select_n3A_1852 = arith.select %or3A_348, %get3A_1849, %broadcast_in_dim3A_1851 : vector<16xi1>, vector<16xf32>
      %swap3A_1853 = arith.index_cast %scan3A_1721 : i32 to index
      %swap3A_1854 = arith.constant 224 : index
      %swap3A_1855 = tpu.vector_load %arg8[%swap3A_1853, %swap3A_1854] {strides = array<i32>} : memref<16x384xf32, #tpu.memory_space<vmem>>, vector<16xf32>,
      tpu.vector_store %arg8[%swap3A_1853, %swap3A_1854], %select_n3A_1852 {strides = array<i32>} : memref<16x384xf32, #tpu.memory_space<vmem>>, vector<16xf32>,
      %get3A_1856 = arith.index_cast %scan3A_1721 : i32 to index
      %get3A_1857 = arith.constant 240 : index
      %get3A_1858 = tpu.vector_load %arg8[%get3A_1856, %get3A_1857] {strides = array<i32>} : memref<16x384xf32, #tpu.memory_space<vmem>>, vector<16xf32>,
      %jit3A_1859 = arith.constant 0.000000e+00 : f32
      %broadcast_in_dim3A_1860 = vector.broadcast %jit3A_1859 : f32 to vector<16xf32>
      %select_n3A_1861 = arith.select %or3A_355, %get3A_1858, %broadcast_in_dim3A_1860 : vector<16xi1>, vector<16xf32>
      %swap3A_1862 = arith.index_cast %scan3A_1721 : i32 to index
      %swap3A_1863 = arith.constant 240 : index
      %swap3A_1864 = tpu.vector_load %arg8[%swap3A_1862, %swap3A_1863] {strides = array<i32>} : memref<16x384xf32, #tpu.memory_space<vmem>>, vector<16xf32>,
      tpu.vector_store %arg8[%swap3A_1862, %swap3A_1863], %select_n3A_1861 {strides = array<i32>} : memref<16x384xf32, #tpu.memory_space<vmem>>, vector<16xf32>,
      %get3A_1865 = arith.index_cast %scan3A_1721 : i32 to index
      %get3A_1866 = arith.constant 256 : index
      %get3A_1867 = tpu.vector_load %arg8[%get3A_1865, %get3A_1866] {strides = array<i32>} : memref<16x384xf32, #tpu.memory_space<vmem>>, vector<16xf32>,
      %jit3A_1868 = arith.constant 0.000000e+00 : f32
      %broadcast_in_dim3A_1869 = vector.broadcast %jit3A_1868 : f32 to vector<16xf32>
      %select_n3A_1870 = arith.select %or3A_362, %get3A_1867, %broadcast_in_dim3A_1869 : vector<16xi1>, vector<16xf32>
      %swap3A_1871 = arith.index_cast %scan3A_1721 : i32 to index
      %swap3A_1872 = arith.constant 256 : index
      %swap3A_1873 = tpu.vector_load %arg8[%swap3A_1871, %swap3A_1872] {strides = array<i32>} : memref<16x384xf32, #tpu.memory_space<vmem>>, vector<16xf32>,
      tpu.vector_store %arg8[%swap3A_1871, %swap3A_1872], %select_n3A_1870 {strides = array<i32>} : memref<16x384xf32, #tpu.memory_space<vmem>>, vector<16xf32>,
      %get3A_1874 = arith.index_cast %scan3A_1721 : i32 to index
      %get3A_1875 = arith.constant 272 : index
      %get3A_1876 = tpu.vector_load %arg8[%get3A_1874, %get3A_1875] {strides = array<i32>} : memref<16x384xf32, #tpu.memory_space<vmem>>, vector<16xf32>,
      %jit3A_1877 = arith.constant 0.000000e+00 : f32
      %broadcast_in_dim3A_1878 = vector.broadcast %jit3A_1877 : f32 to vector<16xf32>
      %select_n3A_1879 = arith.select %or3A_369, %get3A_1876, %broadcast_in_dim3A_1878 : vector<16xi1>, vector<16xf32>
      %swap3A_1880 = arith.index_cast %scan3A_1721 : i32 to index
      %swap3A_1881 = arith.constant 272 : index
      %swap3A_1882 = tpu.vector_load %arg8[%swap3A_1880, %swap3A_1881] {strides = array<i32>} : memref<16x384xf32, #tpu.memory_space<vmem>>, vector<16xf32>,
      tpu.vector_store %arg8[%swap3A_1880, %swap3A_1881], %select_n3A_1879 {strides = array<i32>} : memref<16x384xf32, #tpu.memory_space<vmem>>, vector<16xf32>,
      %get3A_1883 = arith.index_cast %scan3A_1721 : i32 to index
      %get3A_1884 = arith.constant 288 : index
      %get3A_1885 = tpu.vector_load %arg8[%get3A_1883, %get3A_1884] {strides = array<i32>} : memref<16x384xf32, #tpu.memory_space<vmem>>, vector<16xf32>,
      %jit3A_1886 = arith.constant 0.000000e+00 : f32
      %broadcast_in_dim3A_1887 = vector.broadcast %jit3A_1886 : f32 to vector<16xf32>
      %select_n3A_1888 = arith.select %or3A_376, %get3A_1885, %broadcast_in_dim3A_1887 : vector<16xi1>, vector<16xf32>
      %swap3A_1889 = arith.index_cast %scan3A_1721 : i32 to index
      %swap3A_1890 = arith.constant 288 : index
      %swap3A_1891 = tpu.vector_load %arg8[%swap3A_1889, %swap3A_1890] {strides = array<i32>} : memref<16x384xf32, #tpu.memory_space<vmem>>, vector<16xf32>,
      tpu.vector_store %arg8[%swap3A_1889, %swap3A_1890], %select_n3A_1888 {strides = array<i32>} : memref<16x384xf32, #tpu.memory_space<vmem>>, vector<16xf32>,
      %get3A_1892 = arith.index_cast %scan3A_1721 : i32 to index
      %get3A_1893 = arith.constant 304 : index
      %get3A_1894 = tpu.vector_load %arg8[%get3A_1892, %get3A_1893] {strides = array<i32>} : memref<16x384xf32, #tpu.memory_space<vmem>>, vector<16xf32>,
      %jit3A_1895 = arith.constant 0.000000e+00 : f32
      %broadcast_in_dim3A_1896 = vector.broadcast %jit3A_1895 : f32 to vector<16xf32>
      %select_n3A_1897 = arith.select %or3A_383, %get3A_1894, %broadcast_in_dim3A_1896 : vector<16xi1>, vector<16xf32>
      %swap3A_1898 = arith.index_cast %scan3A_1721 : i32 to index
      %swap3A_1899 = arith.constant 304 : index
      %swap3A_1900 = tpu.vector_load %arg8[%swap3A_1898, %swap3A_1899] {strides = array<i32>} : memref<16x384xf32, #tpu.memory_space<vmem>>, vector<16xf32>,
      tpu.vector_store %arg8[%swap3A_1898, %swap3A_1899], %select_n3A_1897 {strides = array<i32>} : memref<16x384xf32, #tpu.memory_space<vmem>>, vector<16xf32>,
      %get3A_1901 = arith.index_cast %scan3A_1721 : i32 to index
      %get3A_1902 = arith.constant 320 : index
      %get3A_1903 = tpu.vector_load %arg8[%get3A_1901, %get3A_1902] {strides = array<i32>} : memref<16x384xf32, #tpu.memory_space<vmem>>, vector<16xf32>,
      %jit3A_1904 = arith.constant 0.000000e+00 : f32
      %broadcast_in_dim3A_1905 = vector.broadcast %jit3A_1904 : f32 to vector<16xf32>
      %select_n3A_1906 = arith.select %or3A_390, %get3A_1903, %broadcast_in_dim3A_1905 : vector<16xi1>, vector<16xf32>
      %swap3A_1907 = arith.index_cast %scan3A_1721 : i32 to index
      %swap3A_1908 = arith.constant 320 : index
      %swap3A_1909 = tpu.vector_load %arg8[%swap3A_1907, %swap3A_1908] {strides = array<i32>} : memref<16x384xf32, #tpu.memory_space<vmem>>, vector<16xf32>,
      tpu.vector_store %arg8[%swap3A_1907, %swap3A_1908], %select_n3A_1906 {strides = array<i32>} : memref<16x384xf32, #tpu.memory_space<vmem>>, vector<16xf32>,
      %get3A_1910 = arith.index_cast %scan3A_1721 : i32 to index
      %get3A_1911 = arith.constant 336 : index
      %get3A_1912 = tpu.vector_load %arg8[%get3A_1910, %get3A_1911] {strides = array<i32>} : memref<16x384xf32, #tpu.memory_space<vmem>>, vector<16xf32>,
      %jit3A_1913 = arith.constant 0.000000e+00 : f32
      %broadcast_in_dim3A_1914 = vector.broadcast %jit3A_1913 : f32 to vector<16xf32>
      %select_n3A_1915 = arith.select %or3A_397, %get3A_1912, %broadcast_in_dim3A_1914 : vector<16xi1>, vector<16xf32>
      %swap3A_1916 = arith.index_cast %scan3A_1721 : i32 to index
      %swap3A_1917 = arith.constant 336 : index
      %swap3A_1918 = tpu.vector_load %arg8[%swap3A_1916, %swap3A_1917] {strides = array<i32>} : memref<16x384xf32, #tpu.memory_space<vmem>>, vector<16xf32>,
      tpu.vector_store %arg8[%swap3A_1916, %swap3A_1917], %select_n3A_1915 {strides = array<i32>} : memref<16x384xf32, #tpu.memory_space<vmem>>, vector<16xf32>,
      %get3A_1919 = arith.index_cast %scan3A_1721 : i32 to index
      %get3A_1920 = arith.constant 352 : index
      %get3A_1921 = tpu.vector_load %arg8[%get3A_1919, %get3A_1920] {strides = array<i32>} : memref<16x384xf32, #tpu.memory_space<vmem>>, vector<16xf32>,
      %jit3A_1922 = arith.constant 0.000000e+00 : f32
      %broadcast_in_dim3A_1923 = vector.broadcast %jit3A_1922 : f32 to vector<16xf32>
      %select_n3A_1924 = arith.select %or3A_404, %get3A_1921, %broadcast_in_dim3A_1923 : vector<16xi1>, vector<16xf32>
      %swap3A_1925 = arith.index_cast %scan3A_1721 : i32 to index
      %swap3A_1926 = arith.constant 352 : index
      %swap3A_1927 = tpu.vector_load %arg8[%swap3A_1925, %swap3A_1926] {strides = array<i32>} : memref<16x384xf32, #tpu.memory_space<vmem>>, vector<16xf32>,
      tpu.vector_store %arg8[%swap3A_1925, %swap3A_1926], %select_n3A_1924 {strides = array<i32>} : memref<16x384xf32, #tpu.memory_space<vmem>>, vector<16xf32>,
      %get3A_1928 = arith.index_cast %scan3A_1721 : i32 to index
      %get3A_1929 = arith.constant 368 : index
      %get3A_1930 = tpu.vector_load %arg8[%get3A_1928, %get3A_1929] {strides = array<i32>} : memref<16x384xf32, #tpu.memory_space<vmem>>, vector<16xf32>,
      %jit3A_1931 = arith.constant 0.000000e+00 : f32
      %broadcast_in_dim3A_1932 = vector.broadcast %jit3A_1931 : f32 to vector<16xf32>
      %select_n3A_1933 = arith.select %or3A_411, %get3A_1930, %broadcast_in_dim3A_1932 : vector<16xi1>, vector<16xf32>
      %swap3A_1934 = arith.index_cast %scan3A_1721 : i32 to index
      %swap3A_1935 = arith.constant 368 : index
      %swap3A_1936 = tpu.vector_load %arg8[%swap3A_1934, %swap3A_1935] {strides = array<i32>} : memref<16x384xf32, #tpu.memory_space<vmem>>, vector<16xf32>,
      tpu.vector_store %arg8[%swap3A_1934, %swap3A_1935], %select_n3A_1933 {strides = array<i32>} : memref<16x384xf32, #tpu.memory_space<vmem>>, vector<16xf32>,
      %scan3A_1937 = arith.constant 0 : i32
      scf.yield %scan3A_1937 : i32
    }
    %scan3A_418 = arith.constant 16 : i32
    "tpu.region"() ({
      %run_scoped3A = tpu.sem_alloc : memref<!tpu.dma_semaphore, #tpu.memory_space<semaphore_mem>>
      %dma_start3A = arith.constant 0 : i32
      %dma_start3A_1721 = tpu.memref_slice %arg2[%add3A_4, %dma_start3A, %multiple_of3A_243] : memref<128x16x16384xf32, #tpu.memory_space<hbm>> -> memref<1x16x384xf32, #tpu.memory_space<hbm>>
      %dma_start3A_1722 = tpu.memref_squeeze %dma_start3A_1721 : memref<1x16x384xf32, #tpu.memory_space<hbm>> -> memref<16x384xf32, #tpu.memory_space<hbm>>
      %dma_start3A_1723 = arith.constant 0 : i32
      %dma_start3A_1724 = tpu.memref_slice %arg2[%add3A_4, %dma_start3A_1723, %multiple_of3A_243] : memref<128x16x16384xf32, #tpu.memory_space<hbm>> -> memref<1x16x384xf32, #tpu.memory_space<hbm>>
      %dma_start3A_1725 = tpu.memref_squeeze %dma_start3A_1724 : memref<1x16x384xf32, #tpu.memory_space<hbm>> -> memref<16x384xf32, #tpu.memory_space<hbm>>
      tpu.enqueue_dma source(%arg8 : memref<16x384xf32, #tpu.memory_space<vmem>>) target(%dma_start3A_1725 : memref<16x384xf32, #tpu.memory_space<hbm>>) target_semaphore(%run_scoped3A : memref<!tpu.dma_semaphore, #tpu.memory_space<semaphore_mem>>)
      %dma_wait3A = arith.constant 0 : i32
      %dma_wait3A_1726 = tpu.memref_slice %arg2[%add3A_4, %dma_wait3A, %multiple_of3A_243] : memref<128x16x16384xf32, #tpu.memory_space<hbm>> -> memref<1x16x384xf32, #tpu.memory_space<hbm>>
      %dma_wait3A_1727 = tpu.memref_squeeze %dma_wait3A_1726 : memref<1x16x384xf32, #tpu.memory_space<hbm>> -> memref<16x384xf32, #tpu.memory_space<hbm>>
      %dma_wait3A_1728 = arith.constant 0 : i32
      %dma_wait3A_1729 = tpu.memref_slice %arg2[%add3A_4, %dma_wait3A_1728, %multiple_of3A_243] : memref<128x16x16384xf32, #tpu.memory_space<hbm>> -> memref<1x16x384xf32, #tpu.memory_space<hbm>>
      %dma_wait3A_1730 = tpu.memref_squeeze %dma_wait3A_1729 : memref<1x16x384xf32, #tpu.memory_space<hbm>> -> memref<16x384xf32, #tpu.memory_space<hbm>>
      tpu.wait_dma2 semaphore(%run_scoped3A : memref<!tpu.dma_semaphore, #tpu.memory_space<semaphore_mem>>) src(%arg8 : memref<16x384xf32, #tpu.memory_space<vmem>>) dst(%dma_wait3A_1730 : memref<16x384xf32, #tpu.memory_space<hbm>>)
      tpu.yield
    }) : () -> ()
    %add3A_419 = arith.constant 1 : i32
    %add3A_420 = arith.addi %mul3A_2, %add3A_419 : i32
    %broadcast_in_dim3A_421 = arith.constant 0 : i32
    %broadcast_in_dim3A_422 = vector.broadcast %broadcast_in_dim3A_421 : i32 to vector<16xi32>
    %add3A_423 = vector.broadcast %add3A_420 : i32 to vector<16xi32>
    %add3A_424 = arith.addi %broadcast_in_dim3A_422, %add3A_423 : vector<16xi32>
    %gather3A_425 = tpu.vector_load_idx %arg6[%add3A_424] : memref<256xi32, #tpu.memory_space<vmem>>[vector<16xi32>], vector<16xi32>,
    %gather3A_426 = tpu.vector_load_idx %arg7[%add3A_424] : memref<256xi32, #tpu.memory_space<vmem>>[vector<16xi32>], vector<16xi32>,
    %add3A_427 = arith.addi %gather3A_425, %gather3A_426 : vector<16xi32>
    %min3A_428 = arith.constant 16384 : i32
    %min3A_429 = vector.broadcast %min3A_428 : i32 to vector<16xi32>
    %min3A_430 = arith.minsi %add3A_427, %min3A_429 : vector<16xi32>
    %slice3A_431 = vector.extract_strided_slice %gather3A_425 {offsets = [0], sizes = [1], strides = [1]} : vector<16xi32> to vector<1xi32>
    %squeeze3A_432 = vector.extract %slice3A_431[0] : i32 from vector<1xi32>
    %jit3A_433 = arith.constant 128 : i32
    %div3A_434 = arith.divsi %squeeze3A_432, %jit3A_433 : i32
    %sign3A_435 = arith.constant 0 : i32
    %sign3A_436 = arith.cmpi sgt, %squeeze3A_432, %sign3A_435 : i32
    %sign3A_437 = arith.extui %sign3A_436 : i1 to i32
    %sign3A_438 = arith.constant 0 : i32
    %sign3A_439 = arith.cmpi slt, %squeeze3A_432, %sign3A_438 : i32
    %sign3A_440 = arith.extui %sign3A_439 : i1 to i32
    %sign3A_441 = arith.subi %sign3A_437, %sign3A_440 : i32
    %sign3A_442 = arith.constant 0 : i32
    %sign3A_443 = arith.cmpi sgt, %jit3A_433, %sign3A_442 : i32
    %sign3A_444 = arith.extui %sign3A_443 : i1 to i32
    %sign3A_445 = arith.constant 0 : i32
    %sign3A_446 = arith.cmpi slt, %jit3A_433, %sign3A_445 : i32
    %sign3A_447 = arith.extui %sign3A_446 : i1 to i32
    %sign3A_448 = arith.subi %sign3A_444, %sign3A_447 : i32
    %ne3A_449 = arith.cmpi ne, %sign3A_441, %sign3A_448 : i32
    %rem3A_450 = arith.remsi %squeeze3A_432, %jit3A_433 : i32
    %ne3A_451 = arith.constant 0 : i32
    %ne3A_452 = arith.cmpi ne, %rem3A_450, %ne3A_451 : i32
    %and3A_453 = arith.andi %ne3A_449, %ne3A_452 : i1
    %sub3A_454 = arith.constant 1 : i32
    %sub3A_455 = arith.subi %div3A_434, %sub3A_454 : i32
    %select_n3A_456 = arith.select %and3A_453, %sub3A_455, %div3A_434 : i32
    %mul3A_457 = arith.constant 128 : i32
    %mul3A_458 = arith.muli %select_n3A_456, %mul3A_457 : i32
    %min3A_459 = arith.constant 16000 : i32
    %min3A_460 = arith.minsi %mul3A_458, %min3A_459 : i32
    %multiple_of3A_461 = tpu.assume_multiple %min3A_460, 128 : i32
    "tpu.region"() ({
      %run_scoped3A = tpu.sem_alloc : memref<!tpu.dma_semaphore, #tpu.memory_space<semaphore_mem>>
      %dma_start3A = arith.constant 0 : i32
      %dma_start3A_1721 = tpu.memref_slice %arg2[%add3A_420, %dma_start3A, %multiple_of3A_461] : memref<128x16x16384xf32, #tpu.memory_space<hbm>> -> memref<1x16x384xf32, #tpu.memory_space<hbm>>
      %dma_start3A_1722 = tpu.memref_squeeze %dma_start3A_1721 : memref<1x16x384xf32, #tpu.memory_space<hbm>> -> memref<16x384xf32, #tpu.memory_space<hbm>>
      %dma_start3A_1723 = arith.constant 0 : i32
      %dma_start3A_1724 = tpu.memref_slice %arg2[%add3A_420, %dma_start3A_1723, %multiple_of3A_461] : memref<128x16x16384xf32, #tpu.memory_space<hbm>> -> memref<1x16x384xf32, #tpu.memory_space<hbm>>
      %dma_start3A_1725 = tpu.memref_squeeze %dma_start3A_1724 : memref<1x16x384xf32, #tpu.memory_space<hbm>> -> memref<16x384xf32, #tpu.memory_space<hbm>>
      tpu.enqueue_dma source(%dma_start3A_1725 : memref<16x384xf32, #tpu.memory_space<hbm>>) target(%arg8 : memref<16x384xf32, #tpu.memory_space<vmem>>) target_semaphore(%run_scoped3A : memref<!tpu.dma_semaphore, #tpu.memory_space<semaphore_mem>>)
      %dma_wait3A = arith.constant 0 : i32
      %dma_wait3A_1726 = tpu.memref_slice %arg2[%add3A_420, %dma_wait3A, %multiple_of3A_461] : memref<128x16x16384xf32, #tpu.memory_space<hbm>> -> memref<1x16x384xf32, #tpu.memory_space<hbm>>
      %dma_wait3A_1727 = tpu.memref_squeeze %dma_wait3A_1726 : memref<1x16x384xf32, #tpu.memory_space<hbm>> -> memref<16x384xf32, #tpu.memory_space<hbm>>
      %dma_wait3A_1728 = arith.constant 0 : i32
      %dma_wait3A_1729 = tpu.memref_slice %arg2[%add3A_420, %dma_wait3A_1728, %multiple_of3A_461] : memref<128x16x16384xf32, #tpu.memory_space<hbm>> -> memref<1x16x384xf32, #tpu.memory_space<hbm>>
      %dma_wait3A_1730 = tpu.memref_squeeze %dma_wait3A_1729 : memref<1x16x384xf32, #tpu.memory_space<hbm>> -> memref<16x384xf32, #tpu.memory_space<hbm>>
      tpu.wait_dma2 semaphore(%run_scoped3A : memref<!tpu.dma_semaphore, #tpu.memory_space<semaphore_mem>>) src(%dma_wait3A_1730 : memref<16x384xf32, #tpu.memory_space<hbm>>) dst(%arg8 : memref<16x384xf32, #tpu.memory_space<vmem>>)
      tpu.yield
    }) : () -> ()
    %add3A_462 = arith.constant 0 : i32
    %add3A_463 = arith.addi %multiple_of3A_461, %add3A_462 : i32
    %add3A_464 = vector.broadcast %add3A_463 : i32 to vector<16xi32>
    %add3A_465 = arith.addi %add3A_464, %iota3A : vector<16xi32>
    %lt3A_466 = arith.cmpi slt, %add3A_465, %gather3A_425 : vector<16xi32>
    %ge3A_467 = arith.cmpi sge, %add3A_465, %min3A_430 : vector<16xi32>
    %or3A_468 = arith.ori %lt3A_466, %ge3A_467 : vector<16xi1>
    %add3A_469 = arith.constant 16 : i32
    %add3A_470 = arith.addi %multiple_of3A_461, %add3A_469 : i32
    %add3A_471 = vector.broadcast %add3A_470 : i32 to vector<16xi32>
    %add3A_472 = arith.addi %add3A_471, %iota3A : vector<16xi32>
    %lt3A_473 = arith.cmpi slt, %add3A_472, %gather3A_425 : vector<16xi32>
    %ge3A_474 = arith.cmpi sge, %add3A_472, %min3A_430 : vector<16xi32>
    %or3A_475 = arith.ori %lt3A_473, %ge3A_474 : vector<16xi1>
    %add3A_476 = arith.constant 32 : i32
    %add3A_477 = arith.addi %multiple_of3A_461, %add3A_476 : i32
    %add3A_478 = vector.broadcast %add3A_477 : i32 to vector<16xi32>
    %add3A_479 = arith.addi %add3A_478, %iota3A : vector<16xi32>
    %lt3A_480 = arith.cmpi slt, %add3A_479, %gather3A_425 : vector<16xi32>
    %ge3A_481 = arith.cmpi sge, %add3A_479, %min3A_430 : vector<16xi32>
    %or3A_482 = arith.ori %lt3A_480, %ge3A_481 : vector<16xi1>
    %add3A_483 = arith.constant 48 : i32
    %add3A_484 = arith.addi %multiple_of3A_461, %add3A_483 : i32
    %add3A_485 = vector.broadcast %add3A_484 : i32 to vector<16xi32>
    %add3A_486 = arith.addi %add3A_485, %iota3A : vector<16xi32>
    %lt3A_487 = arith.cmpi slt, %add3A_486, %gather3A_425 : vector<16xi32>
    %ge3A_488 = arith.cmpi sge, %add3A_486, %min3A_430 : vector<16xi32>
    %or3A_489 = arith.ori %lt3A_487, %ge3A_488 : vector<16xi1>
    %add3A_490 = arith.constant 64 : i32
    %add3A_491 = arith.addi %multiple_of3A_461, %add3A_490 : i32
    %add3A_492 = vector.broadcast %add3A_491 : i32 to vector<16xi32>
    %add3A_493 = arith.addi %add3A_492, %iota3A : vector<16xi32>
    %lt3A_494 = arith.cmpi slt, %add3A_493, %gather3A_425 : vector<16xi32>
    %ge3A_495 = arith.cmpi sge, %add3A_493, %min3A_430 : vector<16xi32>
    %or3A_496 = arith.ori %lt3A_494, %ge3A_495 : vector<16xi1>
    %add3A_497 = arith.constant 80 : i32
    %add3A_498 = arith.addi %multiple_of3A_461, %add3A_497 : i32
    %add3A_499 = vector.broadcast %add3A_498 : i32 to vector<16xi32>
    %add3A_500 = arith.addi %add3A_499, %iota3A : vector<16xi32>
    %lt3A_501 = arith.cmpi slt, %add3A_500, %gather3A_425 : vector<16xi32>
    %ge3A_502 = arith.cmpi sge, %add3A_500, %min3A_430 : vector<16xi32>
    %or3A_503 = arith.ori %lt3A_501, %ge3A_502 : vector<16xi1>
    %add3A_504 = arith.constant 96 : i32
    %add3A_505 = arith.addi %multiple_of3A_461, %add3A_504 : i32
    %add3A_506 = vector.broadcast %add3A_505 : i32 to vector<16xi32>
    %add3A_507 = arith.addi %add3A_506, %iota3A : vector<16xi32>
    %lt3A_508 = arith.cmpi slt, %add3A_507, %gather3A_425 : vector<16xi32>
    %ge3A_509 = arith.cmpi sge, %add3A_507, %min3A_430 : vector<16xi32>
    %or3A_510 = arith.ori %lt3A_508, %ge3A_509 : vector<16xi1>
    %add3A_511 = arith.constant 112 : i32
    %add3A_512 = arith.addi %multiple_of3A_461, %add3A_511 : i32
    %add3A_513 = vector.broadcast %add3A_512 : i32 to vector<16xi32>
    %add3A_514 = arith.addi %add3A_513, %iota3A : vector<16xi32>
    %lt3A_515 = arith.cmpi slt, %add3A_514, %gather3A_425 : vector<16xi32>
    %ge3A_516 = arith.cmpi sge, %add3A_514, %min3A_430 : vector<16xi32>
    %or3A_517 = arith.ori %lt3A_515, %ge3A_516 : vector<16xi1>
    %add3A_518 = arith.constant 128 : i32
    %add3A_519 = arith.addi %multiple_of3A_461, %add3A_518 : i32
    %add3A_520 = vector.broadcast %add3A_519 : i32 to vector<16xi32>
    %add3A_521 = arith.addi %add3A_520, %iota3A : vector<16xi32>
    %lt3A_522 = arith.cmpi slt, %add3A_521, %gather3A_425 : vector<16xi32>
    %ge3A_523 = arith.cmpi sge, %add3A_521, %min3A_430 : vector<16xi32>
    %or3A_524 = arith.ori %lt3A_522, %ge3A_523 : vector<16xi1>
    %add3A_525 = arith.constant 144 : i32
    %add3A_526 = arith.addi %multiple_of3A_461, %add3A_525 : i32
    %add3A_527 = vector.broadcast %add3A_526 : i32 to vector<16xi32>
    %add3A_528 = arith.addi %add3A_527, %iota3A : vector<16xi32>
    %lt3A_529 = arith.cmpi slt, %add3A_528, %gather3A_425 : vector<16xi32>
    %ge3A_530 = arith.cmpi sge, %add3A_528, %min3A_430 : vector<16xi32>
    %or3A_531 = arith.ori %lt3A_529, %ge3A_530 : vector<16xi1>
    %add3A_532 = arith.constant 160 : i32
    %add3A_533 = arith.addi %multiple_of3A_461, %add3A_532 : i32
    %add3A_534 = vector.broadcast %add3A_533 : i32 to vector<16xi32>
    %add3A_535 = arith.addi %add3A_534, %iota3A : vector<16xi32>
    %lt3A_536 = arith.cmpi slt, %add3A_535, %gather3A_425 : vector<16xi32>
    %ge3A_537 = arith.cmpi sge, %add3A_535, %min3A_430 : vector<16xi32>
    %or3A_538 = arith.ori %lt3A_536, %ge3A_537 : vector<16xi1>
    %add3A_539 = arith.constant 176 : i32
    %add3A_540 = arith.addi %multiple_of3A_461, %add3A_539 : i32
    %add3A_541 = vector.broadcast %add3A_540 : i32 to vector<16xi32>
    %add3A_542 = arith.addi %add3A_541, %iota3A : vector<16xi32>
    %lt3A_543 = arith.cmpi slt, %add3A_542, %gather3A_425 : vector<16xi32>
    %ge3A_544 = arith.cmpi sge, %add3A_542, %min3A_430 : vector<16xi32>
    %or3A_545 = arith.ori %lt3A_543, %ge3A_544 : vector<16xi1>
    %add3A_546 = arith.constant 192 : i32
    %add3A_547 = arith.addi %multiple_of3A_461, %add3A_546 : i32
    %add3A_548 = vector.broadcast %add3A_547 : i32 to vector<16xi32>
    %add3A_549 = arith.addi %add3A_548, %iota3A : vector<16xi32>
    %lt3A_550 = arith.cmpi slt, %add3A_549, %gather3A_425 : vector<16xi32>
    %ge3A_551 = arith.cmpi sge, %add3A_549, %min3A_430 : vector<16xi32>
    %or3A_552 = arith.ori %lt3A_550, %ge3A_551 : vector<16xi1>
    %add3A_553 = arith.constant 208 : i32
    %add3A_554 = arith.addi %multiple_of3A_461, %add3A_553 : i32
    %add3A_555 = vector.broadcast %add3A_554 : i32 to vector<16xi32>
    %add3A_556 = arith.addi %add3A_555, %iota3A : vector<16xi32>
    %lt3A_557 = arith.cmpi slt, %add3A_556, %gather3A_425 : vector<16xi32>
    %ge3A_558 = arith.cmpi sge, %add3A_556, %min3A_430 : vector<16xi32>
    %or3A_559 = arith.ori %lt3A_557, %ge3A_558 : vector<16xi1>
    %add3A_560 = arith.constant 224 : i32
    %add3A_561 = arith.addi %multiple_of3A_461, %add3A_560 : i32
    %add3A_562 = vector.broadcast %add3A_561 : i32 to vector<16xi32>
    %add3A_563 = arith.addi %add3A_562, %iota3A : vector<16xi32>
    %lt3A_564 = arith.cmpi slt, %add3A_563, %gather3A_425 : vector<16xi32>
    %ge3A_565 = arith.cmpi sge, %add3A_563, %min3A_430 : vector<16xi32>
    %or3A_566 = arith.ori %lt3A_564, %ge3A_565 : vector<16xi1>
    %add3A_567 = arith.constant 240 : i32
    %add3A_568 = arith.addi %multiple_of3A_461, %add3A_567 : i32
    %add3A_569 = vector.broadcast %add3A_568 : i32 to vector<16xi32>
    %add3A_570 = arith.addi %add3A_569, %iota3A : vector<16xi32>
    %lt3A_571 = arith.cmpi slt, %add3A_570, %gather3A_425 : vector<16xi32>
    %ge3A_572 = arith.cmpi sge, %add3A_570, %min3A_430 : vector<16xi32>
    %or3A_573 = arith.ori %lt3A_571, %ge3A_572 : vector<16xi1>
    %add3A_574 = arith.constant 256 : i32
    %add3A_575 = arith.addi %multiple_of3A_461, %add3A_574 : i32
    %add3A_576 = vector.broadcast %add3A_575 : i32 to vector<16xi32>
    %add3A_577 = arith.addi %add3A_576, %iota3A : vector<16xi32>
    %lt3A_578 = arith.cmpi slt, %add3A_577, %gather3A_425 : vector<16xi32>
    %ge3A_579 = arith.cmpi sge, %add3A_577, %min3A_430 : vector<16xi32>
    %or3A_580 = arith.ori %lt3A_578, %ge3A_579 : vector<16xi1>
    %add3A_581 = arith.constant 272 : i32
    %add3A_582 = arith.addi %multiple_of3A_461, %add3A_581 : i32
    %add3A_583 = vector.broadcast %add3A_582 : i32 to vector<16xi32>
    %add3A_584 = arith.addi %add3A_583, %iota3A : vector<16xi32>
    %lt3A_585 = arith.cmpi slt, %add3A_584, %gather3A_425 : vector<16xi32>
    %ge3A_586 = arith.cmpi sge, %add3A_584, %min3A_430 : vector<16xi32>
    %or3A_587 = arith.ori %lt3A_585, %ge3A_586 : vector<16xi1>
    %add3A_588 = arith.constant 288 : i32
    %add3A_589 = arith.addi %multiple_of3A_461, %add3A_588 : i32
    %add3A_590 = vector.broadcast %add3A_589 : i32 to vector<16xi32>
    %add3A_591 = arith.addi %add3A_590, %iota3A : vector<16xi32>
    %lt3A_592 = arith.cmpi slt, %add3A_591, %gather3A_425 : vector<16xi32>
    %ge3A_593 = arith.cmpi sge, %add3A_591, %min3A_430 : vector<16xi32>
    %or3A_594 = arith.ori %lt3A_592, %ge3A_593 : vector<16xi1>
    %add3A_595 = arith.constant 304 : i32
    %add3A_596 = arith.addi %multiple_of3A_461, %add3A_595 : i32
    %add3A_597 = vector.broadcast %add3A_596 : i32 to vector<16xi32>
    %add3A_598 = arith.addi %add3A_597, %iota3A : vector<16xi32>
    %lt3A_599 = arith.cmpi slt, %add3A_598, %gather3A_425 : vector<16xi32>
    %ge3A_600 = arith.cmpi sge, %add3A_598, %min3A_430 : vector<16xi32>
    %or3A_601 = arith.ori %lt3A_599, %ge3A_600 : vector<16xi1>
    %add3A_602 = arith.constant 320 : i32
    %add3A_603 = arith.addi %multiple_of3A_461, %add3A_602 : i32
    %add3A_604 = vector.broadcast %add3A_603 : i32 to vector<16xi32>
    %add3A_605 = arith.addi %add3A_604, %iota3A : vector<16xi32>
    %lt3A_606 = arith.cmpi slt, %add3A_605, %gather3A_425 : vector<16xi32>
    %ge3A_607 = arith.cmpi sge, %add3A_605, %min3A_430 : vector<16xi32>
    %or3A_608 = arith.ori %lt3A_606, %ge3A_607 : vector<16xi1>
    %add3A_609 = arith.constant 336 : i32
    %add3A_610 = arith.addi %multiple_of3A_461, %add3A_609 : i32
    %add3A_611 = vector.broadcast %add3A_610 : i32 to vector<16xi32>
    %add3A_612 = arith.addi %add3A_611, %iota3A : vector<16xi32>
    %lt3A_613 = arith.cmpi slt, %add3A_612, %gather3A_425 : vector<16xi32>
    %ge3A_614 = arith.cmpi sge, %add3A_612, %min3A_430 : vector<16xi32>
    %or3A_615 = arith.ori %lt3A_613, %ge3A_614 : vector<16xi1>
    %add3A_616 = arith.constant 352 : i32
    %add3A_617 = arith.addi %multiple_of3A_461, %add3A_616 : i32
    %add3A_618 = vector.broadcast %add3A_617 : i32 to vector<16xi32>
    %add3A_619 = arith.addi %add3A_618, %iota3A : vector<16xi32>
    %lt3A_620 = arith.cmpi slt, %add3A_619, %gather3A_425 : vector<16xi32>
    %ge3A_621 = arith.cmpi sge, %add3A_619, %min3A_430 : vector<16xi32>
    %or3A_622 = arith.ori %lt3A_620, %ge3A_621 : vector<16xi1>
    %add3A_623 = arith.constant 368 : i32
    %add3A_624 = arith.addi %multiple_of3A_461, %add3A_623 : i32
    %add3A_625 = vector.broadcast %add3A_624 : i32 to vector<16xi32>
    %add3A_626 = arith.addi %add3A_625, %iota3A : vector<16xi32>
    %lt3A_627 = arith.cmpi slt, %add3A_626, %gather3A_425 : vector<16xi32>
    %ge3A_628 = arith.cmpi sge, %add3A_626, %min3A_430 : vector<16xi32>
    %or3A_629 = arith.ori %lt3A_627, %ge3A_628 : vector<16xi1>
    %scan3A_630 = arith.constant 0 : i32
    %scan3A_631 = arith.constant 0 : i32
    %scan3A_632 = arith.constant 16 : i32
    %scan3A_633 = arith.addi %scan3A_631, %scan3A_632 : i32
    %scan3A_634 = arith.constant 1 : i32
    %scan3A_635 = scf.for %scan3A_1721 = %scan3A_631 to %scan3A_633 step %scan3A_634 iter_args(%scan3A_1722 = %scan3A_630) -> (i32)  : i32 {
      %get3A = arith.index_cast %scan3A_1721 : i32 to index
      %get3A_1723 = arith.constant 0 : index
      %get3A_1724 = tpu.vector_load %arg8[%get3A, %get3A_1723] {strides = array<i32>} : memref<16x384xf32, #tpu.memory_space<vmem>>, vector<16xf32>,
      %jit3A_1725 = arith.constant 0.000000e+00 : f32
      %broadcast_in_dim3A_1726 = vector.broadcast %jit3A_1725 : f32 to vector<16xf32>
      %select_n3A_1727 = arith.select %or3A_468, %get3A_1724, %broadcast_in_dim3A_1726 : vector<16xi1>, vector<16xf32>
      %swap3A = arith.index_cast %scan3A_1721 : i32 to index
      %swap3A_1728 = arith.constant 0 : index
      %swap3A_1729 = tpu.vector_load %arg8[%swap3A, %swap3A_1728] {strides = array<i32>} : memref<16x384xf32, #tpu.memory_space<vmem>>, vector<16xf32>,
      tpu.vector_store %arg8[%swap3A, %swap3A_1728], %select_n3A_1727 {strides = array<i32>} : memref<16x384xf32, #tpu.memory_space<vmem>>, vector<16xf32>,
      %get3A_1730 = arith.index_cast %scan3A_1721 : i32 to index
      %get3A_1731 = arith.constant 16 : index
      %get3A_1732 = tpu.vector_load %arg8[%get3A_1730, %get3A_1731] {strides = array<i32>} : memref<16x384xf32, #tpu.memory_space<vmem>>, vector<16xf32>,
      %jit3A_1733 = arith.constant 0.000000e+00 : f32
      %broadcast_in_dim3A_1734 = vector.broadcast %jit3A_1733 : f32 to vector<16xf32>
      %select_n3A_1735 = arith.select %or3A_475, %get3A_1732, %broadcast_in_dim3A_1734 : vector<16xi1>, vector<16xf32>
      %swap3A_1736 = arith.index_cast %scan3A_1721 : i32 to index
      %swap3A_1737 = arith.constant 16 : index
      %swap3A_1738 = tpu.vector_load %arg8[%swap3A_1736, %swap3A_1737] {strides = array<i32>} : memref<16x384xf32, #tpu.memory_space<vmem>>, vector<16xf32>,
      tpu.vector_store %arg8[%swap3A_1736, %swap3A_1737], %select_n3A_1735 {strides = array<i32>} : memref<16x384xf32, #tpu.memory_space<vmem>>, vector<16xf32>,
      %get3A_1739 = arith.index_cast %scan3A_1721 : i32 to index
      %get3A_1740 = arith.constant 32 : index
      %get3A_1741 = tpu.vector_load %arg8[%get3A_1739, %get3A_1740] {strides = array<i32>} : memref<16x384xf32, #tpu.memory_space<vmem>>, vector<16xf32>,
      %jit3A_1742 = arith.constant 0.000000e+00 : f32
      %broadcast_in_dim3A_1743 = vector.broadcast %jit3A_1742 : f32 to vector<16xf32>
      %select_n3A_1744 = arith.select %or3A_482, %get3A_1741, %broadcast_in_dim3A_1743 : vector<16xi1>, vector<16xf32>
      %swap3A_1745 = arith.index_cast %scan3A_1721 : i32 to index
      %swap3A_1746 = arith.constant 32 : index
      %swap3A_1747 = tpu.vector_load %arg8[%swap3A_1745, %swap3A_1746] {strides = array<i32>} : memref<16x384xf32, #tpu.memory_space<vmem>>, vector<16xf32>,
      tpu.vector_store %arg8[%swap3A_1745, %swap3A_1746], %select_n3A_1744 {strides = array<i32>} : memref<16x384xf32, #tpu.memory_space<vmem>>, vector<16xf32>,
      %get3A_1748 = arith.index_cast %scan3A_1721 : i32 to index
      %get3A_1749 = arith.constant 48 : index
      %get3A_1750 = tpu.vector_load %arg8[%get3A_1748, %get3A_1749] {strides = array<i32>} : memref<16x384xf32, #tpu.memory_space<vmem>>, vector<16xf32>,
      %jit3A_1751 = arith.constant 0.000000e+00 : f32
      %broadcast_in_dim3A_1752 = vector.broadcast %jit3A_1751 : f32 to vector<16xf32>
      %select_n3A_1753 = arith.select %or3A_489, %get3A_1750, %broadcast_in_dim3A_1752 : vector<16xi1>, vector<16xf32>
      %swap3A_1754 = arith.index_cast %scan3A_1721 : i32 to index
      %swap3A_1755 = arith.constant 48 : index
      %swap3A_1756 = tpu.vector_load %arg8[%swap3A_1754, %swap3A_1755] {strides = array<i32>} : memref<16x384xf32, #tpu.memory_space<vmem>>, vector<16xf32>,
      tpu.vector_store %arg8[%swap3A_1754, %swap3A_1755], %select_n3A_1753 {strides = array<i32>} : memref<16x384xf32, #tpu.memory_space<vmem>>, vector<16xf32>,
      %get3A_1757 = arith.index_cast %scan3A_1721 : i32 to index
      %get3A_1758 = arith.constant 64 : index
      %get3A_1759 = tpu.vector_load %arg8[%get3A_1757, %get3A_1758] {strides = array<i32>} : memref<16x384xf32, #tpu.memory_space<vmem>>, vector<16xf32>,
      %jit3A_1760 = arith.constant 0.000000e+00 : f32
      %broadcast_in_dim3A_1761 = vector.broadcast %jit3A_1760 : f32 to vector<16xf32>
      %select_n3A_1762 = arith.select %or3A_496, %get3A_1759, %broadcast_in_dim3A_1761 : vector<16xi1>, vector<16xf32>
      %swap3A_1763 = arith.index_cast %scan3A_1721 : i32 to index
      %swap3A_1764 = arith.constant 64 : index
      %swap3A_1765 = tpu.vector_load %arg8[%swap3A_1763, %swap3A_1764] {strides = array<i32>} : memref<16x384xf32, #tpu.memory_space<vmem>>, vector<16xf32>,
      tpu.vector_store %arg8[%swap3A_1763, %swap3A_1764], %select_n3A_1762 {strides = array<i32>} : memref<16x384xf32, #tpu.memory_space<vmem>>, vector<16xf32>,
      %get3A_1766 = arith.index_cast %scan3A_1721 : i32 to index
      %get3A_1767 = arith.constant 80 : index
      %get3A_1768 = tpu.vector_load %arg8[%get3A_1766, %get3A_1767] {strides = array<i32>} : memref<16x384xf32, #tpu.memory_space<vmem>>, vector<16xf32>,
      %jit3A_1769 = arith.constant 0.000000e+00 : f32
      %broadcast_in_dim3A_1770 = vector.broadcast %jit3A_1769 : f32 to vector<16xf32>
      %select_n3A_1771 = arith.select %or3A_503, %get3A_1768, %broadcast_in_dim3A_1770 : vector<16xi1>, vector<16xf32>
      %swap3A_1772 = arith.index_cast %scan3A_1721 : i32 to index
      %swap3A_1773 = arith.constant 80 : index
      %swap3A_1774 = tpu.vector_load %arg8[%swap3A_1772, %swap3A_1773] {strides = array<i32>} : memref<16x384xf32, #tpu.memory_space<vmem>>, vector<16xf32>,
      tpu.vector_store %arg8[%swap3A_1772, %swap3A_1773], %select_n3A_1771 {strides = array<i32>} : memref<16x384xf32, #tpu.memory_space<vmem>>, vector<16xf32>,
      %get3A_1775 = arith.index_cast %scan3A_1721 : i32 to index
      %get3A_1776 = arith.constant 96 : index
      %get3A_1777 = tpu.vector_load %arg8[%get3A_1775, %get3A_1776] {strides = array<i32>} : memref<16x384xf32, #tpu.memory_space<vmem>>, vector<16xf32>,
      %jit3A_1778 = arith.constant 0.000000e+00 : f32
      %broadcast_in_dim3A_1779 = vector.broadcast %jit3A_1778 : f32 to vector<16xf32>
      %select_n3A_1780 = arith.select %or3A_510, %get3A_1777, %broadcast_in_dim3A_1779 : vector<16xi1>, vector<16xf32>
      %swap3A_1781 = arith.index_cast %scan3A_1721 : i32 to index
      %swap3A_1782 = arith.constant 96 : index
      %swap3A_1783 = tpu.vector_load %arg8[%swap3A_1781, %swap3A_1782] {strides = array<i32>} : memref<16x384xf32, #tpu.memory_space<vmem>>, vector<16xf32>,
      tpu.vector_store %arg8[%swap3A_1781, %swap3A_1782], %select_n3A_1780 {strides = array<i32>} : memref<16x384xf32, #tpu.memory_space<vmem>>, vector<16xf32>,
      %get3A_1784 = arith.index_cast %scan3A_1721 : i32 to index
      %get3A_1785 = arith.constant 112 : index
      %get3A_1786 = tpu.vector_load %arg8[%get3A_1784, %get3A_1785] {strides = array<i32>} : memref<16x384xf32, #tpu.memory_space<vmem>>, vector<16xf32>,
      %jit3A_1787 = arith.constant 0.000000e+00 : f32
      %broadcast_in_dim3A_1788 = vector.broadcast %jit3A_1787 : f32 to vector<16xf32>
      %select_n3A_1789 = arith.select %or3A_517, %get3A_1786, %broadcast_in_dim3A_1788 : vector<16xi1>, vector<16xf32>
      %swap3A_1790 = arith.index_cast %scan3A_1721 : i32 to index
      %swap3A_1791 = arith.constant 112 : index
      %swap3A_1792 = tpu.vector_load %arg8[%swap3A_1790, %swap3A_1791] {strides = array<i32>} : memref<16x384xf32, #tpu.memory_space<vmem>>, vector<16xf32>,
      tpu.vector_store %arg8[%swap3A_1790, %swap3A_1791], %select_n3A_1789 {strides = array<i32>} : memref<16x384xf32, #tpu.memory_space<vmem>>, vector<16xf32>,
      %get3A_1793 = arith.index_cast %scan3A_1721 : i32 to index
      %get3A_1794 = arith.constant 128 : index
      %get3A_1795 = tpu.vector_load %arg8[%get3A_1793, %get3A_1794] {strides = array<i32>} : memref<16x384xf32, #tpu.memory_space<vmem>>, vector<16xf32>,
      %jit3A_1796 = arith.constant 0.000000e+00 : f32
      %broadcast_in_dim3A_1797 = vector.broadcast %jit3A_1796 : f32 to vector<16xf32>
      %select_n3A_1798 = arith.select %or3A_524, %get3A_1795, %broadcast_in_dim3A_1797 : vector<16xi1>, vector<16xf32>
      %swap3A_1799 = arith.index_cast %scan3A_1721 : i32 to index
      %swap3A_1800 = arith.constant 128 : index
      %swap3A_1801 = tpu.vector_load %arg8[%swap3A_1799, %swap3A_1800] {strides = array<i32>} : memref<16x384xf32, #tpu.memory_space<vmem>>, vector<16xf32>,
      tpu.vector_store %arg8[%swap3A_1799, %swap3A_1800], %select_n3A_1798 {strides = array<i32>} : memref<16x384xf32, #tpu.memory_space<vmem>>, vector<16xf32>,
      %get3A_1802 = arith.index_cast %scan3A_1721 : i32 to index
      %get3A_1803 = arith.constant 144 : index
      %get3A_1804 = tpu.vector_load %arg8[%get3A_1802, %get3A_1803] {strides = array<i32>} : memref<16x384xf32, #tpu.memory_space<vmem>>, vector<16xf32>,
      %jit3A_1805 = arith.constant 0.000000e+00 : f32
      %broadcast_in_dim3A_1806 = vector.broadcast %jit3A_1805 : f32 to vector<16xf32>
      %select_n3A_1807 = arith.select %or3A_531, %get3A_1804, %broadcast_in_dim3A_1806 : vector<16xi1>, vector<16xf32>
      %swap3A_1808 = arith.index_cast %scan3A_1721 : i32 to index
      %swap3A_1809 = arith.constant 144 : index
      %swap3A_1810 = tpu.vector_load %arg8[%swap3A_1808, %swap3A_1809] {strides = array<i32>} : memref<16x384xf32, #tpu.memory_space<vmem>>, vector<16xf32>,
      tpu.vector_store %arg8[%swap3A_1808, %swap3A_1809], %select_n3A_1807 {strides = array<i32>} : memref<16x384xf32, #tpu.memory_space<vmem>>, vector<16xf32>,
      %get3A_1811 = arith.index_cast %scan3A_1721 : i32 to index
      %get3A_1812 = arith.constant 160 : index
      %get3A_1813 = tpu.vector_load %arg8[%get3A_1811, %get3A_1812] {strides = array<i32>} : memref<16x384xf32, #tpu.memory_space<vmem>>, vector<16xf32>,
      %jit3A_1814 = arith.constant 0.000000e+00 : f32
      %broadcast_in_dim3A_1815 = vector.broadcast %jit3A_1814 : f32 to vector<16xf32>
      %select_n3A_1816 = arith.select %or3A_538, %get3A_1813, %broadcast_in_dim3A_1815 : vector<16xi1>, vector<16xf32>
      %swap3A_1817 = arith.index_cast %scan3A_1721 : i32 to index
      %swap3A_1818 = arith.constant 160 : index
      %swap3A_1819 = tpu.vector_load %arg8[%swap3A_1817, %swap3A_1818] {strides = array<i32>} : memref<16x384xf32, #tpu.memory_space<vmem>>, vector<16xf32>,
      tpu.vector_store %arg8[%swap3A_1817, %swap3A_1818], %select_n3A_1816 {strides = array<i32>} : memref<16x384xf32, #tpu.memory_space<vmem>>, vector<16xf32>,
      %get3A_1820 = arith.index_cast %scan3A_1721 : i32 to index
      %get3A_1821 = arith.constant 176 : index
      %get3A_1822 = tpu.vector_load %arg8[%get3A_1820, %get3A_1821] {strides = array<i32>} : memref<16x384xf32, #tpu.memory_space<vmem>>, vector<16xf32>,
      %jit3A_1823 = arith.constant 0.000000e+00 : f32
      %broadcast_in_dim3A_1824 = vector.broadcast %jit3A_1823 : f32 to vector<16xf32>
      %select_n3A_1825 = arith.select %or3A_545, %get3A_1822, %broadcast_in_dim3A_1824 : vector<16xi1>, vector<16xf32>
      %swap3A_1826 = arith.index_cast %scan3A_1721 : i32 to index
      %swap3A_1827 = arith.constant 176 : index
      %swap3A_1828 = tpu.vector_load %arg8[%swap3A_1826, %swap3A_1827] {strides = array<i32>} : memref<16x384xf32, #tpu.memory_space<vmem>>, vector<16xf32>,
      tpu.vector_store %arg8[%swap3A_1826, %swap3A_1827], %select_n3A_1825 {strides = array<i32>} : memref<16x384xf32, #tpu.memory_space<vmem>>, vector<16xf32>,
      %get3A_1829 = arith.index_cast %scan3A_1721 : i32 to index
      %get3A_1830 = arith.constant 192 : index
      %get3A_1831 = tpu.vector_load %arg8[%get3A_1829, %get3A_1830] {strides = array<i32>} : memref<16x384xf32, #tpu.memory_space<vmem>>, vector<16xf32>,
      %jit3A_1832 = arith.constant 0.000000e+00 : f32
      %broadcast_in_dim3A_1833 = vector.broadcast %jit3A_1832 : f32 to vector<16xf32>
      %select_n3A_1834 = arith.select %or3A_552, %get3A_1831, %broadcast_in_dim3A_1833 : vector<16xi1>, vector<16xf32>
      %swap3A_1835 = arith.index_cast %scan3A_1721 : i32 to index
      %swap3A_1836 = arith.constant 192 : index
      %swap3A_1837 = tpu.vector_load %arg8[%swap3A_1835, %swap3A_1836] {strides = array<i32>} : memref<16x384xf32, #tpu.memory_space<vmem>>, vector<16xf32>,
      tpu.vector_store %arg8[%swap3A_1835, %swap3A_1836], %select_n3A_1834 {strides = array<i32>} : memref<16x384xf32, #tpu.memory_space<vmem>>, vector<16xf32>,
      %get3A_1838 = arith.index_cast %scan3A_1721 : i32 to index
      %get3A_1839 = arith.constant 208 : index
      %get3A_1840 = tpu.vector_load %arg8[%get3A_1838, %get3A_1839] {strides = array<i32>} : memref<16x384xf32, #tpu.memory_space<vmem>>, vector<16xf32>,
      %jit3A_1841 = arith.constant 0.000000e+00 : f32
      %broadcast_in_dim3A_1842 = vector.broadcast %jit3A_1841 : f32 to vector<16xf32>
      %select_n3A_1843 = arith.select %or3A_559, %get3A_1840, %broadcast_in_dim3A_1842 : vector<16xi1>, vector<16xf32>
      %swap3A_1844 = arith.index_cast %scan3A_1721 : i32 to index
      %swap3A_1845 = arith.constant 208 : index
      %swap3A_1846 = tpu.vector_load %arg8[%swap3A_1844, %swap3A_1845] {strides = array<i32>} : memref<16x384xf32, #tpu.memory_space<vmem>>, vector<16xf32>,
      tpu.vector_store %arg8[%swap3A_1844, %swap3A_1845], %select_n3A_1843 {strides = array<i32>} : memref<16x384xf32, #tpu.memory_space<vmem>>, vector<16xf32>,
      %get3A_1847 = arith.index_cast %scan3A_1721 : i32 to index
      %get3A_1848 = arith.constant 224 : index
      %get3A_1849 = tpu.vector_load %arg8[%get3A_1847, %get3A_1848] {strides = array<i32>} : memref<16x384xf32, #tpu.memory_space<vmem>>, vector<16xf32>,
      %jit3A_1850 = arith.constant 0.000000e+00 : f32
      %broadcast_in_dim3A_1851 = vector.broadcast %jit3A_1850 : f32 to vector<16xf32>
      %select_n3A_1852 = arith.select %or3A_566, %get3A_1849, %broadcast_in_dim3A_1851 : vector<16xi1>, vector<16xf32>
      %swap3A_1853 = arith.index_cast %scan3A_1721 : i32 to index
      %swap3A_1854 = arith.constant 224 : index
      %swap3A_1855 = tpu.vector_load %arg8[%swap3A_1853, %swap3A_1854] {strides = array<i32>} : memref<16x384xf32, #tpu.memory_space<vmem>>, vector<16xf32>,
      tpu.vector_store %arg8[%swap3A_1853, %swap3A_1854], %select_n3A_1852 {strides = array<i32>} : memref<16x384xf32, #tpu.memory_space<vmem>>, vector<16xf32>,
      %get3A_1856 = arith.index_cast %scan3A_1721 : i32 to index
      %get3A_1857 = arith.constant 240 : index
      %get3A_1858 = tpu.vector_load %arg8[%get3A_1856, %get3A_1857] {strides = array<i32>} : memref<16x384xf32, #tpu.memory_space<vmem>>, vector<16xf32>,
      %jit3A_1859 = arith.constant 0.000000e+00 : f32
      %broadcast_in_dim3A_1860 = vector.broadcast %jit3A_1859 : f32 to vector<16xf32>
      %select_n3A_1861 = arith.select %or3A_573, %get3A_1858, %broadcast_in_dim3A_1860 : vector<16xi1>, vector<16xf32>
      %swap3A_1862 = arith.index_cast %scan3A_1721 : i32 to index
      %swap3A_1863 = arith.constant 240 : index
      %swap3A_1864 = tpu.vector_load %arg8[%swap3A_1862, %swap3A_1863] {strides = array<i32>} : memref<16x384xf32, #tpu.memory_space<vmem>>, vector<16xf32>,
      tpu.vector_store %arg8[%swap3A_1862, %swap3A_1863], %select_n3A_1861 {strides = array<i32>} : memref<16x384xf32, #tpu.memory_space<vmem>>, vector<16xf32>,
      %get3A_1865 = arith.index_cast %scan3A_1721 : i32 to index
      %get3A_1866 = arith.constant 256 : index
      %get3A_1867 = tpu.vector_load %arg8[%get3A_1865, %get3A_1866] {strides = array<i32>} : memref<16x384xf32, #tpu.memory_space<vmem>>, vector<16xf32>,
      %jit3A_1868 = arith.constant 0.000000e+00 : f32
      %broadcast_in_dim3A_1869 = vector.broadcast %jit3A_1868 : f32 to vector<16xf32>
      %select_n3A_1870 = arith.select %or3A_580, %get3A_1867, %broadcast_in_dim3A_1869 : vector<16xi1>, vector<16xf32>
      %swap3A_1871 = arith.index_cast %scan3A_1721 : i32 to index
      %swap3A_1872 = arith.constant 256 : index
      %swap3A_1873 = tpu.vector_load %arg8[%swap3A_1871, %swap3A_1872] {strides = array<i32>} : memref<16x384xf32, #tpu.memory_space<vmem>>, vector<16xf32>,
      tpu.vector_store %arg8[%swap3A_1871, %swap3A_1872], %select_n3A_1870 {strides = array<i32>} : memref<16x384xf32, #tpu.memory_space<vmem>>, vector<16xf32>,
      %get3A_1874 = arith.index_cast %scan3A_1721 : i32 to index
      %get3A_1875 = arith.constant 272 : index
      %get3A_1876 = tpu.vector_load %arg8[%get3A_1874, %get3A_1875] {strides = array<i32>} : memref<16x384xf32, #tpu.memory_space<vmem>>, vector<16xf32>,
      %jit3A_1877 = arith.constant 0.000000e+00 : f32
      %broadcast_in_dim3A_1878 = vector.broadcast %jit3A_1877 : f32 to vector<16xf32>
      %select_n3A_1879 = arith.select %or3A_587, %get3A_1876, %broadcast_in_dim3A_1878 : vector<16xi1>, vector<16xf32>
      %swap3A_1880 = arith.index_cast %scan3A_1721 : i32 to index
      %swap3A_1881 = arith.constant 272 : index
      %swap3A_1882 = tpu.vector_load %arg8[%swap3A_1880, %swap3A_1881] {strides = array<i32>} : memref<16x384xf32, #tpu.memory_space<vmem>>, vector<16xf32>,
      tpu.vector_store %arg8[%swap3A_1880, %swap3A_1881], %select_n3A_1879 {strides = array<i32>} : memref<16x384xf32, #tpu.memory_space<vmem>>, vector<16xf32>,
      %get3A_1883 = arith.index_cast %scan3A_1721 : i32 to index
      %get3A_1884 = arith.constant 288 : index
      %get3A_1885 = tpu.vector_load %arg8[%get3A_1883, %get3A_1884] {strides = array<i32>} : memref<16x384xf32, #tpu.memory_space<vmem>>, vector<16xf32>,
      %jit3A_1886 = arith.constant 0.000000e+00 : f32
      %broadcast_in_dim3A_1887 = vector.broadcast %jit3A_1886 : f32 to vector<16xf32>
      %select_n3A_1888 = arith.select %or3A_594, %get3A_1885, %broadcast_in_dim3A_1887 : vector<16xi1>, vector<16xf32>
      %swap3A_1889 = arith.index_cast %scan3A_1721 : i32 to index
      %swap3A_1890 = arith.constant 288 : index
      %swap3A_1891 = tpu.vector_load %arg8[%swap3A_1889, %swap3A_1890] {strides = array<i32>} : memref<16x384xf32, #tpu.memory_space<vmem>>, vector<16xf32>,
      tpu.vector_store %arg8[%swap3A_1889, %swap3A_1890], %select_n3A_1888 {strides = array<i32>} : memref<16x384xf32, #tpu.memory_space<vmem>>, vector<16xf32>,
      %get3A_1892 = arith.index_cast %scan3A_1721 : i32 to index
      %get3A_1893 = arith.constant 304 : index
      %get3A_1894 = tpu.vector_load %arg8[%get3A_1892, %get3A_1893] {strides = array<i32>} : memref<16x384xf32, #tpu.memory_space<vmem>>, vector<16xf32>,
      %jit3A_1895 = arith.constant 0.000000e+00 : f32
      %broadcast_in_dim3A_1896 = vector.broadcast %jit3A_1895 : f32 to vector<16xf32>
      %select_n3A_1897 = arith.select %or3A_601, %get3A_1894, %broadcast_in_dim3A_1896 : vector<16xi1>, vector<16xf32>
      %swap3A_1898 = arith.index_cast %scan3A_1721 : i32 to index
      %swap3A_1899 = arith.constant 304 : index
      %swap3A_1900 = tpu.vector_load %arg8[%swap3A_1898, %swap3A_1899] {strides = array<i32>} : memref<16x384xf32, #tpu.memory_space<vmem>>, vector<16xf32>,
      tpu.vector_store %arg8[%swap3A_1898, %swap3A_1899], %select_n3A_1897 {strides = array<i32>} : memref<16x384xf32, #tpu.memory_space<vmem>>, vector<16xf32>,
      %get3A_1901 = arith.index_cast %scan3A_1721 : i32 to index
      %get3A_1902 = arith.constant 320 : index
      %get3A_1903 = tpu.vector_load %arg8[%get3A_1901, %get3A_1902] {strides = array<i32>} : memref<16x384xf32, #tpu.memory_space<vmem>>, vector<16xf32>,
      %jit3A_1904 = arith.constant 0.000000e+00 : f32
      %broadcast_in_dim3A_1905 = vector.broadcast %jit3A_1904 : f32 to vector<16xf32>
      %select_n3A_1906 = arith.select %or3A_608, %get3A_1903, %broadcast_in_dim3A_1905 : vector<16xi1>, vector<16xf32>
      %swap3A_1907 = arith.index_cast %scan3A_1721 : i32 to index
      %swap3A_1908 = arith.constant 320 : index
      %swap3A_1909 = tpu.vector_load %arg8[%swap3A_1907, %swap3A_1908] {strides = array<i32>} : memref<16x384xf32, #tpu.memory_space<vmem>>, vector<16xf32>,
      tpu.vector_store %arg8[%swap3A_1907, %swap3A_1908], %select_n3A_1906 {strides = array<i32>} : memref<16x384xf32, #tpu.memory_space<vmem>>, vector<16xf32>,
      %get3A_1910 = arith.index_cast %scan3A_1721 : i32 to index
      %get3A_1911 = arith.constant 336 : index
      %get3A_1912 = tpu.vector_load %arg8[%get3A_1910, %get3A_1911] {strides = array<i32>} : memref<16x384xf32, #tpu.memory_space<vmem>>, vector<16xf32>,
      %jit3A_1913 = arith.constant 0.000000e+00 : f32
      %broadcast_in_dim3A_1914 = vector.broadcast %jit3A_1913 : f32 to vector<16xf32>
      %select_n3A_1915 = arith.select %or3A_615, %get3A_1912, %broadcast_in_dim3A_1914 : vector<16xi1>, vector<16xf32>
      %swap3A_1916 = arith.index_cast %scan3A_1721 : i32 to index
      %swap3A_1917 = arith.constant 336 : index
      %swap3A_1918 = tpu.vector_load %arg8[%swap3A_1916, %swap3A_1917] {strides = array<i32>} : memref<16x384xf32, #tpu.memory_space<vmem>>, vector<16xf32>,
      tpu.vector_store %arg8[%swap3A_1916, %swap3A_1917], %select_n3A_1915 {strides = array<i32>} : memref<16x384xf32, #tpu.memory_space<vmem>>, vector<16xf32>,
      %get3A_1919 = arith.index_cast %scan3A_1721 : i32 to index
      %get3A_1920 = arith.constant 352 : index
      %get3A_1921 = tpu.vector_load %arg8[%get3A_1919, %get3A_1920] {strides = array<i32>} : memref<16x384xf32, #tpu.memory_space<vmem>>, vector<16xf32>,
      %jit3A_1922 = arith.constant 0.000000e+00 : f32
      %broadcast_in_dim3A_1923 = vector.broadcast %jit3A_1922 : f32 to vector<16xf32>
      %select_n3A_1924 = arith.select %or3A_622, %get3A_1921, %broadcast_in_dim3A_1923 : vector<16xi1>, vector<16xf32>
      %swap3A_1925 = arith.index_cast %scan3A_1721 : i32 to index
      %swap3A_1926 = arith.constant 352 : index
      %swap3A_1927 = tpu.vector_load %arg8[%swap3A_1925, %swap3A_1926] {strides = array<i32>} : memref<16x384xf32, #tpu.memory_space<vmem>>, vector<16xf32>,
      tpu.vector_store %arg8[%swap3A_1925, %swap3A_1926], %select_n3A_1924 {strides = array<i32>} : memref<16x384xf32, #tpu.memory_space<vmem>>, vector<16xf32>,
      %get3A_1928 = arith.index_cast %scan3A_1721 : i32 to index
      %get3A_1929 = arith.constant 368 : index
      %get3A_1930 = tpu.vector_load %arg8[%get3A_1928, %get3A_1929] {strides = array<i32>} : memref<16x384xf32, #tpu.memory_space<vmem>>, vector<16xf32>,
      %jit3A_1931 = arith.constant 0.000000e+00 : f32
      %broadcast_in_dim3A_1932 = vector.broadcast %jit3A_1931 : f32 to vector<16xf32>
      %select_n3A_1933 = arith.select %or3A_629, %get3A_1930, %broadcast_in_dim3A_1932 : vector<16xi1>, vector<16xf32>
      %swap3A_1934 = arith.index_cast %scan3A_1721 : i32 to index
      %swap3A_1935 = arith.constant 368 : index
      %swap3A_1936 = tpu.vector_load %arg8[%swap3A_1934, %swap3A_1935] {strides = array<i32>} : memref<16x384xf32, #tpu.memory_space<vmem>>, vector<16xf32>,
      tpu.vector_store %arg8[%swap3A_1934, %swap3A_1935], %select_n3A_1933 {strides = array<i32>} : memref<16x384xf32, #tpu.memory_space<vmem>>, vector<16xf32>,
      %scan3A_1937 = arith.constant 0 : i32
      scf.yield %scan3A_1937 : i32
    }
    %scan3A_636 = arith.constant 16 : i32
    "tpu.region"() ({
      %run_scoped3A = tpu.sem_alloc : memref<!tpu.dma_semaphore, #tpu.memory_space<semaphore_mem>>
      %dma_start3A = arith.constant 0 : i32
      %dma_start3A_1721 = tpu.memref_slice %arg2[%add3A_420, %dma_start3A, %multiple_of3A_461] : memref<128x16x16384xf32, #tpu.memory_space<hbm>> -> memref<1x16x384xf32, #tpu.memory_space<hbm>>
      %dma_start3A_1722 = tpu.memref_squeeze %dma_start3A_1721 : memref<1x16x384xf32, #tpu.memory_space<hbm>> -> memref<16x384xf32, #tpu.memory_space<hbm>>
      %dma_start3A_1723 = arith.constant 0 : i32
      %dma_start3A_1724 = tpu.memref_slice %arg2[%add3A_420, %dma_start3A_1723, %multiple_of3A_461] : memref<128x16x16384xf32, #tpu.memory_space<hbm>> -> memref<1x16x384xf32, #tpu.memory_space<hbm>>
      %dma_start3A_1725 = tpu.memref_squeeze %dma_start3A_1724 : memref<1x16x384xf32, #tpu.memory_space<hbm>> -> memref<16x384xf32, #tpu.memory_space<hbm>>
      tpu.enqueue_dma source(%arg8 : memref<16x384xf32, #tpu.memory_space<vmem>>) target(%dma_start3A_1725 : memref<16x384xf32, #tpu.memory_space<hbm>>) target_semaphore(%run_scoped3A : memref<!tpu.dma_semaphore, #tpu.memory_space<semaphore_mem>>)
      %dma_wait3A = arith.constant 0 : i32
      %dma_wait3A_1726 = tpu.memref_slice %arg2[%add3A_420, %dma_wait3A, %multiple_of3A_461] : memref<128x16x16384xf32, #tpu.memory_space<hbm>> -> memref<1x16x384xf32, #tpu.memory_space<hbm>>
      %dma_wait3A_1727 = tpu.memref_squeeze %dma_wait3A_1726 : memref<1x16x384xf32, #tpu.memory_space<hbm>> -> memref<16x384xf32, #tpu.memory_space<hbm>>
      %dma_wait3A_1728 = arith.constant 0 : i32
      %dma_wait3A_1729 = tpu.memref_slice %arg2[%add3A_420, %dma_wait3A_1728, %multiple_of3A_461] : memref<128x16x16384xf32, #tpu.memory_space<hbm>> -> memref<1x16x384xf32, #tpu.memory_space<hbm>>
      %dma_wait3A_1730 = tpu.memref_squeeze %dma_wait3A_1729 : memref<1x16x384xf32, #tpu.memory_space<hbm>> -> memref<16x384xf32, #tpu.memory_space<hbm>>
      tpu.wait_dma2 semaphore(%run_scoped3A : memref<!tpu.dma_semaphore, #tpu.memory_space<semaphore_mem>>) src(%arg8 : memref<16x384xf32, #tpu.memory_space<vmem>>) dst(%dma_wait3A_1730 : memref<16x384xf32, #tpu.memory_space<hbm>>)
      tpu.yield
    }) : () -> ()
    %broadcast_in_dim3A_637 = arith.constant 128 : i32
    %broadcast_in_dim3A_638 = vector.broadcast %broadcast_in_dim3A_637 : i32 to vector<16xi32>
    %add3A_639 = vector.broadcast %add3A_420 : i32 to vector<16xi32>
    %add3A_640 = arith.addi %broadcast_in_dim3A_638, %add3A_639 : vector<16xi32>
    %gather3A_641 = tpu.vector_load_idx %arg6[%add3A_640] : memref<256xi32, #tpu.memory_space<vmem>>[vector<16xi32>], vector<16xi32>,
    %gather3A_642 = tpu.vector_load_idx %arg7[%add3A_640] : memref<256xi32, #tpu.memory_space<vmem>>[vector<16xi32>], vector<16xi32>,
    %add3A_643 = arith.addi %gather3A_641, %gather3A_642 : vector<16xi32>
    %min3A_644 = arith.constant 16384 : i32
    %min3A_645 = vector.broadcast %min3A_644 : i32 to vector<16xi32>
    %min3A_646 = arith.minsi %add3A_643, %min3A_645 : vector<16xi32>
    %slice3A_647 = vector.extract_strided_slice %gather3A_641 {offsets = [0], sizes = [1], strides = [1]} : vector<16xi32> to vector<1xi32>
    %squeeze3A_648 = vector.extract %slice3A_647[0] : i32 from vector<1xi32>
    %jit3A_649 = arith.constant 128 : i32
    %div3A_650 = arith.divsi %squeeze3A_648, %jit3A_649 : i32
    %sign3A_651 = arith.constant 0 : i32
    %sign3A_652 = arith.cmpi sgt, %squeeze3A_648, %sign3A_651 : i32
    %sign3A_653 = arith.extui %sign3A_652 : i1 to i32
    %sign3A_654 = arith.constant 0 : i32
    %sign3A_655 = arith.cmpi slt, %squeeze3A_648, %sign3A_654 : i32
    %sign3A_656 = arith.extui %sign3A_655 : i1 to i32
    %sign3A_657 = arith.subi %sign3A_653, %sign3A_656 : i32
    %sign3A_658 = arith.constant 0 : i32
    %sign3A_659 = arith.cmpi sgt, %jit3A_649, %sign3A_658 : i32
    %sign3A_660 = arith.extui %sign3A_659 : i1 to i32
    %sign3A_661 = arith.constant 0 : i32
    %sign3A_662 = arith.cmpi slt, %jit3A_649, %sign3A_661 : i32
    %sign3A_663 = arith.extui %sign3A_662 : i1 to i32
    %sign3A_664 = arith.subi %sign3A_660, %sign3A_663 : i32
    %ne3A_665 = arith.cmpi ne, %sign3A_657, %sign3A_664 : i32
    %rem3A_666 = arith.remsi %squeeze3A_648, %jit3A_649 : i32
    %ne3A_667 = arith.constant 0 : i32
    %ne3A_668 = arith.cmpi ne, %rem3A_666, %ne3A_667 : i32
    %and3A_669 = arith.andi %ne3A_665, %ne3A_668 : i1
    %sub3A_670 = arith.constant 1 : i32
    %sub3A_671 = arith.subi %div3A_650, %sub3A_670 : i32
    %select_n3A_672 = arith.select %and3A_669, %sub3A_671, %div3A_650 : i32
    %mul3A_673 = arith.constant 128 : i32
    %mul3A_674 = arith.muli %select_n3A_672, %mul3A_673 : i32
    %min3A_675 = arith.constant 16000 : i32
    %min3A_676 = arith.minsi %mul3A_674, %min3A_675 : i32
    %multiple_of3A_677 = tpu.assume_multiple %min3A_676, 128 : i32
    "tpu.region"() ({
      %run_scoped3A = tpu.sem_alloc : memref<!tpu.dma_semaphore, #tpu.memory_space<semaphore_mem>>
      %dma_start3A = arith.constant 0 : i32
      %dma_start3A_1721 = tpu.memref_slice %arg2[%add3A_420, %dma_start3A, %multiple_of3A_677] : memref<128x16x16384xf32, #tpu.memory_space<hbm>> -> memref<1x16x384xf32, #tpu.memory_space<hbm>>
      %dma_start3A_1722 = tpu.memref_squeeze %dma_start3A_1721 : memref<1x16x384xf32, #tpu.memory_space<hbm>> -> memref<16x384xf32, #tpu.memory_space<hbm>>
      %dma_start3A_1723 = arith.constant 0 : i32
      %dma_start3A_1724 = tpu.memref_slice %arg2[%add3A_420, %dma_start3A_1723, %multiple_of3A_677] : memref<128x16x16384xf32, #tpu.memory_space<hbm>> -> memref<1x16x384xf32, #tpu.memory_space<hbm>>
      %dma_start3A_1725 = tpu.memref_squeeze %dma_start3A_1724 : memref<1x16x384xf32, #tpu.memory_space<hbm>> -> memref<16x384xf32, #tpu.memory_space<hbm>>
      tpu.enqueue_dma source(%dma_start3A_1725 : memref<16x384xf32, #tpu.memory_space<hbm>>) target(%arg8 : memref<16x384xf32, #tpu.memory_space<vmem>>) target_semaphore(%run_scoped3A : memref<!tpu.dma_semaphore, #tpu.memory_space<semaphore_mem>>)
      %dma_wait3A = arith.constant 0 : i32
      %dma_wait3A_1726 = tpu.memref_slice %arg2[%add3A_420, %dma_wait3A, %multiple_of3A_677] : memref<128x16x16384xf32, #tpu.memory_space<hbm>> -> memref<1x16x384xf32, #tpu.memory_space<hbm>>
      %dma_wait3A_1727 = tpu.memref_squeeze %dma_wait3A_1726 : memref<1x16x384xf32, #tpu.memory_space<hbm>> -> memref<16x384xf32, #tpu.memory_space<hbm>>
      %dma_wait3A_1728 = arith.constant 0 : i32
      %dma_wait3A_1729 = tpu.memref_slice %arg2[%add3A_420, %dma_wait3A_1728, %multiple_of3A_677] : memref<128x16x16384xf32, #tpu.memory_space<hbm>> -> memref<1x16x384xf32, #tpu.memory_space<hbm>>
      %dma_wait3A_1730 = tpu.memref_squeeze %dma_wait3A_1729 : memref<1x16x384xf32, #tpu.memory_space<hbm>> -> memref<16x384xf32, #tpu.memory_space<hbm>>
      tpu.wait_dma2 semaphore(%run_scoped3A : memref<!tpu.dma_semaphore, #tpu.memory_space<semaphore_mem>>) src(%dma_wait3A_1730 : memref<16x384xf32, #tpu.memory_space<hbm>>) dst(%arg8 : memref<16x384xf32, #tpu.memory_space<vmem>>)
      tpu.yield
    }) : () -> ()
    %add3A_678 = arith.constant 0 : i32
    %add3A_679 = arith.addi %multiple_of3A_677, %add3A_678 : i32
    %add3A_680 = vector.broadcast %add3A_679 : i32 to vector<16xi32>
    %add3A_681 = arith.addi %add3A_680, %iota3A : vector<16xi32>
    %lt3A_682 = arith.cmpi slt, %add3A_681, %gather3A_641 : vector<16xi32>
    %ge3A_683 = arith.cmpi sge, %add3A_681, %min3A_646 : vector<16xi32>
    %or3A_684 = arith.ori %lt3A_682, %ge3A_683 : vector<16xi1>
    %add3A_685 = arith.constant 16 : i32
    %add3A_686 = arith.addi %multiple_of3A_677, %add3A_685 : i32
    %add3A_687 = vector.broadcast %add3A_686 : i32 to vector<16xi32>
    %add3A_688 = arith.addi %add3A_687, %iota3A : vector<16xi32>
    %lt3A_689 = arith.cmpi slt, %add3A_688, %gather3A_641 : vector<16xi32>
    %ge3A_690 = arith.cmpi sge, %add3A_688, %min3A_646 : vector<16xi32>
    %or3A_691 = arith.ori %lt3A_689, %ge3A_690 : vector<16xi1>
    %add3A_692 = arith.constant 32 : i32
    %add3A_693 = arith.addi %multiple_of3A_677, %add3A_692 : i32
    %add3A_694 = vector.broadcast %add3A_693 : i32 to vector<16xi32>
    %add3A_695 = arith.addi %add3A_694, %iota3A : vector<16xi32>
    %lt3A_696 = arith.cmpi slt, %add3A_695, %gather3A_641 : vector<16xi32>
    %ge3A_697 = arith.cmpi sge, %add3A_695, %min3A_646 : vector<16xi32>
    %or3A_698 = arith.ori %lt3A_696, %ge3A_697 : vector<16xi1>
    %add3A_699 = arith.constant 48 : i32
    %add3A_700 = arith.addi %multiple_of3A_677, %add3A_699 : i32
    %add3A_701 = vector.broadcast %add3A_700 : i32 to vector<16xi32>
    %add3A_702 = arith.addi %add3A_701, %iota3A : vector<16xi32>
    %lt3A_703 = arith.cmpi slt, %add3A_702, %gather3A_641 : vector<16xi32>
    %ge3A_704 = arith.cmpi sge, %add3A_702, %min3A_646 : vector<16xi32>
    %or3A_705 = arith.ori %lt3A_703, %ge3A_704 : vector<16xi1>
    %add3A_706 = arith.constant 64 : i32
    %add3A_707 = arith.addi %multiple_of3A_677, %add3A_706 : i32
    %add3A_708 = vector.broadcast %add3A_707 : i32 to vector<16xi32>
    %add3A_709 = arith.addi %add3A_708, %iota3A : vector<16xi32>
    %lt3A_710 = arith.cmpi slt, %add3A_709, %gather3A_641 : vector<16xi32>
    %ge3A_711 = arith.cmpi sge, %add3A_709, %min3A_646 : vector<16xi32>
    %or3A_712 = arith.ori %lt3A_710, %ge3A_711 : vector<16xi1>
    %add3A_713 = arith.constant 80 : i32
    %add3A_714 = arith.addi %multiple_of3A_677, %add3A_713 : i32
    %add3A_715 = vector.broadcast %add3A_714 : i32 to vector<16xi32>
    %add3A_716 = arith.addi %add3A_715, %iota3A : vector<16xi32>
    %lt3A_717 = arith.cmpi slt, %add3A_716, %gather3A_641 : vector<16xi32>
    %ge3A_718 = arith.cmpi sge, %add3A_716, %min3A_646 : vector<16xi32>
    %or3A_719 = arith.ori %lt3A_717, %ge3A_718 : vector<16xi1>
    %add3A_720 = arith.constant 96 : i32
    %add3A_721 = arith.addi %multiple_of3A_677, %add3A_720 : i32
    %add3A_722 = vector.broadcast %add3A_721 : i32 to vector<16xi32>
    %add3A_723 = arith.addi %add3A_722, %iota3A : vector<16xi32>
    %lt3A_724 = arith.cmpi slt, %add3A_723, %gather3A_641 : vector<16xi32>
    %ge3A_725 = arith.cmpi sge, %add3A_723, %min3A_646 : vector<16xi32>
    %or3A_726 = arith.ori %lt3A_724, %ge3A_725 : vector<16xi1>
    %add3A_727 = arith.constant 112 : i32
    %add3A_728 = arith.addi %multiple_of3A_677, %add3A_727 : i32
    %add3A_729 = vector.broadcast %add3A_728 : i32 to vector<16xi32>
    %add3A_730 = arith.addi %add3A_729, %iota3A : vector<16xi32>
    %lt3A_731 = arith.cmpi slt, %add3A_730, %gather3A_641 : vector<16xi32>
    %ge3A_732 = arith.cmpi sge, %add3A_730, %min3A_646 : vector<16xi32>
    %or3A_733 = arith.ori %lt3A_731, %ge3A_732 : vector<16xi1>
    %add3A_734 = arith.constant 128 : i32
    %add3A_735 = arith.addi %multiple_of3A_677, %add3A_734 : i32
    %add3A_736 = vector.broadcast %add3A_735 : i32 to vector<16xi32>
    %add3A_737 = arith.addi %add3A_736, %iota3A : vector<16xi32>
    %lt3A_738 = arith.cmpi slt, %add3A_737, %gather3A_641 : vector<16xi32>
    %ge3A_739 = arith.cmpi sge, %add3A_737, %min3A_646 : vector<16xi32>
    %or3A_740 = arith.ori %lt3A_738, %ge3A_739 : vector<16xi1>
    %add3A_741 = arith.constant 144 : i32
    %add3A_742 = arith.addi %multiple_of3A_677, %add3A_741 : i32
    %add3A_743 = vector.broadcast %add3A_742 : i32 to vector<16xi32>
    %add3A_744 = arith.addi %add3A_743, %iota3A : vector<16xi32>
    %lt3A_745 = arith.cmpi slt, %add3A_744, %gather3A_641 : vector<16xi32>
    %ge3A_746 = arith.cmpi sge, %add3A_744, %min3A_646 : vector<16xi32>
    %or3A_747 = arith.ori %lt3A_745, %ge3A_746 : vector<16xi1>
    %add3A_748 = arith.constant 160 : i32
    %add3A_749 = arith.addi %multiple_of3A_677, %add3A_748 : i32
    %add3A_750 = vector.broadcast %add3A_749 : i32 to vector<16xi32>
    %add3A_751 = arith.addi %add3A_750, %iota3A : vector<16xi32>
    %lt3A_752 = arith.cmpi slt, %add3A_751, %gather3A_641 : vector<16xi32>
    %ge3A_753 = arith.cmpi sge, %add3A_751, %min3A_646 : vector<16xi32>
    %or3A_754 = arith.ori %lt3A_752, %ge3A_753 : vector<16xi1>
    %add3A_755 = arith.constant 176 : i32
    %add3A_756 = arith.addi %multiple_of3A_677, %add3A_755 : i32
    %add3A_757 = vector.broadcast %add3A_756 : i32 to vector<16xi32>
    %add3A_758 = arith.addi %add3A_757, %iota3A : vector<16xi32>
    %lt3A_759 = arith.cmpi slt, %add3A_758, %gather3A_641 : vector<16xi32>
    %ge3A_760 = arith.cmpi sge, %add3A_758, %min3A_646 : vector<16xi32>
    %or3A_761 = arith.ori %lt3A_759, %ge3A_760 : vector<16xi1>
    %add3A_762 = arith.constant 192 : i32
    %add3A_763 = arith.addi %multiple_of3A_677, %add3A_762 : i32
    %add3A_764 = vector.broadcast %add3A_763 : i32 to vector<16xi32>
    %add3A_765 = arith.addi %add3A_764, %iota3A : vector<16xi32>
    %lt3A_766 = arith.cmpi slt, %add3A_765, %gather3A_641 : vector<16xi32>
    %ge3A_767 = arith.cmpi sge, %add3A_765, %min3A_646 : vector<16xi32>
    %or3A_768 = arith.ori %lt3A_766, %ge3A_767 : vector<16xi1>
    %add3A_769 = arith.constant 208 : i32
    %add3A_770 = arith.addi %multiple_of3A_677, %add3A_769 : i32
    %add3A_771 = vector.broadcast %add3A_770 : i32 to vector<16xi32>
    %add3A_772 = arith.addi %add3A_771, %iota3A : vector<16xi32>
    %lt3A_773 = arith.cmpi slt, %add3A_772, %gather3A_641 : vector<16xi32>
    %ge3A_774 = arith.cmpi sge, %add3A_772, %min3A_646 : vector<16xi32>
    %or3A_775 = arith.ori %lt3A_773, %ge3A_774 : vector<16xi1>
    %add3A_776 = arith.constant 224 : i32
    %add3A_777 = arith.addi %multiple_of3A_677, %add3A_776 : i32
    %add3A_778 = vector.broadcast %add3A_777 : i32 to vector<16xi32>
    %add3A_779 = arith.addi %add3A_778, %iota3A : vector<16xi32>
    %lt3A_780 = arith.cmpi slt, %add3A_779, %gather3A_641 : vector<16xi32>
    %ge3A_781 = arith.cmpi sge, %add3A_779, %min3A_646 : vector<16xi32>
    %or3A_782 = arith.ori %lt3A_780, %ge3A_781 : vector<16xi1>
    %add3A_783 = arith.constant 240 : i32
    %add3A_784 = arith.addi %multiple_of3A_677, %add3A_783 : i32
    %add3A_785 = vector.broadcast %add3A_784 : i32 to vector<16xi32>
    %add3A_786 = arith.addi %add3A_785, %iota3A : vector<16xi32>
    %lt3A_787 = arith.cmpi slt, %add3A_786, %gather3A_641 : vector<16xi32>
    %ge3A_788 = arith.cmpi sge, %add3A_786, %min3A_646 : vector<16xi32>
    %or3A_789 = arith.ori %lt3A_787, %ge3A_788 : vector<16xi1>
    %add3A_790 = arith.constant 256 : i32
    %add3A_791 = arith.addi %multiple_of3A_677, %add3A_790 : i32
    %add3A_792 = vector.broadcast %add3A_791 : i32 to vector<16xi32>
    %add3A_793 = arith.addi %add3A_792, %iota3A : vector<16xi32>
    %lt3A_794 = arith.cmpi slt, %add3A_793, %gather3A_641 : vector<16xi32>
    %ge3A_795 = arith.cmpi sge, %add3A_793, %min3A_646 : vector<16xi32>
    %or3A_796 = arith.ori %lt3A_794, %ge3A_795 : vector<16xi1>
    %add3A_797 = arith.constant 272 : i32
    %add3A_798 = arith.addi %multiple_of3A_677, %add3A_797 : i32
    %add3A_799 = vector.broadcast %add3A_798 : i32 to vector<16xi32>
    %add3A_800 = arith.addi %add3A_799, %iota3A : vector<16xi32>
    %lt3A_801 = arith.cmpi slt, %add3A_800, %gather3A_641 : vector<16xi32>
    %ge3A_802 = arith.cmpi sge, %add3A_800, %min3A_646 : vector<16xi32>
    %or3A_803 = arith.ori %lt3A_801, %ge3A_802 : vector<16xi1>
    %add3A_804 = arith.constant 288 : i32
    %add3A_805 = arith.addi %multiple_of3A_677, %add3A_804 : i32
    %add3A_806 = vector.broadcast %add3A_805 : i32 to vector<16xi32>
    %add3A_807 = arith.addi %add3A_806, %iota3A : vector<16xi32>
    %lt3A_808 = arith.cmpi slt, %add3A_807, %gather3A_641 : vector<16xi32>
    %ge3A_809 = arith.cmpi sge, %add3A_807, %min3A_646 : vector<16xi32>
    %or3A_810 = arith.ori %lt3A_808, %ge3A_809 : vector<16xi1>
    %add3A_811 = arith.constant 304 : i32
    %add3A_812 = arith.addi %multiple_of3A_677, %add3A_811 : i32
    %add3A_813 = vector.broadcast %add3A_812 : i32 to vector<16xi32>
    %add3A_814 = arith.addi %add3A_813, %iota3A : vector<16xi32>
    %lt3A_815 = arith.cmpi slt, %add3A_814, %gather3A_641 : vector<16xi32>
    %ge3A_816 = arith.cmpi sge, %add3A_814, %min3A_646 : vector<16xi32>
    %or3A_817 = arith.ori %lt3A_815, %ge3A_816 : vector<16xi1>
    %add3A_818 = arith.constant 320 : i32
    %add3A_819 = arith.addi %multiple_of3A_677, %add3A_818 : i32
    %add3A_820 = vector.broadcast %add3A_819 : i32 to vector<16xi32>
    %add3A_821 = arith.addi %add3A_820, %iota3A : vector<16xi32>
    %lt3A_822 = arith.cmpi slt, %add3A_821, %gather3A_641 : vector<16xi32>
    %ge3A_823 = arith.cmpi sge, %add3A_821, %min3A_646 : vector<16xi32>
    %or3A_824 = arith.ori %lt3A_822, %ge3A_823 : vector<16xi1>
    %add3A_825 = arith.constant 336 : i32
    %add3A_826 = arith.addi %multiple_of3A_677, %add3A_825 : i32
    %add3A_827 = vector.broadcast %add3A_826 : i32 to vector<16xi32>
    %add3A_828 = arith.addi %add3A_827, %iota3A : vector<16xi32>
    %lt3A_829 = arith.cmpi slt, %add3A_828, %gather3A_641 : vector<16xi32>
    %ge3A_830 = arith.cmpi sge, %add3A_828, %min3A_646 : vector<16xi32>
    %or3A_831 = arith.ori %lt3A_829, %ge3A_830 : vector<16xi1>
    %add3A_832 = arith.constant 352 : i32
    %add3A_833 = arith.addi %multiple_of3A_677, %add3A_832 : i32
    %add3A_834 = vector.broadcast %add3A_833 : i32 to vector<16xi32>
    %add3A_835 = arith.addi %add3A_834, %iota3A : vector<16xi32>
    %lt3A_836 = arith.cmpi slt, %add3A_835, %gather3A_641 : vector<16xi32>
    %ge3A_837 = arith.cmpi sge, %add3A_835, %min3A_646 : vector<16xi32>
    %or3A_838 = arith.ori %lt3A_836, %ge3A_837 : vector<16xi1>
    %add3A_839 = arith.constant 368 : i32
    %add3A_840 = arith.addi %multiple_of3A_677, %add3A_839 : i32
    %add3A_841 = vector.broadcast %add3A_840 : i32 to vector<16xi32>
    %add3A_842 = arith.addi %add3A_841, %iota3A : vector<16xi32>
    %lt3A_843 = arith.cmpi slt, %add3A_842, %gather3A_641 : vector<16xi32>
    %ge3A_844 = arith.cmpi sge, %add3A_842, %min3A_646 : vector<16xi32>
    %or3A_845 = arith.ori %lt3A_843, %ge3A_844 : vector<16xi1>
    %scan3A_846 = arith.constant 0 : i32
    %scan3A_847 = arith.constant 0 : i32
    %scan3A_848 = arith.constant 16 : i32
    %scan3A_849 = arith.addi %scan3A_847, %scan3A_848 : i32
    %scan3A_850 = arith.constant 1 : i32
    %scan3A_851 = scf.for %scan3A_1721 = %scan3A_847 to %scan3A_849 step %scan3A_850 iter_args(%scan3A_1722 = %scan3A_846) -> (i32)  : i32 {
      %get3A = arith.index_cast %scan3A_1721 : i32 to index
      %get3A_1723 = arith.constant 0 : index
      %get3A_1724 = tpu.vector_load %arg8[%get3A, %get3A_1723] {strides = array<i32>} : memref<16x384xf32, #tpu.memory_space<vmem>>, vector<16xf32>,
      %jit3A_1725 = arith.constant 0.000000e+00 : f32
      %broadcast_in_dim3A_1726 = vector.broadcast %jit3A_1725 : f32 to vector<16xf32>
      %select_n3A_1727 = arith.select %or3A_684, %get3A_1724, %broadcast_in_dim3A_1726 : vector<16xi1>, vector<16xf32>
      %swap3A = arith.index_cast %scan3A_1721 : i32 to index
      %swap3A_1728 = arith.constant 0 : index
      %swap3A_1729 = tpu.vector_load %arg8[%swap3A, %swap3A_1728] {strides = array<i32>} : memref<16x384xf32, #tpu.memory_space<vmem>>, vector<16xf32>,
      tpu.vector_store %arg8[%swap3A, %swap3A_1728], %select_n3A_1727 {strides = array<i32>} : memref<16x384xf32, #tpu.memory_space<vmem>>, vector<16xf32>,
      %get3A_1730 = arith.index_cast %scan3A_1721 : i32 to index
      %get3A_1731 = arith.constant 16 : index
      %get3A_1732 = tpu.vector_load %arg8[%get3A_1730, %get3A_1731] {strides = array<i32>} : memref<16x384xf32, #tpu.memory_space<vmem>>, vector<16xf32>,
      %jit3A_1733 = arith.constant 0.000000e+00 : f32
      %broadcast_in_dim3A_1734 = vector.broadcast %jit3A_1733 : f32 to vector<16xf32>
      %select_n3A_1735 = arith.select %or3A_691, %get3A_1732, %broadcast_in_dim3A_1734 : vector<16xi1>, vector<16xf32>
      %swap3A_1736 = arith.index_cast %scan3A_1721 : i32 to index
      %swap3A_1737 = arith.constant 16 : index
      %swap3A_1738 = tpu.vector_load %arg8[%swap3A_1736, %swap3A_1737] {strides = array<i32>} : memref<16x384xf32, #tpu.memory_space<vmem>>, vector<16xf32>,
      tpu.vector_store %arg8[%swap3A_1736, %swap3A_1737], %select_n3A_1735 {strides = array<i32>} : memref<16x384xf32, #tpu.memory_space<vmem>>, vector<16xf32>,
      %get3A_1739 = arith.index_cast %scan3A_1721 : i32 to index
      %get3A_1740 = arith.constant 32 : index
      %get3A_1741 = tpu.vector_load %arg8[%get3A_1739, %get3A_1740] {strides = array<i32>} : memref<16x384xf32, #tpu.memory_space<vmem>>, vector<16xf32>,
      %jit3A_1742 = arith.constant 0.000000e+00 : f32
      %broadcast_in_dim3A_1743 = vector.broadcast %jit3A_1742 : f32 to vector<16xf32>
      %select_n3A_1744 = arith.select %or3A_698, %get3A_1741, %broadcast_in_dim3A_1743 : vector<16xi1>, vector<16xf32>
      %swap3A_1745 = arith.index_cast %scan3A_1721 : i32 to index
      %swap3A_1746 = arith.constant 32 : index
      %swap3A_1747 = tpu.vector_load %arg8[%swap3A_1745, %swap3A_1746] {strides = array<i32>} : memref<16x384xf32, #tpu.memory_space<vmem>>, vector<16xf32>,
      tpu.vector_store %arg8[%swap3A_1745, %swap3A_1746], %select_n3A_1744 {strides = array<i32>} : memref<16x384xf32, #tpu.memory_space<vmem>>, vector<16xf32>,
      %get3A_1748 = arith.index_cast %scan3A_1721 : i32 to index
      %get3A_1749 = arith.constant 48 : index
      %get3A_1750 = tpu.vector_load %arg8[%get3A_1748, %get3A_1749] {strides = array<i32>} : memref<16x384xf32, #tpu.memory_space<vmem>>, vector<16xf32>,
      %jit3A_1751 = arith.constant 0.000000e+00 : f32
      %broadcast_in_dim3A_1752 = vector.broadcast %jit3A_1751 : f32 to vector<16xf32>
      %select_n3A_1753 = arith.select %or3A_705, %get3A_1750, %broadcast_in_dim3A_1752 : vector<16xi1>, vector<16xf32>
      %swap3A_1754 = arith.index_cast %scan3A_1721 : i32 to index
      %swap3A_1755 = arith.constant 48 : index
      %swap3A_1756 = tpu.vector_load %arg8[%swap3A_1754, %swap3A_1755] {strides = array<i32>} : memref<16x384xf32, #tpu.memory_space<vmem>>, vector<16xf32>,
      tpu.vector_store %arg8[%swap3A_1754, %swap3A_1755], %select_n3A_1753 {strides = array<i32>} : memref<16x384xf32, #tpu.memory_space<vmem>>, vector<16xf32>,
      %get3A_1757 = arith.index_cast %scan3A_1721 : i32 to index
      %get3A_1758 = arith.constant 64 : index
      %get3A_1759 = tpu.vector_load %arg8[%get3A_1757, %get3A_1758] {strides = array<i32>} : memref<16x384xf32, #tpu.memory_space<vmem>>, vector<16xf32>,
      %jit3A_1760 = arith.constant 0.000000e+00 : f32
      %broadcast_in_dim3A_1761 = vector.broadcast %jit3A_1760 : f32 to vector<16xf32>
      %select_n3A_1762 = arith.select %or3A_712, %get3A_1759, %broadcast_in_dim3A_1761 : vector<16xi1>, vector<16xf32>
      %swap3A_1763 = arith.index_cast %scan3A_1721 : i32 to index
      %swap3A_1764 = arith.constant 64 : index
      %swap3A_1765 = tpu.vector_load %arg8[%swap3A_1763, %swap3A_1764] {strides = array<i32>} : memref<16x384xf32, #tpu.memory_space<vmem>>, vector<16xf32>,
      tpu.vector_store %arg8[%swap3A_1763, %swap3A_1764], %select_n3A_1762 {strides = array<i32>} : memref<16x384xf32, #tpu.memory_space<vmem>>, vector<16xf32>,
      %get3A_1766 = arith.index_cast %scan3A_1721 : i32 to index
      %get3A_1767 = arith.constant 80 : index
      %get3A_1768 = tpu.vector_load %arg8[%get3A_1766, %get3A_1767] {strides = array<i32>} : memref<16x384xf32, #tpu.memory_space<vmem>>, vector<16xf32>,
      %jit3A_1769 = arith.constant 0.000000e+00 : f32
      %broadcast_in_dim3A_1770 = vector.broadcast %jit3A_1769 : f32 to vector<16xf32>
      %select_n3A_1771 = arith.select %or3A_719, %get3A_1768, %broadcast_in_dim3A_1770 : vector<16xi1>, vector<16xf32>
      %swap3A_1772 = arith.index_cast %scan3A_1721 : i32 to index
      %swap3A_1773 = arith.constant 80 : index
      %swap3A_1774 = tpu.vector_load %arg8[%swap3A_1772, %swap3A_1773] {strides = array<i32>} : memref<16x384xf32, #tpu.memory_space<vmem>>, vector<16xf32>,
      tpu.vector_store %arg8[%swap3A_1772, %swap3A_1773], %select_n3A_1771 {strides = array<i32>} : memref<16x384xf32, #tpu.memory_space<vmem>>, vector<16xf32>,
      %get3A_1775 = arith.index_cast %scan3A_1721 : i32 to index
      %get3A_1776 = arith.constant 96 : index
      %get3A_1777 = tpu.vector_load %arg8[%get3A_1775, %get3A_1776] {strides = array<i32>} : memref<16x384xf32, #tpu.memory_space<vmem>>, vector<16xf32>,
      %jit3A_1778 = arith.constant 0.000000e+00 : f32
      %broadcast_in_dim3A_1779 = vector.broadcast %jit3A_1778 : f32 to vector<16xf32>
      %select_n3A_1780 = arith.select %or3A_726, %get3A_1777, %broadcast_in_dim3A_1779 : vector<16xi1>, vector<16xf32>
      %swap3A_1781 = arith.index_cast %scan3A_1721 : i32 to index
      %swap3A_1782 = arith.constant 96 : index
      %swap3A_1783 = tpu.vector_load %arg8[%swap3A_1781, %swap3A_1782] {strides = array<i32>} : memref<16x384xf32, #tpu.memory_space<vmem>>, vector<16xf32>,
      tpu.vector_store %arg8[%swap3A_1781, %swap3A_1782], %select_n3A_1780 {strides = array<i32>} : memref<16x384xf32, #tpu.memory_space<vmem>>, vector<16xf32>,
      %get3A_1784 = arith.index_cast %scan3A_1721 : i32 to index
      %get3A_1785 = arith.constant 112 : index
      %get3A_1786 = tpu.vector_load %arg8[%get3A_1784, %get3A_1785] {strides = array<i32>} : memref<16x384xf32, #tpu.memory_space<vmem>>, vector<16xf32>,
      %jit3A_1787 = arith.constant 0.000000e+00 : f32
      %broadcast_in_dim3A_1788 = vector.broadcast %jit3A_1787 : f32 to vector<16xf32>
      %select_n3A_1789 = arith.select %or3A_733, %get3A_1786, %broadcast_in_dim3A_1788 : vector<16xi1>, vector<16xf32>
      %swap3A_1790 = arith.index_cast %scan3A_1721 : i32 to index
      %swap3A_1791 = arith.constant 112 : index
      %swap3A_1792 = tpu.vector_load %arg8[%swap3A_1790, %swap3A_1791] {strides = array<i32>} : memref<16x384xf32, #tpu.memory_space<vmem>>, vector<16xf32>,
      tpu.vector_store %arg8[%swap3A_1790, %swap3A_1791], %select_n3A_1789 {strides = array<i32>} : memref<16x384xf32, #tpu.memory_space<vmem>>, vector<16xf32>,
      %get3A_1793 = arith.index_cast %scan3A_1721 : i32 to index
      %get3A_1794 = arith.constant 128 : index
      %get3A_1795 = tpu.vector_load %arg8[%get3A_1793, %get3A_1794] {strides = array<i32>} : memref<16x384xf32, #tpu.memory_space<vmem>>, vector<16xf32>,
      %jit3A_1796 = arith.constant 0.000000e+00 : f32
      %broadcast_in_dim3A_1797 = vector.broadcast %jit3A_1796 : f32 to vector<16xf32>
      %select_n3A_1798 = arith.select %or3A_740, %get3A_1795, %broadcast_in_dim3A_1797 : vector<16xi1>, vector<16xf32>
      %swap3A_1799 = arith.index_cast %scan3A_1721 : i32 to index
      %swap3A_1800 = arith.constant 128 : index
      %swap3A_1801 = tpu.vector_load %arg8[%swap3A_1799, %swap3A_1800] {strides = array<i32>} : memref<16x384xf32, #tpu.memory_space<vmem>>, vector<16xf32>,
      tpu.vector_store %arg8[%swap3A_1799, %swap3A_1800], %select_n3A_1798 {strides = array<i32>} : memref<16x384xf32, #tpu.memory_space<vmem>>, vector<16xf32>,
      %get3A_1802 = arith.index_cast %scan3A_1721 : i32 to index
      %get3A_1803 = arith.constant 144 : index
      %get3A_1804 = tpu.vector_load %arg8[%get3A_1802, %get3A_1803] {strides = array<i32>} : memref<16x384xf32, #tpu.memory_space<vmem>>, vector<16xf32>,
      %jit3A_1805 = arith.constant 0.000000e+00 : f32
      %broadcast_in_dim3A_1806 = vector.broadcast %jit3A_1805 : f32 to vector<16xf32>
      %select_n3A_1807 = arith.select %or3A_747, %get3A_1804, %broadcast_in_dim3A_1806 : vector<16xi1>, vector<16xf32>
      %swap3A_1808 = arith.index_cast %scan3A_1721 : i32 to index
      %swap3A_1809 = arith.constant 144 : index
      %swap3A_1810 = tpu.vector_load %arg8[%swap3A_1808, %swap3A_1809] {strides = array<i32>} : memref<16x384xf32, #tpu.memory_space<vmem>>, vector<16xf32>,
      tpu.vector_store %arg8[%swap3A_1808, %swap3A_1809], %select_n3A_1807 {strides = array<i32>} : memref<16x384xf32, #tpu.memory_space<vmem>>, vector<16xf32>,
      %get3A_1811 = arith.index_cast %scan3A_1721 : i32 to index
      %get3A_1812 = arith.constant 160 : index
      %get3A_1813 = tpu.vector_load %arg8[%get3A_1811, %get3A_1812] {strides = array<i32>} : memref<16x384xf32, #tpu.memory_space<vmem>>, vector<16xf32>,
      %jit3A_1814 = arith.constant 0.000000e+00 : f32
      %broadcast_in_dim3A_1815 = vector.broadcast %jit3A_1814 : f32 to vector<16xf32>
      %select_n3A_1816 = arith.select %or3A_754, %get3A_1813, %broadcast_in_dim3A_1815 : vector<16xi1>, vector<16xf32>
      %swap3A_1817 = arith.index_cast %scan3A_1721 : i32 to index
      %swap3A_1818 = arith.constant 160 : index
      %swap3A_1819 = tpu.vector_load %arg8[%swap3A_1817, %swap3A_1818] {strides = array<i32>} : memref<16x384xf32, #tpu.memory_space<vmem>>, vector<16xf32>,
      tpu.vector_store %arg8[%swap3A_1817, %swap3A_1818], %select_n3A_1816 {strides = array<i32>} : memref<16x384xf32, #tpu.memory_space<vmem>>, vector<16xf32>,
      %get3A_1820 = arith.index_cast %scan3A_1721 : i32 to index
      %get3A_1821 = arith.constant 176 : index
      %get3A_1822 = tpu.vector_load %arg8[%get3A_1820, %get3A_1821] {strides = array<i32>} : memref<16x384xf32, #tpu.memory_space<vmem>>, vector<16xf32>,
      %jit3A_1823 = arith.constant 0.000000e+00 : f32
      %broadcast_in_dim3A_1824 = vector.broadcast %jit3A_1823 : f32 to vector<16xf32>
      %select_n3A_1825 = arith.select %or3A_761, %get3A_1822, %broadcast_in_dim3A_1824 : vector<16xi1>, vector<16xf32>
      %swap3A_1826 = arith.index_cast %scan3A_1721 : i32 to index
      %swap3A_1827 = arith.constant 176 : index
      %swap3A_1828 = tpu.vector_load %arg8[%swap3A_1826, %swap3A_1827] {strides = array<i32>} : memref<16x384xf32, #tpu.memory_space<vmem>>, vector<16xf32>,
      tpu.vector_store %arg8[%swap3A_1826, %swap3A_1827], %select_n3A_1825 {strides = array<i32>} : memref<16x384xf32, #tpu.memory_space<vmem>>, vector<16xf32>,
      %get3A_1829 = arith.index_cast %scan3A_1721 : i32 to index
      %get3A_1830 = arith.constant 192 : index
      %get3A_1831 = tpu.vector_load %arg8[%get3A_1829, %get3A_1830] {strides = array<i32>} : memref<16x384xf32, #tpu.memory_space<vmem>>, vector<16xf32>,
      %jit3A_1832 = arith.constant 0.000000e+00 : f32
      %broadcast_in_dim3A_1833 = vector.broadcast %jit3A_1832 : f32 to vector<16xf32>
      %select_n3A_1834 = arith.select %or3A_768, %get3A_1831, %broadcast_in_dim3A_1833 : vector<16xi1>, vector<16xf32>
      %swap3A_1835 = arith.index_cast %scan3A_1721 : i32 to index
      %swap3A_1836 = arith.constant 192 : index
      %swap3A_1837 = tpu.vector_load %arg8[%swap3A_1835, %swap3A_1836] {strides = array<i32>} : memref<16x384xf32, #tpu.memory_space<vmem>>, vector<16xf32>,
      tpu.vector_store %arg8[%swap3A_1835, %swap3A_1836], %select_n3A_1834 {strides = array<i32>} : memref<16x384xf32, #tpu.memory_space<vmem>>, vector<16xf32>,
      %get3A_1838 = arith.index_cast %scan3A_1721 : i32 to index
      %get3A_1839 = arith.constant 208 : index
      %get3A_1840 = tpu.vector_load %arg8[%get3A_1838, %get3A_1839] {strides = array<i32>} : memref<16x384xf32, #tpu.memory_space<vmem>>, vector<16xf32>,
      %jit3A_1841 = arith.constant 0.000000e+00 : f32
      %broadcast_in_dim3A_1842 = vector.broadcast %jit3A_1841 : f32 to vector<16xf32>
      %select_n3A_1843 = arith.select %or3A_775, %get3A_1840, %broadcast_in_dim3A_1842 : vector<16xi1>, vector<16xf32>
      %swap3A_1844 = arith.index_cast %scan3A_1721 : i32 to index
      %swap3A_1845 = arith.constant 208 : index
      %swap3A_1846 = tpu.vector_load %arg8[%swap3A_1844, %swap3A_1845] {strides = array<i32>} : memref<16x384xf32, #tpu.memory_space<vmem>>, vector<16xf32>,
      tpu.vector_store %arg8[%swap3A_1844, %swap3A_1845], %select_n3A_1843 {strides = array<i32>} : memref<16x384xf32, #tpu.memory_space<vmem>>, vector<16xf32>,
      %get3A_1847 = arith.index_cast %scan3A_1721 : i32 to index
      %get3A_1848 = arith.constant 224 : index
      %get3A_1849 = tpu.vector_load %arg8[%get3A_1847, %get3A_1848] {strides = array<i32>} : memref<16x384xf32, #tpu.memory_space<vmem>>, vector<16xf32>,
      %jit3A_1850 = arith.constant 0.000000e+00 : f32
      %broadcast_in_dim3A_1851 = vector.broadcast %jit3A_1850 : f32 to vector<16xf32>
      %select_n3A_1852 = arith.select %or3A_782, %get3A_1849, %broadcast_in_dim3A_1851 : vector<16xi1>, vector<16xf32>
      %swap3A_1853 = arith.index_cast %scan3A_1721 : i32 to index
      %swap3A_1854 = arith.constant 224 : index
      %swap3A_1855 = tpu.vector_load %arg8[%swap3A_1853, %swap3A_1854] {strides = array<i32>} : memref<16x384xf32, #tpu.memory_space<vmem>>, vector<16xf32>,
      tpu.vector_store %arg8[%swap3A_1853, %swap3A_1854], %select_n3A_1852 {strides = array<i32>} : memref<16x384xf32, #tpu.memory_space<vmem>>, vector<16xf32>,
      %get3A_1856 = arith.index_cast %scan3A_1721 : i32 to index
      %get3A_1857 = arith.constant 240 : index
      %get3A_1858 = tpu.vector_load %arg8[%get3A_1856, %get3A_1857] {strides = array<i32>} : memref<16x384xf32, #tpu.memory_space<vmem>>, vector<16xf32>,
      %jit3A_1859 = arith.constant 0.000000e+00 : f32
      %broadcast_in_dim3A_1860 = vector.broadcast %jit3A_1859 : f32 to vector<16xf32>
      %select_n3A_1861 = arith.select %or3A_789, %get3A_1858, %broadcast_in_dim3A_1860 : vector<16xi1>, vector<16xf32>
      %swap3A_1862 = arith.index_cast %scan3A_1721 : i32 to index
      %swap3A_1863 = arith.constant 240 : index
      %swap3A_1864 = tpu.vector_load %arg8[%swap3A_1862, %swap3A_1863] {strides = array<i32>} : memref<16x384xf32, #tpu.memory_space<vmem>>, vector<16xf32>,
      tpu.vector_store %arg8[%swap3A_1862, %swap3A_1863], %select_n3A_1861 {strides = array<i32>} : memref<16x384xf32, #tpu.memory_space<vmem>>, vector<16xf32>,
      %get3A_1865 = arith.index_cast %scan3A_1721 : i32 to index
      %get3A_1866 = arith.constant 256 : index
      %get3A_1867 = tpu.vector_load %arg8[%get3A_1865, %get3A_1866] {strides = array<i32>} : memref<16x384xf32, #tpu.memory_space<vmem>>, vector<16xf32>,
      %jit3A_1868 = arith.constant 0.000000e+00 : f32
      %broadcast_in_dim3A_1869 = vector.broadcast %jit3A_1868 : f32 to vector<16xf32>
      %select_n3A_1870 = arith.select %or3A_796, %get3A_1867, %broadcast_in_dim3A_1869 : vector<16xi1>, vector<16xf32>
      %swap3A_1871 = arith.index_cast %scan3A_1721 : i32 to index
      %swap3A_1872 = arith.constant 256 : index
      %swap3A_1873 = tpu.vector_load %arg8[%swap3A_1871, %swap3A_1872] {strides = array<i32>} : memref<16x384xf32, #tpu.memory_space<vmem>>, vector<16xf32>,
      tpu.vector_store %arg8[%swap3A_1871, %swap3A_1872], %select_n3A_1870 {strides = array<i32>} : memref<16x384xf32, #tpu.memory_space<vmem>>, vector<16xf32>,
      %get3A_1874 = arith.index_cast %scan3A_1721 : i32 to index
      %get3A_1875 = arith.constant 272 : index
      %get3A_1876 = tpu.vector_load %arg8[%get3A_1874, %get3A_1875] {strides = array<i32>} : memref<16x384xf32, #tpu.memory_space<vmem>>, vector<16xf32>,
      %jit3A_1877 = arith.constant 0.000000e+00 : f32
      %broadcast_in_dim3A_1878 = vector.broadcast %jit3A_1877 : f32 to vector<16xf32>
      %select_n3A_1879 = arith.select %or3A_803, %get3A_1876, %broadcast_in_dim3A_1878 : vector<16xi1>, vector<16xf32>
      %swap3A_1880 = arith.index_cast %scan3A_1721 : i32 to index
      %swap3A_1881 = arith.constant 272 : index
      %swap3A_1882 = tpu.vector_load %arg8[%swap3A_1880, %swap3A_1881] {strides = array<i32>} : memref<16x384xf32, #tpu.memory_space<vmem>>, vector<16xf32>,
      tpu.vector_store %arg8[%swap3A_1880, %swap3A_1881], %select_n3A_1879 {strides = array<i32>} : memref<16x384xf32, #tpu.memory_space<vmem>>, vector<16xf32>,
      %get3A_1883 = arith.index_cast %scan3A_1721 : i32 to index
      %get3A_1884 = arith.constant 288 : index
      %get3A_1885 = tpu.vector_load %arg8[%get3A_1883, %get3A_1884] {strides = array<i32>} : memref<16x384xf32, #tpu.memory_space<vmem>>, vector<16xf32>,
      %jit3A_1886 = arith.constant 0.000000e+00 : f32
      %broadcast_in_dim3A_1887 = vector.broadcast %jit3A_1886 : f32 to vector<16xf32>
      %select_n3A_1888 = arith.select %or3A_810, %get3A_1885, %broadcast_in_dim3A_1887 : vector<16xi1>, vector<16xf32>
      %swap3A_1889 = arith.index_cast %scan3A_1721 : i32 to index
      %swap3A_1890 = arith.constant 288 : index
      %swap3A_1891 = tpu.vector_load %arg8[%swap3A_1889, %swap3A_1890] {strides = array<i32>} : memref<16x384xf32, #tpu.memory_space<vmem>>, vector<16xf32>,
      tpu.vector_store %arg8[%swap3A_1889, %swap3A_1890], %select_n3A_1888 {strides = array<i32>} : memref<16x384xf32, #tpu.memory_space<vmem>>, vector<16xf32>,
      %get3A_1892 = arith.index_cast %scan3A_1721 : i32 to index
      %get3A_1893 = arith.constant 304 : index
      %get3A_1894 = tpu.vector_load %arg8[%get3A_1892, %get3A_1893] {strides = array<i32>} : memref<16x384xf32, #tpu.memory_space<vmem>>, vector<16xf32>,
      %jit3A_1895 = arith.constant 0.000000e+00 : f32
      %broadcast_in_dim3A_1896 = vector.broadcast %jit3A_1895 : f32 to vector<16xf32>
      %select_n3A_1897 = arith.select %or3A_817, %get3A_1894, %broadcast_in_dim3A_1896 : vector<16xi1>, vector<16xf32>
      %swap3A_1898 = arith.index_cast %scan3A_1721 : i32 to index
      %swap3A_1899 = arith.constant 304 : index
      %swap3A_1900 = tpu.vector_load %arg8[%swap3A_1898, %swap3A_1899] {strides = array<i32>} : memref<16x384xf32, #tpu.memory_space<vmem>>, vector<16xf32>,
      tpu.vector_store %arg8[%swap3A_1898, %swap3A_1899], %select_n3A_1897 {strides = array<i32>} : memref<16x384xf32, #tpu.memory_space<vmem>>, vector<16xf32>,
      %get3A_1901 = arith.index_cast %scan3A_1721 : i32 to index
      %get3A_1902 = arith.constant 320 : index
      %get3A_1903 = tpu.vector_load %arg8[%get3A_1901, %get3A_1902] {strides = array<i32>} : memref<16x384xf32, #tpu.memory_space<vmem>>, vector<16xf32>,
      %jit3A_1904 = arith.constant 0.000000e+00 : f32
      %broadcast_in_dim3A_1905 = vector.broadcast %jit3A_1904 : f32 to vector<16xf32>
      %select_n3A_1906 = arith.select %or3A_824, %get3A_1903, %broadcast_in_dim3A_1905 : vector<16xi1>, vector<16xf32>
      %swap3A_1907 = arith.index_cast %scan3A_1721 : i32 to index
      %swap3A_1908 = arith.constant 320 : index
      %swap3A_1909 = tpu.vector_load %arg8[%swap3A_1907, %swap3A_1908] {strides = array<i32>} : memref<16x384xf32, #tpu.memory_space<vmem>>, vector<16xf32>,
      tpu.vector_store %arg8[%swap3A_1907, %swap3A_1908], %select_n3A_1906 {strides = array<i32>} : memref<16x384xf32, #tpu.memory_space<vmem>>, vector<16xf32>,
      %get3A_1910 = arith.index_cast %scan3A_1721 : i32 to index
      %get3A_1911 = arith.constant 336 : index
      %get3A_1912 = tpu.vector_load %arg8[%get3A_1910, %get3A_1911] {strides = array<i32>} : memref<16x384xf32, #tpu.memory_space<vmem>>, vector<16xf32>,
      %jit3A_1913 = arith.constant 0.000000e+00 : f32
      %broadcast_in_dim3A_1914 = vector.broadcast %jit3A_1913 : f32 to vector<16xf32>
      %select_n3A_1915 = arith.select %or3A_831, %get3A_1912, %broadcast_in_dim3A_1914 : vector<16xi1>, vector<16xf32>
      %swap3A_1916 = arith.index_cast %scan3A_1721 : i32 to index
      %swap3A_1917 = arith.constant 336 : index
      %swap3A_1918 = tpu.vector_load %arg8[%swap3A_1916, %swap3A_1917] {strides = array<i32>} : memref<16x384xf32, #tpu.memory_space<vmem>>, vector<16xf32>,
      tpu.vector_store %arg8[%swap3A_1916, %swap3A_1917], %select_n3A_1915 {strides = array<i32>} : memref<16x384xf32, #tpu.memory_space<vmem>>, vector<16xf32>,
      %get3A_1919 = arith.index_cast %scan3A_1721 : i32 to index
      %get3A_1920 = arith.constant 352 : index
      %get3A_1921 = tpu.vector_load %arg8[%get3A_1919, %get3A_1920] {strides = array<i32>} : memref<16x384xf32, #tpu.memory_space<vmem>>, vector<16xf32>,
      %jit3A_1922 = arith.constant 0.000000e+00 : f32
      %broadcast_in_dim3A_1923 = vector.broadcast %jit3A_1922 : f32 to vector<16xf32>
      %select_n3A_1924 = arith.select %or3A_838, %get3A_1921, %broadcast_in_dim3A_1923 : vector<16xi1>, vector<16xf32>
      %swap3A_1925 = arith.index_cast %scan3A_1721 : i32 to index
      %swap3A_1926 = arith.constant 352 : index
      %swap3A_1927 = tpu.vector_load %arg8[%swap3A_1925, %swap3A_1926] {strides = array<i32>} : memref<16x384xf32, #tpu.memory_space<vmem>>, vector<16xf32>,
      tpu.vector_store %arg8[%swap3A_1925, %swap3A_1926], %select_n3A_1924 {strides = array<i32>} : memref<16x384xf32, #tpu.memory_space<vmem>>, vector<16xf32>,
      %get3A_1928 = arith.index_cast %scan3A_1721 : i32 to index
      %get3A_1929 = arith.constant 368 : index
      %get3A_1930 = tpu.vector_load %arg8[%get3A_1928, %get3A_1929] {strides = array<i32>} : memref<16x384xf32, #tpu.memory_space<vmem>>, vector<16xf32>,
      %jit3A_1931 = arith.constant 0.000000e+00 : f32
      %broadcast_in_dim3A_1932 = vector.broadcast %jit3A_1931 : f32 to vector<16xf32>
      %select_n3A_1933 = arith.select %or3A_845, %get3A_1930, %broadcast_in_dim3A_1932 : vector<16xi1>, vector<16xf32>
      %swap3A_1934 = arith.index_cast %scan3A_1721 : i32 to index
      %swap3A_1935 = arith.constant 368 : index
      %swap3A_1936 = tpu.vector_load %arg8[%swap3A_1934, %swap3A_1935] {strides = array<i32>} : memref<16x384xf32, #tpu.memory_space<vmem>>, vector<16xf32>,
      tpu.vector_store %arg8[%swap3A_1934, %swap3A_1935], %select_n3A_1933 {strides = array<i32>} : memref<16x384xf32, #tpu.memory_space<vmem>>, vector<16xf32>,
      %scan3A_1937 = arith.constant 0 : i32
      scf.yield %scan3A_1937 : i32
    }
    %scan3A_852 = arith.constant 16 : i32
    "tpu.region"() ({
      %run_scoped3A = tpu.sem_alloc : memref<!tpu.dma_semaphore, #tpu.memory_space<semaphore_mem>>
      %dma_start3A = arith.constant 0 : i32
      %dma_start3A_1721 = tpu.memref_slice %arg2[%add3A_420, %dma_start3A, %multiple_of3A_677] : memref<128x16x16384xf32, #tpu.memory_space<hbm>> -> memref<1x16x384xf32, #tpu.memory_space<hbm>>
      %dma_start3A_1722 = tpu.memref_squeeze %dma_start3A_1721 : memref<1x16x384xf32, #tpu.memory_space<hbm>> -> memref<16x384xf32, #tpu.memory_space<hbm>>
      %dma_start3A_1723 = arith.constant 0 : i32
      %dma_start3A_1724 = tpu.memref_slice %arg2[%add3A_420, %dma_start3A_1723, %multiple_of3A_677] : memref<128x16x16384xf32, #tpu.memory_space<hbm>> -> memref<1x16x384xf32, #tpu.memory_space<hbm>>
      %dma_start3A_1725 = tpu.memref_squeeze %dma_start3A_1724 : memref<1x16x384xf32, #tpu.memory_space<hbm>> -> memref<16x384xf32, #tpu.memory_space<hbm>>
      tpu.enqueue_dma source(%arg8 : memref<16x384xf32, #tpu.memory_space<vmem>>) target(%dma_start3A_1725 : memref<16x384xf32, #tpu.memory_space<hbm>>) target_semaphore(%run_scoped3A : memref<!tpu.dma_semaphore, #tpu.memory_space<semaphore_mem>>)
      %dma_wait3A = arith.constant 0 : i32
      %dma_wait3A_1726 = tpu.memref_slice %arg2[%add3A_420, %dma_wait3A, %multiple_of3A_677] : memref<128x16x16384xf32, #tpu.memory_space<hbm>> -> memref<1x16x384xf32, #tpu.memory_space<hbm>>
      %dma_wait3A_1727 = tpu.memref_squeeze %dma_wait3A_1726 : memref<1x16x384xf32, #tpu.memory_space<hbm>> -> memref<16x384xf32, #tpu.memory_space<hbm>>
      %dma_wait3A_1728 = arith.constant 0 : i32
      %dma_wait3A_1729 = tpu.memref_slice %arg2[%add3A_420, %dma_wait3A_1728, %multiple_of3A_677] : memref<128x16x16384xf32, #tpu.memory_space<hbm>> -> memref<1x16x384xf32, #tpu.memory_space<hbm>>
      %dma_wait3A_1730 = tpu.memref_squeeze %dma_wait3A_1729 : memref<1x16x384xf32, #tpu.memory_space<hbm>> -> memref<16x384xf32, #tpu.memory_space<hbm>>
      tpu.wait_dma2 semaphore(%run_scoped3A : memref<!tpu.dma_semaphore, #tpu.memory_space<semaphore_mem>>) src(%arg8 : memref<16x384xf32, #tpu.memory_space<vmem>>) dst(%dma_wait3A_1730 : memref<16x384xf32, #tpu.memory_space<hbm>>)
      tpu.yield
    }) : () -> ()
    %add3A_853 = arith.constant 2 : i32
    %add3A_854 = arith.addi %mul3A_2, %add3A_853 : i32
    %broadcast_in_dim3A_855 = arith.constant 0 : i32
    %broadcast_in_dim3A_856 = vector.broadcast %broadcast_in_dim3A_855 : i32 to vector<16xi32>
    %add3A_857 = vector.broadcast %add3A_854 : i32 to vector<16xi32>
    %add3A_858 = arith.addi %broadcast_in_dim3A_856, %add3A_857 : vector<16xi32>
    %gather3A_859 = tpu.vector_load_idx %arg6[%add3A_858] : memref<256xi32, #tpu.memory_space<vmem>>[vector<16xi32>], vector<16xi32>,
    %gather3A_860 = tpu.vector_load_idx %arg7[%add3A_858] : memref<256xi32, #tpu.memory_space<vmem>>[vector<16xi32>], vector<16xi32>,
    %add3A_861 = arith.addi %gather3A_859, %gather3A_860 : vector<16xi32>
    %min3A_862 = arith.constant 16384 : i32
    %min3A_863 = vector.broadcast %min3A_862 : i32 to vector<16xi32>
    %min3A_864 = arith.minsi %add3A_861, %min3A_863 : vector<16xi32>
    %slice3A_865 = vector.extract_strided_slice %gather3A_859 {offsets = [0], sizes = [1], strides = [1]} : vector<16xi32> to vector<1xi32>
    %squeeze3A_866 = vector.extract %slice3A_865[0] : i32 from vector<1xi32>
    %jit3A_867 = arith.constant 128 : i32
    %div3A_868 = arith.divsi %squeeze3A_866, %jit3A_867 : i32
    %sign3A_869 = arith.constant 0 : i32
    %sign3A_870 = arith.cmpi sgt, %squeeze3A_866, %sign3A_869 : i32
    %sign3A_871 = arith.extui %sign3A_870 : i1 to i32
    %sign3A_872 = arith.constant 0 : i32
    %sign3A_873 = arith.cmpi slt, %squeeze3A_866, %sign3A_872 : i32
    %sign3A_874 = arith.extui %sign3A_873 : i1 to i32
    %sign3A_875 = arith.subi %sign3A_871, %sign3A_874 : i32
    %sign3A_876 = arith.constant 0 : i32
    %sign3A_877 = arith.cmpi sgt, %jit3A_867, %sign3A_876 : i32
    %sign3A_878 = arith.extui %sign3A_877 : i1 to i32
    %sign3A_879 = arith.constant 0 : i32
    %sign3A_880 = arith.cmpi slt, %jit3A_867, %sign3A_879 : i32
    %sign3A_881 = arith.extui %sign3A_880 : i1 to i32
    %sign3A_882 = arith.subi %sign3A_878, %sign3A_881 : i32
    %ne3A_883 = arith.cmpi ne, %sign3A_875, %sign3A_882 : i32
    %rem3A_884 = arith.remsi %squeeze3A_866, %jit3A_867 : i32
    %ne3A_885 = arith.constant 0 : i32
    %ne3A_886 = arith.cmpi ne, %rem3A_884, %ne3A_885 : i32
    %and3A_887 = arith.andi %ne3A_883, %ne3A_886 : i1
    %sub3A_888 = arith.constant 1 : i32
    %sub3A_889 = arith.subi %div3A_868, %sub3A_888 : i32
    %select_n3A_890 = arith.select %and3A_887, %sub3A_889, %div3A_868 : i32
    %mul3A_891 = arith.constant 128 : i32
    %mul3A_892 = arith.muli %select_n3A_890, %mul3A_891 : i32
    %min3A_893 = arith.constant 16000 : i32
    %min3A_894 = arith.minsi %mul3A_892, %min3A_893 : i32
    %multiple_of3A_895 = tpu.assume_multiple %min3A_894, 128 : i32
    "tpu.region"() ({
      %run_scoped3A = tpu.sem_alloc : memref<!tpu.dma_semaphore, #tpu.memory_space<semaphore_mem>>
      %dma_start3A = arith.constant 0 : i32
      %dma_start3A_1721 = tpu.memref_slice %arg2[%add3A_854, %dma_start3A, %multiple_of3A_895] : memref<128x16x16384xf32, #tpu.memory_space<hbm>> -> memref<1x16x384xf32, #tpu.memory_space<hbm>>
      %dma_start3A_1722 = tpu.memref_squeeze %dma_start3A_1721 : memref<1x16x384xf32, #tpu.memory_space<hbm>> -> memref<16x384xf32, #tpu.memory_space<hbm>>
      %dma_start3A_1723 = arith.constant 0 : i32
      %dma_start3A_1724 = tpu.memref_slice %arg2[%add3A_854, %dma_start3A_1723, %multiple_of3A_895] : memref<128x16x16384xf32, #tpu.memory_space<hbm>> -> memref<1x16x384xf32, #tpu.memory_space<hbm>>
      %dma_start3A_1725 = tpu.memref_squeeze %dma_start3A_1724 : memref<1x16x384xf32, #tpu.memory_space<hbm>> -> memref<16x384xf32, #tpu.memory_space<hbm>>
      tpu.enqueue_dma source(%dma_start3A_1725 : memref<16x384xf32, #tpu.memory_space<hbm>>) target(%arg8 : memref<16x384xf32, #tpu.memory_space<vmem>>) target_semaphore(%run_scoped3A : memref<!tpu.dma_semaphore, #tpu.memory_space<semaphore_mem>>)
      %dma_wait3A = arith.constant 0 : i32
      %dma_wait3A_1726 = tpu.memref_slice %arg2[%add3A_854, %dma_wait3A, %multiple_of3A_895] : memref<128x16x16384xf32, #tpu.memory_space<hbm>> -> memref<1x16x384xf32, #tpu.memory_space<hbm>>
      %dma_wait3A_1727 = tpu.memref_squeeze %dma_wait3A_1726 : memref<1x16x384xf32, #tpu.memory_space<hbm>> -> memref<16x384xf32, #tpu.memory_space<hbm>>
      %dma_wait3A_1728 = arith.constant 0 : i32
      %dma_wait3A_1729 = tpu.memref_slice %arg2[%add3A_854, %dma_wait3A_1728, %multiple_of3A_895] : memref<128x16x16384xf32, #tpu.memory_space<hbm>> -> memref<1x16x384xf32, #tpu.memory_space<hbm>>
      %dma_wait3A_1730 = tpu.memref_squeeze %dma_wait3A_1729 : memref<1x16x384xf32, #tpu.memory_space<hbm>> -> memref<16x384xf32, #tpu.memory_space<hbm>>
      tpu.wait_dma2 semaphore(%run_scoped3A : memref<!tpu.dma_semaphore, #tpu.memory_space<semaphore_mem>>) src(%dma_wait3A_1730 : memref<16x384xf32, #tpu.memory_space<hbm>>) dst(%arg8 : memref<16x384xf32, #tpu.memory_space<vmem>>)
      tpu.yield
    }) : () -> ()
    %add3A_896 = arith.constant 0 : i32
    %add3A_897 = arith.addi %multiple_of3A_895, %add3A_896 : i32
    %add3A_898 = vector.broadcast %add3A_897 : i32 to vector<16xi32>
    %add3A_899 = arith.addi %add3A_898, %iota3A : vector<16xi32>
    %lt3A_900 = arith.cmpi slt, %add3A_899, %gather3A_859 : vector<16xi32>
    %ge3A_901 = arith.cmpi sge, %add3A_899, %min3A_864 : vector<16xi32>
    %or3A_902 = arith.ori %lt3A_900, %ge3A_901 : vector<16xi1>
    %add3A_903 = arith.constant 16 : i32
    %add3A_904 = arith.addi %multiple_of3A_895, %add3A_903 : i32
    %add3A_905 = vector.broadcast %add3A_904 : i32 to vector<16xi32>
    %add3A_906 = arith.addi %add3A_905, %iota3A : vector<16xi32>
    %lt3A_907 = arith.cmpi slt, %add3A_906, %gather3A_859 : vector<16xi32>
    %ge3A_908 = arith.cmpi sge, %add3A_906, %min3A_864 : vector<16xi32>
    %or3A_909 = arith.ori %lt3A_907, %ge3A_908 : vector<16xi1>
    %add3A_910 = arith.constant 32 : i32
    %add3A_911 = arith.addi %multiple_of3A_895, %add3A_910 : i32
    %add3A_912 = vector.broadcast %add3A_911 : i32 to vector<16xi32>
    %add3A_913 = arith.addi %add3A_912, %iota3A : vector<16xi32>
    %lt3A_914 = arith.cmpi slt, %add3A_913, %gather3A_859 : vector<16xi32>
    %ge3A_915 = arith.cmpi sge, %add3A_913, %min3A_864 : vector<16xi32>
    %or3A_916 = arith.ori %lt3A_914, %ge3A_915 : vector<16xi1>
    %add3A_917 = arith.constant 48 : i32
    %add3A_918 = arith.addi %multiple_of3A_895, %add3A_917 : i32
    %add3A_919 = vector.broadcast %add3A_918 : i32 to vector<16xi32>
    %add3A_920 = arith.addi %add3A_919, %iota3A : vector<16xi32>
    %lt3A_921 = arith.cmpi slt, %add3A_920, %gather3A_859 : vector<16xi32>
    %ge3A_922 = arith.cmpi sge, %add3A_920, %min3A_864 : vector<16xi32>
    %or3A_923 = arith.ori %lt3A_921, %ge3A_922 : vector<16xi1>
    %add3A_924 = arith.constant 64 : i32
    %add3A_925 = arith.addi %multiple_of3A_895, %add3A_924 : i32
    %add3A_926 = vector.broadcast %add3A_925 : i32 to vector<16xi32>
    %add3A_927 = arith.addi %add3A_926, %iota3A : vector<16xi32>
    %lt3A_928 = arith.cmpi slt, %add3A_927, %gather3A_859 : vector<16xi32>
    %ge3A_929 = arith.cmpi sge, %add3A_927, %min3A_864 : vector<16xi32>
    %or3A_930 = arith.ori %lt3A_928, %ge3A_929 : vector<16xi1>
    %add3A_931 = arith.constant 80 : i32
    %add3A_932 = arith.addi %multiple_of3A_895, %add3A_931 : i32
    %add3A_933 = vector.broadcast %add3A_932 : i32 to vector<16xi32>
    %add3A_934 = arith.addi %add3A_933, %iota3A : vector<16xi32>
    %lt3A_935 = arith.cmpi slt, %add3A_934, %gather3A_859 : vector<16xi32>
    %ge3A_936 = arith.cmpi sge, %add3A_934, %min3A_864 : vector<16xi32>
    %or3A_937 = arith.ori %lt3A_935, %ge3A_936 : vector<16xi1>
    %add3A_938 = arith.constant 96 : i32
    %add3A_939 = arith.addi %multiple_of3A_895, %add3A_938 : i32
    %add3A_940 = vector.broadcast %add3A_939 : i32 to vector<16xi32>
    %add3A_941 = arith.addi %add3A_940, %iota3A : vector<16xi32>
    %lt3A_942 = arith.cmpi slt, %add3A_941, %gather3A_859 : vector<16xi32>
    %ge3A_943 = arith.cmpi sge, %add3A_941, %min3A_864 : vector<16xi32>
    %or3A_944 = arith.ori %lt3A_942, %ge3A_943 : vector<16xi1>
    %add3A_945 = arith.constant 112 : i32
    %add3A_946 = arith.addi %multiple_of3A_895, %add3A_945 : i32
    %add3A_947 = vector.broadcast %add3A_946 : i32 to vector<16xi32>
    %add3A_948 = arith.addi %add3A_947, %iota3A : vector<16xi32>
    %lt3A_949 = arith.cmpi slt, %add3A_948, %gather3A_859 : vector<16xi32>
    %ge3A_950 = arith.cmpi sge, %add3A_948, %min3A_864 : vector<16xi32>
    %or3A_951 = arith.ori %lt3A_949, %ge3A_950 : vector<16xi1>
    %add3A_952 = arith.constant 128 : i32
    %add3A_953 = arith.addi %multiple_of3A_895, %add3A_952 : i32
    %add3A_954 = vector.broadcast %add3A_953 : i32 to vector<16xi32>
    %add3A_955 = arith.addi %add3A_954, %iota3A : vector<16xi32>
    %lt3A_956 = arith.cmpi slt, %add3A_955, %gather3A_859 : vector<16xi32>
    %ge3A_957 = arith.cmpi sge, %add3A_955, %min3A_864 : vector<16xi32>
    %or3A_958 = arith.ori %lt3A_956, %ge3A_957 : vector<16xi1>
    %add3A_959 = arith.constant 144 : i32
    %add3A_960 = arith.addi %multiple_of3A_895, %add3A_959 : i32
    %add3A_961 = vector.broadcast %add3A_960 : i32 to vector<16xi32>
    %add3A_962 = arith.addi %add3A_961, %iota3A : vector<16xi32>
    %lt3A_963 = arith.cmpi slt, %add3A_962, %gather3A_859 : vector<16xi32>
    %ge3A_964 = arith.cmpi sge, %add3A_962, %min3A_864 : vector<16xi32>
    %or3A_965 = arith.ori %lt3A_963, %ge3A_964 : vector<16xi1>
    %add3A_966 = arith.constant 160 : i32
    %add3A_967 = arith.addi %multiple_of3A_895, %add3A_966 : i32
    %add3A_968 = vector.broadcast %add3A_967 : i32 to vector<16xi32>
    %add3A_969 = arith.addi %add3A_968, %iota3A : vector<16xi32>
    %lt3A_970 = arith.cmpi slt, %add3A_969, %gather3A_859 : vector<16xi32>
    %ge3A_971 = arith.cmpi sge, %add3A_969, %min3A_864 : vector<16xi32>
    %or3A_972 = arith.ori %lt3A_970, %ge3A_971 : vector<16xi1>
    %add3A_973 = arith.constant 176 : i32
    %add3A_974 = arith.addi %multiple_of3A_895, %add3A_973 : i32
    %add3A_975 = vector.broadcast %add3A_974 : i32 to vector<16xi32>
    %add3A_976 = arith.addi %add3A_975, %iota3A : vector<16xi32>
    %lt3A_977 = arith.cmpi slt, %add3A_976, %gather3A_859 : vector<16xi32>
    %ge3A_978 = arith.cmpi sge, %add3A_976, %min3A_864 : vector<16xi32>
    %or3A_979 = arith.ori %lt3A_977, %ge3A_978 : vector<16xi1>
    %add3A_980 = arith.constant 192 : i32
    %add3A_981 = arith.addi %multiple_of3A_895, %add3A_980 : i32
    %add3A_982 = vector.broadcast %add3A_981 : i32 to vector<16xi32>
    %add3A_983 = arith.addi %add3A_982, %iota3A : vector<16xi32>
    %lt3A_984 = arith.cmpi slt, %add3A_983, %gather3A_859 : vector<16xi32>
    %ge3A_985 = arith.cmpi sge, %add3A_983, %min3A_864 : vector<16xi32>
    %or3A_986 = arith.ori %lt3A_984, %ge3A_985 : vector<16xi1>
    %add3A_987 = arith.constant 208 : i32
    %add3A_988 = arith.addi %multiple_of3A_895, %add3A_987 : i32
    %add3A_989 = vector.broadcast %add3A_988 : i32 to vector<16xi32>
    %add3A_990 = arith.addi %add3A_989, %iota3A : vector<16xi32>
    %lt3A_991 = arith.cmpi slt, %add3A_990, %gather3A_859 : vector<16xi32>
    %ge3A_992 = arith.cmpi sge, %add3A_990, %min3A_864 : vector<16xi32>
    %or3A_993 = arith.ori %lt3A_991, %ge3A_992 : vector<16xi1>
    %add3A_994 = arith.constant 224 : i32
    %add3A_995 = arith.addi %multiple_of3A_895, %add3A_994 : i32
    %add3A_996 = vector.broadcast %add3A_995 : i32 to vector<16xi32>
    %add3A_997 = arith.addi %add3A_996, %iota3A : vector<16xi32>
    %lt3A_998 = arith.cmpi slt, %add3A_997, %gather3A_859 : vector<16xi32>
    %ge3A_999 = arith.cmpi sge, %add3A_997, %min3A_864 : vector<16xi32>
    %or3A_1000 = arith.ori %lt3A_998, %ge3A_999 : vector<16xi1>
    %add3A_1001 = arith.constant 240 : i32
    %add3A_1002 = arith.addi %multiple_of3A_895, %add3A_1001 : i32
    %add3A_1003 = vector.broadcast %add3A_1002 : i32 to vector<16xi32>
    %add3A_1004 = arith.addi %add3A_1003, %iota3A : vector<16xi32>
    %lt3A_1005 = arith.cmpi slt, %add3A_1004, %gather3A_859 : vector<16xi32>
    %ge3A_1006 = arith.cmpi sge, %add3A_1004, %min3A_864 : vector<16xi32>
    %or3A_1007 = arith.ori %lt3A_1005, %ge3A_1006 : vector<16xi1>
    %add3A_1008 = arith.constant 256 : i32
    %add3A_1009 = arith.addi %multiple_of3A_895, %add3A_1008 : i32
    %add3A_1010 = vector.broadcast %add3A_1009 : i32 to vector<16xi32>
    %add3A_1011 = arith.addi %add3A_1010, %iota3A : vector<16xi32>
    %lt3A_1012 = arith.cmpi slt, %add3A_1011, %gather3A_859 : vector<16xi32>
    %ge3A_1013 = arith.cmpi sge, %add3A_1011, %min3A_864 : vector<16xi32>
    %or3A_1014 = arith.ori %lt3A_1012, %ge3A_1013 : vector<16xi1>
    %add3A_1015 = arith.constant 272 : i32
    %add3A_1016 = arith.addi %multiple_of3A_895, %add3A_1015 : i32
    %add3A_1017 = vector.broadcast %add3A_1016 : i32 to vector<16xi32>
    %add3A_1018 = arith.addi %add3A_1017, %iota3A : vector<16xi32>
    %lt3A_1019 = arith.cmpi slt, %add3A_1018, %gather3A_859 : vector<16xi32>
    %ge3A_1020 = arith.cmpi sge, %add3A_1018, %min3A_864 : vector<16xi32>
    %or3A_1021 = arith.ori %lt3A_1019, %ge3A_1020 : vector<16xi1>
    %add3A_1022 = arith.constant 288 : i32
    %add3A_1023 = arith.addi %multiple_of3A_895, %add3A_1022 : i32
    %add3A_1024 = vector.broadcast %add3A_1023 : i32 to vector<16xi32>
    %add3A_1025 = arith.addi %add3A_1024, %iota3A : vector<16xi32>
    %lt3A_1026 = arith.cmpi slt, %add3A_1025, %gather3A_859 : vector<16xi32>
    %ge3A_1027 = arith.cmpi sge, %add3A_1025, %min3A_864 : vector<16xi32>
    %or3A_1028 = arith.ori %lt3A_1026, %ge3A_1027 : vector<16xi1>
    %add3A_1029 = arith.constant 304 : i32
    %add3A_1030 = arith.addi %multiple_of3A_895, %add3A_1029 : i32
    %add3A_1031 = vector.broadcast %add3A_1030 : i32 to vector<16xi32>
    %add3A_1032 = arith.addi %add3A_1031, %iota3A : vector<16xi32>
    %lt3A_1033 = arith.cmpi slt, %add3A_1032, %gather3A_859 : vector<16xi32>
    %ge3A_1034 = arith.cmpi sge, %add3A_1032, %min3A_864 : vector<16xi32>
    %or3A_1035 = arith.ori %lt3A_1033, %ge3A_1034 : vector<16xi1>
    %add3A_1036 = arith.constant 320 : i32
    %add3A_1037 = arith.addi %multiple_of3A_895, %add3A_1036 : i32
    %add3A_1038 = vector.broadcast %add3A_1037 : i32 to vector<16xi32>
    %add3A_1039 = arith.addi %add3A_1038, %iota3A : vector<16xi32>
    %lt3A_1040 = arith.cmpi slt, %add3A_1039, %gather3A_859 : vector<16xi32>
    %ge3A_1041 = arith.cmpi sge, %add3A_1039, %min3A_864 : vector<16xi32>
    %or3A_1042 = arith.ori %lt3A_1040, %ge3A_1041 : vector<16xi1>
    %add3A_1043 = arith.constant 336 : i32
    %add3A_1044 = arith.addi %multiple_of3A_895, %add3A_1043 : i32
    %add3A_1045 = vector.broadcast %add3A_1044 : i32 to vector<16xi32>
    %add3A_1046 = arith.addi %add3A_1045, %iota3A : vector<16xi32>
    %lt3A_1047 = arith.cmpi slt, %add3A_1046, %gather3A_859 : vector<16xi32>
    %ge3A_1048 = arith.cmpi sge, %add3A_1046, %min3A_864 : vector<16xi32>
    %or3A_1049 = arith.ori %lt3A_1047, %ge3A_1048 : vector<16xi1>
    %add3A_1050 = arith.constant 352 : i32
    %add3A_1051 = arith.addi %multiple_of3A_895, %add3A_1050 : i32
    %add3A_1052 = vector.broadcast %add3A_1051 : i32 to vector<16xi32>
    %add3A_1053 = arith.addi %add3A_1052, %iota3A : vector<16xi32>
    %lt3A_1054 = arith.cmpi slt, %add3A_1053, %gather3A_859 : vector<16xi32>
    %ge3A_1055 = arith.cmpi sge, %add3A_1053, %min3A_864 : vector<16xi32>
    %or3A_1056 = arith.ori %lt3A_1054, %ge3A_1055 : vector<16xi1>
    %add3A_1057 = arith.constant 368 : i32
    %add3A_1058 = arith.addi %multiple_of3A_895, %add3A_1057 : i32
    %add3A_1059 = vector.broadcast %add3A_1058 : i32 to vector<16xi32>
    %add3A_1060 = arith.addi %add3A_1059, %iota3A : vector<16xi32>
    %lt3A_1061 = arith.cmpi slt, %add3A_1060, %gather3A_859 : vector<16xi32>
    %ge3A_1062 = arith.cmpi sge, %add3A_1060, %min3A_864 : vector<16xi32>
    %or3A_1063 = arith.ori %lt3A_1061, %ge3A_1062 : vector<16xi1>
    %scan3A_1064 = arith.constant 0 : i32
    %scan3A_1065 = arith.constant 0 : i32
    %scan3A_1066 = arith.constant 16 : i32
    %scan3A_1067 = arith.addi %scan3A_1065, %scan3A_1066 : i32
    %scan3A_1068 = arith.constant 1 : i32
    %scan3A_1069 = scf.for %scan3A_1721 = %scan3A_1065 to %scan3A_1067 step %scan3A_1068 iter_args(%scan3A_1722 = %scan3A_1064) -> (i32)  : i32 {
      %get3A = arith.index_cast %scan3A_1721 : i32 to index
      %get3A_1723 = arith.constant 0 : index
      %get3A_1724 = tpu.vector_load %arg8[%get3A, %get3A_1723] {strides = array<i32>} : memref<16x384xf32, #tpu.memory_space<vmem>>, vector<16xf32>,
      %jit3A_1725 = arith.constant 0.000000e+00 : f32
      %broadcast_in_dim3A_1726 = vector.broadcast %jit3A_1725 : f32 to vector<16xf32>
      %select_n3A_1727 = arith.select %or3A_902, %get3A_1724, %broadcast_in_dim3A_1726 : vector<16xi1>, vector<16xf32>
      %swap3A = arith.index_cast %scan3A_1721 : i32 to index
      %swap3A_1728 = arith.constant 0 : index
      %swap3A_1729 = tpu.vector_load %arg8[%swap3A, %swap3A_1728] {strides = array<i32>} : memref<16x384xf32, #tpu.memory_space<vmem>>, vector<16xf32>,
      tpu.vector_store %arg8[%swap3A, %swap3A_1728], %select_n3A_1727 {strides = array<i32>} : memref<16x384xf32, #tpu.memory_space<vmem>>, vector<16xf32>,
      %get3A_1730 = arith.index_cast %scan3A_1721 : i32 to index
      %get3A_1731 = arith.constant 16 : index
      %get3A_1732 = tpu.vector_load %arg8[%get3A_1730, %get3A_1731] {strides = array<i32>} : memref<16x384xf32, #tpu.memory_space<vmem>>, vector<16xf32>,
      %jit3A_1733 = arith.constant 0.000000e+00 : f32
      %broadcast_in_dim3A_1734 = vector.broadcast %jit3A_1733 : f32 to vector<16xf32>
      %select_n3A_1735 = arith.select %or3A_909, %get3A_1732, %broadcast_in_dim3A_1734 : vector<16xi1>, vector<16xf32>
      %swap3A_1736 = arith.index_cast %scan3A_1721 : i32 to index
      %swap3A_1737 = arith.constant 16 : index
      %swap3A_1738 = tpu.vector_load %arg8[%swap3A_1736, %swap3A_1737] {strides = array<i32>} : memref<16x384xf32, #tpu.memory_space<vmem>>, vector<16xf32>,
      tpu.vector_store %arg8[%swap3A_1736, %swap3A_1737], %select_n3A_1735 {strides = array<i32>} : memref<16x384xf32, #tpu.memory_space<vmem>>, vector<16xf32>,
      %get3A_1739 = arith.index_cast %scan3A_1721 : i32 to index
      %get3A_1740 = arith.constant 32 : index
      %get3A_1741 = tpu.vector_load %arg8[%get3A_1739, %get3A_1740] {strides = array<i32>} : memref<16x384xf32, #tpu.memory_space<vmem>>, vector<16xf32>,
      %jit3A_1742 = arith.constant 0.000000e+00 : f32
      %broadcast_in_dim3A_1743 = vector.broadcast %jit3A_1742 : f32 to vector<16xf32>
      %select_n3A_1744 = arith.select %or3A_916, %get3A_1741, %broadcast_in_dim3A_1743 : vector<16xi1>, vector<16xf32>
      %swap3A_1745 = arith.index_cast %scan3A_1721 : i32 to index
      %swap3A_1746 = arith.constant 32 : index
      %swap3A_1747 = tpu.vector_load %arg8[%swap3A_1745, %swap3A_1746] {strides = array<i32>} : memref<16x384xf32, #tpu.memory_space<vmem>>, vector<16xf32>,
      tpu.vector_store %arg8[%swap3A_1745, %swap3A_1746], %select_n3A_1744 {strides = array<i32>} : memref<16x384xf32, #tpu.memory_space<vmem>>, vector<16xf32>,
      %get3A_1748 = arith.index_cast %scan3A_1721 : i32 to index
      %get3A_1749 = arith.constant 48 : index
      %get3A_1750 = tpu.vector_load %arg8[%get3A_1748, %get3A_1749] {strides = array<i32>} : memref<16x384xf32, #tpu.memory_space<vmem>>, vector<16xf32>,
      %jit3A_1751 = arith.constant 0.000000e+00 : f32
      %broadcast_in_dim3A_1752 = vector.broadcast %jit3A_1751 : f32 to vector<16xf32>
      %select_n3A_1753 = arith.select %or3A_923, %get3A_1750, %broadcast_in_dim3A_1752 : vector<16xi1>, vector<16xf32>
      %swap3A_1754 = arith.index_cast %scan3A_1721 : i32 to index
      %swap3A_1755 = arith.constant 48 : index
      %swap3A_1756 = tpu.vector_load %arg8[%swap3A_1754, %swap3A_1755] {strides = array<i32>} : memref<16x384xf32, #tpu.memory_space<vmem>>, vector<16xf32>,
      tpu.vector_store %arg8[%swap3A_1754, %swap3A_1755], %select_n3A_1753 {strides = array<i32>} : memref<16x384xf32, #tpu.memory_space<vmem>>, vector<16xf32>,
      %get3A_1757 = arith.index_cast %scan3A_1721 : i32 to index
      %get3A_1758 = arith.constant 64 : index
      %get3A_1759 = tpu.vector_load %arg8[%get3A_1757, %get3A_1758] {strides = array<i32>} : memref<16x384xf32, #tpu.memory_space<vmem>>, vector<16xf32>,
      %jit3A_1760 = arith.constant 0.000000e+00 : f32
      %broadcast_in_dim3A_1761 = vector.broadcast %jit3A_1760 : f32 to vector<16xf32>
      %select_n3A_1762 = arith.select %or3A_930, %get3A_1759, %broadcast_in_dim3A_1761 : vector<16xi1>, vector<16xf32>
      %swap3A_1763 = arith.index_cast %scan3A_1721 : i32 to index
      %swap3A_1764 = arith.constant 64 : index
      %swap3A_1765 = tpu.vector_load %arg8[%swap3A_1763, %swap3A_1764] {strides = array<i32>} : memref<16x384xf32, #tpu.memory_space<vmem>>, vector<16xf32>,
      tpu.vector_store %arg8[%swap3A_1763, %swap3A_1764], %select_n3A_1762 {strides = array<i32>} : memref<16x384xf32, #tpu.memory_space<vmem>>, vector<16xf32>,
      %get3A_1766 = arith.index_cast %scan3A_1721 : i32 to index
      %get3A_1767 = arith.constant 80 : index
      %get3A_1768 = tpu.vector_load %arg8[%get3A_1766, %get3A_1767] {strides = array<i32>} : memref<16x384xf32, #tpu.memory_space<vmem>>, vector<16xf32>,
      %jit3A_1769 = arith.constant 0.000000e+00 : f32
      %broadcast_in_dim3A_1770 = vector.broadcast %jit3A_1769 : f32 to vector<16xf32>
      %select_n3A_1771 = arith.select %or3A_937, %get3A_1768, %broadcast_in_dim3A_1770 : vector<16xi1>, vector<16xf32>
      %swap3A_1772 = arith.index_cast %scan3A_1721 : i32 to index
      %swap3A_1773 = arith.constant 80 : index
      %swap3A_1774 = tpu.vector_load %arg8[%swap3A_1772, %swap3A_1773] {strides = array<i32>} : memref<16x384xf32, #tpu.memory_space<vmem>>, vector<16xf32>,
      tpu.vector_store %arg8[%swap3A_1772, %swap3A_1773], %select_n3A_1771 {strides = array<i32>} : memref<16x384xf32, #tpu.memory_space<vmem>>, vector<16xf32>,
      %get3A_1775 = arith.index_cast %scan3A_1721 : i32 to index
      %get3A_1776 = arith.constant 96 : index
      %get3A_1777 = tpu.vector_load %arg8[%get3A_1775, %get3A_1776] {strides = array<i32>} : memref<16x384xf32, #tpu.memory_space<vmem>>, vector<16xf32>,
      %jit3A_1778 = arith.constant 0.000000e+00 : f32
      %broadcast_in_dim3A_1779 = vector.broadcast %jit3A_1778 : f32 to vector<16xf32>
      %select_n3A_1780 = arith.select %or3A_944, %get3A_1777, %broadcast_in_dim3A_1779 : vector<16xi1>, vector<16xf32>
      %swap3A_1781 = arith.index_cast %scan3A_1721 : i32 to index
      %swap3A_1782 = arith.constant 96 : index
      %swap3A_1783 = tpu.vector_load %arg8[%swap3A_1781, %swap3A_1782] {strides = array<i32>} : memref<16x384xf32, #tpu.memory_space<vmem>>, vector<16xf32>,
      tpu.vector_store %arg8[%swap3A_1781, %swap3A_1782], %select_n3A_1780 {strides = array<i32>} : memref<16x384xf32, #tpu.memory_space<vmem>>, vector<16xf32>,
      %get3A_1784 = arith.index_cast %scan3A_1721 : i32 to index
      %get3A_1785 = arith.constant 112 : index
      %get3A_1786 = tpu.vector_load %arg8[%get3A_1784, %get3A_1785] {strides = array<i32>} : memref<16x384xf32, #tpu.memory_space<vmem>>, vector<16xf32>,
      %jit3A_1787 = arith.constant 0.000000e+00 : f32
      %broadcast_in_dim3A_1788 = vector.broadcast %jit3A_1787 : f32 to vector<16xf32>
      %select_n3A_1789 = arith.select %or3A_951, %get3A_1786, %broadcast_in_dim3A_1788 : vector<16xi1>, vector<16xf32>
      %swap3A_1790 = arith.index_cast %scan3A_1721 : i32 to index
      %swap3A_1791 = arith.constant 112 : index
      %swap3A_1792 = tpu.vector_load %arg8[%swap3A_1790, %swap3A_1791] {strides = array<i32>} : memref<16x384xf32, #tpu.memory_space<vmem>>, vector<16xf32>,
      tpu.vector_store %arg8[%swap3A_1790, %swap3A_1791], %select_n3A_1789 {strides = array<i32>} : memref<16x384xf32, #tpu.memory_space<vmem>>, vector<16xf32>,
      %get3A_1793 = arith.index_cast %scan3A_1721 : i32 to index
      %get3A_1794 = arith.constant 128 : index
      %get3A_1795 = tpu.vector_load %arg8[%get3A_1793, %get3A_1794] {strides = array<i32>} : memref<16x384xf32, #tpu.memory_space<vmem>>, vector<16xf32>,
      %jit3A_1796 = arith.constant 0.000000e+00 : f32
      %broadcast_in_dim3A_1797 = vector.broadcast %jit3A_1796 : f32 to vector<16xf32>
      %select_n3A_1798 = arith.select %or3A_958, %get3A_1795, %broadcast_in_dim3A_1797 : vector<16xi1>, vector<16xf32>
      %swap3A_1799 = arith.index_cast %scan3A_1721 : i32 to index
      %swap3A_1800 = arith.constant 128 : index
      %swap3A_1801 = tpu.vector_load %arg8[%swap3A_1799, %swap3A_1800] {strides = array<i32>} : memref<16x384xf32, #tpu.memory_space<vmem>>, vector<16xf32>,
      tpu.vector_store %arg8[%swap3A_1799, %swap3A_1800], %select_n3A_1798 {strides = array<i32>} : memref<16x384xf32, #tpu.memory_space<vmem>>, vector<16xf32>,
      %get3A_1802 = arith.index_cast %scan3A_1721 : i32 to index
      %get3A_1803 = arith.constant 144 : index
      %get3A_1804 = tpu.vector_load %arg8[%get3A_1802, %get3A_1803] {strides = array<i32>} : memref<16x384xf32, #tpu.memory_space<vmem>>, vector<16xf32>,
      %jit3A_1805 = arith.constant 0.000000e+00 : f32
      %broadcast_in_dim3A_1806 = vector.broadcast %jit3A_1805 : f32 to vector<16xf32>
      %select_n3A_1807 = arith.select %or3A_965, %get3A_1804, %broadcast_in_dim3A_1806 : vector<16xi1>, vector<16xf32>
      %swap3A_1808 = arith.index_cast %scan3A_1721 : i32 to index
      %swap3A_1809 = arith.constant 144 : index
      %swap3A_1810 = tpu.vector_load %arg8[%swap3A_1808, %swap3A_1809] {strides = array<i32>} : memref<16x384xf32, #tpu.memory_space<vmem>>, vector<16xf32>,
      tpu.vector_store %arg8[%swap3A_1808, %swap3A_1809], %select_n3A_1807 {strides = array<i32>} : memref<16x384xf32, #tpu.memory_space<vmem>>, vector<16xf32>,
      %get3A_1811 = arith.index_cast %scan3A_1721 : i32 to index
      %get3A_1812 = arith.constant 160 : index
      %get3A_1813 = tpu.vector_load %arg8[%get3A_1811, %get3A_1812] {strides = array<i32>} : memref<16x384xf32, #tpu.memory_space<vmem>>, vector<16xf32>,
      %jit3A_1814 = arith.constant 0.000000e+00 : f32
      %broadcast_in_dim3A_1815 = vector.broadcast %jit3A_1814 : f32 to vector<16xf32>
      %select_n3A_1816 = arith.select %or3A_972, %get3A_1813, %broadcast_in_dim3A_1815 : vector<16xi1>, vector<16xf32>
      %swap3A_1817 = arith.index_cast %scan3A_1721 : i32 to index
      %swap3A_1818 = arith.constant 160 : index
      %swap3A_1819 = tpu.vector_load %arg8[%swap3A_1817, %swap3A_1818] {strides = array<i32>} : memref<16x384xf32, #tpu.memory_space<vmem>>, vector<16xf32>,
      tpu.vector_store %arg8[%swap3A_1817, %swap3A_1818], %select_n3A_1816 {strides = array<i32>} : memref<16x384xf32, #tpu.memory_space<vmem>>, vector<16xf32>,
      %get3A_1820 = arith.index_cast %scan3A_1721 : i32 to index
      %get3A_1821 = arith.constant 176 : index
      %get3A_1822 = tpu.vector_load %arg8[%get3A_1820, %get3A_1821] {strides = array<i32>} : memref<16x384xf32, #tpu.memory_space<vmem>>, vector<16xf32>,
      %jit3A_1823 = arith.constant 0.000000e+00 : f32
      %broadcast_in_dim3A_1824 = vector.broadcast %jit3A_1823 : f32 to vector<16xf32>
      %select_n3A_1825 = arith.select %or3A_979, %get3A_1822, %broadcast_in_dim3A_1824 : vector<16xi1>, vector<16xf32>
      %swap3A_1826 = arith.index_cast %scan3A_1721 : i32 to index
      %swap3A_1827 = arith.constant 176 : index
      %swap3A_1828 = tpu.vector_load %arg8[%swap3A_1826, %swap3A_1827] {strides = array<i32>} : memref<16x384xf32, #tpu.memory_space<vmem>>, vector<16xf32>,
      tpu.vector_store %arg8[%swap3A_1826, %swap3A_1827], %select_n3A_1825 {strides = array<i32>} : memref<16x384xf32, #tpu.memory_space<vmem>>, vector<16xf32>,
      %get3A_1829 = arith.index_cast %scan3A_1721 : i32 to index
      %get3A_1830 = arith.constant 192 : index
      %get3A_1831 = tpu.vector_load %arg8[%get3A_1829, %get3A_1830] {strides = array<i32>} : memref<16x384xf32, #tpu.memory_space<vmem>>, vector<16xf32>,
      %jit3A_1832 = arith.constant 0.000000e+00 : f32
      %broadcast_in_dim3A_1833 = vector.broadcast %jit3A_1832 : f32 to vector<16xf32>
      %select_n3A_1834 = arith.select %or3A_986, %get3A_1831, %broadcast_in_dim3A_1833 : vector<16xi1>, vector<16xf32>
      %swap3A_1835 = arith.index_cast %scan3A_1721 : i32 to index
      %swap3A_1836 = arith.constant 192 : index
      %swap3A_1837 = tpu.vector_load %arg8[%swap3A_1835, %swap3A_1836] {strides = array<i32>} : memref<16x384xf32, #tpu.memory_space<vmem>>, vector<16xf32>,
      tpu.vector_store %arg8[%swap3A_1835, %swap3A_1836], %select_n3A_1834 {strides = array<i32>} : memref<16x384xf32, #tpu.memory_space<vmem>>, vector<16xf32>,
      %get3A_1838 = arith.index_cast %scan3A_1721 : i32 to index
      %get3A_1839 = arith.constant 208 : index
      %get3A_1840 = tpu.vector_load %arg8[%get3A_1838, %get3A_1839] {strides = array<i32>} : memref<16x384xf32, #tpu.memory_space<vmem>>, vector<16xf32>,
      %jit3A_1841 = arith.constant 0.000000e+00 : f32
      %broadcast_in_dim3A_1842 = vector.broadcast %jit3A_1841 : f32 to vector<16xf32>
      %select_n3A_1843 = arith.select %or3A_993, %get3A_1840, %broadcast_in_dim3A_1842 : vector<16xi1>, vector<16xf32>
      %swap3A_1844 = arith.index_cast %scan3A_1721 : i32 to index
      %swap3A_1845 = arith.constant 208 : index
      %swap3A_1846 = tpu.vector_load %arg8[%swap3A_1844, %swap3A_1845] {strides = array<i32>} : memref<16x384xf32, #tpu.memory_space<vmem>>, vector<16xf32>,
      tpu.vector_store %arg8[%swap3A_1844, %swap3A_1845], %select_n3A_1843 {strides = array<i32>} : memref<16x384xf32, #tpu.memory_space<vmem>>, vector<16xf32>,
      %get3A_1847 = arith.index_cast %scan3A_1721 : i32 to index
      %get3A_1848 = arith.constant 224 : index
      %get3A_1849 = tpu.vector_load %arg8[%get3A_1847, %get3A_1848] {strides = array<i32>} : memref<16x384xf32, #tpu.memory_space<vmem>>, vector<16xf32>,
      %jit3A_1850 = arith.constant 0.000000e+00 : f32
      %broadcast_in_dim3A_1851 = vector.broadcast %jit3A_1850 : f32 to vector<16xf32>
      %select_n3A_1852 = arith.select %or3A_1000, %get3A_1849, %broadcast_in_dim3A_1851 : vector<16xi1>, vector<16xf32>
      %swap3A_1853 = arith.index_cast %scan3A_1721 : i32 to index
      %swap3A_1854 = arith.constant 224 : index
      %swap3A_1855 = tpu.vector_load %arg8[%swap3A_1853, %swap3A_1854] {strides = array<i32>} : memref<16x384xf32, #tpu.memory_space<vmem>>, vector<16xf32>,
      tpu.vector_store %arg8[%swap3A_1853, %swap3A_1854], %select_n3A_1852 {strides = array<i32>} : memref<16x384xf32, #tpu.memory_space<vmem>>, vector<16xf32>,
      %get3A_1856 = arith.index_cast %scan3A_1721 : i32 to index
      %get3A_1857 = arith.constant 240 : index
      %get3A_1858 = tpu.vector_load %arg8[%get3A_1856, %get3A_1857] {strides = array<i32>} : memref<16x384xf32, #tpu.memory_space<vmem>>, vector<16xf32>,
      %jit3A_1859 = arith.constant 0.000000e+00 : f32
      %broadcast_in_dim3A_1860 = vector.broadcast %jit3A_1859 : f32 to vector<16xf32>
      %select_n3A_1861 = arith.select %or3A_1007, %get3A_1858, %broadcast_in_dim3A_1860 : vector<16xi1>, vector<16xf32>
      %swap3A_1862 = arith.index_cast %scan3A_1721 : i32 to index
      %swap3A_1863 = arith.constant 240 : index
      %swap3A_1864 = tpu.vector_load %arg8[%swap3A_1862, %swap3A_1863] {strides = array<i32>} : memref<16x384xf32, #tpu.memory_space<vmem>>, vector<16xf32>,
      tpu.vector_store %arg8[%swap3A_1862, %swap3A_1863], %select_n3A_1861 {strides = array<i32>} : memref<16x384xf32, #tpu.memory_space<vmem>>, vector<16xf32>,
      %get3A_1865 = arith.index_cast %scan3A_1721 : i32 to index
      %get3A_1866 = arith.constant 256 : index
      %get3A_1867 = tpu.vector_load %arg8[%get3A_1865, %get3A_1866] {strides = array<i32>} : memref<16x384xf32, #tpu.memory_space<vmem>>, vector<16xf32>,
      %jit3A_1868 = arith.constant 0.000000e+00 : f32
      %broadcast_in_dim3A_1869 = vector.broadcast %jit3A_1868 : f32 to vector<16xf32>
      %select_n3A_1870 = arith.select %or3A_1014, %get3A_1867, %broadcast_in_dim3A_1869 : vector<16xi1>, vector<16xf32>
      %swap3A_1871 = arith.index_cast %scan3A_1721 : i32 to index
      %swap3A_1872 = arith.constant 256 : index
      %swap3A_1873 = tpu.vector_load %arg8[%swap3A_1871, %swap3A_1872] {strides = array<i32>} : memref<16x384xf32, #tpu.memory_space<vmem>>, vector<16xf32>,
      tpu.vector_store %arg8[%swap3A_1871, %swap3A_1872], %select_n3A_1870 {strides = array<i32>} : memref<16x384xf32, #tpu.memory_space<vmem>>, vector<16xf32>,
      %get3A_1874 = arith.index_cast %scan3A_1721 : i32 to index
      %get3A_1875 = arith.constant 272 : index
      %get3A_1876 = tpu.vector_load %arg8[%get3A_1874, %get3A_1875] {strides = array<i32>} : memref<16x384xf32, #tpu.memory_space<vmem>>, vector<16xf32>,
      %jit3A_1877 = arith.constant 0.000000e+00 : f32
      %broadcast_in_dim3A_1878 = vector.broadcast %jit3A_1877 : f32 to vector<16xf32>
      %select_n3A_1879 = arith.select %or3A_1021, %get3A_1876, %broadcast_in_dim3A_1878 : vector<16xi1>, vector<16xf32>
      %swap3A_1880 = arith.index_cast %scan3A_1721 : i32 to index
      %swap3A_1881 = arith.constant 272 : index
      %swap3A_1882 = tpu.vector_load %arg8[%swap3A_1880, %swap3A_1881] {strides = array<i32>} : memref<16x384xf32, #tpu.memory_space<vmem>>, vector<16xf32>,
      tpu.vector_store %arg8[%swap3A_1880, %swap3A_1881], %select_n3A_1879 {strides = array<i32>} : memref<16x384xf32, #tpu.memory_space<vmem>>, vector<16xf32>,
      %get3A_1883 = arith.index_cast %scan3A_1721 : i32 to index
      %get3A_1884 = arith.constant 288 : index
      %get3A_1885 = tpu.vector_load %arg8[%get3A_1883, %get3A_1884] {strides = array<i32>} : memref<16x384xf32, #tpu.memory_space<vmem>>, vector<16xf32>,
      %jit3A_1886 = arith.constant 0.000000e+00 : f32
      %broadcast_in_dim3A_1887 = vector.broadcast %jit3A_1886 : f32 to vector<16xf32>
      %select_n3A_1888 = arith.select %or3A_1028, %get3A_1885, %broadcast_in_dim3A_1887 : vector<16xi1>, vector<16xf32>
      %swap3A_1889 = arith.index_cast %scan3A_1721 : i32 to index
      %swap3A_1890 = arith.constant 288 : index
      %swap3A_1891 = tpu.vector_load %arg8[%swap3A_1889, %swap3A_1890] {strides = array<i32>} : memref<16x384xf32, #tpu.memory_space<vmem>>, vector<16xf32>,
      tpu.vector_store %arg8[%swap3A_1889, %swap3A_1890], %select_n3A_1888 {strides = array<i32>} : memref<16x384xf32, #tpu.memory_space<vmem>>, vector<16xf32>,
      %get3A_1892 = arith.index_cast %scan3A_1721 : i32 to index
      %get3A_1893 = arith.constant 304 : index
      %get3A_1894 = tpu.vector_load %arg8[%get3A_1892, %get3A_1893] {strides = array<i32>} : memref<16x384xf32, #tpu.memory_space<vmem>>, vector<16xf32>,
      %jit3A_1895 = arith.constant 0.000000e+00 : f32
      %broadcast_in_dim3A_1896 = vector.broadcast %jit3A_1895 : f32 to vector<16xf32>
      %select_n3A_1897 = arith.select %or3A_1035, %get3A_1894, %broadcast_in_dim3A_1896 : vector<16xi1>, vector<16xf32>
      %swap3A_1898 = arith.index_cast %scan3A_1721 : i32 to index
      %swap3A_1899 = arith.constant 304 : index
      %swap3A_1900 = tpu.vector_load %arg8[%swap3A_1898, %swap3A_1899] {strides = array<i32>} : memref<16x384xf32, #tpu.memory_space<vmem>>, vector<16xf32>,
      tpu.vector_store %arg8[%swap3A_1898, %swap3A_1899], %select_n3A_1897 {strides = array<i32>} : memref<16x384xf32, #tpu.memory_space<vmem>>, vector<16xf32>,
      %get3A_1901 = arith.index_cast %scan3A_1721 : i32 to index
      %get3A_1902 = arith.constant 320 : index
      %get3A_1903 = tpu.vector_load %arg8[%get3A_1901, %get3A_1902] {strides = array<i32>} : memref<16x384xf32, #tpu.memory_space<vmem>>, vector<16xf32>,
      %jit3A_1904 = arith.constant 0.000000e+00 : f32
      %broadcast_in_dim3A_1905 = vector.broadcast %jit3A_1904 : f32 to vector<16xf32>
      %select_n3A_1906 = arith.select %or3A_1042, %get3A_1903, %broadcast_in_dim3A_1905 : vector<16xi1>, vector<16xf32>
      %swap3A_1907 = arith.index_cast %scan3A_1721 : i32 to index
      %swap3A_1908 = arith.constant 320 : index
      %swap3A_1909 = tpu.vector_load %arg8[%swap3A_1907, %swap3A_1908] {strides = array<i32>} : memref<16x384xf32, #tpu.memory_space<vmem>>, vector<16xf32>,
      tpu.vector_store %arg8[%swap3A_1907, %swap3A_1908], %select_n3A_1906 {strides = array<i32>} : memref<16x384xf32, #tpu.memory_space<vmem>>, vector<16xf32>,
      %get3A_1910 = arith.index_cast %scan3A_1721 : i32 to index
      %get3A_1911 = arith.constant 336 : index
      %get3A_1912 = tpu.vector_load %arg8[%get3A_1910, %get3A_1911] {strides = array<i32>} : memref<16x384xf32, #tpu.memory_space<vmem>>, vector<16xf32>,
      %jit3A_1913 = arith.constant 0.000000e+00 : f32
      %broadcast_in_dim3A_1914 = vector.broadcast %jit3A_1913 : f32 to vector<16xf32>
      %select_n3A_1915 = arith.select %or3A_1049, %get3A_1912, %broadcast_in_dim3A_1914 : vector<16xi1>, vector<16xf32>
      %swap3A_1916 = arith.index_cast %scan3A_1721 : i32 to index
      %swap3A_1917 = arith.constant 336 : index
      %swap3A_1918 = tpu.vector_load %arg8[%swap3A_1916, %swap3A_1917] {strides = array<i32>} : memref<16x384xf32, #tpu.memory_space<vmem>>, vector<16xf32>,
      tpu.vector_store %arg8[%swap3A_1916, %swap3A_1917], %select_n3A_1915 {strides = array<i32>} : memref<16x384xf32, #tpu.memory_space<vmem>>, vector<16xf32>,
      %get3A_1919 = arith.index_cast %scan3A_1721 : i32 to index
      %get3A_1920 = arith.constant 352 : index
      %get3A_1921 = tpu.vector_load %arg8[%get3A_1919, %get3A_1920] {strides = array<i32>} : memref<16x384xf32, #tpu.memory_space<vmem>>, vector<16xf32>,
      %jit3A_1922 = arith.constant 0.000000e+00 : f32
      %broadcast_in_dim3A_1923 = vector.broadcast %jit3A_1922 : f32 to vector<16xf32>
      %select_n3A_1924 = arith.select %or3A_1056, %get3A_1921, %broadcast_in_dim3A_1923 : vector<16xi1>, vector<16xf32>
      %swap3A_1925 = arith.index_cast %scan3A_1721 : i32 to index
      %swap3A_1926 = arith.constant 352 : index
      %swap3A_1927 = tpu.vector_load %arg8[%swap3A_1925, %swap3A_1926] {strides = array<i32>} : memref<16x384xf32, #tpu.memory_space<vmem>>, vector<16xf32>,
      tpu.vector_store %arg8[%swap3A_1925, %swap3A_1926], %select_n3A_1924 {strides = array<i32>} : memref<16x384xf32, #tpu.memory_space<vmem>>, vector<16xf32>,
      %get3A_1928 = arith.index_cast %scan3A_1721 : i32 to index
      %get3A_1929 = arith.constant 368 : index
      %get3A_1930 = tpu.vector_load %arg8[%get3A_1928, %get3A_1929] {strides = array<i32>} : memref<16x384xf32, #tpu.memory_space<vmem>>, vector<16xf32>,
      %jit3A_1931 = arith.constant 0.000000e+00 : f32
      %broadcast_in_dim3A_1932 = vector.broadcast %jit3A_1931 : f32 to vector<16xf32>
      %select_n3A_1933 = arith.select %or3A_1063, %get3A_1930, %broadcast_in_dim3A_1932 : vector<16xi1>, vector<16xf32>
      %swap3A_1934 = arith.index_cast %scan3A_1721 : i32 to index
      %swap3A_1935 = arith.constant 368 : index
      %swap3A_1936 = tpu.vector_load %arg8[%swap3A_1934, %swap3A_1935] {strides = array<i32>} : memref<16x384xf32, #tpu.memory_space<vmem>>, vector<16xf32>,
      tpu.vector_store %arg8[%swap3A_1934, %swap3A_1935], %select_n3A_1933 {strides = array<i32>} : memref<16x384xf32, #tpu.memory_space<vmem>>, vector<16xf32>,
      %scan3A_1937 = arith.constant 0 : i32
      scf.yield %scan3A_1937 : i32
    }
    %scan3A_1070 = arith.constant 16 : i32
    "tpu.region"() ({
      %run_scoped3A = tpu.sem_alloc : memref<!tpu.dma_semaphore, #tpu.memory_space<semaphore_mem>>
      %dma_start3A = arith.constant 0 : i32
      %dma_start3A_1721 = tpu.memref_slice %arg2[%add3A_854, %dma_start3A, %multiple_of3A_895] : memref<128x16x16384xf32, #tpu.memory_space<hbm>> -> memref<1x16x384xf32, #tpu.memory_space<hbm>>
      %dma_start3A_1722 = tpu.memref_squeeze %dma_start3A_1721 : memref<1x16x384xf32, #tpu.memory_space<hbm>> -> memref<16x384xf32, #tpu.memory_space<hbm>>
      %dma_start3A_1723 = arith.constant 0 : i32
      %dma_start3A_1724 = tpu.memref_slice %arg2[%add3A_854, %dma_start3A_1723, %multiple_of3A_895] : memref<128x16x16384xf32, #tpu.memory_space<hbm>> -> memref<1x16x384xf32, #tpu.memory_space<hbm>>
      %dma_start3A_1725 = tpu.memref_squeeze %dma_start3A_1724 : memref<1x16x384xf32, #tpu.memory_space<hbm>> -> memref<16x384xf32, #tpu.memory_space<hbm>>
      tpu.enqueue_dma source(%arg8 : memref<16x384xf32, #tpu.memory_space<vmem>>) target(%dma_start3A_1725 : memref<16x384xf32, #tpu.memory_space<hbm>>) target_semaphore(%run_scoped3A : memref<!tpu.dma_semaphore, #tpu.memory_space<semaphore_mem>>)
      %dma_wait3A = arith.constant 0 : i32
      %dma_wait3A_1726 = tpu.memref_slice %arg2[%add3A_854, %dma_wait3A, %multiple_of3A_895] : memref<128x16x16384xf32, #tpu.memory_space<hbm>> -> memref<1x16x384xf32, #tpu.memory_space<hbm>>
      %dma_wait3A_1727 = tpu.memref_squeeze %dma_wait3A_1726 : memref<1x16x384xf32, #tpu.memory_space<hbm>> -> memref<16x384xf32, #tpu.memory_space<hbm>>
      %dma_wait3A_1728 = arith.constant 0 : i32
      %dma_wait3A_1729 = tpu.memref_slice %arg2[%add3A_854, %dma_wait3A_1728, %multiple_of3A_895] : memref<128x16x16384xf32, #tpu.memory_space<hbm>> -> memref<1x16x384xf32, #tpu.memory_space<hbm>>
      %dma_wait3A_1730 = tpu.memref_squeeze %dma_wait3A_1729 : memref<1x16x384xf32, #tpu.memory_space<hbm>> -> memref<16x384xf32, #tpu.memory_space<hbm>>
      tpu.wait_dma2 semaphore(%run_scoped3A : memref<!tpu.dma_semaphore, #tpu.memory_space<semaphore_mem>>) src(%arg8 : memref<16x384xf32, #tpu.memory_space<vmem>>) dst(%dma_wait3A_1730 : memref<16x384xf32, #tpu.memory_space<hbm>>)
      tpu.yield
    }) : () -> ()
    %broadcast_in_dim3A_1071 = arith.constant 128 : i32
    %broadcast_in_dim3A_1072 = vector.broadcast %broadcast_in_dim3A_1071 : i32 to vector<16xi32>
    %add3A_1073 = vector.broadcast %add3A_854 : i32 to vector<16xi32>
    %add3A_1074 = arith.addi %broadcast_in_dim3A_1072, %add3A_1073 : vector<16xi32>
    %gather3A_1075 = tpu.vector_load_idx %arg6[%add3A_1074] : memref<256xi32, #tpu.memory_space<vmem>>[vector<16xi32>], vector<16xi32>,
    %gather3A_1076 = tpu.vector_load_idx %arg7[%add3A_1074] : memref<256xi32, #tpu.memory_space<vmem>>[vector<16xi32>], vector<16xi32>,
    %add3A_1077 = arith.addi %gather3A_1075, %gather3A_1076 : vector<16xi32>
    %min3A_1078 = arith.constant 16384 : i32
    %min3A_1079 = vector.broadcast %min3A_1078 : i32 to vector<16xi32>
    %min3A_1080 = arith.minsi %add3A_1077, %min3A_1079 : vector<16xi32>
    %slice3A_1081 = vector.extract_strided_slice %gather3A_1075 {offsets = [0], sizes = [1], strides = [1]} : vector<16xi32> to vector<1xi32>
    %squeeze3A_1082 = vector.extract %slice3A_1081[0] : i32 from vector<1xi32>
    %jit3A_1083 = arith.constant 128 : i32
    %div3A_1084 = arith.divsi %squeeze3A_1082, %jit3A_1083 : i32
    %sign3A_1085 = arith.constant 0 : i32
    %sign3A_1086 = arith.cmpi sgt, %squeeze3A_1082, %sign3A_1085 : i32
    %sign3A_1087 = arith.extui %sign3A_1086 : i1 to i32
    %sign3A_1088 = arith.constant 0 : i32
    %sign3A_1089 = arith.cmpi slt, %squeeze3A_1082, %sign3A_1088 : i32
    %sign3A_1090 = arith.extui %sign3A_1089 : i1 to i32
    %sign3A_1091 = arith.subi %sign3A_1087, %sign3A_1090 : i32
    %sign3A_1092 = arith.constant 0 : i32
    %sign3A_1093 = arith.cmpi sgt, %jit3A_1083, %sign3A_1092 : i32
    %sign3A_1094 = arith.extui %sign3A_1093 : i1 to i32
    %sign3A_1095 = arith.constant 0 : i32
    %sign3A_1096 = arith.cmpi slt, %jit3A_1083, %sign3A_1095 : i32
    %sign3A_1097 = arith.extui %sign3A_1096 : i1 to i32
    %sign3A_1098 = arith.subi %sign3A_1094, %sign3A_1097 : i32
    %ne3A_1099 = arith.cmpi ne, %sign3A_1091, %sign3A_1098 : i32
    %rem3A_1100 = arith.remsi %squeeze3A_1082, %jit3A_1083 : i32
    %ne3A_1101 = arith.constant 0 : i32
    %ne3A_1102 = arith.cmpi ne, %rem3A_1100, %ne3A_1101 : i32
    %and3A_1103 = arith.andi %ne3A_1099, %ne3A_1102 : i1
    %sub3A_1104 = arith.constant 1 : i32
    %sub3A_1105 = arith.subi %div3A_1084, %sub3A_1104 : i32
    %select_n3A_1106 = arith.select %and3A_1103, %sub3A_1105, %div3A_1084 : i32
    %mul3A_1107 = arith.constant 128 : i32
    %mul3A_1108 = arith.muli %select_n3A_1106, %mul3A_1107 : i32
    %min3A_1109 = arith.constant 16000 : i32
    %min3A_1110 = arith.minsi %mul3A_1108, %min3A_1109 : i32
    %multiple_of3A_1111 = tpu.assume_multiple %min3A_1110, 128 : i32
    "tpu.region"() ({
      %run_scoped3A = tpu.sem_alloc : memref<!tpu.dma_semaphore, #tpu.memory_space<semaphore_mem>>
      %dma_start3A = arith.constant 0 : i32
      %dma_start3A_1721 = tpu.memref_slice %arg2[%add3A_854, %dma_start3A, %multiple_of3A_1111] : memref<128x16x16384xf32, #tpu.memory_space<hbm>> -> memref<1x16x384xf32, #tpu.memory_space<hbm>>
      %dma_start3A_1722 = tpu.memref_squeeze %dma_start3A_1721 : memref<1x16x384xf32, #tpu.memory_space<hbm>> -> memref<16x384xf32, #tpu.memory_space<hbm>>
      %dma_start3A_1723 = arith.constant 0 : i32
      %dma_start3A_1724 = tpu.memref_slice %arg2[%add3A_854, %dma_start3A_1723, %multiple_of3A_1111] : memref<128x16x16384xf32, #tpu.memory_space<hbm>> -> memref<1x16x384xf32, #tpu.memory_space<hbm>>
      %dma_start3A_1725 = tpu.memref_squeeze %dma_start3A_1724 : memref<1x16x384xf32, #tpu.memory_space<hbm>> -> memref<16x384xf32, #tpu.memory_space<hbm>>
      tpu.enqueue_dma source(%dma_start3A_1725 : memref<16x384xf32, #tpu.memory_space<hbm>>) target(%arg8 : memref<16x384xf32, #tpu.memory_space<vmem>>) target_semaphore(%run_scoped3A : memref<!tpu.dma_semaphore, #tpu.memory_space<semaphore_mem>>)
      %dma_wait3A = arith.constant 0 : i32
      %dma_wait3A_1726 = tpu.memref_slice %arg2[%add3A_854, %dma_wait3A, %multiple_of3A_1111] : memref<128x16x16384xf32, #tpu.memory_space<hbm>> -> memref<1x16x384xf32, #tpu.memory_space<hbm>>
      %dma_wait3A_1727 = tpu.memref_squeeze %dma_wait3A_1726 : memref<1x16x384xf32, #tpu.memory_space<hbm>> -> memref<16x384xf32, #tpu.memory_space<hbm>>
      %dma_wait3A_1728 = arith.constant 0 : i32
      %dma_wait3A_1729 = tpu.memref_slice %arg2[%add3A_854, %dma_wait3A_1728, %multiple_of3A_1111] : memref<128x16x16384xf32, #tpu.memory_space<hbm>> -> memref<1x16x384xf32, #tpu.memory_space<hbm>>
      %dma_wait3A_1730 = tpu.memref_squeeze %dma_wait3A_1729 : memref<1x16x384xf32, #tpu.memory_space<hbm>> -> memref<16x384xf32, #tpu.memory_space<hbm>>
      tpu.wait_dma2 semaphore(%run_scoped3A : memref<!tpu.dma_semaphore, #tpu.memory_space<semaphore_mem>>) src(%dma_wait3A_1730 : memref<16x384xf32, #tpu.memory_space<hbm>>) dst(%arg8 : memref<16x384xf32, #tpu.memory_space<vmem>>)
      tpu.yield
    }) : () -> ()
    %add3A_1112 = arith.constant 0 : i32
    %add3A_1113 = arith.addi %multiple_of3A_1111, %add3A_1112 : i32
    %add3A_1114 = vector.broadcast %add3A_1113 : i32 to vector<16xi32>
    %add3A_1115 = arith.addi %add3A_1114, %iota3A : vector<16xi32>
    %lt3A_1116 = arith.cmpi slt, %add3A_1115, %gather3A_1075 : vector<16xi32>
    %ge3A_1117 = arith.cmpi sge, %add3A_1115, %min3A_1080 : vector<16xi32>
    %or3A_1118 = arith.ori %lt3A_1116, %ge3A_1117 : vector<16xi1>
    %add3A_1119 = arith.constant 16 : i32
    %add3A_1120 = arith.addi %multiple_of3A_1111, %add3A_1119 : i32
    %add3A_1121 = vector.broadcast %add3A_1120 : i32 to vector<16xi32>
    %add3A_1122 = arith.addi %add3A_1121, %iota3A : vector<16xi32>
    %lt3A_1123 = arith.cmpi slt, %add3A_1122, %gather3A_1075 : vector<16xi32>
    %ge3A_1124 = arith.cmpi sge, %add3A_1122, %min3A_1080 : vector<16xi32>
    %or3A_1125 = arith.ori %lt3A_1123, %ge3A_1124 : vector<16xi1>
    %add3A_1126 = arith.constant 32 : i32
    %add3A_1127 = arith.addi %multiple_of3A_1111, %add3A_1126 : i32
    %add3A_1128 = vector.broadcast %add3A_1127 : i32 to vector<16xi32>
    %add3A_1129 = arith.addi %add3A_1128, %iota3A : vector<16xi32>
    %lt3A_1130 = arith.cmpi slt, %add3A_1129, %gather3A_1075 : vector<16xi32>
    %ge3A_1131 = arith.cmpi sge, %add3A_1129, %min3A_1080 : vector<16xi32>
    %or3A_1132 = arith.ori %lt3A_1130, %ge3A_1131 : vector<16xi1>
    %add3A_1133 = arith.constant 48 : i32
    %add3A_1134 = arith.addi %multiple_of3A_1111, %add3A_1133 : i32
    %add3A_1135 = vector.broadcast %add3A_1134 : i32 to vector<16xi32>
    %add3A_1136 = arith.addi %add3A_1135, %iota3A : vector<16xi32>
    %lt3A_1137 = arith.cmpi slt, %add3A_1136, %gather3A_1075 : vector<16xi32>
    %ge3A_1138 = arith.cmpi sge, %add3A_1136, %min3A_1080 : vector<16xi32>
    %or3A_1139 = arith.ori %lt3A_1137, %ge3A_1138 : vector<16xi1>
    %add3A_1140 = arith.constant 64 : i32
    %add3A_1141 = arith.addi %multiple_of3A_1111, %add3A_1140 : i32
    %add3A_1142 = vector.broadcast %add3A_1141 : i32 to vector<16xi32>
    %add3A_1143 = arith.addi %add3A_1142, %iota3A : vector<16xi32>
    %lt3A_1144 = arith.cmpi slt, %add3A_1143, %gather3A_1075 : vector<16xi32>
    %ge3A_1145 = arith.cmpi sge, %add3A_1143, %min3A_1080 : vector<16xi32>
    %or3A_1146 = arith.ori %lt3A_1144, %ge3A_1145 : vector<16xi1>
    %add3A_1147 = arith.constant 80 : i32
    %add3A_1148 = arith.addi %multiple_of3A_1111, %add3A_1147 : i32
    %add3A_1149 = vector.broadcast %add3A_1148 : i32 to vector<16xi32>
    %add3A_1150 = arith.addi %add3A_1149, %iota3A : vector<16xi32>
    %lt3A_1151 = arith.cmpi slt, %add3A_1150, %gather3A_1075 : vector<16xi32>
    %ge3A_1152 = arith.cmpi sge, %add3A_1150, %min3A_1080 : vector<16xi32>
    %or3A_1153 = arith.ori %lt3A_1151, %ge3A_1152 : vector<16xi1>
    %add3A_1154 = arith.constant 96 : i32
    %add3A_1155 = arith.addi %multiple_of3A_1111, %add3A_1154 : i32
    %add3A_1156 = vector.broadcast %add3A_1155 : i32 to vector<16xi32>
    %add3A_1157 = arith.addi %add3A_1156, %iota3A : vector<16xi32>
    %lt3A_1158 = arith.cmpi slt, %add3A_1157, %gather3A_1075 : vector<16xi32>
    %ge3A_1159 = arith.cmpi sge, %add3A_1157, %min3A_1080 : vector<16xi32>
    %or3A_1160 = arith.ori %lt3A_1158, %ge3A_1159 : vector<16xi1>
    %add3A_1161 = arith.constant 112 : i32
    %add3A_1162 = arith.addi %multiple_of3A_1111, %add3A_1161 : i32
    %add3A_1163 = vector.broadcast %add3A_1162 : i32 to vector<16xi32>
    %add3A_1164 = arith.addi %add3A_1163, %iota3A : vector<16xi32>
    %lt3A_1165 = arith.cmpi slt, %add3A_1164, %gather3A_1075 : vector<16xi32>
    %ge3A_1166 = arith.cmpi sge, %add3A_1164, %min3A_1080 : vector<16xi32>
    %or3A_1167 = arith.ori %lt3A_1165, %ge3A_1166 : vector<16xi1>
    %add3A_1168 = arith.constant 128 : i32
    %add3A_1169 = arith.addi %multiple_of3A_1111, %add3A_1168 : i32
    %add3A_1170 = vector.broadcast %add3A_1169 : i32 to vector<16xi32>
    %add3A_1171 = arith.addi %add3A_1170, %iota3A : vector<16xi32>
    %lt3A_1172 = arith.cmpi slt, %add3A_1171, %gather3A_1075 : vector<16xi32>
    %ge3A_1173 = arith.cmpi sge, %add3A_1171, %min3A_1080 : vector<16xi32>
    %or3A_1174 = arith.ori %lt3A_1172, %ge3A_1173 : vector<16xi1>
    %add3A_1175 = arith.constant 144 : i32
    %add3A_1176 = arith.addi %multiple_of3A_1111, %add3A_1175 : i32
    %add3A_1177 = vector.broadcast %add3A_1176 : i32 to vector<16xi32>
    %add3A_1178 = arith.addi %add3A_1177, %iota3A : vector<16xi32>
    %lt3A_1179 = arith.cmpi slt, %add3A_1178, %gather3A_1075 : vector<16xi32>
    %ge3A_1180 = arith.cmpi sge, %add3A_1178, %min3A_1080 : vector<16xi32>
    %or3A_1181 = arith.ori %lt3A_1179, %ge3A_1180 : vector<16xi1>
    %add3A_1182 = arith.constant 160 : i32
    %add3A_1183 = arith.addi %multiple_of3A_1111, %add3A_1182 : i32
    %add3A_1184 = vector.broadcast %add3A_1183 : i32 to vector<16xi32>
    %add3A_1185 = arith.addi %add3A_1184, %iota3A : vector<16xi32>
    %lt3A_1186 = arith.cmpi slt, %add3A_1185, %gather3A_1075 : vector<16xi32>
    %ge3A_1187 = arith.cmpi sge, %add3A_1185, %min3A_1080 : vector<16xi32>
    %or3A_1188 = arith.ori %lt3A_1186, %ge3A_1187 : vector<16xi1>
    %add3A_1189 = arith.constant 176 : i32
    %add3A_1190 = arith.addi %multiple_of3A_1111, %add3A_1189 : i32
    %add3A_1191 = vector.broadcast %add3A_1190 : i32 to vector<16xi32>
    %add3A_1192 = arith.addi %add3A_1191, %iota3A : vector<16xi32>
    %lt3A_1193 = arith.cmpi slt, %add3A_1192, %gather3A_1075 : vector<16xi32>
    %ge3A_1194 = arith.cmpi sge, %add3A_1192, %min3A_1080 : vector<16xi32>
    %or3A_1195 = arith.ori %lt3A_1193, %ge3A_1194 : vector<16xi1>
    %add3A_1196 = arith.constant 192 : i32
    %add3A_1197 = arith.addi %multiple_of3A_1111, %add3A_1196 : i32
    %add3A_1198 = vector.broadcast %add3A_1197 : i32 to vector<16xi32>
    %add3A_1199 = arith.addi %add3A_1198, %iota3A : vector<16xi32>
    %lt3A_1200 = arith.cmpi slt, %add3A_1199, %gather3A_1075 : vector<16xi32>
    %ge3A_1201 = arith.cmpi sge, %add3A_1199, %min3A_1080 : vector<16xi32>
    %or3A_1202 = arith.ori %lt3A_1200, %ge3A_1201 : vector<16xi1>
    %add3A_1203 = arith.constant 208 : i32
    %add3A_1204 = arith.addi %multiple_of3A_1111, %add3A_1203 : i32
    %add3A_1205 = vector.broadcast %add3A_1204 : i32 to vector<16xi32>
    %add3A_1206 = arith.addi %add3A_1205, %iota3A : vector<16xi32>
    %lt3A_1207 = arith.cmpi slt, %add3A_1206, %gather3A_1075 : vector<16xi32>
    %ge3A_1208 = arith.cmpi sge, %add3A_1206, %min3A_1080 : vector<16xi32>
    %or3A_1209 = arith.ori %lt3A_1207, %ge3A_1208 : vector<16xi1>
    %add3A_1210 = arith.constant 224 : i32
    %add3A_1211 = arith.addi %multiple_of3A_1111, %add3A_1210 : i32
    %add3A_1212 = vector.broadcast %add3A_1211 : i32 to vector<16xi32>
    %add3A_1213 = arith.addi %add3A_1212, %iota3A : vector<16xi32>
    %lt3A_1214 = arith.cmpi slt, %add3A_1213, %gather3A_1075 : vector<16xi32>
    %ge3A_1215 = arith.cmpi sge, %add3A_1213, %min3A_1080 : vector<16xi32>
    %or3A_1216 = arith.ori %lt3A_1214, %ge3A_1215 : vector<16xi1>
    %add3A_1217 = arith.constant 240 : i32
    %add3A_1218 = arith.addi %multiple_of3A_1111, %add3A_1217 : i32
    %add3A_1219 = vector.broadcast %add3A_1218 : i32 to vector<16xi32>
    %add3A_1220 = arith.addi %add3A_1219, %iota3A : vector<16xi32>
    %lt3A_1221 = arith.cmpi slt, %add3A_1220, %gather3A_1075 : vector<16xi32>
    %ge3A_1222 = arith.cmpi sge, %add3A_1220, %min3A_1080 : vector<16xi32>
    %or3A_1223 = arith.ori %lt3A_1221, %ge3A_1222 : vector<16xi1>
    %add3A_1224 = arith.constant 256 : i32
    %add3A_1225 = arith.addi %multiple_of3A_1111, %add3A_1224 : i32
    %add3A_1226 = vector.broadcast %add3A_1225 : i32 to vector<16xi32>
    %add3A_1227 = arith.addi %add3A_1226, %iota3A : vector<16xi32>
    %lt3A_1228 = arith.cmpi slt, %add3A_1227, %gather3A_1075 : vector<16xi32>
    %ge3A_1229 = arith.cmpi sge, %add3A_1227, %min3A_1080 : vector<16xi32>
    %or3A_1230 = arith.ori %lt3A_1228, %ge3A_1229 : vector<16xi1>
    %add3A_1231 = arith.constant 272 : i32
    %add3A_1232 = arith.addi %multiple_of3A_1111, %add3A_1231 : i32
    %add3A_1233 = vector.broadcast %add3A_1232 : i32 to vector<16xi32>
    %add3A_1234 = arith.addi %add3A_1233, %iota3A : vector<16xi32>
    %lt3A_1235 = arith.cmpi slt, %add3A_1234, %gather3A_1075 : vector<16xi32>
    %ge3A_1236 = arith.cmpi sge, %add3A_1234, %min3A_1080 : vector<16xi32>
    %or3A_1237 = arith.ori %lt3A_1235, %ge3A_1236 : vector<16xi1>
    %add3A_1238 = arith.constant 288 : i32
    %add3A_1239 = arith.addi %multiple_of3A_1111, %add3A_1238 : i32
    %add3A_1240 = vector.broadcast %add3A_1239 : i32 to vector<16xi32>
    %add3A_1241 = arith.addi %add3A_1240, %iota3A : vector<16xi32>
    %lt3A_1242 = arith.cmpi slt, %add3A_1241, %gather3A_1075 : vector<16xi32>
    %ge3A_1243 = arith.cmpi sge, %add3A_1241, %min3A_1080 : vector<16xi32>
    %or3A_1244 = arith.ori %lt3A_1242, %ge3A_1243 : vector<16xi1>
    %add3A_1245 = arith.constant 304 : i32
    %add3A_1246 = arith.addi %multiple_of3A_1111, %add3A_1245 : i32
    %add3A_1247 = vector.broadcast %add3A_1246 : i32 to vector<16xi32>
    %add3A_1248 = arith.addi %add3A_1247, %iota3A : vector<16xi32>
    %lt3A_1249 = arith.cmpi slt, %add3A_1248, %gather3A_1075 : vector<16xi32>
    %ge3A_1250 = arith.cmpi sge, %add3A_1248, %min3A_1080 : vector<16xi32>
    %or3A_1251 = arith.ori %lt3A_1249, %ge3A_1250 : vector<16xi1>
    %add3A_1252 = arith.constant 320 : i32
    %add3A_1253 = arith.addi %multiple_of3A_1111, %add3A_1252 : i32
    %add3A_1254 = vector.broadcast %add3A_1253 : i32 to vector<16xi32>
    %add3A_1255 = arith.addi %add3A_1254, %iota3A : vector<16xi32>
    %lt3A_1256 = arith.cmpi slt, %add3A_1255, %gather3A_1075 : vector<16xi32>
    %ge3A_1257 = arith.cmpi sge, %add3A_1255, %min3A_1080 : vector<16xi32>
    %or3A_1258 = arith.ori %lt3A_1256, %ge3A_1257 : vector<16xi1>
    %add3A_1259 = arith.constant 336 : i32
    %add3A_1260 = arith.addi %multiple_of3A_1111, %add3A_1259 : i32
    %add3A_1261 = vector.broadcast %add3A_1260 : i32 to vector<16xi32>
    %add3A_1262 = arith.addi %add3A_1261, %iota3A : vector<16xi32>
    %lt3A_1263 = arith.cmpi slt, %add3A_1262, %gather3A_1075 : vector<16xi32>
    %ge3A_1264 = arith.cmpi sge, %add3A_1262, %min3A_1080 : vector<16xi32>
    %or3A_1265 = arith.ori %lt3A_1263, %ge3A_1264 : vector<16xi1>
    %add3A_1266 = arith.constant 352 : i32
    %add3A_1267 = arith.addi %multiple_of3A_1111, %add3A_1266 : i32
    %add3A_1268 = vector.broadcast %add3A_1267 : i32 to vector<16xi32>
    %add3A_1269 = arith.addi %add3A_1268, %iota3A : vector<16xi32>
    %lt3A_1270 = arith.cmpi slt, %add3A_1269, %gather3A_1075 : vector<16xi32>
    %ge3A_1271 = arith.cmpi sge, %add3A_1269, %min3A_1080 : vector<16xi32>
    %or3A_1272 = arith.ori %lt3A_1270, %ge3A_1271 : vector<16xi1>
    %add3A_1273 = arith.constant 368 : i32
    %add3A_1274 = arith.addi %multiple_of3A_1111, %add3A_1273 : i32
    %add3A_1275 = vector.broadcast %add3A_1274 : i32 to vector<16xi32>
    %add3A_1276 = arith.addi %add3A_1275, %iota3A : vector<16xi32>
    %lt3A_1277 = arith.cmpi slt, %add3A_1276, %gather3A_1075 : vector<16xi32>
    %ge3A_1278 = arith.cmpi sge, %add3A_1276, %min3A_1080 : vector<16xi32>
    %or3A_1279 = arith.ori %lt3A_1277, %ge3A_1278 : vector<16xi1>
    %scan3A_1280 = arith.constant 0 : i32
    %scan3A_1281 = arith.constant 0 : i32
    %scan3A_1282 = arith.constant 16 : i32
    %scan3A_1283 = arith.addi %scan3A_1281, %scan3A_1282 : i32
    %scan3A_1284 = arith.constant 1 : i32
    %scan3A_1285 = scf.for %scan3A_1721 = %scan3A_1281 to %scan3A_1283 step %scan3A_1284 iter_args(%scan3A_1722 = %scan3A_1280) -> (i32)  : i32 {
      %get3A = arith.index_cast %scan3A_1721 : i32 to index
      %get3A_1723 = arith.constant 0 : index
      %get3A_1724 = tpu.vector_load %arg8[%get3A, %get3A_1723] {strides = array<i32>} : memref<16x384xf32, #tpu.memory_space<vmem>>, vector<16xf32>,
      %jit3A_1725 = arith.constant 0.000000e+00 : f32
      %broadcast_in_dim3A_1726 = vector.broadcast %jit3A_1725 : f32 to vector<16xf32>
      %select_n3A_1727 = arith.select %or3A_1118, %get3A_1724, %broadcast_in_dim3A_1726 : vector<16xi1>, vector<16xf32>
      %swap3A = arith.index_cast %scan3A_1721 : i32 to index
      %swap3A_1728 = arith.constant 0 : index
      %swap3A_1729 = tpu.vector_load %arg8[%swap3A, %swap3A_1728] {strides = array<i32>} : memref<16x384xf32, #tpu.memory_space<vmem>>, vector<16xf32>,
      tpu.vector_store %arg8[%swap3A, %swap3A_1728], %select_n3A_1727 {strides = array<i32>} : memref<16x384xf32, #tpu.memory_space<vmem>>, vector<16xf32>,
      %get3A_1730 = arith.index_cast %scan3A_1721 : i32 to index
      %get3A_1731 = arith.constant 16 : index
      %get3A_1732 = tpu.vector_load %arg8[%get3A_1730, %get3A_1731] {strides = array<i32>} : memref<16x384xf32, #tpu.memory_space<vmem>>, vector<16xf32>,
      %jit3A_1733 = arith.constant 0.000000e+00 : f32
      %broadcast_in_dim3A_1734 = vector.broadcast %jit3A_1733 : f32 to vector<16xf32>
      %select_n3A_1735 = arith.select %or3A_1125, %get3A_1732, %broadcast_in_dim3A_1734 : vector<16xi1>, vector<16xf32>
      %swap3A_1736 = arith.index_cast %scan3A_1721 : i32 to index
      %swap3A_1737 = arith.constant 16 : index
      %swap3A_1738 = tpu.vector_load %arg8[%swap3A_1736, %swap3A_1737] {strides = array<i32>} : memref<16x384xf32, #tpu.memory_space<vmem>>, vector<16xf32>,
      tpu.vector_store %arg8[%swap3A_1736, %swap3A_1737], %select_n3A_1735 {strides = array<i32>} : memref<16x384xf32, #tpu.memory_space<vmem>>, vector<16xf32>,
      %get3A_1739 = arith.index_cast %scan3A_1721 : i32 to index
      %get3A_1740 = arith.constant 32 : index
      %get3A_1741 = tpu.vector_load %arg8[%get3A_1739, %get3A_1740] {strides = array<i32>} : memref<16x384xf32, #tpu.memory_space<vmem>>, vector<16xf32>,
      %jit3A_1742 = arith.constant 0.000000e+00 : f32
      %broadcast_in_dim3A_1743 = vector.broadcast %jit3A_1742 : f32 to vector<16xf32>
      %select_n3A_1744 = arith.select %or3A_1132, %get3A_1741, %broadcast_in_dim3A_1743 : vector<16xi1>, vector<16xf32>
      %swap3A_1745 = arith.index_cast %scan3A_1721 : i32 to index
      %swap3A_1746 = arith.constant 32 : index
      %swap3A_1747 = tpu.vector_load %arg8[%swap3A_1745, %swap3A_1746] {strides = array<i32>} : memref<16x384xf32, #tpu.memory_space<vmem>>, vector<16xf32>,
      tpu.vector_store %arg8[%swap3A_1745, %swap3A_1746], %select_n3A_1744 {strides = array<i32>} : memref<16x384xf32, #tpu.memory_space<vmem>>, vector<16xf32>,
      %get3A_1748 = arith.index_cast %scan3A_1721 : i32 to index
      %get3A_1749 = arith.constant 48 : index
      %get3A_1750 = tpu.vector_load %arg8[%get3A_1748, %get3A_1749] {strides = array<i32>} : memref<16x384xf32, #tpu.memory_space<vmem>>, vector<16xf32>,
      %jit3A_1751 = arith.constant 0.000000e+00 : f32
      %broadcast_in_dim3A_1752 = vector.broadcast %jit3A_1751 : f32 to vector<16xf32>
      %select_n3A_1753 = arith.select %or3A_1139, %get3A_1750, %broadcast_in_dim3A_1752 : vector<16xi1>, vector<16xf32>
      %swap3A_1754 = arith.index_cast %scan3A_1721 : i32 to index
      %swap3A_1755 = arith.constant 48 : index
      %swap3A_1756 = tpu.vector_load %arg8[%swap3A_1754, %swap3A_1755] {strides = array<i32>} : memref<16x384xf32, #tpu.memory_space<vmem>>, vector<16xf32>,
      tpu.vector_store %arg8[%swap3A_1754, %swap3A_1755], %select_n3A_1753 {strides = array<i32>} : memref<16x384xf32, #tpu.memory_space<vmem>>, vector<16xf32>,
      %get3A_1757 = arith.index_cast %scan3A_1721 : i32 to index
      %get3A_1758 = arith.constant 64 : index
      %get3A_1759 = tpu.vector_load %arg8[%get3A_1757, %get3A_1758] {strides = array<i32>} : memref<16x384xf32, #tpu.memory_space<vmem>>, vector<16xf32>,
      %jit3A_1760 = arith.constant 0.000000e+00 : f32
      %broadcast_in_dim3A_1761 = vector.broadcast %jit3A_1760 : f32 to vector<16xf32>
      %select_n3A_1762 = arith.select %or3A_1146, %get3A_1759, %broadcast_in_dim3A_1761 : vector<16xi1>, vector<16xf32>
      %swap3A_1763 = arith.index_cast %scan3A_1721 : i32 to index
      %swap3A_1764 = arith.constant 64 : index
      %swap3A_1765 = tpu.vector_load %arg8[%swap3A_1763, %swap3A_1764] {strides = array<i32>} : memref<16x384xf32, #tpu.memory_space<vmem>>, vector<16xf32>,
      tpu.vector_store %arg8[%swap3A_1763, %swap3A_1764], %select_n3A_1762 {strides = array<i32>} : memref<16x384xf32, #tpu.memory_space<vmem>>, vector<16xf32>,
      %get3A_1766 = arith.index_cast %scan3A_1721 : i32 to index
      %get3A_1767 = arith.constant 80 : index
      %get3A_1768 = tpu.vector_load %arg8[%get3A_1766, %get3A_1767] {strides = array<i32>} : memref<16x384xf32, #tpu.memory_space<vmem>>, vector<16xf32>,
      %jit3A_1769 = arith.constant 0.000000e+00 : f32
      %broadcast_in_dim3A_1770 = vector.broadcast %jit3A_1769 : f32 to vector<16xf32>
      %select_n3A_1771 = arith.select %or3A_1153, %get3A_1768, %broadcast_in_dim3A_1770 : vector<16xi1>, vector<16xf32>
      %swap3A_1772 = arith.index_cast %scan3A_1721 : i32 to index
      %swap3A_1773 = arith.constant 80 : index
      %swap3A_1774 = tpu.vector_load %arg8[%swap3A_1772, %swap3A_1773] {strides = array<i32>} : memref<16x384xf32, #tpu.memory_space<vmem>>, vector<16xf32>,
      tpu.vector_store %arg8[%swap3A_1772, %swap3A_1773], %select_n3A_1771 {strides = array<i32>} : memref<16x384xf32, #tpu.memory_space<vmem>>, vector<16xf32>,
      %get3A_1775 = arith.index_cast %scan3A_1721 : i32 to index
      %get3A_1776 = arith.constant 96 : index
      %get3A_1777 = tpu.vector_load %arg8[%get3A_1775, %get3A_1776] {strides = array<i32>} : memref<16x384xf32, #tpu.memory_space<vmem>>, vector<16xf32>,
      %jit3A_1778 = arith.constant 0.000000e+00 : f32
      %broadcast_in_dim3A_1779 = vector.broadcast %jit3A_1778 : f32 to vector<16xf32>
      %select_n3A_1780 = arith.select %or3A_1160, %get3A_1777, %broadcast_in_dim3A_1779 : vector<16xi1>, vector<16xf32>
      %swap3A_1781 = arith.index_cast %scan3A_1721 : i32 to index
      %swap3A_1782 = arith.constant 96 : index
      %swap3A_1783 = tpu.vector_load %arg8[%swap3A_1781, %swap3A_1782] {strides = array<i32>} : memref<16x384xf32, #tpu.memory_space<vmem>>, vector<16xf32>,
      tpu.vector_store %arg8[%swap3A_1781, %swap3A_1782], %select_n3A_1780 {strides = array<i32>} : memref<16x384xf32, #tpu.memory_space<vmem>>, vector<16xf32>,
      %get3A_1784 = arith.index_cast %scan3A_1721 : i32 to index
      %get3A_1785 = arith.constant 112 : index
      %get3A_1786 = tpu.vector_load %arg8[%get3A_1784, %get3A_1785] {strides = array<i32>} : memref<16x384xf32, #tpu.memory_space<vmem>>, vector<16xf32>,
      %jit3A_1787 = arith.constant 0.000000e+00 : f32
      %broadcast_in_dim3A_1788 = vector.broadcast %jit3A_1787 : f32 to vector<16xf32>
      %select_n3A_1789 = arith.select %or3A_1167, %get3A_1786, %broadcast_in_dim3A_1788 : vector<16xi1>, vector<16xf32>
      %swap3A_1790 = arith.index_cast %scan3A_1721 : i32 to index
      %swap3A_1791 = arith.constant 112 : index
      %swap3A_1792 = tpu.vector_load %arg8[%swap3A_1790, %swap3A_1791] {strides = array<i32>} : memref<16x384xf32, #tpu.memory_space<vmem>>, vector<16xf32>,
      tpu.vector_store %arg8[%swap3A_1790, %swap3A_1791], %select_n3A_1789 {strides = array<i32>} : memref<16x384xf32, #tpu.memory_space<vmem>>, vector<16xf32>,
      %get3A_1793 = arith.index_cast %scan3A_1721 : i32 to index
      %get3A_1794 = arith.constant 128 : index
      %get3A_1795 = tpu.vector_load %arg8[%get3A_1793, %get3A_1794] {strides = array<i32>} : memref<16x384xf32, #tpu.memory_space<vmem>>, vector<16xf32>,
      %jit3A_1796 = arith.constant 0.000000e+00 : f32
      %broadcast_in_dim3A_1797 = vector.broadcast %jit3A_1796 : f32 to vector<16xf32>
      %select_n3A_1798 = arith.select %or3A_1174, %get3A_1795, %broadcast_in_dim3A_1797 : vector<16xi1>, vector<16xf32>
      %swap3A_1799 = arith.index_cast %scan3A_1721 : i32 to index
      %swap3A_1800 = arith.constant 128 : index
      %swap3A_1801 = tpu.vector_load %arg8[%swap3A_1799, %swap3A_1800] {strides = array<i32>} : memref<16x384xf32, #tpu.memory_space<vmem>>, vector<16xf32>,
      tpu.vector_store %arg8[%swap3A_1799, %swap3A_1800], %select_n3A_1798 {strides = array<i32>} : memref<16x384xf32, #tpu.memory_space<vmem>>, vector<16xf32>,
      %get3A_1802 = arith.index_cast %scan3A_1721 : i32 to index
      %get3A_1803 = arith.constant 144 : index
      %get3A_1804 = tpu.vector_load %arg8[%get3A_1802, %get3A_1803] {strides = array<i32>} : memref<16x384xf32, #tpu.memory_space<vmem>>, vector<16xf32>,
      %jit3A_1805 = arith.constant 0.000000e+00 : f32
      %broadcast_in_dim3A_1806 = vector.broadcast %jit3A_1805 : f32 to vector<16xf32>
      %select_n3A_1807 = arith.select %or3A_1181, %get3A_1804, %broadcast_in_dim3A_1806 : vector<16xi1>, vector<16xf32>
      %swap3A_1808 = arith.index_cast %scan3A_1721 : i32 to index
      %swap3A_1809 = arith.constant 144 : index
      %swap3A_1810 = tpu.vector_load %arg8[%swap3A_1808, %swap3A_1809] {strides = array<i32>} : memref<16x384xf32, #tpu.memory_space<vmem>>, vector<16xf32>,
      tpu.vector_store %arg8[%swap3A_1808, %swap3A_1809], %select_n3A_1807 {strides = array<i32>} : memref<16x384xf32, #tpu.memory_space<vmem>>, vector<16xf32>,
      %get3A_1811 = arith.index_cast %scan3A_1721 : i32 to index
      %get3A_1812 = arith.constant 160 : index
      %get3A_1813 = tpu.vector_load %arg8[%get3A_1811, %get3A_1812] {strides = array<i32>} : memref<16x384xf32, #tpu.memory_space<vmem>>, vector<16xf32>,
      %jit3A_1814 = arith.constant 0.000000e+00 : f32
      %broadcast_in_dim3A_1815 = vector.broadcast %jit3A_1814 : f32 to vector<16xf32>
      %select_n3A_1816 = arith.select %or3A_1188, %get3A_1813, %broadcast_in_dim3A_1815 : vector<16xi1>, vector<16xf32>
      %swap3A_1817 = arith.index_cast %scan3A_1721 : i32 to index
      %swap3A_1818 = arith.constant 160 : index
      %swap3A_1819 = tpu.vector_load %arg8[%swap3A_1817, %swap3A_1818] {strides = array<i32>} : memref<16x384xf32, #tpu.memory_space<vmem>>, vector<16xf32>,
      tpu.vector_store %arg8[%swap3A_1817, %swap3A_1818], %select_n3A_1816 {strides = array<i32>} : memref<16x384xf32, #tpu.memory_space<vmem>>, vector<16xf32>,
      %get3A_1820 = arith.index_cast %scan3A_1721 : i32 to index
      %get3A_1821 = arith.constant 176 : index
      %get3A_1822 = tpu.vector_load %arg8[%get3A_1820, %get3A_1821] {strides = array<i32>} : memref<16x384xf32, #tpu.memory_space<vmem>>, vector<16xf32>,
      %jit3A_1823 = arith.constant 0.000000e+00 : f32
      %broadcast_in_dim3A_1824 = vector.broadcast %jit3A_1823 : f32 to vector<16xf32>
      %select_n3A_1825 = arith.select %or3A_1195, %get3A_1822, %broadcast_in_dim3A_1824 : vector<16xi1>, vector<16xf32>
      %swap3A_1826 = arith.index_cast %scan3A_1721 : i32 to index
      %swap3A_1827 = arith.constant 176 : index
      %swap3A_1828 = tpu.vector_load %arg8[%swap3A_1826, %swap3A_1827] {strides = array<i32>} : memref<16x384xf32, #tpu.memory_space<vmem>>, vector<16xf32>,
      tpu.vector_store %arg8[%swap3A_1826, %swap3A_1827], %select_n3A_1825 {strides = array<i32>} : memref<16x384xf32, #tpu.memory_space<vmem>>, vector<16xf32>,
      %get3A_1829 = arith.index_cast %scan3A_1721 : i32 to index
      %get3A_1830 = arith.constant 192 : index
      %get3A_1831 = tpu.vector_load %arg8[%get3A_1829, %get3A_1830] {strides = array<i32>} : memref<16x384xf32, #tpu.memory_space<vmem>>, vector<16xf32>,
      %jit3A_1832 = arith.constant 0.000000e+00 : f32
      %broadcast_in_dim3A_1833 = vector.broadcast %jit3A_1832 : f32 to vector<16xf32>
      %select_n3A_1834 = arith.select %or3A_1202, %get3A_1831, %broadcast_in_dim3A_1833 : vector<16xi1>, vector<16xf32>
      %swap3A_1835 = arith.index_cast %scan3A_1721 : i32 to index
      %swap3A_1836 = arith.constant 192 : index
      %swap3A_1837 = tpu.vector_load %arg8[%swap3A_1835, %swap3A_1836] {strides = array<i32>} : memref<16x384xf32, #tpu.memory_space<vmem>>, vector<16xf32>,
      tpu.vector_store %arg8[%swap3A_1835, %swap3A_1836], %select_n3A_1834 {strides = array<i32>} : memref<16x384xf32, #tpu.memory_space<vmem>>, vector<16xf32>,
      %get3A_1838 = arith.index_cast %scan3A_1721 : i32 to index
      %get3A_1839 = arith.constant 208 : index
      %get3A_1840 = tpu.vector_load %arg8[%get3A_1838, %get3A_1839] {strides = array<i32>} : memref<16x384xf32, #tpu.memory_space<vmem>>, vector<16xf32>,
      %jit3A_1841 = arith.constant 0.000000e+00 : f32
      %broadcast_in_dim3A_1842 = vector.broadcast %jit3A_1841 : f32 to vector<16xf32>
      %select_n3A_1843 = arith.select %or3A_1209, %get3A_1840, %broadcast_in_dim3A_1842 : vector<16xi1>, vector<16xf32>
      %swap3A_1844 = arith.index_cast %scan3A_1721 : i32 to index
      %swap3A_1845 = arith.constant 208 : index
      %swap3A_1846 = tpu.vector_load %arg8[%swap3A_1844, %swap3A_1845] {strides = array<i32>} : memref<16x384xf32, #tpu.memory_space<vmem>>, vector<16xf32>,
      tpu.vector_store %arg8[%swap3A_1844, %swap3A_1845], %select_n3A_1843 {strides = array<i32>} : memref<16x384xf32, #tpu.memory_space<vmem>>, vector<16xf32>,
      %get3A_1847 = arith.index_cast %scan3A_1721 : i32 to index
      %get3A_1848 = arith.constant 224 : index
      %get3A_1849 = tpu.vector_load %arg8[%get3A_1847, %get3A_1848] {strides = array<i32>} : memref<16x384xf32, #tpu.memory_space<vmem>>, vector<16xf32>,
      %jit3A_1850 = arith.constant 0.000000e+00 : f32
      %broadcast_in_dim3A_1851 = vector.broadcast %jit3A_1850 : f32 to vector<16xf32>
      %select_n3A_1852 = arith.select %or3A_1216, %get3A_1849, %broadcast_in_dim3A_1851 : vector<16xi1>, vector<16xf32>
      %swap3A_1853 = arith.index_cast %scan3A_1721 : i32 to index
      %swap3A_1854 = arith.constant 224 : index
      %swap3A_1855 = tpu.vector_load %arg8[%swap3A_1853, %swap3A_1854] {strides = array<i32>} : memref<16x384xf32, #tpu.memory_space<vmem>>, vector<16xf32>,
      tpu.vector_store %arg8[%swap3A_1853, %swap3A_1854], %select_n3A_1852 {strides = array<i32>} : memref<16x384xf32, #tpu.memory_space<vmem>>, vector<16xf32>,
      %get3A_1856 = arith.index_cast %scan3A_1721 : i32 to index
      %get3A_1857 = arith.constant 240 : index
      %get3A_1858 = tpu.vector_load %arg8[%get3A_1856, %get3A_1857] {strides = array<i32>} : memref<16x384xf32, #tpu.memory_space<vmem>>, vector<16xf32>,
      %jit3A_1859 = arith.constant 0.000000e+00 : f32
      %broadcast_in_dim3A_1860 = vector.broadcast %jit3A_1859 : f32 to vector<16xf32>
      %select_n3A_1861 = arith.select %or3A_1223, %get3A_1858, %broadcast_in_dim3A_1860 : vector<16xi1>, vector<16xf32>
      %swap3A_1862 = arith.index_cast %scan3A_1721 : i32 to index
      %swap3A_1863 = arith.constant 240 : index
      %swap3A_1864 = tpu.vector_load %arg8[%swap3A_1862, %swap3A_1863] {strides = array<i32>} : memref<16x384xf32, #tpu.memory_space<vmem>>, vector<16xf32>,
      tpu.vector_store %arg8[%swap3A_1862, %swap3A_1863], %select_n3A_1861 {strides = array<i32>} : memref<16x384xf32, #tpu.memory_space<vmem>>, vector<16xf32>,
      %get3A_1865 = arith.index_cast %scan3A_1721 : i32 to index
      %get3A_1866 = arith.constant 256 : index
      %get3A_1867 = tpu.vector_load %arg8[%get3A_1865, %get3A_1866] {strides = array<i32>} : memref<16x384xf32, #tpu.memory_space<vmem>>, vector<16xf32>,
      %jit3A_1868 = arith.constant 0.000000e+00 : f32
      %broadcast_in_dim3A_1869 = vector.broadcast %jit3A_1868 : f32 to vector<16xf32>
      %select_n3A_1870 = arith.select %or3A_1230, %get3A_1867, %broadcast_in_dim3A_1869 : vector<16xi1>, vector<16xf32>
      %swap3A_1871 = arith.index_cast %scan3A_1721 : i32 to index
      %swap3A_1872 = arith.constant 256 : index
      %swap3A_1873 = tpu.vector_load %arg8[%swap3A_1871, %swap3A_1872] {strides = array<i32>} : memref<16x384xf32, #tpu.memory_space<vmem>>, vector<16xf32>,
      tpu.vector_store %arg8[%swap3A_1871, %swap3A_1872], %select_n3A_1870 {strides = array<i32>} : memref<16x384xf32, #tpu.memory_space<vmem>>, vector<16xf32>,
      %get3A_1874 = arith.index_cast %scan3A_1721 : i32 to index
      %get3A_1875 = arith.constant 272 : index
      %get3A_1876 = tpu.vector_load %arg8[%get3A_1874, %get3A_1875] {strides = array<i32>} : memref<16x384xf32, #tpu.memory_space<vmem>>, vector<16xf32>,
      %jit3A_1877 = arith.constant 0.000000e+00 : f32
      %broadcast_in_dim3A_1878 = vector.broadcast %jit3A_1877 : f32 to vector<16xf32>
      %select_n3A_1879 = arith.select %or3A_1237, %get3A_1876, %broadcast_in_dim3A_1878 : vector<16xi1>, vector<16xf32>
      %swap3A_1880 = arith.index_cast %scan3A_1721 : i32 to index
      %swap3A_1881 = arith.constant 272 : index
      %swap3A_1882 = tpu.vector_load %arg8[%swap3A_1880, %swap3A_1881] {strides = array<i32>} : memref<16x384xf32, #tpu.memory_space<vmem>>, vector<16xf32>,
      tpu.vector_store %arg8[%swap3A_1880, %swap3A_1881], %select_n3A_1879 {strides = array<i32>} : memref<16x384xf32, #tpu.memory_space<vmem>>, vector<16xf32>,
      %get3A_1883 = arith.index_cast %scan3A_1721 : i32 to index
      %get3A_1884 = arith.constant 288 : index
      %get3A_1885 = tpu.vector_load %arg8[%get3A_1883, %get3A_1884] {strides = array<i32>} : memref<16x384xf32, #tpu.memory_space<vmem>>, vector<16xf32>,
      %jit3A_1886 = arith.constant 0.000000e+00 : f32
      %broadcast_in_dim3A_1887 = vector.broadcast %jit3A_1886 : f32 to vector<16xf32>
      %select_n3A_1888 = arith.select %or3A_1244, %get3A_1885, %broadcast_in_dim3A_1887 : vector<16xi1>, vector<16xf32>
      %swap3A_1889 = arith.index_cast %scan3A_1721 : i32 to index
      %swap3A_1890 = arith.constant 288 : index
      %swap3A_1891 = tpu.vector_load %arg8[%swap3A_1889, %swap3A_1890] {strides = array<i32>} : memref<16x384xf32, #tpu.memory_space<vmem>>, vector<16xf32>,
      tpu.vector_store %arg8[%swap3A_1889, %swap3A_1890], %select_n3A_1888 {strides = array<i32>} : memref<16x384xf32, #tpu.memory_space<vmem>>, vector<16xf32>,
      %get3A_1892 = arith.index_cast %scan3A_1721 : i32 to index
      %get3A_1893 = arith.constant 304 : index
      %get3A_1894 = tpu.vector_load %arg8[%get3A_1892, %get3A_1893] {strides = array<i32>} : memref<16x384xf32, #tpu.memory_space<vmem>>, vector<16xf32>,
      %jit3A_1895 = arith.constant 0.000000e+00 : f32
      %broadcast_in_dim3A_1896 = vector.broadcast %jit3A_1895 : f32 to vector<16xf32>
      %select_n3A_1897 = arith.select %or3A_1251, %get3A_1894, %broadcast_in_dim3A_1896 : vector<16xi1>, vector<16xf32>
      %swap3A_1898 = arith.index_cast %scan3A_1721 : i32 to index
      %swap3A_1899 = arith.constant 304 : index
      %swap3A_1900 = tpu.vector_load %arg8[%swap3A_1898, %swap3A_1899] {strides = array<i32>} : memref<16x384xf32, #tpu.memory_space<vmem>>, vector<16xf32>,
      tpu.vector_store %arg8[%swap3A_1898, %swap3A_1899], %select_n3A_1897 {strides = array<i32>} : memref<16x384xf32, #tpu.memory_space<vmem>>, vector<16xf32>,
      %get3A_1901 = arith.index_cast %scan3A_1721 : i32 to index
      %get3A_1902 = arith.constant 320 : index
      %get3A_1903 = tpu.vector_load %arg8[%get3A_1901, %get3A_1902] {strides = array<i32>} : memref<16x384xf32, #tpu.memory_space<vmem>>, vector<16xf32>,
      %jit3A_1904 = arith.constant 0.000000e+00 : f32
      %broadcast_in_dim3A_1905 = vector.broadcast %jit3A_1904 : f32 to vector<16xf32>
      %select_n3A_1906 = arith.select %or3A_1258, %get3A_1903, %broadcast_in_dim3A_1905 : vector<16xi1>, vector<16xf32>
      %swap3A_1907 = arith.index_cast %scan3A_1721 : i32 to index
      %swap3A_1908 = arith.constant 320 : index
      %swap3A_1909 = tpu.vector_load %arg8[%swap3A_1907, %swap3A_1908] {strides = array<i32>} : memref<16x384xf32, #tpu.memory_space<vmem>>, vector<16xf32>,
      tpu.vector_store %arg8[%swap3A_1907, %swap3A_1908], %select_n3A_1906 {strides = array<i32>} : memref<16x384xf32, #tpu.memory_space<vmem>>, vector<16xf32>,
      %get3A_1910 = arith.index_cast %scan3A_1721 : i32 to index
      %get3A_1911 = arith.constant 336 : index
      %get3A_1912 = tpu.vector_load %arg8[%get3A_1910, %get3A_1911] {strides = array<i32>} : memref<16x384xf32, #tpu.memory_space<vmem>>, vector<16xf32>,
      %jit3A_1913 = arith.constant 0.000000e+00 : f32
      %broadcast_in_dim3A_1914 = vector.broadcast %jit3A_1913 : f32 to vector<16xf32>
      %select_n3A_1915 = arith.select %or3A_1265, %get3A_1912, %broadcast_in_dim3A_1914 : vector<16xi1>, vector<16xf32>
      %swap3A_1916 = arith.index_cast %scan3A_1721 : i32 to index
      %swap3A_1917 = arith.constant 336 : index
      %swap3A_1918 = tpu.vector_load %arg8[%swap3A_1916, %swap3A_1917] {strides = array<i32>} : memref<16x384xf32, #tpu.memory_space<vmem>>, vector<16xf32>,
      tpu.vector_store %arg8[%swap3A_1916, %swap3A_1917], %select_n3A_1915 {strides = array<i32>} : memref<16x384xf32, #tpu.memory_space<vmem>>, vector<16xf32>,
      %get3A_1919 = arith.index_cast %scan3A_1721 : i32 to index
      %get3A_1920 = arith.constant 352 : index
      %get3A_1921 = tpu.vector_load %arg8[%get3A_1919, %get3A_1920] {strides = array<i32>} : memref<16x384xf32, #tpu.memory_space<vmem>>, vector<16xf32>,
      %jit3A_1922 = arith.constant 0.000000e+00 : f32
      %broadcast_in_dim3A_1923 = vector.broadcast %jit3A_1922 : f32 to vector<16xf32>
      %select_n3A_1924 = arith.select %or3A_1272, %get3A_1921, %broadcast_in_dim3A_1923 : vector<16xi1>, vector<16xf32>
      %swap3A_1925 = arith.index_cast %scan3A_1721 : i32 to index
      %swap3A_1926 = arith.constant 352 : index
      %swap3A_1927 = tpu.vector_load %arg8[%swap3A_1925, %swap3A_1926] {strides = array<i32>} : memref<16x384xf32, #tpu.memory_space<vmem>>, vector<16xf32>,
      tpu.vector_store %arg8[%swap3A_1925, %swap3A_1926], %select_n3A_1924 {strides = array<i32>} : memref<16x384xf32, #tpu.memory_space<vmem>>, vector<16xf32>,
      %get3A_1928 = arith.index_cast %scan3A_1721 : i32 to index
      %get3A_1929 = arith.constant 368 : index
      %get3A_1930 = tpu.vector_load %arg8[%get3A_1928, %get3A_1929] {strides = array<i32>} : memref<16x384xf32, #tpu.memory_space<vmem>>, vector<16xf32>,
      %jit3A_1931 = arith.constant 0.000000e+00 : f32
      %broadcast_in_dim3A_1932 = vector.broadcast %jit3A_1931 : f32 to vector<16xf32>
      %select_n3A_1933 = arith.select %or3A_1279, %get3A_1930, %broadcast_in_dim3A_1932 : vector<16xi1>, vector<16xf32>
      %swap3A_1934 = arith.index_cast %scan3A_1721 : i32 to index
      %swap3A_1935 = arith.constant 368 : index
      %swap3A_1936 = tpu.vector_load %arg8[%swap3A_1934, %swap3A_1935] {strides = array<i32>} : memref<16x384xf32, #tpu.memory_space<vmem>>, vector<16xf32>,
      tpu.vector_store %arg8[%swap3A_1934, %swap3A_1935], %select_n3A_1933 {strides = array<i32>} : memref<16x384xf32, #tpu.memory_space<vmem>>, vector<16xf32>,
      %scan3A_1937 = arith.constant 0 : i32
      scf.yield %scan3A_1937 : i32
    }
    %scan3A_1286 = arith.constant 16 : i32
    "tpu.region"() ({
      %run_scoped3A = tpu.sem_alloc : memref<!tpu.dma_semaphore, #tpu.memory_space<semaphore_mem>>
      %dma_start3A = arith.constant 0 : i32
      %dma_start3A_1721 = tpu.memref_slice %arg2[%add3A_854, %dma_start3A, %multiple_of3A_1111] : memref<128x16x16384xf32, #tpu.memory_space<hbm>> -> memref<1x16x384xf32, #tpu.memory_space<hbm>>
      %dma_start3A_1722 = tpu.memref_squeeze %dma_start3A_1721 : memref<1x16x384xf32, #tpu.memory_space<hbm>> -> memref<16x384xf32, #tpu.memory_space<hbm>>
      %dma_start3A_1723 = arith.constant 0 : i32
      %dma_start3A_1724 = tpu.memref_slice %arg2[%add3A_854, %dma_start3A_1723, %multiple_of3A_1111] : memref<128x16x16384xf32, #tpu.memory_space<hbm>> -> memref<1x16x384xf32, #tpu.memory_space<hbm>>
      %dma_start3A_1725 = tpu.memref_squeeze %dma_start3A_1724 : memref<1x16x384xf32, #tpu.memory_space<hbm>> -> memref<16x384xf32, #tpu.memory_space<hbm>>
      tpu.enqueue_dma source(%arg8 : memref<16x384xf32, #tpu.memory_space<vmem>>) target(%dma_start3A_1725 : memref<16x384xf32, #tpu.memory_space<hbm>>) target_semaphore(%run_scoped3A : memref<!tpu.dma_semaphore, #tpu.memory_space<semaphore_mem>>)
      %dma_wait3A = arith.constant 0 : i32
      %dma_wait3A_1726 = tpu.memref_slice %arg2[%add3A_854, %dma_wait3A, %multiple_of3A_1111] : memref<128x16x16384xf32, #tpu.memory_space<hbm>> -> memref<1x16x384xf32, #tpu.memory_space<hbm>>
      %dma_wait3A_1727 = tpu.memref_squeeze %dma_wait3A_1726 : memref<1x16x384xf32, #tpu.memory_space<hbm>> -> memref<16x384xf32, #tpu.memory_space<hbm>>
      %dma_wait3A_1728 = arith.constant 0 : i32
      %dma_wait3A_1729 = tpu.memref_slice %arg2[%add3A_854, %dma_wait3A_1728, %multiple_of3A_1111] : memref<128x16x16384xf32, #tpu.memory_space<hbm>> -> memref<1x16x384xf32, #tpu.memory_space<hbm>>
      %dma_wait3A_1730 = tpu.memref_squeeze %dma_wait3A_1729 : memref<1x16x384xf32, #tpu.memory_space<hbm>> -> memref<16x384xf32, #tpu.memory_space<hbm>>
      tpu.wait_dma2 semaphore(%run_scoped3A : memref<!tpu.dma_semaphore, #tpu.memory_space<semaphore_mem>>) src(%arg8 : memref<16x384xf32, #tpu.memory_space<vmem>>) dst(%dma_wait3A_1730 : memref<16x384xf32, #tpu.memory_space<hbm>>)
      tpu.yield
    }) : () -> ()
    %add3A_1287 = arith.constant 3 : i32
    %add3A_1288 = arith.addi %mul3A_2, %add3A_1287 : i32
    %broadcast_in_dim3A_1289 = arith.constant 0 : i32
    %broadcast_in_dim3A_1290 = vector.broadcast %broadcast_in_dim3A_1289 : i32 to vector<16xi32>
    %add3A_1291 = vector.broadcast %add3A_1288 : i32 to vector<16xi32>
    %add3A_1292 = arith.addi %broadcast_in_dim3A_1290, %add3A_1291 : vector<16xi32>
    %gather3A_1293 = tpu.vector_load_idx %arg6[%add3A_1292] : memref<256xi32, #tpu.memory_space<vmem>>[vector<16xi32>], vector<16xi32>,
    %gather3A_1294 = tpu.vector_load_idx %arg7[%add3A_1292] : memref<256xi32, #tpu.memory_space<vmem>>[vector<16xi32>], vector<16xi32>,
    %add3A_1295 = arith.addi %gather3A_1293, %gather3A_1294 : vector<16xi32>
    %min3A_1296 = arith.constant 16384 : i32
    %min3A_1297 = vector.broadcast %min3A_1296 : i32 to vector<16xi32>
    %min3A_1298 = arith.minsi %add3A_1295, %min3A_1297 : vector<16xi32>
    %slice3A_1299 = vector.extract_strided_slice %gather3A_1293 {offsets = [0], sizes = [1], strides = [1]} : vector<16xi32> to vector<1xi32>
    %squeeze3A_1300 = vector.extract %slice3A_1299[0] : i32 from vector<1xi32>
    %jit3A_1301 = arith.constant 128 : i32
    %div3A_1302 = arith.divsi %squeeze3A_1300, %jit3A_1301 : i32
    %sign3A_1303 = arith.constant 0 : i32
    %sign3A_1304 = arith.cmpi sgt, %squeeze3A_1300, %sign3A_1303 : i32
    %sign3A_1305 = arith.extui %sign3A_1304 : i1 to i32
    %sign3A_1306 = arith.constant 0 : i32
    %sign3A_1307 = arith.cmpi slt, %squeeze3A_1300, %sign3A_1306 : i32
    %sign3A_1308 = arith.extui %sign3A_1307 : i1 to i32
    %sign3A_1309 = arith.subi %sign3A_1305, %sign3A_1308 : i32
    %sign3A_1310 = arith.constant 0 : i32
    %sign3A_1311 = arith.cmpi sgt, %jit3A_1301, %sign3A_1310 : i32
    %sign3A_1312 = arith.extui %sign3A_1311 : i1 to i32
    %sign3A_1313 = arith.constant 0 : i32
    %sign3A_1314 = arith.cmpi slt, %jit3A_1301, %sign3A_1313 : i32
    %sign3A_1315 = arith.extui %sign3A_1314 : i1 to i32
    %sign3A_1316 = arith.subi %sign3A_1312, %sign3A_1315 : i32
    %ne3A_1317 = arith.cmpi ne, %sign3A_1309, %sign3A_1316 : i32
    %rem3A_1318 = arith.remsi %squeeze3A_1300, %jit3A_1301 : i32
    %ne3A_1319 = arith.constant 0 : i32
    %ne3A_1320 = arith.cmpi ne, %rem3A_1318, %ne3A_1319 : i32
    %and3A_1321 = arith.andi %ne3A_1317, %ne3A_1320 : i1
    %sub3A_1322 = arith.constant 1 : i32
    %sub3A_1323 = arith.subi %div3A_1302, %sub3A_1322 : i32
    %select_n3A_1324 = arith.select %and3A_1321, %sub3A_1323, %div3A_1302 : i32
    %mul3A_1325 = arith.constant 128 : i32
    %mul3A_1326 = arith.muli %select_n3A_1324, %mul3A_1325 : i32
    %min3A_1327 = arith.constant 16000 : i32
    %min3A_1328 = arith.minsi %mul3A_1326, %min3A_1327 : i32
    %multiple_of3A_1329 = tpu.assume_multiple %min3A_1328, 128 : i32
    "tpu.region"() ({
      %run_scoped3A = tpu.sem_alloc : memref<!tpu.dma_semaphore, #tpu.memory_space<semaphore_mem>>
      %dma_start3A = arith.constant 0 : i32
      %dma_start3A_1721 = tpu.memref_slice %arg2[%add3A_1288, %dma_start3A, %multiple_of3A_1329] : memref<128x16x16384xf32, #tpu.memory_space<hbm>> -> memref<1x16x384xf32, #tpu.memory_space<hbm>>
      %dma_start3A_1722 = tpu.memref_squeeze %dma_start3A_1721 : memref<1x16x384xf32, #tpu.memory_space<hbm>> -> memref<16x384xf32, #tpu.memory_space<hbm>>
      %dma_start3A_1723 = arith.constant 0 : i32
      %dma_start3A_1724 = tpu.memref_slice %arg2[%add3A_1288, %dma_start3A_1723, %multiple_of3A_1329] : memref<128x16x16384xf32, #tpu.memory_space<hbm>> -> memref<1x16x384xf32, #tpu.memory_space<hbm>>
      %dma_start3A_1725 = tpu.memref_squeeze %dma_start3A_1724 : memref<1x16x384xf32, #tpu.memory_space<hbm>> -> memref<16x384xf32, #tpu.memory_space<hbm>>
      tpu.enqueue_dma source(%dma_start3A_1725 : memref<16x384xf32, #tpu.memory_space<hbm>>) target(%arg8 : memref<16x384xf32, #tpu.memory_space<vmem>>) target_semaphore(%run_scoped3A : memref<!tpu.dma_semaphore, #tpu.memory_space<semaphore_mem>>)
      %dma_wait3A = arith.constant 0 : i32
      %dma_wait3A_1726 = tpu.memref_slice %arg2[%add3A_1288, %dma_wait3A, %multiple_of3A_1329] : memref<128x16x16384xf32, #tpu.memory_space<hbm>> -> memref<1x16x384xf32, #tpu.memory_space<hbm>>
      %dma_wait3A_1727 = tpu.memref_squeeze %dma_wait3A_1726 : memref<1x16x384xf32, #tpu.memory_space<hbm>> -> memref<16x384xf32, #tpu.memory_space<hbm>>
      %dma_wait3A_1728 = arith.constant 0 : i32
      %dma_wait3A_1729 = tpu.memref_slice %arg2[%add3A_1288, %dma_wait3A_1728, %multiple_of3A_1329] : memref<128x16x16384xf32, #tpu.memory_space<hbm>> -> memref<1x16x384xf32, #tpu.memory_space<hbm>>
      %dma_wait3A_1730 = tpu.memref_squeeze %dma_wait3A_1729 : memref<1x16x384xf32, #tpu.memory_space<hbm>> -> memref<16x384xf32, #tpu.memory_space<hbm>>
      tpu.wait_dma2 semaphore(%run_scoped3A : memref<!tpu.dma_semaphore, #tpu.memory_space<semaphore_mem>>) src(%dma_wait3A_1730 : memref<16x384xf32, #tpu.memory_space<hbm>>) dst(%arg8 : memref<16x384xf32, #tpu.memory_space<vmem>>)
      tpu.yield
    }) : () -> ()
    %add3A_1330 = arith.constant 0 : i32
    %add3A_1331 = arith.addi %multiple_of3A_1329, %add3A_1330 : i32
    %add3A_1332 = vector.broadcast %add3A_1331 : i32 to vector<16xi32>
    %add3A_1333 = arith.addi %add3A_1332, %iota3A : vector<16xi32>
    %lt3A_1334 = arith.cmpi slt, %add3A_1333, %gather3A_1293 : vector<16xi32>
    %ge3A_1335 = arith.cmpi sge, %add3A_1333, %min3A_1298 : vector<16xi32>
    %or3A_1336 = arith.ori %lt3A_1334, %ge3A_1335 : vector<16xi1>
    %add3A_1337 = arith.constant 16 : i32
    %add3A_1338 = arith.addi %multiple_of3A_1329, %add3A_1337 : i32
    %add3A_1339 = vector.broadcast %add3A_1338 : i32 to vector<16xi32>
    %add3A_1340 = arith.addi %add3A_1339, %iota3A : vector<16xi32>
    %lt3A_1341 = arith.cmpi slt, %add3A_1340, %gather3A_1293 : vector<16xi32>
    %ge3A_1342 = arith.cmpi sge, %add3A_1340, %min3A_1298 : vector<16xi32>
    %or3A_1343 = arith.ori %lt3A_1341, %ge3A_1342 : vector<16xi1>
    %add3A_1344 = arith.constant 32 : i32
    %add3A_1345 = arith.addi %multiple_of3A_1329, %add3A_1344 : i32
    %add3A_1346 = vector.broadcast %add3A_1345 : i32 to vector<16xi32>
    %add3A_1347 = arith.addi %add3A_1346, %iota3A : vector<16xi32>
    %lt3A_1348 = arith.cmpi slt, %add3A_1347, %gather3A_1293 : vector<16xi32>
    %ge3A_1349 = arith.cmpi sge, %add3A_1347, %min3A_1298 : vector<16xi32>
    %or3A_1350 = arith.ori %lt3A_1348, %ge3A_1349 : vector<16xi1>
    %add3A_1351 = arith.constant 48 : i32
    %add3A_1352 = arith.addi %multiple_of3A_1329, %add3A_1351 : i32
    %add3A_1353 = vector.broadcast %add3A_1352 : i32 to vector<16xi32>
    %add3A_1354 = arith.addi %add3A_1353, %iota3A : vector<16xi32>
    %lt3A_1355 = arith.cmpi slt, %add3A_1354, %gather3A_1293 : vector<16xi32>
    %ge3A_1356 = arith.cmpi sge, %add3A_1354, %min3A_1298 : vector<16xi32>
    %or3A_1357 = arith.ori %lt3A_1355, %ge3A_1356 : vector<16xi1>
    %add3A_1358 = arith.constant 64 : i32
    %add3A_1359 = arith.addi %multiple_of3A_1329, %add3A_1358 : i32
    %add3A_1360 = vector.broadcast %add3A_1359 : i32 to vector<16xi32>
    %add3A_1361 = arith.addi %add3A_1360, %iota3A : vector<16xi32>
    %lt3A_1362 = arith.cmpi slt, %add3A_1361, %gather3A_1293 : vector<16xi32>
    %ge3A_1363 = arith.cmpi sge, %add3A_1361, %min3A_1298 : vector<16xi32>
    %or3A_1364 = arith.ori %lt3A_1362, %ge3A_1363 : vector<16xi1>
    %add3A_1365 = arith.constant 80 : i32
    %add3A_1366 = arith.addi %multiple_of3A_1329, %add3A_1365 : i32
    %add3A_1367 = vector.broadcast %add3A_1366 : i32 to vector<16xi32>
    %add3A_1368 = arith.addi %add3A_1367, %iota3A : vector<16xi32>
    %lt3A_1369 = arith.cmpi slt, %add3A_1368, %gather3A_1293 : vector<16xi32>
    %ge3A_1370 = arith.cmpi sge, %add3A_1368, %min3A_1298 : vector<16xi32>
    %or3A_1371 = arith.ori %lt3A_1369, %ge3A_1370 : vector<16xi1>
    %add3A_1372 = arith.constant 96 : i32
    %add3A_1373 = arith.addi %multiple_of3A_1329, %add3A_1372 : i32
    %add3A_1374 = vector.broadcast %add3A_1373 : i32 to vector<16xi32>
    %add3A_1375 = arith.addi %add3A_1374, %iota3A : vector<16xi32>
    %lt3A_1376 = arith.cmpi slt, %add3A_1375, %gather3A_1293 : vector<16xi32>
    %ge3A_1377 = arith.cmpi sge, %add3A_1375, %min3A_1298 : vector<16xi32>
    %or3A_1378 = arith.ori %lt3A_1376, %ge3A_1377 : vector<16xi1>
    %add3A_1379 = arith.constant 112 : i32
    %add3A_1380 = arith.addi %multiple_of3A_1329, %add3A_1379 : i32
    %add3A_1381 = vector.broadcast %add3A_1380 : i32 to vector<16xi32>
    %add3A_1382 = arith.addi %add3A_1381, %iota3A : vector<16xi32>
    %lt3A_1383 = arith.cmpi slt, %add3A_1382, %gather3A_1293 : vector<16xi32>
    %ge3A_1384 = arith.cmpi sge, %add3A_1382, %min3A_1298 : vector<16xi32>
    %or3A_1385 = arith.ori %lt3A_1383, %ge3A_1384 : vector<16xi1>
    %add3A_1386 = arith.constant 128 : i32
    %add3A_1387 = arith.addi %multiple_of3A_1329, %add3A_1386 : i32
    %add3A_1388 = vector.broadcast %add3A_1387 : i32 to vector<16xi32>
    %add3A_1389 = arith.addi %add3A_1388, %iota3A : vector<16xi32>
    %lt3A_1390 = arith.cmpi slt, %add3A_1389, %gather3A_1293 : vector<16xi32>
    %ge3A_1391 = arith.cmpi sge, %add3A_1389, %min3A_1298 : vector<16xi32>
    %or3A_1392 = arith.ori %lt3A_1390, %ge3A_1391 : vector<16xi1>
    %add3A_1393 = arith.constant 144 : i32
    %add3A_1394 = arith.addi %multiple_of3A_1329, %add3A_1393 : i32
    %add3A_1395 = vector.broadcast %add3A_1394 : i32 to vector<16xi32>
    %add3A_1396 = arith.addi %add3A_1395, %iota3A : vector<16xi32>
    %lt3A_1397 = arith.cmpi slt, %add3A_1396, %gather3A_1293 : vector<16xi32>
    %ge3A_1398 = arith.cmpi sge, %add3A_1396, %min3A_1298 : vector<16xi32>
    %or3A_1399 = arith.ori %lt3A_1397, %ge3A_1398 : vector<16xi1>
    %add3A_1400 = arith.constant 160 : i32
    %add3A_1401 = arith.addi %multiple_of3A_1329, %add3A_1400 : i32
    %add3A_1402 = vector.broadcast %add3A_1401 : i32 to vector<16xi32>
    %add3A_1403 = arith.addi %add3A_1402, %iota3A : vector<16xi32>
    %lt3A_1404 = arith.cmpi slt, %add3A_1403, %gather3A_1293 : vector<16xi32>
    %ge3A_1405 = arith.cmpi sge, %add3A_1403, %min3A_1298 : vector<16xi32>
    %or3A_1406 = arith.ori %lt3A_1404, %ge3A_1405 : vector<16xi1>
    %add3A_1407 = arith.constant 176 : i32
    %add3A_1408 = arith.addi %multiple_of3A_1329, %add3A_1407 : i32
    %add3A_1409 = vector.broadcast %add3A_1408 : i32 to vector<16xi32>
    %add3A_1410 = arith.addi %add3A_1409, %iota3A : vector<16xi32>
    %lt3A_1411 = arith.cmpi slt, %add3A_1410, %gather3A_1293 : vector<16xi32>
    %ge3A_1412 = arith.cmpi sge, %add3A_1410, %min3A_1298 : vector<16xi32>
    %or3A_1413 = arith.ori %lt3A_1411, %ge3A_1412 : vector<16xi1>
    %add3A_1414 = arith.constant 192 : i32
    %add3A_1415 = arith.addi %multiple_of3A_1329, %add3A_1414 : i32
    %add3A_1416 = vector.broadcast %add3A_1415 : i32 to vector<16xi32>
    %add3A_1417 = arith.addi %add3A_1416, %iota3A : vector<16xi32>
    %lt3A_1418 = arith.cmpi slt, %add3A_1417, %gather3A_1293 : vector<16xi32>
    %ge3A_1419 = arith.cmpi sge, %add3A_1417, %min3A_1298 : vector<16xi32>
    %or3A_1420 = arith.ori %lt3A_1418, %ge3A_1419 : vector<16xi1>
    %add3A_1421 = arith.constant 208 : i32
    %add3A_1422 = arith.addi %multiple_of3A_1329, %add3A_1421 : i32
    %add3A_1423 = vector.broadcast %add3A_1422 : i32 to vector<16xi32>
    %add3A_1424 = arith.addi %add3A_1423, %iota3A : vector<16xi32>
    %lt3A_1425 = arith.cmpi slt, %add3A_1424, %gather3A_1293 : vector<16xi32>
    %ge3A_1426 = arith.cmpi sge, %add3A_1424, %min3A_1298 : vector<16xi32>
    %or3A_1427 = arith.ori %lt3A_1425, %ge3A_1426 : vector<16xi1>
    %add3A_1428 = arith.constant 224 : i32
    %add3A_1429 = arith.addi %multiple_of3A_1329, %add3A_1428 : i32
    %add3A_1430 = vector.broadcast %add3A_1429 : i32 to vector<16xi32>
    %add3A_1431 = arith.addi %add3A_1430, %iota3A : vector<16xi32>
    %lt3A_1432 = arith.cmpi slt, %add3A_1431, %gather3A_1293 : vector<16xi32>
    %ge3A_1433 = arith.cmpi sge, %add3A_1431, %min3A_1298 : vector<16xi32>
    %or3A_1434 = arith.ori %lt3A_1432, %ge3A_1433 : vector<16xi1>
    %add3A_1435 = arith.constant 240 : i32
    %add3A_1436 = arith.addi %multiple_of3A_1329, %add3A_1435 : i32
    %add3A_1437 = vector.broadcast %add3A_1436 : i32 to vector<16xi32>
    %add3A_1438 = arith.addi %add3A_1437, %iota3A : vector<16xi32>
    %lt3A_1439 = arith.cmpi slt, %add3A_1438, %gather3A_1293 : vector<16xi32>
    %ge3A_1440 = arith.cmpi sge, %add3A_1438, %min3A_1298 : vector<16xi32>
    %or3A_1441 = arith.ori %lt3A_1439, %ge3A_1440 : vector<16xi1>
    %add3A_1442 = arith.constant 256 : i32
    %add3A_1443 = arith.addi %multiple_of3A_1329, %add3A_1442 : i32
    %add3A_1444 = vector.broadcast %add3A_1443 : i32 to vector<16xi32>
    %add3A_1445 = arith.addi %add3A_1444, %iota3A : vector<16xi32>
    %lt3A_1446 = arith.cmpi slt, %add3A_1445, %gather3A_1293 : vector<16xi32>
    %ge3A_1447 = arith.cmpi sge, %add3A_1445, %min3A_1298 : vector<16xi32>
    %or3A_1448 = arith.ori %lt3A_1446, %ge3A_1447 : vector<16xi1>
    %add3A_1449 = arith.constant 272 : i32
    %add3A_1450 = arith.addi %multiple_of3A_1329, %add3A_1449 : i32
    %add3A_1451 = vector.broadcast %add3A_1450 : i32 to vector<16xi32>
    %add3A_1452 = arith.addi %add3A_1451, %iota3A : vector<16xi32>
    %lt3A_1453 = arith.cmpi slt, %add3A_1452, %gather3A_1293 : vector<16xi32>
    %ge3A_1454 = arith.cmpi sge, %add3A_1452, %min3A_1298 : vector<16xi32>
    %or3A_1455 = arith.ori %lt3A_1453, %ge3A_1454 : vector<16xi1>
    %add3A_1456 = arith.constant 288 : i32
    %add3A_1457 = arith.addi %multiple_of3A_1329, %add3A_1456 : i32
    %add3A_1458 = vector.broadcast %add3A_1457 : i32 to vector<16xi32>
    %add3A_1459 = arith.addi %add3A_1458, %iota3A : vector<16xi32>
    %lt3A_1460 = arith.cmpi slt, %add3A_1459, %gather3A_1293 : vector<16xi32>
    %ge3A_1461 = arith.cmpi sge, %add3A_1459, %min3A_1298 : vector<16xi32>
    %or3A_1462 = arith.ori %lt3A_1460, %ge3A_1461 : vector<16xi1>
    %add3A_1463 = arith.constant 304 : i32
    %add3A_1464 = arith.addi %multiple_of3A_1329, %add3A_1463 : i32
    %add3A_1465 = vector.broadcast %add3A_1464 : i32 to vector<16xi32>
    %add3A_1466 = arith.addi %add3A_1465, %iota3A : vector<16xi32>
    %lt3A_1467 = arith.cmpi slt, %add3A_1466, %gather3A_1293 : vector<16xi32>
    %ge3A_1468 = arith.cmpi sge, %add3A_1466, %min3A_1298 : vector<16xi32>
    %or3A_1469 = arith.ori %lt3A_1467, %ge3A_1468 : vector<16xi1>
    %add3A_1470 = arith.constant 320 : i32
    %add3A_1471 = arith.addi %multiple_of3A_1329, %add3A_1470 : i32
    %add3A_1472 = vector.broadcast %add3A_1471 : i32 to vector<16xi32>
    %add3A_1473 = arith.addi %add3A_1472, %iota3A : vector<16xi32>
    %lt3A_1474 = arith.cmpi slt, %add3A_1473, %gather3A_1293 : vector<16xi32>
    %ge3A_1475 = arith.cmpi sge, %add3A_1473, %min3A_1298 : vector<16xi32>
    %or3A_1476 = arith.ori %lt3A_1474, %ge3A_1475 : vector<16xi1>
    %add3A_1477 = arith.constant 336 : i32
    %add3A_1478 = arith.addi %multiple_of3A_1329, %add3A_1477 : i32
    %add3A_1479 = vector.broadcast %add3A_1478 : i32 to vector<16xi32>
    %add3A_1480 = arith.addi %add3A_1479, %iota3A : vector<16xi32>
    %lt3A_1481 = arith.cmpi slt, %add3A_1480, %gather3A_1293 : vector<16xi32>
    %ge3A_1482 = arith.cmpi sge, %add3A_1480, %min3A_1298 : vector<16xi32>
    %or3A_1483 = arith.ori %lt3A_1481, %ge3A_1482 : vector<16xi1>
    %add3A_1484 = arith.constant 352 : i32
    %add3A_1485 = arith.addi %multiple_of3A_1329, %add3A_1484 : i32
    %add3A_1486 = vector.broadcast %add3A_1485 : i32 to vector<16xi32>
    %add3A_1487 = arith.addi %add3A_1486, %iota3A : vector<16xi32>
    %lt3A_1488 = arith.cmpi slt, %add3A_1487, %gather3A_1293 : vector<16xi32>
    %ge3A_1489 = arith.cmpi sge, %add3A_1487, %min3A_1298 : vector<16xi32>
    %or3A_1490 = arith.ori %lt3A_1488, %ge3A_1489 : vector<16xi1>
    %add3A_1491 = arith.constant 368 : i32
    %add3A_1492 = arith.addi %multiple_of3A_1329, %add3A_1491 : i32
    %add3A_1493 = vector.broadcast %add3A_1492 : i32 to vector<16xi32>
    %add3A_1494 = arith.addi %add3A_1493, %iota3A : vector<16xi32>
    %lt3A_1495 = arith.cmpi slt, %add3A_1494, %gather3A_1293 : vector<16xi32>
    %ge3A_1496 = arith.cmpi sge, %add3A_1494, %min3A_1298 : vector<16xi32>
    %or3A_1497 = arith.ori %lt3A_1495, %ge3A_1496 : vector<16xi1>
    %scan3A_1498 = arith.constant 0 : i32
    %scan3A_1499 = arith.constant 0 : i32
    %scan3A_1500 = arith.constant 16 : i32
    %scan3A_1501 = arith.addi %scan3A_1499, %scan3A_1500 : i32
    %scan3A_1502 = arith.constant 1 : i32
    %scan3A_1503 = scf.for %scan3A_1721 = %scan3A_1499 to %scan3A_1501 step %scan3A_1502 iter_args(%scan3A_1722 = %scan3A_1498) -> (i32)  : i32 {
      %get3A = arith.index_cast %scan3A_1721 : i32 to index
      %get3A_1723 = arith.constant 0 : index
      %get3A_1724 = tpu.vector_load %arg8[%get3A, %get3A_1723] {strides = array<i32>} : memref<16x384xf32, #tpu.memory_space<vmem>>, vector<16xf32>,
      %jit3A_1725 = arith.constant 0.000000e+00 : f32
      %broadcast_in_dim3A_1726 = vector.broadcast %jit3A_1725 : f32 to vector<16xf32>
      %select_n3A_1727 = arith.select %or3A_1336, %get3A_1724, %broadcast_in_dim3A_1726 : vector<16xi1>, vector<16xf32>
      %swap3A = arith.index_cast %scan3A_1721 : i32 to index
      %swap3A_1728 = arith.constant 0 : index
      %swap3A_1729 = tpu.vector_load %arg8[%swap3A, %swap3A_1728] {strides = array<i32>} : memref<16x384xf32, #tpu.memory_space<vmem>>, vector<16xf32>,
      tpu.vector_store %arg8[%swap3A, %swap3A_1728], %select_n3A_1727 {strides = array<i32>} : memref<16x384xf32, #tpu.memory_space<vmem>>, vector<16xf32>,
      %get3A_1730 = arith.index_cast %scan3A_1721 : i32 to index
      %get3A_1731 = arith.constant 16 : index
      %get3A_1732 = tpu.vector_load %arg8[%get3A_1730, %get3A_1731] {strides = array<i32>} : memref<16x384xf32, #tpu.memory_space<vmem>>, vector<16xf32>,
      %jit3A_1733 = arith.constant 0.000000e+00 : f32
      %broadcast_in_dim3A_1734 = vector.broadcast %jit3A_1733 : f32 to vector<16xf32>
      %select_n3A_1735 = arith.select %or3A_1343, %get3A_1732, %broadcast_in_dim3A_1734 : vector<16xi1>, vector<16xf32>
      %swap3A_1736 = arith.index_cast %scan3A_1721 : i32 to index
      %swap3A_1737 = arith.constant 16 : index
      %swap3A_1738 = tpu.vector_load %arg8[%swap3A_1736, %swap3A_1737] {strides = array<i32>} : memref<16x384xf32, #tpu.memory_space<vmem>>, vector<16xf32>,
      tpu.vector_store %arg8[%swap3A_1736, %swap3A_1737], %select_n3A_1735 {strides = array<i32>} : memref<16x384xf32, #tpu.memory_space<vmem>>, vector<16xf32>,
      %get3A_1739 = arith.index_cast %scan3A_1721 : i32 to index
      %get3A_1740 = arith.constant 32 : index
      %get3A_1741 = tpu.vector_load %arg8[%get3A_1739, %get3A_1740] {strides = array<i32>} : memref<16x384xf32, #tpu.memory_space<vmem>>, vector<16xf32>,
      %jit3A_1742 = arith.constant 0.000000e+00 : f32
      %broadcast_in_dim3A_1743 = vector.broadcast %jit3A_1742 : f32 to vector<16xf32>
      %select_n3A_1744 = arith.select %or3A_1350, %get3A_1741, %broadcast_in_dim3A_1743 : vector<16xi1>, vector<16xf32>
      %swap3A_1745 = arith.index_cast %scan3A_1721 : i32 to index
      %swap3A_1746 = arith.constant 32 : index
      %swap3A_1747 = tpu.vector_load %arg8[%swap3A_1745, %swap3A_1746] {strides = array<i32>} : memref<16x384xf32, #tpu.memory_space<vmem>>, vector<16xf32>,
      tpu.vector_store %arg8[%swap3A_1745, %swap3A_1746], %select_n3A_1744 {strides = array<i32>} : memref<16x384xf32, #tpu.memory_space<vmem>>, vector<16xf32>,
      %get3A_1748 = arith.index_cast %scan3A_1721 : i32 to index
      %get3A_1749 = arith.constant 48 : index
      %get3A_1750 = tpu.vector_load %arg8[%get3A_1748, %get3A_1749] {strides = array<i32>} : memref<16x384xf32, #tpu.memory_space<vmem>>, vector<16xf32>,
      %jit3A_1751 = arith.constant 0.000000e+00 : f32
      %broadcast_in_dim3A_1752 = vector.broadcast %jit3A_1751 : f32 to vector<16xf32>
      %select_n3A_1753 = arith.select %or3A_1357, %get3A_1750, %broadcast_in_dim3A_1752 : vector<16xi1>, vector<16xf32>
      %swap3A_1754 = arith.index_cast %scan3A_1721 : i32 to index
      %swap3A_1755 = arith.constant 48 : index
      %swap3A_1756 = tpu.vector_load %arg8[%swap3A_1754, %swap3A_1755] {strides = array<i32>} : memref<16x384xf32, #tpu.memory_space<vmem>>, vector<16xf32>,
      tpu.vector_store %arg8[%swap3A_1754, %swap3A_1755], %select_n3A_1753 {strides = array<i32>} : memref<16x384xf32, #tpu.memory_space<vmem>>, vector<16xf32>,
      %get3A_1757 = arith.index_cast %scan3A_1721 : i32 to index
      %get3A_1758 = arith.constant 64 : index
      %get3A_1759 = tpu.vector_load %arg8[%get3A_1757, %get3A_1758] {strides = array<i32>} : memref<16x384xf32, #tpu.memory_space<vmem>>, vector<16xf32>,
      %jit3A_1760 = arith.constant 0.000000e+00 : f32
      %broadcast_in_dim3A_1761 = vector.broadcast %jit3A_1760 : f32 to vector<16xf32>
      %select_n3A_1762 = arith.select %or3A_1364, %get3A_1759, %broadcast_in_dim3A_1761 : vector<16xi1>, vector<16xf32>
      %swap3A_1763 = arith.index_cast %scan3A_1721 : i32 to index
      %swap3A_1764 = arith.constant 64 : index
      %swap3A_1765 = tpu.vector_load %arg8[%swap3A_1763, %swap3A_1764] {strides = array<i32>} : memref<16x384xf32, #tpu.memory_space<vmem>>, vector<16xf32>,
      tpu.vector_store %arg8[%swap3A_1763, %swap3A_1764], %select_n3A_1762 {strides = array<i32>} : memref<16x384xf32, #tpu.memory_space<vmem>>, vector<16xf32>,
      %get3A_1766 = arith.index_cast %scan3A_1721 : i32 to index
      %get3A_1767 = arith.constant 80 : index
      %get3A_1768 = tpu.vector_load %arg8[%get3A_1766, %get3A_1767] {strides = array<i32>} : memref<16x384xf32, #tpu.memory_space<vmem>>, vector<16xf32>,
      %jit3A_1769 = arith.constant 0.000000e+00 : f32
      %broadcast_in_dim3A_1770 = vector.broadcast %jit3A_1769 : f32 to vector<16xf32>
      %select_n3A_1771 = arith.select %or3A_1371, %get3A_1768, %broadcast_in_dim3A_1770 : vector<16xi1>, vector<16xf32>
      %swap3A_1772 = arith.index_cast %scan3A_1721 : i32 to index
      %swap3A_1773 = arith.constant 80 : index
      %swap3A_1774 = tpu.vector_load %arg8[%swap3A_1772, %swap3A_1773] {strides = array<i32>} : memref<16x384xf32, #tpu.memory_space<vmem>>, vector<16xf32>,
      tpu.vector_store %arg8[%swap3A_1772, %swap3A_1773], %select_n3A_1771 {strides = array<i32>} : memref<16x384xf32, #tpu.memory_space<vmem>>, vector<16xf32>,
      %get3A_1775 = arith.index_cast %scan3A_1721 : i32 to index
      %get3A_1776 = arith.constant 96 : index
      %get3A_1777 = tpu.vector_load %arg8[%get3A_1775, %get3A_1776] {strides = array<i32>} : memref<16x384xf32, #tpu.memory_space<vmem>>, vector<16xf32>,
      %jit3A_1778 = arith.constant 0.000000e+00 : f32
      %broadcast_in_dim3A_1779 = vector.broadcast %jit3A_1778 : f32 to vector<16xf32>
      %select_n3A_1780 = arith.select %or3A_1378, %get3A_1777, %broadcast_in_dim3A_1779 : vector<16xi1>, vector<16xf32>
      %swap3A_1781 = arith.index_cast %scan3A_1721 : i32 to index
      %swap3A_1782 = arith.constant 96 : index
      %swap3A_1783 = tpu.vector_load %arg8[%swap3A_1781, %swap3A_1782] {strides = array<i32>} : memref<16x384xf32, #tpu.memory_space<vmem>>, vector<16xf32>,
      tpu.vector_store %arg8[%swap3A_1781, %swap3A_1782], %select_n3A_1780 {strides = array<i32>} : memref<16x384xf32, #tpu.memory_space<vmem>>, vector<16xf32>,
      %get3A_1784 = arith.index_cast %scan3A_1721 : i32 to index
      %get3A_1785 = arith.constant 112 : index
      %get3A_1786 = tpu.vector_load %arg8[%get3A_1784, %get3A_1785] {strides = array<i32>} : memref<16x384xf32, #tpu.memory_space<vmem>>, vector<16xf32>,
      %jit3A_1787 = arith.constant 0.000000e+00 : f32
      %broadcast_in_dim3A_1788 = vector.broadcast %jit3A_1787 : f32 to vector<16xf32>
      %select_n3A_1789 = arith.select %or3A_1385, %get3A_1786, %broadcast_in_dim3A_1788 : vector<16xi1>, vector<16xf32>
      %swap3A_1790 = arith.index_cast %scan3A_1721 : i32 to index
      %swap3A_1791 = arith.constant 112 : index
      %swap3A_1792 = tpu.vector_load %arg8[%swap3A_1790, %swap3A_1791] {strides = array<i32>} : memref<16x384xf32, #tpu.memory_space<vmem>>, vector<16xf32>,
      tpu.vector_store %arg8[%swap3A_1790, %swap3A_1791], %select_n3A_1789 {strides = array<i32>} : memref<16x384xf32, #tpu.memory_space<vmem>>, vector<16xf32>,
      %get3A_1793 = arith.index_cast %scan3A_1721 : i32 to index
      %get3A_1794 = arith.constant 128 : index
      %get3A_1795 = tpu.vector_load %arg8[%get3A_1793, %get3A_1794] {strides = array<i32>} : memref<16x384xf32, #tpu.memory_space<vmem>>, vector<16xf32>,
      %jit3A_1796 = arith.constant 0.000000e+00 : f32
      %broadcast_in_dim3A_1797 = vector.broadcast %jit3A_1796 : f32 to vector<16xf32>
      %select_n3A_1798 = arith.select %or3A_1392, %get3A_1795, %broadcast_in_dim3A_1797 : vector<16xi1>, vector<16xf32>
      %swap3A_1799 = arith.index_cast %scan3A_1721 : i32 to index
      %swap3A_1800 = arith.constant 128 : index
      %swap3A_1801 = tpu.vector_load %arg8[%swap3A_1799, %swap3A_1800] {strides = array<i32>} : memref<16x384xf32, #tpu.memory_space<vmem>>, vector<16xf32>,
      tpu.vector_store %arg8[%swap3A_1799, %swap3A_1800], %select_n3A_1798 {strides = array<i32>} : memref<16x384xf32, #tpu.memory_space<vmem>>, vector<16xf32>,
      %get3A_1802 = arith.index_cast %scan3A_1721 : i32 to index
      %get3A_1803 = arith.constant 144 : index
      %get3A_1804 = tpu.vector_load %arg8[%get3A_1802, %get3A_1803] {strides = array<i32>} : memref<16x384xf32, #tpu.memory_space<vmem>>, vector<16xf32>,
      %jit3A_1805 = arith.constant 0.000000e+00 : f32
      %broadcast_in_dim3A_1806 = vector.broadcast %jit3A_1805 : f32 to vector<16xf32>
      %select_n3A_1807 = arith.select %or3A_1399, %get3A_1804, %broadcast_in_dim3A_1806 : vector<16xi1>, vector<16xf32>
      %swap3A_1808 = arith.index_cast %scan3A_1721 : i32 to index
      %swap3A_1809 = arith.constant 144 : index
      %swap3A_1810 = tpu.vector_load %arg8[%swap3A_1808, %swap3A_1809] {strides = array<i32>} : memref<16x384xf32, #tpu.memory_space<vmem>>, vector<16xf32>,
      tpu.vector_store %arg8[%swap3A_1808, %swap3A_1809], %select_n3A_1807 {strides = array<i32>} : memref<16x384xf32, #tpu.memory_space<vmem>>, vector<16xf32>,
      %get3A_1811 = arith.index_cast %scan3A_1721 : i32 to index
      %get3A_1812 = arith.constant 160 : index
      %get3A_1813 = tpu.vector_load %arg8[%get3A_1811, %get3A_1812] {strides = array<i32>} : memref<16x384xf32, #tpu.memory_space<vmem>>, vector<16xf32>,
      %jit3A_1814 = arith.constant 0.000000e+00 : f32
      %broadcast_in_dim3A_1815 = vector.broadcast %jit3A_1814 : f32 to vector<16xf32>
      %select_n3A_1816 = arith.select %or3A_1406, %get3A_1813, %broadcast_in_dim3A_1815 : vector<16xi1>, vector<16xf32>
      %swap3A_1817 = arith.index_cast %scan3A_1721 : i32 to index
      %swap3A_1818 = arith.constant 160 : index
      %swap3A_1819 = tpu.vector_load %arg8[%swap3A_1817, %swap3A_1818] {strides = array<i32>} : memref<16x384xf32, #tpu.memory_space<vmem>>, vector<16xf32>,
      tpu.vector_store %arg8[%swap3A_1817, %swap3A_1818], %select_n3A_1816 {strides = array<i32>} : memref<16x384xf32, #tpu.memory_space<vmem>>, vector<16xf32>,
      %get3A_1820 = arith.index_cast %scan3A_1721 : i32 to index
      %get3A_1821 = arith.constant 176 : index
      %get3A_1822 = tpu.vector_load %arg8[%get3A_1820, %get3A_1821] {strides = array<i32>} : memref<16x384xf32, #tpu.memory_space<vmem>>, vector<16xf32>,
      %jit3A_1823 = arith.constant 0.000000e+00 : f32
      %broadcast_in_dim3A_1824 = vector.broadcast %jit3A_1823 : f32 to vector<16xf32>
      %select_n3A_1825 = arith.select %or3A_1413, %get3A_1822, %broadcast_in_dim3A_1824 : vector<16xi1>, vector<16xf32>
      %swap3A_1826 = arith.index_cast %scan3A_1721 : i32 to index
      %swap3A_1827 = arith.constant 176 : index
      %swap3A_1828 = tpu.vector_load %arg8[%swap3A_1826, %swap3A_1827] {strides = array<i32>} : memref<16x384xf32, #tpu.memory_space<vmem>>, vector<16xf32>,
      tpu.vector_store %arg8[%swap3A_1826, %swap3A_1827], %select_n3A_1825 {strides = array<i32>} : memref<16x384xf32, #tpu.memory_space<vmem>>, vector<16xf32>,
      %get3A_1829 = arith.index_cast %scan3A_1721 : i32 to index
      %get3A_1830 = arith.constant 192 : index
      %get3A_1831 = tpu.vector_load %arg8[%get3A_1829, %get3A_1830] {strides = array<i32>} : memref<16x384xf32, #tpu.memory_space<vmem>>, vector<16xf32>,
      %jit3A_1832 = arith.constant 0.000000e+00 : f32
      %broadcast_in_dim3A_1833 = vector.broadcast %jit3A_1832 : f32 to vector<16xf32>
      %select_n3A_1834 = arith.select %or3A_1420, %get3A_1831, %broadcast_in_dim3A_1833 : vector<16xi1>, vector<16xf32>
      %swap3A_1835 = arith.index_cast %scan3A_1721 : i32 to index
      %swap3A_1836 = arith.constant 192 : index
      %swap3A_1837 = tpu.vector_load %arg8[%swap3A_1835, %swap3A_1836] {strides = array<i32>} : memref<16x384xf32, #tpu.memory_space<vmem>>, vector<16xf32>,
      tpu.vector_store %arg8[%swap3A_1835, %swap3A_1836], %select_n3A_1834 {strides = array<i32>} : memref<16x384xf32, #tpu.memory_space<vmem>>, vector<16xf32>,
      %get3A_1838 = arith.index_cast %scan3A_1721 : i32 to index
      %get3A_1839 = arith.constant 208 : index
      %get3A_1840 = tpu.vector_load %arg8[%get3A_1838, %get3A_1839] {strides = array<i32>} : memref<16x384xf32, #tpu.memory_space<vmem>>, vector<16xf32>,
      %jit3A_1841 = arith.constant 0.000000e+00 : f32
      %broadcast_in_dim3A_1842 = vector.broadcast %jit3A_1841 : f32 to vector<16xf32>
      %select_n3A_1843 = arith.select %or3A_1427, %get3A_1840, %broadcast_in_dim3A_1842 : vector<16xi1>, vector<16xf32>
      %swap3A_1844 = arith.index_cast %scan3A_1721 : i32 to index
      %swap3A_1845 = arith.constant 208 : index
      %swap3A_1846 = tpu.vector_load %arg8[%swap3A_1844, %swap3A_1845] {strides = array<i32>} : memref<16x384xf32, #tpu.memory_space<vmem>>, vector<16xf32>,
      tpu.vector_store %arg8[%swap3A_1844, %swap3A_1845], %select_n3A_1843 {strides = array<i32>} : memref<16x384xf32, #tpu.memory_space<vmem>>, vector<16xf32>,
      %get3A_1847 = arith.index_cast %scan3A_1721 : i32 to index
      %get3A_1848 = arith.constant 224 : index
      %get3A_1849 = tpu.vector_load %arg8[%get3A_1847, %get3A_1848] {strides = array<i32>} : memref<16x384xf32, #tpu.memory_space<vmem>>, vector<16xf32>,
      %jit3A_1850 = arith.constant 0.000000e+00 : f32
      %broadcast_in_dim3A_1851 = vector.broadcast %jit3A_1850 : f32 to vector<16xf32>
      %select_n3A_1852 = arith.select %or3A_1434, %get3A_1849, %broadcast_in_dim3A_1851 : vector<16xi1>, vector<16xf32>
      %swap3A_1853 = arith.index_cast %scan3A_1721 : i32 to index
      %swap3A_1854 = arith.constant 224 : index
      %swap3A_1855 = tpu.vector_load %arg8[%swap3A_1853, %swap3A_1854] {strides = array<i32>} : memref<16x384xf32, #tpu.memory_space<vmem>>, vector<16xf32>,
      tpu.vector_store %arg8[%swap3A_1853, %swap3A_1854], %select_n3A_1852 {strides = array<i32>} : memref<16x384xf32, #tpu.memory_space<vmem>>, vector<16xf32>,
      %get3A_1856 = arith.index_cast %scan3A_1721 : i32 to index
      %get3A_1857 = arith.constant 240 : index
      %get3A_1858 = tpu.vector_load %arg8[%get3A_1856, %get3A_1857] {strides = array<i32>} : memref<16x384xf32, #tpu.memory_space<vmem>>, vector<16xf32>,
      %jit3A_1859 = arith.constant 0.000000e+00 : f32
      %broadcast_in_dim3A_1860 = vector.broadcast %jit3A_1859 : f32 to vector<16xf32>
      %select_n3A_1861 = arith.select %or3A_1441, %get3A_1858, %broadcast_in_dim3A_1860 : vector<16xi1>, vector<16xf32>
      %swap3A_1862 = arith.index_cast %scan3A_1721 : i32 to index
      %swap3A_1863 = arith.constant 240 : index
      %swap3A_1864 = tpu.vector_load %arg8[%swap3A_1862, %swap3A_1863] {strides = array<i32>} : memref<16x384xf32, #tpu.memory_space<vmem>>, vector<16xf32>,
      tpu.vector_store %arg8[%swap3A_1862, %swap3A_1863], %select_n3A_1861 {strides = array<i32>} : memref<16x384xf32, #tpu.memory_space<vmem>>, vector<16xf32>,
      %get3A_1865 = arith.index_cast %scan3A_1721 : i32 to index
      %get3A_1866 = arith.constant 256 : index
      %get3A_1867 = tpu.vector_load %arg8[%get3A_1865, %get3A_1866] {strides = array<i32>} : memref<16x384xf32, #tpu.memory_space<vmem>>, vector<16xf32>,
      %jit3A_1868 = arith.constant 0.000000e+00 : f32
      %broadcast_in_dim3A_1869 = vector.broadcast %jit3A_1868 : f32 to vector<16xf32>
      %select_n3A_1870 = arith.select %or3A_1448, %get3A_1867, %broadcast_in_dim3A_1869 : vector<16xi1>, vector<16xf32>
      %swap3A_1871 = arith.index_cast %scan3A_1721 : i32 to index
      %swap3A_1872 = arith.constant 256 : index
      %swap3A_1873 = tpu.vector_load %arg8[%swap3A_1871, %swap3A_1872] {strides = array<i32>} : memref<16x384xf32, #tpu.memory_space<vmem>>, vector<16xf32>,
      tpu.vector_store %arg8[%swap3A_1871, %swap3A_1872], %select_n3A_1870 {strides = array<i32>} : memref<16x384xf32, #tpu.memory_space<vmem>>, vector<16xf32>,
      %get3A_1874 = arith.index_cast %scan3A_1721 : i32 to index
      %get3A_1875 = arith.constant 272 : index
      %get3A_1876 = tpu.vector_load %arg8[%get3A_1874, %get3A_1875] {strides = array<i32>} : memref<16x384xf32, #tpu.memory_space<vmem>>, vector<16xf32>,
      %jit3A_1877 = arith.constant 0.000000e+00 : f32
      %broadcast_in_dim3A_1878 = vector.broadcast %jit3A_1877 : f32 to vector<16xf32>
      %select_n3A_1879 = arith.select %or3A_1455, %get3A_1876, %broadcast_in_dim3A_1878 : vector<16xi1>, vector<16xf32>
      %swap3A_1880 = arith.index_cast %scan3A_1721 : i32 to index
      %swap3A_1881 = arith.constant 272 : index
      %swap3A_1882 = tpu.vector_load %arg8[%swap3A_1880, %swap3A_1881] {strides = array<i32>} : memref<16x384xf32, #tpu.memory_space<vmem>>, vector<16xf32>,
      tpu.vector_store %arg8[%swap3A_1880, %swap3A_1881], %select_n3A_1879 {strides = array<i32>} : memref<16x384xf32, #tpu.memory_space<vmem>>, vector<16xf32>,
      %get3A_1883 = arith.index_cast %scan3A_1721 : i32 to index
      %get3A_1884 = arith.constant 288 : index
      %get3A_1885 = tpu.vector_load %arg8[%get3A_1883, %get3A_1884] {strides = array<i32>} : memref<16x384xf32, #tpu.memory_space<vmem>>, vector<16xf32>,
      %jit3A_1886 = arith.constant 0.000000e+00 : f32
      %broadcast_in_dim3A_1887 = vector.broadcast %jit3A_1886 : f32 to vector<16xf32>
      %select_n3A_1888 = arith.select %or3A_1462, %get3A_1885, %broadcast_in_dim3A_1887 : vector<16xi1>, vector<16xf32>
      %swap3A_1889 = arith.index_cast %scan3A_1721 : i32 to index
      %swap3A_1890 = arith.constant 288 : index
      %swap3A_1891 = tpu.vector_load %arg8[%swap3A_1889, %swap3A_1890] {strides = array<i32>} : memref<16x384xf32, #tpu.memory_space<vmem>>, vector<16xf32>,
      tpu.vector_store %arg8[%swap3A_1889, %swap3A_1890], %select_n3A_1888 {strides = array<i32>} : memref<16x384xf32, #tpu.memory_space<vmem>>, vector<16xf32>,
      %get3A_1892 = arith.index_cast %scan3A_1721 : i32 to index
      %get3A_1893 = arith.constant 304 : index
      %get3A_1894 = tpu.vector_load %arg8[%get3A_1892, %get3A_1893] {strides = array<i32>} : memref<16x384xf32, #tpu.memory_space<vmem>>, vector<16xf32>,
      %jit3A_1895 = arith.constant 0.000000e+00 : f32
      %broadcast_in_dim3A_1896 = vector.broadcast %jit3A_1895 : f32 to vector<16xf32>
      %select_n3A_1897 = arith.select %or3A_1469, %get3A_1894, %broadcast_in_dim3A_1896 : vector<16xi1>, vector<16xf32>
      %swap3A_1898 = arith.index_cast %scan3A_1721 : i32 to index
      %swap3A_1899 = arith.constant 304 : index
      %swap3A_1900 = tpu.vector_load %arg8[%swap3A_1898, %swap3A_1899] {strides = array<i32>} : memref<16x384xf32, #tpu.memory_space<vmem>>, vector<16xf32>,
      tpu.vector_store %arg8[%swap3A_1898, %swap3A_1899], %select_n3A_1897 {strides = array<i32>} : memref<16x384xf32, #tpu.memory_space<vmem>>, vector<16xf32>,
      %get3A_1901 = arith.index_cast %scan3A_1721 : i32 to index
      %get3A_1902 = arith.constant 320 : index
      %get3A_1903 = tpu.vector_load %arg8[%get3A_1901, %get3A_1902] {strides = array<i32>} : memref<16x384xf32, #tpu.memory_space<vmem>>, vector<16xf32>,
      %jit3A_1904 = arith.constant 0.000000e+00 : f32
      %broadcast_in_dim3A_1905 = vector.broadcast %jit3A_1904 : f32 to vector<16xf32>
      %select_n3A_1906 = arith.select %or3A_1476, %get3A_1903, %broadcast_in_dim3A_1905 : vector<16xi1>, vector<16xf32>
      %swap3A_1907 = arith.index_cast %scan3A_1721 : i32 to index
      %swap3A_1908 = arith.constant 320 : index
      %swap3A_1909 = tpu.vector_load %arg8[%swap3A_1907, %swap3A_1908] {strides = array<i32>} : memref<16x384xf32, #tpu.memory_space<vmem>>, vector<16xf32>,
      tpu.vector_store %arg8[%swap3A_1907, %swap3A_1908], %select_n3A_1906 {strides = array<i32>} : memref<16x384xf32, #tpu.memory_space<vmem>>, vector<16xf32>,
      %get3A_1910 = arith.index_cast %scan3A_1721 : i32 to index
      %get3A_1911 = arith.constant 336 : index
      %get3A_1912 = tpu.vector_load %arg8[%get3A_1910, %get3A_1911] {strides = array<i32>} : memref<16x384xf32, #tpu.memory_space<vmem>>, vector<16xf32>,
      %jit3A_1913 = arith.constant 0.000000e+00 : f32
      %broadcast_in_dim3A_1914 = vector.broadcast %jit3A_1913 : f32 to vector<16xf32>
      %select_n3A_1915 = arith.select %or3A_1483, %get3A_1912, %broadcast_in_dim3A_1914 : vector<16xi1>, vector<16xf32>
      %swap3A_1916 = arith.index_cast %scan3A_1721 : i32 to index
      %swap3A_1917 = arith.constant 336 : index
      %swap3A_1918 = tpu.vector_load %arg8[%swap3A_1916, %swap3A_1917] {strides = array<i32>} : memref<16x384xf32, #tpu.memory_space<vmem>>, vector<16xf32>,
      tpu.vector_store %arg8[%swap3A_1916, %swap3A_1917], %select_n3A_1915 {strides = array<i32>} : memref<16x384xf32, #tpu.memory_space<vmem>>, vector<16xf32>,
      %get3A_1919 = arith.index_cast %scan3A_1721 : i32 to index
      %get3A_1920 = arith.constant 352 : index
      %get3A_1921 = tpu.vector_load %arg8[%get3A_1919, %get3A_1920] {strides = array<i32>} : memref<16x384xf32, #tpu.memory_space<vmem>>, vector<16xf32>,
      %jit3A_1922 = arith.constant 0.000000e+00 : f32
      %broadcast_in_dim3A_1923 = vector.broadcast %jit3A_1922 : f32 to vector<16xf32>
      %select_n3A_1924 = arith.select %or3A_1490, %get3A_1921, %broadcast_in_dim3A_1923 : vector<16xi1>, vector<16xf32>
      %swap3A_1925 = arith.index_cast %scan3A_1721 : i32 to index
      %swap3A_1926 = arith.constant 352 : index
      %swap3A_1927 = tpu.vector_load %arg8[%swap3A_1925, %swap3A_1926] {strides = array<i32>} : memref<16x384xf32, #tpu.memory_space<vmem>>, vector<16xf32>,
      tpu.vector_store %arg8[%swap3A_1925, %swap3A_1926], %select_n3A_1924 {strides = array<i32>} : memref<16x384xf32, #tpu.memory_space<vmem>>, vector<16xf32>,
      %get3A_1928 = arith.index_cast %scan3A_1721 : i32 to index
      %get3A_1929 = arith.constant 368 : index
      %get3A_1930 = tpu.vector_load %arg8[%get3A_1928, %get3A_1929] {strides = array<i32>} : memref<16x384xf32, #tpu.memory_space<vmem>>, vector<16xf32>,
      %jit3A_1931 = arith.constant 0.000000e+00 : f32
      %broadcast_in_dim3A_1932 = vector.broadcast %jit3A_1931 : f32 to vector<16xf32>
      %select_n3A_1933 = arith.select %or3A_1497, %get3A_1930, %broadcast_in_dim3A_1932 : vector<16xi1>, vector<16xf32>
      %swap3A_1934 = arith.index_cast %scan3A_1721 : i32 to index
      %swap3A_1935 = arith.constant 368 : index
      %swap3A_1936 = tpu.vector_load %arg8[%swap3A_1934, %swap3A_1935] {strides = array<i32>} : memref<16x384xf32, #tpu.memory_space<vmem>>, vector<16xf32>,
      tpu.vector_store %arg8[%swap3A_1934, %swap3A_1935], %select_n3A_1933 {strides = array<i32>} : memref<16x384xf32, #tpu.memory_space<vmem>>, vector<16xf32>,
      %scan3A_1937 = arith.constant 0 : i32
      scf.yield %scan3A_1937 : i32
    }
    %scan3A_1504 = arith.constant 16 : i32
    "tpu.region"() ({
      %run_scoped3A = tpu.sem_alloc : memref<!tpu.dma_semaphore, #tpu.memory_space<semaphore_mem>>
      %dma_start3A = arith.constant 0 : i32
      %dma_start3A_1721 = tpu.memref_slice %arg2[%add3A_1288, %dma_start3A, %multiple_of3A_1329] : memref<128x16x16384xf32, #tpu.memory_space<hbm>> -> memref<1x16x384xf32, #tpu.memory_space<hbm>>
      %dma_start3A_1722 = tpu.memref_squeeze %dma_start3A_1721 : memref<1x16x384xf32, #tpu.memory_space<hbm>> -> memref<16x384xf32, #tpu.memory_space<hbm>>
      %dma_start3A_1723 = arith.constant 0 : i32
      %dma_start3A_1724 = tpu.memref_slice %arg2[%add3A_1288, %dma_start3A_1723, %multiple_of3A_1329] : memref<128x16x16384xf32, #tpu.memory_space<hbm>> -> memref<1x16x384xf32, #tpu.memory_space<hbm>>
      %dma_start3A_1725 = tpu.memref_squeeze %dma_start3A_1724 : memref<1x16x384xf32, #tpu.memory_space<hbm>> -> memref<16x384xf32, #tpu.memory_space<hbm>>
      tpu.enqueue_dma source(%arg8 : memref<16x384xf32, #tpu.memory_space<vmem>>) target(%dma_start3A_1725 : memref<16x384xf32, #tpu.memory_space<hbm>>) target_semaphore(%run_scoped3A : memref<!tpu.dma_semaphore, #tpu.memory_space<semaphore_mem>>)
      %dma_wait3A = arith.constant 0 : i32
      %dma_wait3A_1726 = tpu.memref_slice %arg2[%add3A_1288, %dma_wait3A, %multiple_of3A_1329] : memref<128x16x16384xf32, #tpu.memory_space<hbm>> -> memref<1x16x384xf32, #tpu.memory_space<hbm>>
      %dma_wait3A_1727 = tpu.memref_squeeze %dma_wait3A_1726 : memref<1x16x384xf32, #tpu.memory_space<hbm>> -> memref<16x384xf32, #tpu.memory_space<hbm>>
      %dma_wait3A_1728 = arith.constant 0 : i32
      %dma_wait3A_1729 = tpu.memref_slice %arg2[%add3A_1288, %dma_wait3A_1728, %multiple_of3A_1329] : memref<128x16x16384xf32, #tpu.memory_space<hbm>> -> memref<1x16x384xf32, #tpu.memory_space<hbm>>
      %dma_wait3A_1730 = tpu.memref_squeeze %dma_wait3A_1729 : memref<1x16x384xf32, #tpu.memory_space<hbm>> -> memref<16x384xf32, #tpu.memory_space<hbm>>
      tpu.wait_dma2 semaphore(%run_scoped3A : memref<!tpu.dma_semaphore, #tpu.memory_space<semaphore_mem>>) src(%arg8 : memref<16x384xf32, #tpu.memory_space<vmem>>) dst(%dma_wait3A_1730 : memref<16x384xf32, #tpu.memory_space<hbm>>)
      tpu.yield
    }) : () -> ()
    %broadcast_in_dim3A_1505 = arith.constant 128 : i32
    %broadcast_in_dim3A_1506 = vector.broadcast %broadcast_in_dim3A_1505 : i32 to vector<16xi32>
    %add3A_1507 = vector.broadcast %add3A_1288 : i32 to vector<16xi32>
    %add3A_1508 = arith.addi %broadcast_in_dim3A_1506, %add3A_1507 : vector<16xi32>
    %gather3A_1509 = tpu.vector_load_idx %arg6[%add3A_1508] : memref<256xi32, #tpu.memory_space<vmem>>[vector<16xi32>], vector<16xi32>,
    %gather3A_1510 = tpu.vector_load_idx %arg7[%add3A_1508] : memref<256xi32, #tpu.memory_space<vmem>>[vector<16xi32>], vector<16xi32>,
    %add3A_1511 = arith.addi %gather3A_1509, %gather3A_1510 : vector<16xi32>
    %min3A_1512 = arith.constant 16384 : i32
    %min3A_1513 = vector.broadcast %min3A_1512 : i32 to vector<16xi32>
    %min3A_1514 = arith.minsi %add3A_1511, %min3A_1513 : vector<16xi32>
    %slice3A_1515 = vector.extract_strided_slice %gather3A_1509 {offsets = [0], sizes = [1], strides = [1]} : vector<16xi32> to vector<1xi32>
    %squeeze3A_1516 = vector.extract %slice3A_1515[0] : i32 from vector<1xi32>
    %jit3A_1517 = arith.constant 128 : i32
    %div3A_1518 = arith.divsi %squeeze3A_1516, %jit3A_1517 : i32
    %sign3A_1519 = arith.constant 0 : i32
    %sign3A_1520 = arith.cmpi sgt, %squeeze3A_1516, %sign3A_1519 : i32
    %sign3A_1521 = arith.extui %sign3A_1520 : i1 to i32
    %sign3A_1522 = arith.constant 0 : i32
    %sign3A_1523 = arith.cmpi slt, %squeeze3A_1516, %sign3A_1522 : i32
    %sign3A_1524 = arith.extui %sign3A_1523 : i1 to i32
    %sign3A_1525 = arith.subi %sign3A_1521, %sign3A_1524 : i32
    %sign3A_1526 = arith.constant 0 : i32
    %sign3A_1527 = arith.cmpi sgt, %jit3A_1517, %sign3A_1526 : i32
    %sign3A_1528 = arith.extui %sign3A_1527 : i1 to i32
    %sign3A_1529 = arith.constant 0 : i32
    %sign3A_1530 = arith.cmpi slt, %jit3A_1517, %sign3A_1529 : i32
    %sign3A_1531 = arith.extui %sign3A_1530 : i1 to i32
    %sign3A_1532 = arith.subi %sign3A_1528, %sign3A_1531 : i32
    %ne3A_1533 = arith.cmpi ne, %sign3A_1525, %sign3A_1532 : i32
    %rem3A_1534 = arith.remsi %squeeze3A_1516, %jit3A_1517 : i32
    %ne3A_1535 = arith.constant 0 : i32
    %ne3A_1536 = arith.cmpi ne, %rem3A_1534, %ne3A_1535 : i32
    %and3A_1537 = arith.andi %ne3A_1533, %ne3A_1536 : i1
    %sub3A_1538 = arith.constant 1 : i32
    %sub3A_1539 = arith.subi %div3A_1518, %sub3A_1538 : i32
    %select_n3A_1540 = arith.select %and3A_1537, %sub3A_1539, %div3A_1518 : i32
    %mul3A_1541 = arith.constant 128 : i32
    %mul3A_1542 = arith.muli %select_n3A_1540, %mul3A_1541 : i32
    %min3A_1543 = arith.constant 16000 : i32
    %min3A_1544 = arith.minsi %mul3A_1542, %min3A_1543 : i32
    %multiple_of3A_1545 = tpu.assume_multiple %min3A_1544, 128 : i32
    "tpu.region"() ({
      %run_scoped3A = tpu.sem_alloc : memref<!tpu.dma_semaphore, #tpu.memory_space<semaphore_mem>>
      %dma_start3A = arith.constant 0 : i32
      %dma_start3A_1721 = tpu.memref_slice %arg2[%add3A_1288, %dma_start3A, %multiple_of3A_1545] : memref<128x16x16384xf32, #tpu.memory_space<hbm>> -> memref<1x16x384xf32, #tpu.memory_space<hbm>>
      %dma_start3A_1722 = tpu.memref_squeeze %dma_start3A_1721 : memref<1x16x384xf32, #tpu.memory_space<hbm>> -> memref<16x384xf32, #tpu.memory_space<hbm>>
      %dma_start3A_1723 = arith.constant 0 : i32
      %dma_start3A_1724 = tpu.memref_slice %arg2[%add3A_1288, %dma_start3A_1723, %multiple_of3A_1545] : memref<128x16x16384xf32, #tpu.memory_space<hbm>> -> memref<1x16x384xf32, #tpu.memory_space<hbm>>
      %dma_start3A_1725 = tpu.memref_squeeze %dma_start3A_1724 : memref<1x16x384xf32, #tpu.memory_space<hbm>> -> memref<16x384xf32, #tpu.memory_space<hbm>>
      tpu.enqueue_dma source(%dma_start3A_1725 : memref<16x384xf32, #tpu.memory_space<hbm>>) target(%arg8 : memref<16x384xf32, #tpu.memory_space<vmem>>) target_semaphore(%run_scoped3A : memref<!tpu.dma_semaphore, #tpu.memory_space<semaphore_mem>>)
      %dma_wait3A = arith.constant 0 : i32
      %dma_wait3A_1726 = tpu.memref_slice %arg2[%add3A_1288, %dma_wait3A, %multiple_of3A_1545] : memref<128x16x16384xf32, #tpu.memory_space<hbm>> -> memref<1x16x384xf32, #tpu.memory_space<hbm>>
      %dma_wait3A_1727 = tpu.memref_squeeze %dma_wait3A_1726 : memref<1x16x384xf32, #tpu.memory_space<hbm>> -> memref<16x384xf32, #tpu.memory_space<hbm>>
      %dma_wait3A_1728 = arith.constant 0 : i32
      %dma_wait3A_1729 = tpu.memref_slice %arg2[%add3A_1288, %dma_wait3A_1728, %multiple_of3A_1545] : memref<128x16x16384xf32, #tpu.memory_space<hbm>> -> memref<1x16x384xf32, #tpu.memory_space<hbm>>
      %dma_wait3A_1730 = tpu.memref_squeeze %dma_wait3A_1729 : memref<1x16x384xf32, #tpu.memory_space<hbm>> -> memref<16x384xf32, #tpu.memory_space<hbm>>
      tpu.wait_dma2 semaphore(%run_scoped3A : memref<!tpu.dma_semaphore, #tpu.memory_space<semaphore_mem>>) src(%dma_wait3A_1730 : memref<16x384xf32, #tpu.memory_space<hbm>>) dst(%arg8 : memref<16x384xf32, #tpu.memory_space<vmem>>)
      tpu.yield
    }) : () -> ()
    %add3A_1546 = arith.constant 0 : i32
    %add3A_1547 = arith.addi %multiple_of3A_1545, %add3A_1546 : i32
    %add3A_1548 = vector.broadcast %add3A_1547 : i32 to vector<16xi32>
    %add3A_1549 = arith.addi %add3A_1548, %iota3A : vector<16xi32>
    %lt3A_1550 = arith.cmpi slt, %add3A_1549, %gather3A_1509 : vector<16xi32>
    %ge3A_1551 = arith.cmpi sge, %add3A_1549, %min3A_1514 : vector<16xi32>
    %or3A_1552 = arith.ori %lt3A_1550, %ge3A_1551 : vector<16xi1>
    %add3A_1553 = arith.constant 16 : i32
    %add3A_1554 = arith.addi %multiple_of3A_1545, %add3A_1553 : i32
    %add3A_1555 = vector.broadcast %add3A_1554 : i32 to vector<16xi32>
    %add3A_1556 = arith.addi %add3A_1555, %iota3A : vector<16xi32>
    %lt3A_1557 = arith.cmpi slt, %add3A_1556, %gather3A_1509 : vector<16xi32>
    %ge3A_1558 = arith.cmpi sge, %add3A_1556, %min3A_1514 : vector<16xi32>
    %or3A_1559 = arith.ori %lt3A_1557, %ge3A_1558 : vector<16xi1>
    %add3A_1560 = arith.constant 32 : i32
    %add3A_1561 = arith.addi %multiple_of3A_1545, %add3A_1560 : i32
    %add3A_1562 = vector.broadcast %add3A_1561 : i32 to vector<16xi32>
    %add3A_1563 = arith.addi %add3A_1562, %iota3A : vector<16xi32>
    %lt3A_1564 = arith.cmpi slt, %add3A_1563, %gather3A_1509 : vector<16xi32>
    %ge3A_1565 = arith.cmpi sge, %add3A_1563, %min3A_1514 : vector<16xi32>
    %or3A_1566 = arith.ori %lt3A_1564, %ge3A_1565 : vector<16xi1>
    %add3A_1567 = arith.constant 48 : i32
    %add3A_1568 = arith.addi %multiple_of3A_1545, %add3A_1567 : i32
    %add3A_1569 = vector.broadcast %add3A_1568 : i32 to vector<16xi32>
    %add3A_1570 = arith.addi %add3A_1569, %iota3A : vector<16xi32>
    %lt3A_1571 = arith.cmpi slt, %add3A_1570, %gather3A_1509 : vector<16xi32>
    %ge3A_1572 = arith.cmpi sge, %add3A_1570, %min3A_1514 : vector<16xi32>
    %or3A_1573 = arith.ori %lt3A_1571, %ge3A_1572 : vector<16xi1>
    %add3A_1574 = arith.constant 64 : i32
    %add3A_1575 = arith.addi %multiple_of3A_1545, %add3A_1574 : i32
    %add3A_1576 = vector.broadcast %add3A_1575 : i32 to vector<16xi32>
    %add3A_1577 = arith.addi %add3A_1576, %iota3A : vector<16xi32>
    %lt3A_1578 = arith.cmpi slt, %add3A_1577, %gather3A_1509 : vector<16xi32>
    %ge3A_1579 = arith.cmpi sge, %add3A_1577, %min3A_1514 : vector<16xi32>
    %or3A_1580 = arith.ori %lt3A_1578, %ge3A_1579 : vector<16xi1>
    %add3A_1581 = arith.constant 80 : i32
    %add3A_1582 = arith.addi %multiple_of3A_1545, %add3A_1581 : i32
    %add3A_1583 = vector.broadcast %add3A_1582 : i32 to vector<16xi32>
    %add3A_1584 = arith.addi %add3A_1583, %iota3A : vector<16xi32>
    %lt3A_1585 = arith.cmpi slt, %add3A_1584, %gather3A_1509 : vector<16xi32>
    %ge3A_1586 = arith.cmpi sge, %add3A_1584, %min3A_1514 : vector<16xi32>
    %or3A_1587 = arith.ori %lt3A_1585, %ge3A_1586 : vector<16xi1>
    %add3A_1588 = arith.constant 96 : i32
    %add3A_1589 = arith.addi %multiple_of3A_1545, %add3A_1588 : i32
    %add3A_1590 = vector.broadcast %add3A_1589 : i32 to vector<16xi32>
    %add3A_1591 = arith.addi %add3A_1590, %iota3A : vector<16xi32>
    %lt3A_1592 = arith.cmpi slt, %add3A_1591, %gather3A_1509 : vector<16xi32>
    %ge3A_1593 = arith.cmpi sge, %add3A_1591, %min3A_1514 : vector<16xi32>
    %or3A_1594 = arith.ori %lt3A_1592, %ge3A_1593 : vector<16xi1>
    %add3A_1595 = arith.constant 112 : i32
    %add3A_1596 = arith.addi %multiple_of3A_1545, %add3A_1595 : i32
    %add3A_1597 = vector.broadcast %add3A_1596 : i32 to vector<16xi32>
    %add3A_1598 = arith.addi %add3A_1597, %iota3A : vector<16xi32>
    %lt3A_1599 = arith.cmpi slt, %add3A_1598, %gather3A_1509 : vector<16xi32>
    %ge3A_1600 = arith.cmpi sge, %add3A_1598, %min3A_1514 : vector<16xi32>
    %or3A_1601 = arith.ori %lt3A_1599, %ge3A_1600 : vector<16xi1>
    %add3A_1602 = arith.constant 128 : i32
    %add3A_1603 = arith.addi %multiple_of3A_1545, %add3A_1602 : i32
    %add3A_1604 = vector.broadcast %add3A_1603 : i32 to vector<16xi32>
    %add3A_1605 = arith.addi %add3A_1604, %iota3A : vector<16xi32>
    %lt3A_1606 = arith.cmpi slt, %add3A_1605, %gather3A_1509 : vector<16xi32>
    %ge3A_1607 = arith.cmpi sge, %add3A_1605, %min3A_1514 : vector<16xi32>
    %or3A_1608 = arith.ori %lt3A_1606, %ge3A_1607 : vector<16xi1>
    %add3A_1609 = arith.constant 144 : i32
    %add3A_1610 = arith.addi %multiple_of3A_1545, %add3A_1609 : i32
    %add3A_1611 = vector.broadcast %add3A_1610 : i32 to vector<16xi32>
    %add3A_1612 = arith.addi %add3A_1611, %iota3A : vector<16xi32>
    %lt3A_1613 = arith.cmpi slt, %add3A_1612, %gather3A_1509 : vector<16xi32>
    %ge3A_1614 = arith.cmpi sge, %add3A_1612, %min3A_1514 : vector<16xi32>
    %or3A_1615 = arith.ori %lt3A_1613, %ge3A_1614 : vector<16xi1>
    %add3A_1616 = arith.constant 160 : i32
    %add3A_1617 = arith.addi %multiple_of3A_1545, %add3A_1616 : i32
    %add3A_1618 = vector.broadcast %add3A_1617 : i32 to vector<16xi32>
    %add3A_1619 = arith.addi %add3A_1618, %iota3A : vector<16xi32>
    %lt3A_1620 = arith.cmpi slt, %add3A_1619, %gather3A_1509 : vector<16xi32>
    %ge3A_1621 = arith.cmpi sge, %add3A_1619, %min3A_1514 : vector<16xi32>
    %or3A_1622 = arith.ori %lt3A_1620, %ge3A_1621 : vector<16xi1>
    %add3A_1623 = arith.constant 176 : i32
    %add3A_1624 = arith.addi %multiple_of3A_1545, %add3A_1623 : i32
    %add3A_1625 = vector.broadcast %add3A_1624 : i32 to vector<16xi32>
    %add3A_1626 = arith.addi %add3A_1625, %iota3A : vector<16xi32>
    %lt3A_1627 = arith.cmpi slt, %add3A_1626, %gather3A_1509 : vector<16xi32>
    %ge3A_1628 = arith.cmpi sge, %add3A_1626, %min3A_1514 : vector<16xi32>
    %or3A_1629 = arith.ori %lt3A_1627, %ge3A_1628 : vector<16xi1>
    %add3A_1630 = arith.constant 192 : i32
    %add3A_1631 = arith.addi %multiple_of3A_1545, %add3A_1630 : i32
    %add3A_1632 = vector.broadcast %add3A_1631 : i32 to vector<16xi32>
    %add3A_1633 = arith.addi %add3A_1632, %iota3A : vector<16xi32>
    %lt3A_1634 = arith.cmpi slt, %add3A_1633, %gather3A_1509 : vector<16xi32>
    %ge3A_1635 = arith.cmpi sge, %add3A_1633, %min3A_1514 : vector<16xi32>
    %or3A_1636 = arith.ori %lt3A_1634, %ge3A_1635 : vector<16xi1>
    %add3A_1637 = arith.constant 208 : i32
    %add3A_1638 = arith.addi %multiple_of3A_1545, %add3A_1637 : i32
    %add3A_1639 = vector.broadcast %add3A_1638 : i32 to vector<16xi32>
    %add3A_1640 = arith.addi %add3A_1639, %iota3A : vector<16xi32>
    %lt3A_1641 = arith.cmpi slt, %add3A_1640, %gather3A_1509 : vector<16xi32>
    %ge3A_1642 = arith.cmpi sge, %add3A_1640, %min3A_1514 : vector<16xi32>
    %or3A_1643 = arith.ori %lt3A_1641, %ge3A_1642 : vector<16xi1>
    %add3A_1644 = arith.constant 224 : i32
    %add3A_1645 = arith.addi %multiple_of3A_1545, %add3A_1644 : i32
    %add3A_1646 = vector.broadcast %add3A_1645 : i32 to vector<16xi32>
    %add3A_1647 = arith.addi %add3A_1646, %iota3A : vector<16xi32>
    %lt3A_1648 = arith.cmpi slt, %add3A_1647, %gather3A_1509 : vector<16xi32>
    %ge3A_1649 = arith.cmpi sge, %add3A_1647, %min3A_1514 : vector<16xi32>
    %or3A_1650 = arith.ori %lt3A_1648, %ge3A_1649 : vector<16xi1>
    %add3A_1651 = arith.constant 240 : i32
    %add3A_1652 = arith.addi %multiple_of3A_1545, %add3A_1651 : i32
    %add3A_1653 = vector.broadcast %add3A_1652 : i32 to vector<16xi32>
    %add3A_1654 = arith.addi %add3A_1653, %iota3A : vector<16xi32>
    %lt3A_1655 = arith.cmpi slt, %add3A_1654, %gather3A_1509 : vector<16xi32>
    %ge3A_1656 = arith.cmpi sge, %add3A_1654, %min3A_1514 : vector<16xi32>
    %or3A_1657 = arith.ori %lt3A_1655, %ge3A_1656 : vector<16xi1>
    %add3A_1658 = arith.constant 256 : i32
    %add3A_1659 = arith.addi %multiple_of3A_1545, %add3A_1658 : i32
    %add3A_1660 = vector.broadcast %add3A_1659 : i32 to vector<16xi32>
    %add3A_1661 = arith.addi %add3A_1660, %iota3A : vector<16xi32>
    %lt3A_1662 = arith.cmpi slt, %add3A_1661, %gather3A_1509 : vector<16xi32>
    %ge3A_1663 = arith.cmpi sge, %add3A_1661, %min3A_1514 : vector<16xi32>
    %or3A_1664 = arith.ori %lt3A_1662, %ge3A_1663 : vector<16xi1>
    %add3A_1665 = arith.constant 272 : i32
    %add3A_1666 = arith.addi %multiple_of3A_1545, %add3A_1665 : i32
    %add3A_1667 = vector.broadcast %add3A_1666 : i32 to vector<16xi32>
    %add3A_1668 = arith.addi %add3A_1667, %iota3A : vector<16xi32>
    %lt3A_1669 = arith.cmpi slt, %add3A_1668, %gather3A_1509 : vector<16xi32>
    %ge3A_1670 = arith.cmpi sge, %add3A_1668, %min3A_1514 : vector<16xi32>
    %or3A_1671 = arith.ori %lt3A_1669, %ge3A_1670 : vector<16xi1>
    %add3A_1672 = arith.constant 288 : i32
    %add3A_1673 = arith.addi %multiple_of3A_1545, %add3A_1672 : i32
    %add3A_1674 = vector.broadcast %add3A_1673 : i32 to vector<16xi32>
    %add3A_1675 = arith.addi %add3A_1674, %iota3A : vector<16xi32>
    %lt3A_1676 = arith.cmpi slt, %add3A_1675, %gather3A_1509 : vector<16xi32>
    %ge3A_1677 = arith.cmpi sge, %add3A_1675, %min3A_1514 : vector<16xi32>
    %or3A_1678 = arith.ori %lt3A_1676, %ge3A_1677 : vector<16xi1>
    %add3A_1679 = arith.constant 304 : i32
    %add3A_1680 = arith.addi %multiple_of3A_1545, %add3A_1679 : i32
    %add3A_1681 = vector.broadcast %add3A_1680 : i32 to vector<16xi32>
    %add3A_1682 = arith.addi %add3A_1681, %iota3A : vector<16xi32>
    %lt3A_1683 = arith.cmpi slt, %add3A_1682, %gather3A_1509 : vector<16xi32>
    %ge3A_1684 = arith.cmpi sge, %add3A_1682, %min3A_1514 : vector<16xi32>
    %or3A_1685 = arith.ori %lt3A_1683, %ge3A_1684 : vector<16xi1>
    %add3A_1686 = arith.constant 320 : i32
    %add3A_1687 = arith.addi %multiple_of3A_1545, %add3A_1686 : i32
    %add3A_1688 = vector.broadcast %add3A_1687 : i32 to vector<16xi32>
    %add3A_1689 = arith.addi %add3A_1688, %iota3A : vector<16xi32>
    %lt3A_1690 = arith.cmpi slt, %add3A_1689, %gather3A_1509 : vector<16xi32>
    %ge3A_1691 = arith.cmpi sge, %add3A_1689, %min3A_1514 : vector<16xi32>
    %or3A_1692 = arith.ori %lt3A_1690, %ge3A_1691 : vector<16xi1>
    %add3A_1693 = arith.constant 336 : i32
    %add3A_1694 = arith.addi %multiple_of3A_1545, %add3A_1693 : i32
    %add3A_1695 = vector.broadcast %add3A_1694 : i32 to vector<16xi32>
    %add3A_1696 = arith.addi %add3A_1695, %iota3A : vector<16xi32>
    %lt3A_1697 = arith.cmpi slt, %add3A_1696, %gather3A_1509 : vector<16xi32>
    %ge3A_1698 = arith.cmpi sge, %add3A_1696, %min3A_1514 : vector<16xi32>
    %or3A_1699 = arith.ori %lt3A_1697, %ge3A_1698 : vector<16xi1>
    %add3A_1700 = arith.constant 352 : i32
    %add3A_1701 = arith.addi %multiple_of3A_1545, %add3A_1700 : i32
    %add3A_1702 = vector.broadcast %add3A_1701 : i32 to vector<16xi32>
    %add3A_1703 = arith.addi %add3A_1702, %iota3A : vector<16xi32>
    %lt3A_1704 = arith.cmpi slt, %add3A_1703, %gather3A_1509 : vector<16xi32>
    %ge3A_1705 = arith.cmpi sge, %add3A_1703, %min3A_1514 : vector<16xi32>
    %or3A_1706 = arith.ori %lt3A_1704, %ge3A_1705 : vector<16xi1>
    %add3A_1707 = arith.constant 368 : i32
    %add3A_1708 = arith.addi %multiple_of3A_1545, %add3A_1707 : i32
    %add3A_1709 = vector.broadcast %add3A_1708 : i32 to vector<16xi32>
    %add3A_1710 = arith.addi %add3A_1709, %iota3A : vector<16xi32>
    %lt3A_1711 = arith.cmpi slt, %add3A_1710, %gather3A_1509 : vector<16xi32>
    %ge3A_1712 = arith.cmpi sge, %add3A_1710, %min3A_1514 : vector<16xi32>
    %or3A_1713 = arith.ori %lt3A_1711, %ge3A_1712 : vector<16xi1>
    %scan3A_1714 = arith.constant 0 : i32
    %scan3A_1715 = arith.constant 0 : i32
    %scan3A_1716 = arith.constant 16 : i32
    %scan3A_1717 = arith.addi %scan3A_1715, %scan3A_1716 : i32
    %scan3A_1718 = arith.constant 1 : i32
    %scan3A_1719 = scf.for %scan3A_1721 = %scan3A_1715 to %scan3A_1717 step %scan3A_1718 iter_args(%scan3A_1722 = %scan3A_1714) -> (i32)  : i32 {
      %get3A = arith.index_cast %scan3A_1721 : i32 to index
      %get3A_1723 = arith.constant 0 : index
      %get3A_1724 = tpu.vector_load %arg8[%get3A, %get3A_1723] {strides = array<i32>} : memref<16x384xf32, #tpu.memory_space<vmem>>, vector<16xf32>,
      %jit3A_1725 = arith.constant 0.000000e+00 : f32
      %broadcast_in_dim3A_1726 = vector.broadcast %jit3A_1725 : f32 to vector<16xf32>
      %select_n3A_1727 = arith.select %or3A_1552, %get3A_1724, %broadcast_in_dim3A_1726 : vector<16xi1>, vector<16xf32>
      %swap3A = arith.index_cast %scan3A_1721 : i32 to index
      %swap3A_1728 = arith.constant 0 : index
      %swap3A_1729 = tpu.vector_load %arg8[%swap3A, %swap3A_1728] {strides = array<i32>} : memref<16x384xf32, #tpu.memory_space<vmem>>, vector<16xf32>,
      tpu.vector_store %arg8[%swap3A, %swap3A_1728], %select_n3A_1727 {strides = array<i32>} : memref<16x384xf32, #tpu.memory_space<vmem>>, vector<16xf32>,
      %get3A_1730 = arith.index_cast %scan3A_1721 : i32 to index
      %get3A_1731 = arith.constant 16 : index
      %get3A_1732 = tpu.vector_load %arg8[%get3A_1730, %get3A_1731] {strides = array<i32>} : memref<16x384xf32, #tpu.memory_space<vmem>>, vector<16xf32>,
      %jit3A_1733 = arith.constant 0.000000e+00 : f32
      %broadcast_in_dim3A_1734 = vector.broadcast %jit3A_1733 : f32 to vector<16xf32>
      %select_n3A_1735 = arith.select %or3A_1559, %get3A_1732, %broadcast_in_dim3A_1734 : vector<16xi1>, vector<16xf32>
      %swap3A_1736 = arith.index_cast %scan3A_1721 : i32 to index
      %swap3A_1737 = arith.constant 16 : index
      %swap3A_1738 = tpu.vector_load %arg8[%swap3A_1736, %swap3A_1737] {strides = array<i32>} : memref<16x384xf32, #tpu.memory_space<vmem>>, vector<16xf32>,
      tpu.vector_store %arg8[%swap3A_1736, %swap3A_1737], %select_n3A_1735 {strides = array<i32>} : memref<16x384xf32, #tpu.memory_space<vmem>>, vector<16xf32>,
      %get3A_1739 = arith.index_cast %scan3A_1721 : i32 to index
      %get3A_1740 = arith.constant 32 : index
      %get3A_1741 = tpu.vector_load %arg8[%get3A_1739, %get3A_1740] {strides = array<i32>} : memref<16x384xf32, #tpu.memory_space<vmem>>, vector<16xf32>,
      %jit3A_1742 = arith.constant 0.000000e+00 : f32
      %broadcast_in_dim3A_1743 = vector.broadcast %jit3A_1742 : f32 to vector<16xf32>
      %select_n3A_1744 = arith.select %or3A_1566, %get3A_1741, %broadcast_in_dim3A_1743 : vector<16xi1>, vector<16xf32>
      %swap3A_1745 = arith.index_cast %scan3A_1721 : i32 to index
      %swap3A_1746 = arith.constant 32 : index
      %swap3A_1747 = tpu.vector_load %arg8[%swap3A_1745, %swap3A_1746] {strides = array<i32>} : memref<16x384xf32, #tpu.memory_space<vmem>>, vector<16xf32>,
      tpu.vector_store %arg8[%swap3A_1745, %swap3A_1746], %select_n3A_1744 {strides = array<i32>} : memref<16x384xf32, #tpu.memory_space<vmem>>, vector<16xf32>,
      %get3A_1748 = arith.index_cast %scan3A_1721 : i32 to index
      %get3A_1749 = arith.constant 48 : index
      %get3A_1750 = tpu.vector_load %arg8[%get3A_1748, %get3A_1749] {strides = array<i32>} : memref<16x384xf32, #tpu.memory_space<vmem>>, vector<16xf32>,
      %jit3A_1751 = arith.constant 0.000000e+00 : f32
      %broadcast_in_dim3A_1752 = vector.broadcast %jit3A_1751 : f32 to vector<16xf32>
      %select_n3A_1753 = arith.select %or3A_1573, %get3A_1750, %broadcast_in_dim3A_1752 : vector<16xi1>, vector<16xf32>
      %swap3A_1754 = arith.index_cast %scan3A_1721 : i32 to index
      %swap3A_1755 = arith.constant 48 : index
      %swap3A_1756 = tpu.vector_load %arg8[%swap3A_1754, %swap3A_1755] {strides = array<i32>} : memref<16x384xf32, #tpu.memory_space<vmem>>, vector<16xf32>,
      tpu.vector_store %arg8[%swap3A_1754, %swap3A_1755], %select_n3A_1753 {strides = array<i32>} : memref<16x384xf32, #tpu.memory_space<vmem>>, vector<16xf32>,
      %get3A_1757 = arith.index_cast %scan3A_1721 : i32 to index
      %get3A_1758 = arith.constant 64 : index
      %get3A_1759 = tpu.vector_load %arg8[%get3A_1757, %get3A_1758] {strides = array<i32>} : memref<16x384xf32, #tpu.memory_space<vmem>>, vector<16xf32>,
      %jit3A_1760 = arith.constant 0.000000e+00 : f32
      %broadcast_in_dim3A_1761 = vector.broadcast %jit3A_1760 : f32 to vector<16xf32>
      %select_n3A_1762 = arith.select %or3A_1580, %get3A_1759, %broadcast_in_dim3A_1761 : vector<16xi1>, vector<16xf32>
      %swap3A_1763 = arith.index_cast %scan3A_1721 : i32 to index
      %swap3A_1764 = arith.constant 64 : index
      %swap3A_1765 = tpu.vector_load %arg8[%swap3A_1763, %swap3A_1764] {strides = array<i32>} : memref<16x384xf32, #tpu.memory_space<vmem>>, vector<16xf32>,
      tpu.vector_store %arg8[%swap3A_1763, %swap3A_1764], %select_n3A_1762 {strides = array<i32>} : memref<16x384xf32, #tpu.memory_space<vmem>>, vector<16xf32>,
      %get3A_1766 = arith.index_cast %scan3A_1721 : i32 to index
      %get3A_1767 = arith.constant 80 : index
      %get3A_1768 = tpu.vector_load %arg8[%get3A_1766, %get3A_1767] {strides = array<i32>} : memref<16x384xf32, #tpu.memory_space<vmem>>, vector<16xf32>,
      %jit3A_1769 = arith.constant 0.000000e+00 : f32
      %broadcast_in_dim3A_1770 = vector.broadcast %jit3A_1769 : f32 to vector<16xf32>
      %select_n3A_1771 = arith.select %or3A_1587, %get3A_1768, %broadcast_in_dim3A_1770 : vector<16xi1>, vector<16xf32>
      %swap3A_1772 = arith.index_cast %scan3A_1721 : i32 to index
      %swap3A_1773 = arith.constant 80 : index
      %swap3A_1774 = tpu.vector_load %arg8[%swap3A_1772, %swap3A_1773] {strides = array<i32>} : memref<16x384xf32, #tpu.memory_space<vmem>>, vector<16xf32>,
      tpu.vector_store %arg8[%swap3A_1772, %swap3A_1773], %select_n3A_1771 {strides = array<i32>} : memref<16x384xf32, #tpu.memory_space<vmem>>, vector<16xf32>,
      %get3A_1775 = arith.index_cast %scan3A_1721 : i32 to index
      %get3A_1776 = arith.constant 96 : index
      %get3A_1777 = tpu.vector_load %arg8[%get3A_1775, %get3A_1776] {strides = array<i32>} : memref<16x384xf32, #tpu.memory_space<vmem>>, vector<16xf32>,
      %jit3A_1778 = arith.constant 0.000000e+00 : f32
      %broadcast_in_dim3A_1779 = vector.broadcast %jit3A_1778 : f32 to vector<16xf32>
      %select_n3A_1780 = arith.select %or3A_1594, %get3A_1777, %broadcast_in_dim3A_1779 : vector<16xi1>, vector<16xf32>
      %swap3A_1781 = arith.index_cast %scan3A_1721 : i32 to index
      %swap3A_1782 = arith.constant 96 : index
      %swap3A_1783 = tpu.vector_load %arg8[%swap3A_1781, %swap3A_1782] {strides = array<i32>} : memref<16x384xf32, #tpu.memory_space<vmem>>, vector<16xf32>,
      tpu.vector_store %arg8[%swap3A_1781, %swap3A_1782], %select_n3A_1780 {strides = array<i32>} : memref<16x384xf32, #tpu.memory_space<vmem>>, vector<16xf32>,
      %get3A_1784 = arith.index_cast %scan3A_1721 : i32 to index
      %get3A_1785 = arith.constant 112 : index
      %get3A_1786 = tpu.vector_load %arg8[%get3A_1784, %get3A_1785] {strides = array<i32>} : memref<16x384xf32, #tpu.memory_space<vmem>>, vector<16xf32>,
      %jit3A_1787 = arith.constant 0.000000e+00 : f32
      %broadcast_in_dim3A_1788 = vector.broadcast %jit3A_1787 : f32 to vector<16xf32>
      %select_n3A_1789 = arith.select %or3A_1601, %get3A_1786, %broadcast_in_dim3A_1788 : vector<16xi1>, vector<16xf32>
      %swap3A_1790 = arith.index_cast %scan3A_1721 : i32 to index
      %swap3A_1791 = arith.constant 112 : index
      %swap3A_1792 = tpu.vector_load %arg8[%swap3A_1790, %swap3A_1791] {strides = array<i32>} : memref<16x384xf32, #tpu.memory_space<vmem>>, vector<16xf32>,
      tpu.vector_store %arg8[%swap3A_1790, %swap3A_1791], %select_n3A_1789 {strides = array<i32>} : memref<16x384xf32, #tpu.memory_space<vmem>>, vector<16xf32>,
      %get3A_1793 = arith.index_cast %scan3A_1721 : i32 to index
      %get3A_1794 = arith.constant 128 : index
      %get3A_1795 = tpu.vector_load %arg8[%get3A_1793, %get3A_1794] {strides = array<i32>} : memref<16x384xf32, #tpu.memory_space<vmem>>, vector<16xf32>,
      %jit3A_1796 = arith.constant 0.000000e+00 : f32
      %broadcast_in_dim3A_1797 = vector.broadcast %jit3A_1796 : f32 to vector<16xf32>
      %select_n3A_1798 = arith.select %or3A_1608, %get3A_1795, %broadcast_in_dim3A_1797 : vector<16xi1>, vector<16xf32>
      %swap3A_1799 = arith.index_cast %scan3A_1721 : i32 to index
      %swap3A_1800 = arith.constant 128 : index
      %swap3A_1801 = tpu.vector_load %arg8[%swap3A_1799, %swap3A_1800] {strides = array<i32>} : memref<16x384xf32, #tpu.memory_space<vmem>>, vector<16xf32>,
      tpu.vector_store %arg8[%swap3A_1799, %swap3A_1800], %select_n3A_1798 {strides = array<i32>} : memref<16x384xf32, #tpu.memory_space<vmem>>, vector<16xf32>,
      %get3A_1802 = arith.index_cast %scan3A_1721 : i32 to index
      %get3A_1803 = arith.constant 144 : index
      %get3A_1804 = tpu.vector_load %arg8[%get3A_1802, %get3A_1803] {strides = array<i32>} : memref<16x384xf32, #tpu.memory_space<vmem>>, vector<16xf32>,
      %jit3A_1805 = arith.constant 0.000000e+00 : f32
      %broadcast_in_dim3A_1806 = vector.broadcast %jit3A_1805 : f32 to vector<16xf32>
      %select_n3A_1807 = arith.select %or3A_1615, %get3A_1804, %broadcast_in_dim3A_1806 : vector<16xi1>, vector<16xf32>
      %swap3A_1808 = arith.index_cast %scan3A_1721 : i32 to index
      %swap3A_1809 = arith.constant 144 : index
      %swap3A_1810 = tpu.vector_load %arg8[%swap3A_1808, %swap3A_1809] {strides = array<i32>} : memref<16x384xf32, #tpu.memory_space<vmem>>, vector<16xf32>,
      tpu.vector_store %arg8[%swap3A_1808, %swap3A_1809], %select_n3A_1807 {strides = array<i32>} : memref<16x384xf32, #tpu.memory_space<vmem>>, vector<16xf32>,
      %get3A_1811 = arith.index_cast %scan3A_1721 : i32 to index
      %get3A_1812 = arith.constant 160 : index
      %get3A_1813 = tpu.vector_load %arg8[%get3A_1811, %get3A_1812] {strides = array<i32>} : memref<16x384xf32, #tpu.memory_space<vmem>>, vector<16xf32>,
      %jit3A_1814 = arith.constant 0.000000e+00 : f32
      %broadcast_in_dim3A_1815 = vector.broadcast %jit3A_1814 : f32 to vector<16xf32>
      %select_n3A_1816 = arith.select %or3A_1622, %get3A_1813, %broadcast_in_dim3A_1815 : vector<16xi1>, vector<16xf32>
      %swap3A_1817 = arith.index_cast %scan3A_1721 : i32 to index
      %swap3A_1818 = arith.constant 160 : index
      %swap3A_1819 = tpu.vector_load %arg8[%swap3A_1817, %swap3A_1818] {strides = array<i32>} : memref<16x384xf32, #tpu.memory_space<vmem>>, vector<16xf32>,
      tpu.vector_store %arg8[%swap3A_1817, %swap3A_1818], %select_n3A_1816 {strides = array<i32>} : memref<16x384xf32, #tpu.memory_space<vmem>>, vector<16xf32>,
      %get3A_1820 = arith.index_cast %scan3A_1721 : i32 to index
      %get3A_1821 = arith.constant 176 : index
      %get3A_1822 = tpu.vector_load %arg8[%get3A_1820, %get3A_1821] {strides = array<i32>} : memref<16x384xf32, #tpu.memory_space<vmem>>, vector<16xf32>,
      %jit3A_1823 = arith.constant 0.000000e+00 : f32
      %broadcast_in_dim3A_1824 = vector.broadcast %jit3A_1823 : f32 to vector<16xf32>
      %select_n3A_1825 = arith.select %or3A_1629, %get3A_1822, %broadcast_in_dim3A_1824 : vector<16xi1>, vector<16xf32>
      %swap3A_1826 = arith.index_cast %scan3A_1721 : i32 to index
      %swap3A_1827 = arith.constant 176 : index
      %swap3A_1828 = tpu.vector_load %arg8[%swap3A_1826, %swap3A_1827] {strides = array<i32>} : memref<16x384xf32, #tpu.memory_space<vmem>>, vector<16xf32>,
      tpu.vector_store %arg8[%swap3A_1826, %swap3A_1827], %select_n3A_1825 {strides = array<i32>} : memref<16x384xf32, #tpu.memory_space<vmem>>, vector<16xf32>,
      %get3A_1829 = arith.index_cast %scan3A_1721 : i32 to index
      %get3A_1830 = arith.constant 192 : index
      %get3A_1831 = tpu.vector_load %arg8[%get3A_1829, %get3A_1830] {strides = array<i32>} : memref<16x384xf32, #tpu.memory_space<vmem>>, vector<16xf32>,
      %jit3A_1832 = arith.constant 0.000000e+00 : f32
      %broadcast_in_dim3A_1833 = vector.broadcast %jit3A_1832 : f32 to vector<16xf32>
      %select_n3A_1834 = arith.select %or3A_1636, %get3A_1831, %broadcast_in_dim3A_1833 : vector<16xi1>, vector<16xf32>
      %swap3A_1835 = arith.index_cast %scan3A_1721 : i32 to index
      %swap3A_1836 = arith.constant 192 : index
      %swap3A_1837 = tpu.vector_load %arg8[%swap3A_1835, %swap3A_1836] {strides = array<i32>} : memref<16x384xf32, #tpu.memory_space<vmem>>, vector<16xf32>,
      tpu.vector_store %arg8[%swap3A_1835, %swap3A_1836], %select_n3A_1834 {strides = array<i32>} : memref<16x384xf32, #tpu.memory_space<vmem>>, vector<16xf32>,
      %get3A_1838 = arith.index_cast %scan3A_1721 : i32 to index
      %get3A_1839 = arith.constant 208 : index
      %get3A_1840 = tpu.vector_load %arg8[%get3A_1838, %get3A_1839] {strides = array<i32>} : memref<16x384xf32, #tpu.memory_space<vmem>>, vector<16xf32>,
      %jit3A_1841 = arith.constant 0.000000e+00 : f32
      %broadcast_in_dim3A_1842 = vector.broadcast %jit3A_1841 : f32 to vector<16xf32>
      %select_n3A_1843 = arith.select %or3A_1643, %get3A_1840, %broadcast_in_dim3A_1842 : vector<16xi1>, vector<16xf32>
      %swap3A_1844 = arith.index_cast %scan3A_1721 : i32 to index
      %swap3A_1845 = arith.constant 208 : index
      %swap3A_1846 = tpu.vector_load %arg8[%swap3A_1844, %swap3A_1845] {strides = array<i32>} : memref<16x384xf32, #tpu.memory_space<vmem>>, vector<16xf32>,
      tpu.vector_store %arg8[%swap3A_1844, %swap3A_1845], %select_n3A_1843 {strides = array<i32>} : memref<16x384xf32, #tpu.memory_space<vmem>>, vector<16xf32>,
      %get3A_1847 = arith.index_cast %scan3A_1721 : i32 to index
      %get3A_1848 = arith.constant 224 : index
      %get3A_1849 = tpu.vector_load %arg8[%get3A_1847, %get3A_1848] {strides = array<i32>} : memref<16x384xf32, #tpu.memory_space<vmem>>, vector<16xf32>,
      %jit3A_1850 = arith.constant 0.000000e+00 : f32
      %broadcast_in_dim3A_1851 = vector.broadcast %jit3A_1850 : f32 to vector<16xf32>
      %select_n3A_1852 = arith.select %or3A_1650, %get3A_1849, %broadcast_in_dim3A_1851 : vector<16xi1>, vector<16xf32>
      %swap3A_1853 = arith.index_cast %scan3A_1721 : i32 to index
      %swap3A_1854 = arith.constant 224 : index
      %swap3A_1855 = tpu.vector_load %arg8[%swap3A_1853, %swap3A_1854] {strides = array<i32>} : memref<16x384xf32, #tpu.memory_space<vmem>>, vector<16xf32>,
      tpu.vector_store %arg8[%swap3A_1853, %swap3A_1854], %select_n3A_1852 {strides = array<i32>} : memref<16x384xf32, #tpu.memory_space<vmem>>, vector<16xf32>,
      %get3A_1856 = arith.index_cast %scan3A_1721 : i32 to index
      %get3A_1857 = arith.constant 240 : index
      %get3A_1858 = tpu.vector_load %arg8[%get3A_1856, %get3A_1857] {strides = array<i32>} : memref<16x384xf32, #tpu.memory_space<vmem>>, vector<16xf32>,
      %jit3A_1859 = arith.constant 0.000000e+00 : f32
      %broadcast_in_dim3A_1860 = vector.broadcast %jit3A_1859 : f32 to vector<16xf32>
      %select_n3A_1861 = arith.select %or3A_1657, %get3A_1858, %broadcast_in_dim3A_1860 : vector<16xi1>, vector<16xf32>
      %swap3A_1862 = arith.index_cast %scan3A_1721 : i32 to index
      %swap3A_1863 = arith.constant 240 : index
      %swap3A_1864 = tpu.vector_load %arg8[%swap3A_1862, %swap3A_1863] {strides = array<i32>} : memref<16x384xf32, #tpu.memory_space<vmem>>, vector<16xf32>,
      tpu.vector_store %arg8[%swap3A_1862, %swap3A_1863], %select_n3A_1861 {strides = array<i32>} : memref<16x384xf32, #tpu.memory_space<vmem>>, vector<16xf32>,
      %get3A_1865 = arith.index_cast %scan3A_1721 : i32 to index
      %get3A_1866 = arith.constant 256 : index
      %get3A_1867 = tpu.vector_load %arg8[%get3A_1865, %get3A_1866] {strides = array<i32>} : memref<16x384xf32, #tpu.memory_space<vmem>>, vector<16xf32>,
      %jit3A_1868 = arith.constant 0.000000e+00 : f32
      %broadcast_in_dim3A_1869 = vector.broadcast %jit3A_1868 : f32 to vector<16xf32>
      %select_n3A_1870 = arith.select %or3A_1664, %get3A_1867, %broadcast_in_dim3A_1869 : vector<16xi1>, vector<16xf32>
      %swap3A_1871 = arith.index_cast %scan3A_1721 : i32 to index
      %swap3A_1872 = arith.constant 256 : index
      %swap3A_1873 = tpu.vector_load %arg8[%swap3A_1871, %swap3A_1872] {strides = array<i32>} : memref<16x384xf32, #tpu.memory_space<vmem>>, vector<16xf32>,
      tpu.vector_store %arg8[%swap3A_1871, %swap3A_1872], %select_n3A_1870 {strides = array<i32>} : memref<16x384xf32, #tpu.memory_space<vmem>>, vector<16xf32>,
      %get3A_1874 = arith.index_cast %scan3A_1721 : i32 to index
      %get3A_1875 = arith.constant 272 : index
      %get3A_1876 = tpu.vector_load %arg8[%get3A_1874, %get3A_1875] {strides = array<i32>} : memref<16x384xf32, #tpu.memory_space<vmem>>, vector<16xf32>,
      %jit3A_1877 = arith.constant 0.000000e+00 : f32
      %broadcast_in_dim3A_1878 = vector.broadcast %jit3A_1877 : f32 to vector<16xf32>
      %select_n3A_1879 = arith.select %or3A_1671, %get3A_1876, %broadcast_in_dim3A_1878 : vector<16xi1>, vector<16xf32>
      %swap3A_1880 = arith.index_cast %scan3A_1721 : i32 to index
      %swap3A_1881 = arith.constant 272 : index
      %swap3A_1882 = tpu.vector_load %arg8[%swap3A_1880, %swap3A_1881] {strides = array<i32>} : memref<16x384xf32, #tpu.memory_space<vmem>>, vector<16xf32>,
      tpu.vector_store %arg8[%swap3A_1880, %swap3A_1881], %select_n3A_1879 {strides = array<i32>} : memref<16x384xf32, #tpu.memory_space<vmem>>, vector<16xf32>,
      %get3A_1883 = arith.index_cast %scan3A_1721 : i32 to index
      %get3A_1884 = arith.constant 288 : index
      %get3A_1885 = tpu.vector_load %arg8[%get3A_1883, %get3A_1884] {strides = array<i32>} : memref<16x384xf32, #tpu.memory_space<vmem>>, vector<16xf32>,
      %jit3A_1886 = arith.constant 0.000000e+00 : f32
      %broadcast_in_dim3A_1887 = vector.broadcast %jit3A_1886 : f32 to vector<16xf32>
      %select_n3A_1888 = arith.select %or3A_1678, %get3A_1885, %broadcast_in_dim3A_1887 : vector<16xi1>, vector<16xf32>
      %swap3A_1889 = arith.index_cast %scan3A_1721 : i32 to index
      %swap3A_1890 = arith.constant 288 : index
      %swap3A_1891 = tpu.vector_load %arg8[%swap3A_1889, %swap3A_1890] {strides = array<i32>} : memref<16x384xf32, #tpu.memory_space<vmem>>, vector<16xf32>,
      tpu.vector_store %arg8[%swap3A_1889, %swap3A_1890], %select_n3A_1888 {strides = array<i32>} : memref<16x384xf32, #tpu.memory_space<vmem>>, vector<16xf32>,
      %get3A_1892 = arith.index_cast %scan3A_1721 : i32 to index
      %get3A_1893 = arith.constant 304 : index
      %get3A_1894 = tpu.vector_load %arg8[%get3A_1892, %get3A_1893] {strides = array<i32>} : memref<16x384xf32, #tpu.memory_space<vmem>>, vector<16xf32>,
      %jit3A_1895 = arith.constant 0.000000e+00 : f32
      %broadcast_in_dim3A_1896 = vector.broadcast %jit3A_1895 : f32 to vector<16xf32>
      %select_n3A_1897 = arith.select %or3A_1685, %get3A_1894, %broadcast_in_dim3A_1896 : vector<16xi1>, vector<16xf32>
      %swap3A_1898 = arith.index_cast %scan3A_1721 : i32 to index
      %swap3A_1899 = arith.constant 304 : index
      %swap3A_1900 = tpu.vector_load %arg8[%swap3A_1898, %swap3A_1899] {strides = array<i32>} : memref<16x384xf32, #tpu.memory_space<vmem>>, vector<16xf32>,
      tpu.vector_store %arg8[%swap3A_1898, %swap3A_1899], %select_n3A_1897 {strides = array<i32>} : memref<16x384xf32, #tpu.memory_space<vmem>>, vector<16xf32>,
      %get3A_1901 = arith.index_cast %scan3A_1721 : i32 to index
      %get3A_1902 = arith.constant 320 : index
      %get3A_1903 = tpu.vector_load %arg8[%get3A_1901, %get3A_1902] {strides = array<i32>} : memref<16x384xf32, #tpu.memory_space<vmem>>, vector<16xf32>,
      %jit3A_1904 = arith.constant 0.000000e+00 : f32
      %broadcast_in_dim3A_1905 = vector.broadcast %jit3A_1904 : f32 to vector<16xf32>
      %select_n3A_1906 = arith.select %or3A_1692, %get3A_1903, %broadcast_in_dim3A_1905 : vector<16xi1>, vector<16xf32>
      %swap3A_1907 = arith.index_cast %scan3A_1721 : i32 to index
      %swap3A_1908 = arith.constant 320 : index
      %swap3A_1909 = tpu.vector_load %arg8[%swap3A_1907, %swap3A_1908] {strides = array<i32>} : memref<16x384xf32, #tpu.memory_space<vmem>>, vector<16xf32>,
      tpu.vector_store %arg8[%swap3A_1907, %swap3A_1908], %select_n3A_1906 {strides = array<i32>} : memref<16x384xf32, #tpu.memory_space<vmem>>, vector<16xf32>,
      %get3A_1910 = arith.index_cast %scan3A_1721 : i32 to index
      %get3A_1911 = arith.constant 336 : index
      %get3A_1912 = tpu.vector_load %arg8[%get3A_1910, %get3A_1911] {strides = array<i32>} : memref<16x384xf32, #tpu.memory_space<vmem>>, vector<16xf32>,
      %jit3A_1913 = arith.constant 0.000000e+00 : f32
      %broadcast_in_dim3A_1914 = vector.broadcast %jit3A_1913 : f32 to vector<16xf32>
      %select_n3A_1915 = arith.select %or3A_1699, %get3A_1912, %broadcast_in_dim3A_1914 : vector<16xi1>, vector<16xf32>
      %swap3A_1916 = arith.index_cast %scan3A_1721 : i32 to index
      %swap3A_1917 = arith.constant 336 : index
      %swap3A_1918 = tpu.vector_load %arg8[%swap3A_1916, %swap3A_1917] {strides = array<i32>} : memref<16x384xf32, #tpu.memory_space<vmem>>, vector<16xf32>,
      tpu.vector_store %arg8[%swap3A_1916, %swap3A_1917], %select_n3A_1915 {strides = array<i32>} : memref<16x384xf32, #tpu.memory_space<vmem>>, vector<16xf32>,
      %get3A_1919 = arith.index_cast %scan3A_1721 : i32 to index
      %get3A_1920 = arith.constant 352 : index
      %get3A_1921 = tpu.vector_load %arg8[%get3A_1919, %get3A_1920] {strides = array<i32>} : memref<16x384xf32, #tpu.memory_space<vmem>>, vector<16xf32>,
      %jit3A_1922 = arith.constant 0.000000e+00 : f32
      %broadcast_in_dim3A_1923 = vector.broadcast %jit3A_1922 : f32 to vector<16xf32>
      %select_n3A_1924 = arith.select %or3A_1706, %get3A_1921, %broadcast_in_dim3A_1923 : vector<16xi1>, vector<16xf32>
      %swap3A_1925 = arith.index_cast %scan3A_1721 : i32 to index
      %swap3A_1926 = arith.constant 352 : index
      %swap3A_1927 = tpu.vector_load %arg8[%swap3A_1925, %swap3A_1926] {strides = array<i32>} : memref<16x384xf32, #tpu.memory_space<vmem>>, vector<16xf32>,
      tpu.vector_store %arg8[%swap3A_1925, %swap3A_1926], %select_n3A_1924 {strides = array<i32>} : memref<16x384xf32, #tpu.memory_space<vmem>>, vector<16xf32>,
      %get3A_1928 = arith.index_cast %scan3A_1721 : i32 to index
      %get3A_1929 = arith.constant 368 : index
      %get3A_1930 = tpu.vector_load %arg8[%get3A_1928, %get3A_1929] {strides = array<i32>} : memref<16x384xf32, #tpu.memory_space<vmem>>, vector<16xf32>,
      %jit3A_1931 = arith.constant 0.000000e+00 : f32
      %broadcast_in_dim3A_1932 = vector.broadcast %jit3A_1931 : f32 to vector<16xf32>
      %select_n3A_1933 = arith.select %or3A_1713, %get3A_1930, %broadcast_in_dim3A_1932 : vector<16xi1>, vector<16xf32>
      %swap3A_1934 = arith.index_cast %scan3A_1721 : i32 to index
      %swap3A_1935 = arith.constant 368 : index
      %swap3A_1936 = tpu.vector_load %arg8[%swap3A_1934, %swap3A_1935] {strides = array<i32>} : memref<16x384xf32, #tpu.memory_space<vmem>>, vector<16xf32>,
      tpu.vector_store %arg8[%swap3A_1934, %swap3A_1935], %select_n3A_1933 {strides = array<i32>} : memref<16x384xf32, #tpu.memory_space<vmem>>, vector<16xf32>,
      %scan3A_1937 = arith.constant 0 : i32
      scf.yield %scan3A_1937 : i32
    }
    %scan3A_1720 = arith.constant 16 : i32
    "tpu.region"() ({
      %run_scoped3A = tpu.sem_alloc : memref<!tpu.dma_semaphore, #tpu.memory_space<semaphore_mem>>
      %dma_start3A = arith.constant 0 : i32
      %dma_start3A_1721 = tpu.memref_slice %arg2[%add3A_1288, %dma_start3A, %multiple_of3A_1545] : memref<128x16x16384xf32, #tpu.memory_space<hbm>> -> memref<1x16x384xf32, #tpu.memory_space<hbm>>
      %dma_start3A_1722 = tpu.memref_squeeze %dma_start3A_1721 : memref<1x16x384xf32, #tpu.memory_space<hbm>> -> memref<16x384xf32, #tpu.memory_space<hbm>>
      %dma_start3A_1723 = arith.constant 0 : i32
      %dma_start3A_1724 = tpu.memref_slice %arg2[%add3A_1288, %dma_start3A_1723, %multiple_of3A_1545] : memref<128x16x16384xf32, #tpu.memory_space<hbm>> -> memref<1x16x384xf32, #tpu.memory_space<hbm>>
      %dma_start3A_1725 = tpu.memref_squeeze %dma_start3A_1724 : memref<1x16x384xf32, #tpu.memory_space<hbm>> -> memref<16x384xf32, #tpu.memory_space<hbm>>
      tpu.enqueue_dma source(%arg8 : memref<16x384xf32, #tpu.memory_space<vmem>>) target(%dma_start3A_1725 : memref<16x384xf32, #tpu.memory_space<hbm>>) target_semaphore(%run_scoped3A : memref<!tpu.dma_semaphore, #tpu.memory_space<semaphore_mem>>)
      %dma_wait3A = arith.constant 0 : i32
      %dma_wait3A_1726 = tpu.memref_slice %arg2[%add3A_1288, %dma_wait3A, %multiple_of3A_1545] : memref<128x16x16384xf32, #tpu.memory_space<hbm>> -> memref<1x16x384xf32, #tpu.memory_space<hbm>>
      %dma_wait3A_1727 = tpu.memref_squeeze %dma_wait3A_1726 : memref<1x16x384xf32, #tpu.memory_space<hbm>> -> memref<16x384xf32, #tpu.memory_space<hbm>>
      %dma_wait3A_1728 = arith.constant 0 : i32
      %dma_wait3A_1729 = tpu.memref_slice %arg2[%add3A_1288, %dma_wait3A_1728, %multiple_of3A_1545] : memref<128x16x16384xf32, #tpu.memory_space<hbm>> -> memref<1x16x384xf32, #tpu.memory_space<hbm>>
      %dma_wait3A_1730 = tpu.memref_squeeze %dma_wait3A_1729 : memref<1x16x384xf32, #tpu.memory_space<hbm>> -> memref<16x384xf32, #tpu.memory_space<hbm>>
      tpu.wait_dma2 semaphore(%run_scoped3A : memref<!tpu.dma_semaphore, #tpu.memory_space<semaphore_mem>>) src(%arg8 : memref<16x384xf32, #tpu.memory_space<vmem>>) dst(%dma_wait3A_1730 : memref<16x384xf32, #tpu.memory_space<hbm>>)
      tpu.yield
    }) : () -> ()
    return
  }
}

module attributes {stable_mosaic.version = 14 : i64} {
  func.func @_tc_copy_body(%arg0: i32, %arg1: memref<8x16x16384xf32, #tpu.memory_space<vmem>>, %arg2: memref<8x16x16384xf32, #tpu.memory_space<vmem>>) attributes {dimension_semantics = [#tpu.dimension_semantics<arbitrary>], iteration_bounds = array<i64: 16>, scalar_prefetch = 0 : i64, scratch_operands = 0 : i64, tpu.core_type = #tpu.core_type<tc>, window_params = [{transform_indices = @transform_0, window_bounds = array<i64: 8, 16, 16384>}, {transform_indices = @transform_1, window_bounds = array<i64: 8, 16, 16384>}]} {
    %get3A = arith.constant 0 : index
    %get3A_0 = arith.constant 0 : index
    %get3A_1 = arith.constant 0 : index
    %get3A_2 = vector.load %arg1[%get3A, %get3A_0, %get3A_1] : memref<8x16x16384xf32, #tpu.memory_space<vmem>>, vector<8x16x16384xf32>
    %swap3A = arith.constant 0 : index
    %swap3A_3 = arith.constant 0 : index
    %swap3A_4 = arith.constant 0 : index
    %swap3A_5 = vector.load %arg2[%swap3A, %swap3A_3, %swap3A_4] : memref<8x16x16384xf32, #tpu.memory_space<vmem>>, vector<8x16x16384xf32>
    tpu.vector_store %arg2[%swap3A, %swap3A_3, %swap3A_4], %get3A_2 {strides = array<i32>} : memref<8x16x16384xf32, #tpu.memory_space<vmem>>, vector<8x16x16384xf32>,
    return
  }
  func.func @transform_0(%arg0: i32) -> (i32, i32, i32) {
    %c0_i32 = arith.constant 0 : i32
    %c0_i32_0 = arith.constant 0 : i32
    %c0_i32_1 = arith.constant 0 : i32
    return %arg0, %c0_i32, %c0_i32_0 : i32, i32, i32
  }
  func.func @transform_1(%arg0: i32) -> (i32, i32, i32) {
    %c0_i32 = arith.constant 0 : i32
    %c0_i32_0 = arith.constant 0 : i32
    %c0_i32_1 = arith.constant 0 : i32
    return %arg0, %c0_i32, %c0_i32_0 : i32, i32, i32
  }
}

</mosaic_0001>

<sc_bundles>
// kernel: kernel.4.cloned.1.call-start
scs
__scs_entry_jumppad:
0x0: {  	(pc) =	sbr.rel $0x88, $3  }
0x1: {  	(tag) =	ssettag $0x0;
	lr =	simm.s32 $0x1  }
0x2: {  	[smem:$0x3F9E] =	sst lr;
	_ =	strace $0xD0000000  }
0x3: {  	_ = 	snop  }
0x4: {  	_ = 	snop  }
0x5: {  	_ = 	snop  }
0x6: {  	_ = 	snop  }
0x7: {  	_ = 	snop  }
__scs_overlays_trampoline_lowered:
0x8: {  	[smem:$0x3FAD] =	sst s0  }
0x9: {  	[smem:$0x3FAE] =	sst s1  }
0xa: {  	[smem:$0x3FAF] =	sst s2  }
0xb: {  	[smem:$0x3FB0] =	sst s3  }
0xc: {  	[smem:$0x3FB1] =	sst s4  }
0xd: {  	[smem:$0x3FB2] =	sst s5  }
0xe: {  	[smem:$0x3FB3] =	sst s6  }
0xf: {  	[smem:$0x3FB4] =	sst s7  }
0x10: {  	[smem:$0x3FB5] =	sst s8  }
0x11: {  	[smem:$0x3FB6] =	sst s9;
	s0 =	simm.s32 @!p0 $0x0  }
0x12: {  	s1 =	sld [smem:$0x3F9C];
	s0 =	simm.s32 @p0 $0x1  }
0x13: {  	[smem:$0x3FB7] =	sst s0;
	s0 =	simm.s32 @!p1 $0x0  }
0x14: {  	s2 =	sld [smem:$0x3F9B];
	s0 =	simm.s32 @p1 $0x1  }
0x15: {  	[smem:$0x3FB8] =	sst s0;
	s0 =	simm.s32 @!p2 $0x0  }
0x16: {  	s3 =	sld [smem:$0x3FDB];
	s0 =	simm.s32 @p2 $0x1  }
0x17: {  	s4 =	simm.s32 $0x1BF5;
	[smem:$0x3FBA] =	sst s0  }
0x18: {  	s0 =	sld [smem:$0x3F9D];
	_ =	swait.ge [sflag:s4], $0x0  }
0x19: {  	s7 =	sld [smem:$0x3F9E]  }
0x1a: {  	s8 =	sadd.s32 $0xFFFFE003, lr  }
0x1b: {  	s9 =	sadd.s32 $0xFFFFFEF7, lr;
	s5 =	simm.s32 $0xFFFFFFFF;
	p2 =	slt.u32 s8, $0xFFFFF086  }
0x1c: {  	p1 =	slt.u32 s9, $0xF7A;
	s5 =	simm.s32 @!p2 $0x0  }
0x1d: {  	s5 =	simm.s32 @p1 $0x1;
	p0 =	seq.s32 s7, s2  }
0x1e: {  	s7 =	smul.u32 @!p0 $0xF7A, s2;
	p2 =	seq.s32 @!p0 s5, $0x0  }
0x1f: {  	s9 =	smul.u32 $0xF7A, s1;
	s8 =	simm.s32 @!p0 $0x1BF5;
	p2 =	por !p2, p0  }
0x20: {  	[sflag:s8] =	ssyncset.s32 @!p0 $0xFFFFF086;
	s6 =	sadd.s32 @!p0 s3, s7;
	s7 =	simm.s32 @!p0 $0x108  }
0x21: {  	s3 =	sadd.s32 s3, s9;
	s6 =	sadd.s32 @!p0 $0x88, s6;
	s7 =	simm.s32 @p2 $0x1082  }
0x22: {  	[simem:s7], [sflag:s8] =	dma.local @!p0 [hbm:s6], $0xF7A  }
0x23: {  	s9 =	sor.u32 $0xD0000000, s2;
	s6 =	simm.s32 $0x108;
	_ =	swait.ge @!p0 [sflag:s8], $0x0  }
0x24: {  	s3 =	sadd.s32 $0x88, s3;
	s6 =	simm.s32 @!p1 $0x1082;
	[sflag:s4] =	ssyncset.s32 $0xFFFFF086  }
0x25: {  	[simem:s6], [sflag:s4] =	dma.local [hbm:s3], $0xF7A  }
0x26: {  	[smem:$0x3F9E] =	sst s1;
	(tag) =	ssettag s2;
	_ =	strace s9  }
0x27: {  	s1 =	sld [smem:$0x3FAE]  }
0x28: {  	s2 =	sld [smem:$0x3FAF]  }
0x29: {  	s4 =	sld [smem:$0x3FB1]  }
0x2a: {  	p0 =	seq.s32 s5, $0x0;
	s5 =	sld [smem:$0x3FB2]  }
0x2b: {  	s6 =	sld [smem:$0x3FB3]  }
0x2c: {  	s7 =	sld [smem:$0x3FB4]  }
0x2d: {  	s3 =	simm.s32 $0x108;
	s8 =	sld [smem:$0x3FB5]  }
0x2e: {  	s3 =	simm.s32 @!p0 $0x1082;
	s9 =	sld [smem:$0x3FB6]  }
0x2f: {  	lr =	sadd.s32 s0, s3;
	s0 =	sld [smem:$0x3FAD]  }
0x30: {  	s3 =	sld [smem:$0x3FB0]  }
0x31: {  	[smem:$0x3FB9] =	sst s10  }
0x32: {  	s10 =	sld [smem:$0x3FB7];
	_ =	sdelay $0x3  }
0x33: {  	p0 =	seq.s32 s10, $0x1;
	s10 =	sld [smem:$0x3FB9];
	_ =	sdelay $0x3  }
0x34: {  	[smem:$0x3FB9] =	sst s10  }
0x35: {  	s10 =	sld [smem:$0x3FB8];
	_ =	sdelay $0x3  }
0x36: {  	p1 =	seq.s32 s10, $0x1;
	s10 =	sld [smem:$0x3FB9];
	_ =	sdelay $0x3  }
0x37: {  	[smem:$0x3FB9] =	sst s10  }
0x38: {  	s10 =	sld [smem:$0x3FBA]  }
0x39: {  	_ = 	snop;
	(pc) =	sbr.ind lr, $3  }
0x3a: {  	_ = 	snop  }
0x3b: {  	_ = 	snop  }
0x3c: {  	p2 =	seq.s32 s10, $0x1;
	s10 =	sld [smem:$0x3FB9]  }
0x3d: {  	_ =	shalt  }
0x3e: {  	_ =	shalt  }
0x3f: {  	_ =	shalt  }
0x40: {  	_ =	shalt  }
0x41: {  	_ =	shalt  }
0x42: {  	_ =	shalt  }
0x43: {  	_ =	shalt  }
0x44: {  	_ =	shalt  }
0x45: {  	_ =	shalt  }
0x46: {  	_ =	shalt  }
0x47: {  	_ =	shalt  }
0x48: {  	_ =	shalt  }
0x49: {  	_ =	shalt  }
0x4a: {  	_ =	shalt  }
0x4b: {  	_ =	shalt  }
0x4c: {  	_ =	shalt  }
0x4d: {  	_ =	shalt  }
0x4e: {  	_ =	shalt  }
0x4f: {  	_ =	shalt  }
0x50: {  	_ =	shalt  }
0x51: {  	_ =	shalt  }
0x52: {  	_ =	shalt  }
0x53: {  	_ =	shalt  }
0x54: {  	_ =	shalt  }
0x55: {  	_ =	shalt  }
0x56: {  	_ =	shalt  }
0x57: {  	_ =	shalt  }
0x58: {  	_ =	shalt  }
0x59: {  	_ =	shalt  }
0x5a: {  	_ =	shalt  }
0x5b: {  	_ =	shalt  }
0x5c: {  	_ =	shalt  }
0x5d: {  	_ =	shalt  }
0x5e: {  	_ =	shalt  }
0x5f: {  	_ =	shalt  }
0x60: {  	_ =	shalt  }
0x61: {  	_ =	shalt  }
0x62: {  	_ =	shalt  }
0x63: {  	_ =	shalt  }
0x64: {  	_ =	shalt  }
0x65: {  	_ =	shalt  }
0x66: {  	_ =	shalt  }
0x67: {  	_ =	shalt  }
0x68: {  	_ =	shalt  }
0x69: {  	_ =	shalt  }
0x6a: {  	_ =	shalt  }
0x6b: {  	_ =	shalt  }
0x6c: {  	_ =	shalt  }
0x6d: {  	_ =	shalt  }
0x6e: {  	_ =	shalt  }
0x6f: {  	_ =	shalt  }
0x70: {  	_ =	shalt  }
0x71: {  	_ =	shalt  }
0x72: {  	_ =	shalt  }
0x73: {  	_ =	shalt  }
0x74: {  	_ =	shalt  }
0x75: {  	_ =	shalt  }
0x76: {  	_ =	shalt  }
0x77: {  	_ =	shalt  }
0x78: {  	_ =	shalt  }
0x79: {  	_ =	shalt  }
0x7a: {  	_ =	shalt  }
0x7b: {  	_ =	shalt  }
0x7c: {  	_ =	shalt  }
0x7d: {  	_ =	shalt  }
0x7e: {  	_ =	shalt  }
0x7f: {  	_ =	shalt  }
0x80: {  	_ =	shalt  }
0x81: {  	_ =	shalt  }
0x82: {  	_ =	shalt  }
0x83: {  	_ =	shalt  }
0x84: {  	_ =	shalt  }
0x85: {  	_ =	shalt  }
0x86: {  	_ =	shalt  }
0x87: {  	_ =	shalt  }
.Lfunc_end0:
.L_simem_size_0:
called_computation_lowered:
.L_overlay_start_0:
0x88: {  	s2 =	sld [smem:$0x3FD9]  }
0x89: {  	s3 =	sld [smem:$0x3FFE];
	_ =	sdelay $0x1  }
0x8a: {  	s1 =	srdreg.scid  }
0x8b: {  	s0 =	sand.u32 $0x1, s1  }
0x8c: {  	s18 =	sshll.u32 s0, $0xA;
	s2 =	sadd.s32 s3, s2  }
0x8d: {  	s2 =	sadd.s32 s2, s18  }
0x8e: {  	[smem:$0x3FC5] =	sst s2  }
0x8f: {  	_ = 	snop  }
0x90: {  	s2 =	sld [smem:$0x3FC8]  }
0x91: {  	s19 =	sld [smem:$0x3FC7]  }
0x92: {  	s4 =	sld [smem:$0x3FD0];
	(tm) =	ssettm $0x1  }
0x93: {  	s5 =	sld [smem:$0x3FFB];
	_ =	sdelay $0x3  }
0x94: {  	_ =	strace s5  }
0x95: {  	s5 =	sld [smem:$0x3FFC];
	_ =	sdelay $0x3  }
0x96: {  	_ =	strace s5  }
0x97: {  	s5 =	sld [smem:$0x3FFD];
	_ =	sdelay $0x3  }
0x98: {  	_ =	strace s5  }
0x99: {  	_ =	strace $0x8FFFFFFF  }
0x9a: {  	s20 =	sld [smem:$0x3FDB];
	_ =	sdelay $0x1  }
0x9b: {  	s6 =	simm.s32 $_scs_section_size  }
0x9c: {  	s7 =	simm.s32 $_size__tile_overlayer_lowered;
	s8 =	simm.s32 $_tile_overlayer_lowered  }
0x9d: {  	s23 =	simm.s32 $0x1BFF;
	s22 =	sshll.u32 s8, $0x1;
	s5 =	sadd.s32 s6, s20  }
0x9e: {  	s9 =	simm.s32 $0x0;
	s21 =	sshll.u32 s7, $0x1;
	s7 =	sadd.s32 s22, s5  }
0x9f: {  	[timem:s9], [sflag:s23] =	dma.local [hbm:s7], s21  }
0xa0: {  	_ =	swait.ge [sflag:s23], s21  }
0xa1: {  	s6 =	ssub.s32 $0x0, s21;
	[sflag:s23] =	ssyncset.done $0x0  }
0xa2: {  	[sflag:s23] =	ssyncadd.s32 s6;
	_ =	sdelay $0x1  }
0xa3: {  	s24 =	simm.s32 $0x1B8B  }
0xa4: {  	_ =	swait.ge [sflag:s24], $0x1  }
0xa5: {  	[sflag:s24] =	ssyncset.done $0x0  }
0xa6: {  	s25 =	simm.s32 $0x1B8E;
	[sflag:s24] =	ssyncadd.s32 $0xFFFFFFFF  }
0xa7: {  	s26 =	simm.s32 $execute0_lowered;
	[smem:$0x3FD2] =	sst s25  }
0xa8: {  	s6 =	sshll.u32 s26, $0x1;
	_ =	strace $0x80000046;
	[dreg:$0x1] =	wrdreg $0xFFFFFFFF  }
0xa9: {  	s28 =	simm.s32 $_size_execute0_lowered;
	s5 =	sadd.s32 s5, s6;
	[dreg:$0x0] =	wrdreg $0x0  }
0xaa: {  	s6 =	sshll.u32 s28, $0x1;
	[dreg:$0x2] =	wrdreg s5  }
0xab: {  	[dreg:$0x3] =	wrdreg s6  }
0xac: {  	[dreg:$0x4] =	wrdreg $0xC0  }
0xad: {  	_ =	task [dreg:s9], $0x5FFFF  }
0xae: {  	[dreg:$0x1] =	wrdreg $0xFFFFFFFF  }
0xaf: {  	[dreg:$0x0] =	wrdreg $0x60  }
0xb0: {  	[dreg:$0x2] =	wrdreg s4  }
0xb1: {  	[dreg:$0x3] =	wrdreg s2  }
0xb2: {  	[dreg:$0x4] =	wrdreg s19  }
0xb3: {  	[dreg:$0x5] =	wrdreg $0x9  }
0xb4: {  	_ =	task.clear_ibuf [dreg:s9], $0x6FFFF;
	_ =	strace $0x90000046  }
0xb5: {  	s29 =	simm.s32 $0x9;
	_ =	strace $0x80000048  }
0xb6: {  	_ =	swait.ge [sflag:s29], $0x1  }
0xb7: {  	[sflag:s29] =	ssyncadd.s32 $0xFFFFFFFF  }
0xb8: {  	_ =	strace $0x90000048  }
0xb9: {  	_ =	sfence  }
0xba: {  	s30 =	sld [smem:$0x0];
	_ =	sdelay $0x2  }
0xbb: {  	s31 =	sshll.u32 s1, $0xD;
	s1 =	sshrl.u32 s1, $0x2  }
0xbc: {  	s3 =	sand.u32 $0x4000, s31;
	s1 =	sadd.s32 s1, s30  }
0xbd: {  	s0 =	sor.u32 s3, s0;
	s1 =	sshll.u32 s1, $0x11  }
0xbe: {  	s0 =	sor.u32 s1, s0  }
0xbf: {  	s0 =	sadd.s32 $0x8F2B, s0  }
0xc0: {  	[sflag:s0] =	ssyncadd.remote.s32 $0x1  }
0xc1: {  	_ =	sfence.sel $0xFFFF  }
0xc2: {  	[dreg:$0x0] =	wrdreg $0xFFFFFFFF;
	(pc) =	sbr.abs _section_cstart, $3  }
0xc3: {  	[dreg:$0x1] =	wrdreg $0xFFFFFFFF  }
0xc4: {  	_ =	task.clear_ibuf [dreg:s9], $0x2FFFF;
	_ =	strace $0x9FFFFFFF  }
0xc5: {  	(tm) =	ssettm $0x7FFFFFFF  }
tec
execute0_lowered:
.L_overlay_start_1:
0x0: {  	(tag) =	ssettag $0x1  }
0x1: {  	s1 =	rddreg [dreg:$0x0]  }
0x2: {  	s2 =	rddreg [dreg:$0x1]  }
0x3: {  	s3 =	rddreg [dreg:$0x2]  }
0x4: {  	s0 =	rddreg [dreg:$0x3];
	s5 =	simm.s32 $0x0;
	s6 =	srdreg.scid  }
0x5: {  	s4 =	stileid.u32;
	s13 =	simm.s32 $0xC00;
	s14 =	simm.s32 $0x20000  }
0x6: {  	s15 =	simm.s32 $0x200;
	s16 =	simm.s32 $0x0;
	s6 =	sand.u32 $0x1, s6  }
0x7: {  	s8 =	sshll.u32 s4, $0x3;
	s7 =	ssub.s32 $0x2, s6;
	s6 =	sshll.u32 s6, $0x2  }
0x8: {  	[smem:$0x7FF] =	sst s5;
	s9 =	sshrl.u32 s7, $0x1;
	s8 =	sor.u32 s6, s8  }
0x9: {  	_ =	strace $0x80000047;
	s10 =	ssub.s32 s7, s9;
	s6 =	sshll.u32 s8, $0xF;
	v0 =	vmov s8  }
0xa: {  	v8 =	vlaneseq.u32;
	s31 =	sor.u32 $0x1, s8;
	s11 =	sor.u32 $0x2, s8;
	s12 =	sor.u32 $0x3, s8;
	v1 =	vor.u32 $0x80, v0  }
0xb: {  	s7 =	sshll.u32 s31, $0xF;
	v2 =	vmov s31;
	s8 =	sshll.u32 s11, $0xF;
	s9 =	sshll.u32 s12, $0xF;
	v4 =	vmov s11;
	v5 =	vmov s12  }
0xc: {  	s10 =	smax.u32 s10, $0x1;
	s11 =	simm.s32 $0x1;
	s12 =	simm.s32 $0x100;
	v3 =	vor.u32 $0x80, v2;
	v6 =	vor.u32 $0x80, v4;
	v7 =	vor.u32 $0x80, v5  }
.LBB2_1:
0xd: {  	[tilespmem:s5], [sflag:$0x1] =	stream.linear.gather [hbm4b:s3+s5], $0x100, $0x38;
	[tilespmem:$0x1A00] =	vst v63  }
0xe: {  	_ =	swait.ge [sflag:s11], $0x100  }
0xf: {  	[sflag:s11] =	ssyncset.done $0x0  }
0x10: {  	[sflag:s11] =	ssyncadd.s32 $0xFFFFFF00  }
0x11: {  	[tilespmem:s12], [sflag:$0x1] =	stream.linear.gather [hbm4b:s2+s5], $0x100, $0x38;
	[tilespmem:$0x1A00] =	vst v63  }
0x12: {  	_ =	swait.ge [sflag:s11], $0x100  }
0x13: {  	[sflag:s11] =	ssyncset.done $0x0  }
0x14: {  	[sflag:s11] =	ssyncadd.s32 $0xFFFFFF00  }
0x15: {  	v9 =	vld.idx.msk [tilespmem:v0+s5+$0x0], $0xffff;
	_ =	sdelay $0x4  }
0x16: {  	(v2sf) =	vpush v9, $0x0;
	_ =	sdelay $0xe  }
0x17: {  	s17 =	spop (v2sf)  }
0x18: {  	s18 =	sand.u32 $0x7F, s17  }
0x19: {  	s19 =	sshra.s32 s17, $0x1F;
	p0 =	slt.s32 s17, $0x1;
	p1 =	sne.s32 s18, $0x0  }
0x1a: {  	v10 =	vld.idx.msk [tilespmem:v0+s12+$0x0], $0xffff;
	s28 =	sshrl.u32 s19, $0x19;
	p0 =	por !p0, !p1  }
0x1b: {  	s18 =	simm.s32 $0x1;
	s17 =	sadd.s32 s28, s17;
	p0 =	por !p0, !p0  }
0x1c: {  	s17 =	sshrl.u32 s17, $0x7;
	s18 =	simm.s32 @!p0 $0x0  }
0x1d: {  	s17 =	ssub.s32 s17, s18  }
0x1e: {  	s19 =	sshll.u32 s17, $0x7  }
0x1f: {  	v10 =	vadd.s32 v9, v10;
	p0 =	slt.s32 s19, $0x3E80  }
0x20: {  	vm0 =	vlt.s32 v10, $0x4000;
	s19 =	simm.s32 @!p0 $0x3E80  }
0x21: {  	v16 =	vimm.s32 $0x0;
	v10 =	vnsel vm0, $0x4000, v10;
	v11 =	vor.u32 s19, v8  }
0x22: {  	v18 =	vimm.s32 $0x0;
	s30 =	sor.u32 $0x10, s19;
	s20 =	sor.u32 $0x30, s19;
	s28 =	sadd.s32 $0x90, s19;
	vm0 =	vlt.s32 v11, v9;
	vm1 =	vge.s32 v11, v10  }
0x23: {  	v11 =	vor.u32 s30, v8;
	v12 =	vor.u32 s20, v8;
	v13 =	vor.u32 s28, v8  }
0x24: {  	s31 =	sor.u32 $0x20, s19;
	vm6 =	vmor vm0, vm1;
	vm0 =	vlt.s32 v11, v9;
	vm1 =	vge.s32 v11, v10  }
0x25: {  	v11 =	vor.u32 s31, v8;
	vm2 =	vlt.s32 v12, v9;
	vm3 =	vge.s32 v12, v10  }
0x26: {  	s21 =	sor.u32 $0x40, s19;
	vm7 =	vmor vm0, vm1;
	vm0 =	vlt.s32 v11, v9;
	vm1 =	vge.s32 v11, v10  }
0x27: {  	s29 =	sadd.s32 s6, s19;
	s22 =	sor.u32 $0x50, s19;
	vm13 =	vmor vm2, vm3;
	v11 =	vor.u32 s21, v8;
	vm12 =	vmor vm0, vm1  }
0x28: {  	s23 =	sor.u32 $0x60, s19;
	s17 =	sand.u32 $0x1FFFFF80, s29;
	s20 =	simm.s32 $0x0;
	vm0 =	vlt.s32 v11, v9;
	vm1 =	vge.s32 v11, v10;
	v11 =	vor.u32 s22, v8  }
0x29: {  	s24 =	sor.u32 $0x70, s19;
	s17 =	sadd.s32 s1, s17;
	s20 =	smul.u32 $0x3000, s20;
	vm2 =	vlt.s32 v11, v9;
	vm3 =	vge.s32 v11, v10;
	v11 =	vor.u32 s23, v8  }
0x2a: {  	[tilespmem:s15], [sflag:$0x1] =	stream.strided.gather [hbm4b:s17+s13], $0x1800, s14, s13, $0x38;
	v16 =	vsel vm6, $0xFFFFFFFF, v16;
	vm11 =	vmor vm0, vm1;
	vm4 =	vlt.s32 v11, v9;
	[tilespmem:$0x1A00] =	vst v63  }
0x2b: {  	s25 =	sand.u32 $0x380, s5;
	s29 =	sadd.s32 $0xA0, s19;
	_ =	swait.ge [sflag:s11], $0x1800;
	vm5 =	vge.s32 v11, v10;
	v11 =	vor.u32 s24, v8;
	vm8 =	vmor vm2, vm3  }
0x2c: {  	s26 =	sadd.s32 $0x80, s19;
	s20 =	sshra.s32 s20, $0x2;
	[sflag:s11] =	ssyncset.done $0x0;
	vm2 =	vlt.s32 v13, v9;
	vm3 =	vge.s32 v13, v10;
	v13 =	vor.u32 s29, v8  }
0x2d: {  	s18 =	sor.u32 s25, s20;
	[sflag:s11] =	ssyncadd.s32 $0xFFFFE800;
	vm0 =	vlt.s32 v11, v9;
	vm1 =	vge.s32 v11, v10;
	v11 =	vor.u32 s26, v8  }
0x2e: {  	s25 =	sadd.s32 $0x110, s19;
	v12 =	vld [tilespmem:s18+$0x200];
	vm9 =	vmor vm0, vm1;
	vm0 =	vlt.s32 v11, v9;
	vm1 =	vge.s32 v11, v10  }
0x2f: {  	s30 =	sadd.s32 $0xB0, s19;
	v59 =	vor.u32 s25, v8;
	vm4 =	vmor vm4, vm5;
	v11 =	vld [tilespmem:s18+$0x220];
	vm5 =	vmor vm0, vm1  }
0x30: {  	vm0 =	vlt.s32 v13, v9;
	vm1 =	vge.s32 v13, v10;
	v13 =	vor.u32 s30, v8  }
0x31: {  	s31 =	sadd.s32 $0xC0, s19;
	vm14 =	vmor vm2, vm3;
	s30 =	sadd.s32 $0x150, s19;
	vm15 =	vmor vm0, vm1;
	vm0 =	vlt.s32 v13, v9  }
0x32: {  	v15 =	vld [tilespmem:s18+$0x230];
	vm1 =	vge.s32 v13, v10;
	v13 =	vor.u32 s31, v8;
	v61 =	vor.u32 s30, v8  }
0x33: {  	s28 =	sadd.s32 $0x130, s19;
	s21 =	sadd.s32 $0xD0, s19;
	s22 =	sadd.s32 $0xE0, s19;
	v14 =	vld [tilespmem:s18+$0x210];
	v12 =	vnsel vm6, $0x0, v12;
	vm6 =	vmor vm0, vm1;
	vm0 =	vlt.s32 v13, v9  }
0x34: {  	s23 =	sadd.s32 $0xF0, s19;
	s24 =	sadd.s32 $0x100, s19;
	s31 =	sadd.s32 $0x160, s19;
	vm1 =	vge.s32 v13, v10;
	v13 =	vimm.s32 $0x0;
	[tilespmem:s18+$0x200] =	vst v12;
	v11 =	vnsel vm12, $0x0, v11  }
0x35: {  	s29 =	sadd.s32 $0x140, s19;
	s26 =	sadd.s32 $0x120, s19;
	s19 =	sadd.s32 $0x170, s19;
	v62 =	vor.u32 s31, v8;
	v12 =	vimm.s32 $0x0;
	v13 =	vsel vm13, $0xFFFFFFFF, v13;
	[tilespmem:s18+$0x220] =	vst v11  }
0x36: {  	v56 =	vld [tilespmem:s18+$0x240];
	v63 =	vor.u32 s19, v8;
	vm10 =	vmor vm0, vm1;
	v12 =	vsel vm7, $0xFFFFFFFF, v12;
	[tilespmem:$0x1FF90] =	vst v13  }
0x37: {  	v11 =	vor.u32 s22, v8;
	v13 =	vnsel vm13, $0x0, v15;
	v15 =	vimm.s32 $0x0;
	[tilespmem:$0x1FF70] =	vst v12  }
0x38: {  	v12 =	vnsel vm7, $0x0, v14;
	v14 =	vor.u32 s21, v8;
	[tilespmem:s18+$0x230] =	vst v13;
	vm1 =	vge.s32 v11, v10  }
0x39: {  	v13 =	vimm.s32 $0x0;
	[tilespmem:s18+$0x210] =	vst v12;
	v12 =	vimm.s32 $0x0;
	vm2 =	vlt.s32 v14, v9  }
0x3a: {  	v17 =	vld [tilespmem:s18+$0x250];
	vm3 =	vge.s32 v14, v10;
	v13 =	vsel vm11, $0xFFFFFFFF, v13;
	v12 =	vsel vm12, $0xFFFFFFFF, v12  }
0x3b: {  	vm0 =	vmor vm2, vm3;
	[tilespmem:$0x1FFA0] =	vst v13;
	v13 =	vnsel vm11, $0x0, v56;
	vm2 =	vlt.s32 v59, v9  }
0x3c: {  	[tilespmem:$0x1FF80] =	vst v12;
	v12 =	vld [tilespmem:s18+$0x260];
	v15 =	vsel vm0, $0xFFFFFFFF, v15;
	vm0 =	vlt.s32 v11, v9;
	v11 =	vor.u32 s23, v8  }
0x3d: {  	[tilespmem:s18+$0x240] =	vst v13;
	v13 =	vimm.s32 $0x0;
	vm0 =	vmor vm0, vm1;
	vm1 =	vge.s32 v11, v10  }
0x3e: {  	[tilespmem:$0x1FFF0] =	vst v15;
	v15 =	vld [tilespmem:s18+$0x270];
	v13 =	vsel vm8, $0xFFFFFFFF, v13;
	v18 =	vsel vm0, $0xFFFFFFFF, v18;
	vm0 =	vlt.s32 v11, v9  }
0x3f: {  	v11 =	vimm.s32 $0x0;
	[tilespmem:$0x1FFD0] =	vst v13;
	v13 =	vnsel vm8, $0x0, v17;
	vm0 =	vmor vm0, vm1  }
0x40: {  	v14 =	vld [tilespmem:s18+$0x600];
	vm3 =	vge.s32 v59, v10;
	vm12 =	vmmov vm9;
	[tilespmem:s18+$0x250] =	vst v13;
	v11 =	vsel vm0, $0xFFFFFFFF, v11  }
0x41: {  	vm11 =	vlt.s32 v63, v9;
	v13 =	vld [tilespmem:s18+$0x630];
	[tilespmem:$0x1FFC0] =	vst v11;
	v11 =	vor.u32 s24, v8;
	v12 =	vnsel vm4, $0x0, v12  }
0x42: {  	vm0 =	vlt.s32 v11, v9;
	vm1 =	vge.s32 v11, v10;
	v11 =	vimm.s32 $0x0  }
0x43: {  	v58 =	vld [tilespmem:s18+$0x620];
	[tilespmem:s18+$0x260] =	vst v12;
	v12 =	vnsel vm9, $0x0, v15;
	vm1 =	vmor vm0, vm1;
	vm0 =	vmor vm2, vm3  }
0x44: {  	vm8 =	vmmov vm4;
	v15 =	vld [tilespmem:s18+$0x640];
	vm9 =	vmmov vm15;
	[tilespmem:s18+$0x270] =	vst v12;
	v11 =	vsel vm0, $0xFFFFFFFF, v11  }
0x45: {  	v12 =	vnsel vm5, $0x0, v14;
	v14 =	vor.u32 s29, v8;
	[tilespmem:$0x1FFE0] =	vst v11;
	v11 =	vor.u32 s26, v8  }
0x46: {  	v57 =	vld [tilespmem:s18+$0x610];
	v13 =	vnsel vm6, $0x0, v13;
	vm2 =	vlt.s32 v11, v9;
	vm3 =	vge.s32 v11, v10  }
0x47: {  	vm0 =	vmmov vm10;
	v11 =	vor.u32 s28, v8;
	vm2 =	vmor vm2, vm3  }
0x48: {  	vm3 =	vlt.s32 v11, v9;
	vm4 =	vge.s32 v11, v10;
	v11 =	vnsel vm15, $0x0, v58  }
0x49: {  	vm15 =	vmmov vm6;
	vm6 =	vlt.s32 v61, v9;
	v15 =	vnsel vm10, $0x0, v15  }
0x4a: {  	[tilespmem:$0x1FF60] =	vst v16;
	vm10 =	vlt.s32 v62, v9;
	vm3 =	vmor vm3, vm4;
	vm4 =	vlt.s32 v14, v9;
	v9 =	vld [tilespmem:$0x1FFF0]  }
0x4b: {  	v60 =	vld [tilespmem:s18+$0x650];
	[tilespmem:s18+$0x600] =	vst v12;
	v12 =	vnsel vm14, $0x0, v57  }
0x4c: {  	[tilespmem:s18+$0x610] =	vst v12;
	v12 =	vld [tilespmem:s18+$0x660]  }
0x4d: {  	vm13 =	vmmov vm5;
	vm7 =	vge.s32 v61, v10;
	vm5 =	vge.s32 v14, v10;
	[tilespmem:s18+$0x630] =	vst v13;
	v13 =	vld [tilespmem:s18+$0xA10]  }
0x4e: {  	[tilespmem:s18+$0x620] =	vst v11;
	v11 =	vld [tilespmem:s18+$0xA00];
	vm5 =	vmor vm4, vm5;
	vm4 =	vmor vm6, vm7;
	vm6 =	vge.s32 v63, v10  }
0x4f: {  	[tilespmem:$0x1FFB0] =	vst v18;
	v14 =	vld [tilespmem:s18+$0x670];
	vm7 =	vge.s32 v62, v10;
	vm6 =	vmor vm11, vm6;
	vm11 =	vnez.u8 v9  }
0x50: {  	s20 =	simm.s32 $0x0;
	s19 =	simm.s32 $0x1;
	[tilespmem:s18+$0x640] =	vst v15;
	vm7 =	vmor vm10, vm7;
	v9 =	vld [tilespmem:s18+$0xA20];
	vm10 =	vmmov vm11;
	v10 =	vnsel vm11, $0x0, v60  }
.LBB2_2:
0x51: {  	[tilespmem:s18+$0x650] =	vst v10;
	v10 =	vld [tilespmem:$0x1FFB0];
	_ =	sdelay $0x4  }
0x52: {  	vm11 =	vnez.u8 v10  }
0x53: {  	v10 =	vnsel vm11, $0x0, v12  }
0x54: {  	[tilespmem:s18+$0x660] =	vst v10;
	v10 =	vld [tilespmem:$0x1FFC0];
	_ =	sdelay $0x4  }
0x55: {  	vm11 =	vnez.u8 v10  }
0x56: {  	v10 =	vnsel vm11, $0x0, v14  }
0x57: {  	[tilespmem:s18+$0x670] =	vst v10;
	v10 =	vnsel vm1, $0x0, v11  }
0x58: {  	[tilespmem:s18+$0xA00] =	vst v10;
	v10 =	vld [tilespmem:$0x1FFE0];
	_ =	sdelay $0x2  }
0x59: {  	s21 =	sshrl.u32 s19, $0x3;
	v12 =	vld [tilespmem:s18+$0xA30]  }
0x5a: {  	s21 =	smul.u32 $0x3000, s21;
	v14 =	vld [tilespmem:s18+$0xA40]  }
0x5b: {  	s20 =	sadd.s32 $0x80, s20;
	v11 =	vld [tilespmem:s18+$0xA50];
	vm11 =	vnez.u8 v10  }
0x5c: {  	s22 =	sand.u32 $0x380, s20;
	s21 =	sshra.s32 s21, $0x2;
	v10 =	vnsel vm11, $0x0, v13;
	v13 =	vld [tilespmem:s18+$0xA60]  }
0x5d: {  	s21 =	sor.u32 s22, s21;
	v9 =	vnsel vm2, $0x0, v9;
	[tilespmem:s18+$0xA10] =	vst v10;
	v10 =	vld [tilespmem:s18+$0xA70]  }
0x5e: {  	v15 =	vld [tilespmem:s21+$0x200];
	[tilespmem:s18+$0xA20] =	vst v9;
	v9 =	vnsel vm3, $0x0, v12  }
0x5f: {  	v12 =	vld [tilespmem:s21+$0x210];
	[tilespmem:s18+$0xA30] =	vst v9;
	v9 =	vnsel vm5, $0x0, v14  }
0x60: {  	v14 =	vld [tilespmem:s21+$0x220];
	[tilespmem:s18+$0xA40] =	vst v9;
	v9 =	vnsel vm4, $0x0, v11  }
0x61: {  	v11 =	vld [tilespmem:s21+$0x230];
	[tilespmem:s18+$0xA50] =	vst v9  }
0x62: {  	v9 =	vnsel vm7, $0x0, v13;
	v13 =	vld [tilespmem:s21+$0x240]  }
0x63: {  	[tilespmem:s18+$0xA60] =	vst v9;
	v9 =	vnsel vm6, $0x0, v10;
	v10 =	vld [tilespmem:$0x1FF60];
	_ =	sdelay $0x4  }
0x64: {  	vm11 =	vnez.u8 v10  }
0x65: {  	v10 =	vnsel vm11, $0x0, v15;
	v15 =	vld [tilespmem:s21+$0x250]  }
0x66: {  	[tilespmem:s18+$0xA70] =	vst v9;
	v9 =	vld [tilespmem:$0x1FF70];
	_ =	sdelay $0x4  }
0x67: {  	vm11 =	vnez.u8 v9  }
0x68: {  	s18 =	smov.u32 s21;
	v9 =	vnsel vm11, $0x0, v12  }
0x69: {  	[tilespmem:s18+$0x210] =	vst v9;
	v9 =	vld [tilespmem:$0x1FF80];
	_ =	sdelay $0x4  }
0x6a: {  	vm11 =	vnez.u8 v9  }
0x6b: {  	v9 =	vnsel vm11, $0x0, v14  }
0x6c: {  	[tilespmem:s18+$0x220] =	vst v9;
	v9 =	vld [tilespmem:$0x1FF90];
	_ =	sdelay $0x4  }
0x6d: {  	vm11 =	vnez.u8 v9  }
0x6e: {  	v9 =	vnsel vm11, $0x0, v11  }
0x6f: {  	[tilespmem:s18+$0x230] =	vst v9;
	v9 =	vld [tilespmem:$0x1FFA0];
	_ =	sdelay $0x4  }
0x70: {  	vm11 =	vnez.u8 v9  }
0x71: {  	v9 =	vnsel vm11, $0x0, v13  }
0x72: {  	[tilespmem:s18+$0x240] =	vst v9;
	v9 =	vld [tilespmem:$0x1FFD0];
	_ =	sdelay $0x1  }
0x73: {  	[tilespmem:s18+$0x200] =	vst v10;
	v10 =	vld [tilespmem:s18+$0x260]  }
0x74: {  	v12 =	vld [tilespmem:s18+$0x270]  }
0x75: {  	v11 =	vld [tilespmem:s18+$0x600]  }
0x76: {  	v13 =	vld [tilespmem:s18+$0x610];
	vm11 =	vnez.u8 v9  }
0x77: {  	v14 =	vld [tilespmem:s18+$0x620];
	v9 =	vnsel vm11, $0x0, v15  }
0x78: {  	[tilespmem:s18+$0x250] =	vst v9;
	v9 =	vnsel vm8, $0x0, v10;
	v10 =	vld [tilespmem:s18+$0x630]  }
0x79: {  	v15 =	vld [tilespmem:s18+$0x640];
	[tilespmem:s18+$0x260] =	vst v9;
	v9 =	vnsel vm12, $0x0, v12  }
0x7a: {  	p0 =	sne.s32 s19, $0xF;
	v16 =	vld [tilespmem:s18+$0x650];
	[tilespmem:s18+$0x270] =	vst v9;
	v9 =	vnsel vm13, $0x0, v11  }
.Ltmp0:
0x7b: {  	v12 =	vld [tilespmem:s18+$0x660];
	[tilespmem:s18+$0x600] =	vst v9;
	v9 =	vnsel vm14, $0x0, v13;
	(pc) =	sbr.rel @p0 .LBB2_2-.Ltmp0, $4  }
0x7c: {  	v11 =	vld [tilespmem:s18+$0xA00];
	[tilespmem:s18+$0x610] =	vst v9;
	v9 =	vnsel vm9, $0x0, v14  }
0x7d: {  	v13 =	vld [tilespmem:s18+$0xA10];
	[tilespmem:s18+$0x620] =	vst v9;
	v9 =	vnsel vm15, $0x0, v10  }
0x7e: {  	v14 =	vld [tilespmem:s18+$0x670];
	[tilespmem:s18+$0x630] =	vst v9;
	v9 =	vnsel vm0, $0x0, v15  }
0x7f: {  	s19 =	sadd.s32 $0x1, s19;
	v10 =	vnsel vm10, $0x0, v16;
	[tilespmem:s18+$0x640] =	vst v9;
	v9 =	vld [tilespmem:s18+$0xA20]  }
0x80: {  	[tilespmem:s18+$0x650] =	vst v10;
	v10 =	vld [tilespmem:$0x1FFB0];
	_ =	sdelay $0x4  }
0x81: {  	vm0 =	vnez.u8 v10  }
0x82: {  	v10 =	vnsel vm0, $0x0, v12  }
0x83: {  	[tilespmem:s18+$0x660] =	vst v10;
	v10 =	vld [tilespmem:$0x1FFC0];
	_ =	sdelay $0x4  }
0x84: {  	vm0 =	vnez.u8 v10  }
0x85: {  	v10 =	vnsel vm0, $0x0, v14  }
0x86: {  	[tilespmem:s18+$0x670] =	vst v10;
	v10 =	vnsel vm1, $0x0, v11  }
0x87: {  	[tilespmem:s18+$0xA00] =	vst v10;
	v10 =	vld [tilespmem:$0x1FFE0];
	_ =	sdelay $0x2  }
0x88: {  	v12 =	vld [tilespmem:s18+$0xA30]  }
0x89: {  	v14 =	vld [tilespmem:s18+$0xA40]  }
0x8a: {  	v11 =	vld [tilespmem:s18+$0xA50];
	vm0 =	vnez.u8 v10  }
0x8b: {  	v10 =	vnsel vm0, $0x0, v13;
	v13 =	vld [tilespmem:s18+$0xA60]  }
0x8c: {  	v9 =	vnsel vm2, $0x0, v9;
	[tilespmem:s18+$0xA10] =	vst v10;
	v10 =	vld [tilespmem:s18+$0xA70]  }
0x8d: {  	[tilespmem:s18+$0xA20] =	vst v9;
	v9 =	vnsel vm3, $0x0, v12  }
0x8e: {  	[tilespmem:s18+$0xA30] =	vst v9;
	v9 =	vnsel vm5, $0x0, v14  }
0x8f: {  	[tilespmem:s18+$0xA40] =	vst v9;
	v9 =	vnsel vm4, $0x0, v11  }
0x90: {  	[tilespmem:s18+$0xA50] =	vst v9;
	v9 =	vnsel vm7, $0x0, v13  }
0x91: {  	[tilespmem:s18+$0xA60] =	vst v9;
	v9 =	vnsel vm6, $0x0, v10  }
0x92: {  	[tilespmem:s18+$0xA70] =	vst v9  }
0x93: {  	[hbm4b:s17+s13] =	stream.strided.scatter [tilespmem:s15], [sflag:$0x1], $0x1800, s14, s13, $0x38;
	[tilespmem:$0x1A00] =	vst v63  }
0x94: {  	_ =	swait.ge [sflag:s11], $0x1800  }
0x95: {  	[sflag:s11] =	ssyncset.done $0x0  }
0x96: {  	s17 =	simm.s32 $0x0;
	[sflag:s11] =	ssyncadd.s32 $0xFFFFE800  }
0x97: {  	v9 =	vld.idx.msk [tilespmem:v1+s17+$0x0], $0xffff;
	_ =	sdelay $0x4  }
0x98: {  	(v2sf) =	vpush v9, $0x0;
	_ =	sdelay $0xe  }
0x99: {  	s23 =	spop (v2sf)  }
0x9a: {  	s19 =	sand.u32 $0x7F, s23  }
0x9b: {  	s20 =	sshra.s32 s23, $0x1F;
	p0 =	slt.s32 s23, $0x1;
	p1 =	sne.s32 s19, $0x0  }
0x9c: {  	v10 =	vld.idx.msk [tilespmem:v1+s12+$0x0], $0xffff;
	s24 =	sshrl.u32 s20, $0x19;
	p0 =	por !p0, !p1  }
0x9d: {  	s19 =	simm.s32 $0x1;
	s18 =	sadd.s32 s24, s23;
	p0 =	por !p0, !p0  }
0x9e: {  	s18 =	sshrl.u32 s18, $0x7;
	s19 =	simm.s32 @!p0 $0x0  }
0x9f: {  	s18 =	ssub.s32 s18, s19  }
0xa0: {  	s20 =	sshll.u32 s18, $0x7  }
0xa1: {  	v10 =	vadd.s32 v9, v10;
	p0 =	slt.s32 s20, $0x3E80  }
0xa2: {  	vm0 =	vlt.s32 v10, $0x4000;
	s20 =	simm.s32 @!p0 $0x3E80  }
0xa3: {  	v16 =	vimm.s32 $0x0;
	v10 =	vnsel vm0, $0x4000, v10;
	v11 =	vor.u32 s20, v8  }
0xa4: {  	v18 =	vimm.s32 $0x0;
	s26 =	sor.u32 $0x10, s20;
	s29 =	sor.u32 $0x30, s20;
	vm0 =	vlt.s32 v11, v9;
	vm1 =	vge.s32 v11, v10  }
0xa5: {  	s28 =	sor.u32 $0x20, s20;
	v11 =	vor.u32 s26, v8;
	v12 =	vor.u32 s29, v8;
	vm6 =	vmor vm0, vm1  }
0xa6: {  	s26 =	sadd.s32 $0x90, s20;
	vm0 =	vlt.s32 v11, v9;
	vm1 =	vge.s32 v11, v10;
	v11 =	vor.u32 s28, v8  }
0xa7: {  	vm2 =	vlt.s32 v12, v9;
	vm3 =	vge.s32 v12, v10;
	v13 =	vor.u32 s26, v8  }
0xa8: {  	s25 =	sadd.s32 s6, s20;
	s30 =	sor.u32 $0x40, s20;
	vm7 =	vmor vm0, vm1;
	vm0 =	vlt.s32 v11, v9;
	vm1 =	vge.s32 v11, v10  }
0xa9: {  	s21 =	simm.s32 $0x0;
	s31 =	sor.u32 $0x50, s20;
	s18 =	sand.u32 $0x1FFFFF80, s25;
	vm13 =	vmor vm2, vm3;
	v11 =	vor.u32 s30, v8;
	vm12 =	vmor vm0, vm1  }
0xaa: {  	s21 =	smul.u32 $0x3000, s21;
	s22 =	sor.u32 $0x60, s20;
	s18 =	sadd.s32 s1, s18;
	vm0 =	vlt.s32 v11, v9;
	vm1 =	vge.s32 v11, v10;
	v11 =	vor.u32 s31, v8  }
0xab: {  	[tilespmem:s15], [sflag:$0x1] =	stream.strided.gather [hbm4b:s18+s13], $0x1800, s14, s13, $0x38;
	vm2 =	vlt.s32 v11, v9;
	vm3 =	vge.s32 v11, v10;
	v11 =	vor.u32 s22, v8;
	[tilespmem:$0x1A00] =	vst v63  }
0xac: {  	s21 =	sshra.s32 s21, $0x2;
	s23 =	sor.u32 $0x70, s20;
	_ =	swait.ge [sflag:s11], $0x1800;
	vm11 =	vmor vm0, vm1;
	vm4 =	vlt.s32 v11, v9;
	vm5 =	vge.s32 v11, v10  }
0xad: {  	s24 =	sand.u32 $0x380, s17;
	s28 =	sadd.s32 $0xA0, s20;
	[sflag:s11] =	ssyncset.done $0x0;
	v11 =	vor.u32 s23, v8;
	vm8 =	vmor vm2, vm3;
	vm2 =	vlt.s32 v13, v9  }
0xae: {  	s19 =	sor.u32 s24, s21;
	s25 =	sadd.s32 $0x80, s20;
	[sflag:s11] =	ssyncadd.s32 $0xFFFFE800;
	vm3 =	vge.s32 v13, v10;
	v13 =	vor.u32 s28, v8;
	vm4 =	vmor vm4, vm5  }
0xaf: {  	vm0 =	vlt.s32 v11, v9;
	vm1 =	vge.s32 v11, v10;
	v11 =	vor.u32 s25, v8;
	v12 =	vld [tilespmem:s19+$0x200]  }
0xb0: {  	vm9 =	vmor vm0, vm1;
	vm0 =	vlt.s32 v11, v9;
	vm1 =	vge.s32 v11, v10;
	v11 =	vld [tilespmem:s19+$0x220]  }
0xb1: {  	s29 =	sadd.s32 $0xB0, s20;
	vm5 =	vmor vm0, vm1;
	vm0 =	vlt.s32 v13, v9;
	vm1 =	vge.s32 v13, v10  }
0xb2: {  	s30 =	sadd.s32 $0xC0, s20;
	v16 =	vsel vm6, $0xFFFFFFFF, v16;
	v13 =	vor.u32 s29, v8;
	vm15 =	vmor vm0, vm1  }
0xb3: {  	v15 =	vld [tilespmem:s19+$0x230];
	vm0 =	vlt.s32 v13, v9;
	vm1 =	vge.s32 v13, v10;
	v13 =	vor.u32 s30, v8  }
0xb4: {  	v14 =	vld [tilespmem:s19+$0x210];
	v12 =	vnsel vm6, $0x0, v12;
	vm6 =	vmor vm0, vm1;
	vm0 =	vlt.s32 v13, v9  }
0xb5: {  	vm1 =	vge.s32 v13, v10;
	v13 =	vimm.s32 $0x0;
	[tilespmem:s19+$0x200] =	vst v12;
	v11 =	vnsel vm12, $0x0, v11  }
0xb6: {  	vm14 =	vmor vm2, vm3;
	s25 =	sadd.s32 $0x110, s20;
	s30 =	sadd.s32 $0x150, s20;
	v12 =	vimm.s32 $0x0;
	v13 =	vsel vm13, $0xFFFFFFFF, v13;
	[tilespmem:s19+$0x220] =	vst v11  }
0xb7: {  	s22 =	sadd.s32 $0xE0, s20;
	v59 =	vor.u32 s25, v8;
	v61 =	vor.u32 s30, v8;
	v12 =	vsel vm7, $0xFFFFFFFF, v12;
	[tilespmem:$0x1FEF0] =	vst v13  }
0xb8: {  	s31 =	sadd.s32 $0xD0, s20;
	v56 =	vld [tilespmem:s19+$0x240];
	vm10 =	vmor vm0, vm1;
	v11 =	vor.u32 s22, v8;
	v13 =	vnsel vm13, $0x0, v15;
	[tilespmem:$0x1FED0] =	vst v12  }
0xb9: {  	s24 =	sadd.s32 $0x100, s20;
	v15 =	vimm.s32 $0x0;
	v12 =	vnsel vm7, $0x0, v14;
	v14 =	vor.u32 s31, v8;
	[tilespmem:s19+$0x230] =	vst v13  }
0xba: {  	s26 =	sadd.s32 $0x120, s20;
	s23 =	sadd.s32 $0xF0, s20;
	s28 =	sadd.s32 $0x130, s20;
	vm1 =	vge.s32 v11, v10;
	v13 =	vimm.s32 $0x0;
	[tilespmem:s19+$0x210] =	vst v12;
	v12 =	vimm.s32 $0x0  }
0xbb: {  	s29 =	sadd.s32 $0x140, s20;
	s31 =	sadd.s32 $0x160, s20;
	s20 =	sadd.s32 $0x170, s20;
	vm2 =	vlt.s32 v14, v9;
	vm3 =	vge.s32 v14, v10;
	v13 =	vsel vm11, $0xFFFFFFFF, v13  }
0xbc: {  	v17 =	vld [tilespmem:s19+$0x250];
	v62 =	vor.u32 s31, v8;
	v63 =	vor.u32 s20, v8;
	v12 =	vsel vm12, $0xFFFFFFFF, v12  }
0xbd: {  	vm0 =	vmor vm2, vm3;
	[tilespmem:$0x1FF00] =	vst v13;
	v13 =	vnsel vm11, $0x0, v56;
	vm2 =	vlt.s32 v59, v9  }
0xbe: {  	[tilespmem:$0x1FEE0] =	vst v12;
	v12 =	vld [tilespmem:s19+$0x260];
	v15 =	vsel vm0, $0xFFFFFFFF, v15;
	vm0 =	vlt.s32 v11, v9;
	v11 =	vor.u32 s23, v8  }
0xbf: {  	[tilespmem:s19+$0x240] =	vst v13;
	v13 =	vimm.s32 $0x0;
	vm0 =	vmor vm0, vm1;
	vm1 =	vge.s32 v11, v10  }
0xc0: {  	[tilespmem:$0x1FF50] =	vst v15;
	v15 =	vld [tilespmem:s19+$0x270];
	v13 =	vsel vm8, $0xFFFFFFFF, v13;
	v18 =	vsel vm0, $0xFFFFFFFF, v18;
	vm0 =	vlt.s32 v11, v9  }
0xc1: {  	v11 =	vimm.s32 $0x0;
	[tilespmem:$0x1FF30] =	vst v13;
	v13 =	vnsel vm8, $0x0, v17;
	vm0 =	vmor vm0, vm1  }
0xc2: {  	v14 =	vld [tilespmem:s19+$0x600];
	vm3 =	vge.s32 v59, v10;
	vm12 =	vmmov vm9;
	[tilespmem:s19+$0x250] =	vst v13;
	v11 =	vsel vm0, $0xFFFFFFFF, v11  }
0xc3: {  	vm11 =	vlt.s32 v63, v9;
	v13 =	vld [tilespmem:s19+$0x630];
	[tilespmem:$0x1FF20] =	vst v11;
	v11 =	vor.u32 s24, v8;
	v12 =	vnsel vm4, $0x0, v12  }
0xc4: {  	vm0 =	vlt.s32 v11, v9;
	vm1 =	vge.s32 v11, v10;
	v11 =	vimm.s32 $0x0  }
0xc5: {  	v58 =	vld [tilespmem:s19+$0x620];
	[tilespmem:s19+$0x260] =	vst v12;
	v12 =	vnsel vm9, $0x0, v15;
	vm1 =	vmor vm0, vm1;
	vm0 =	vmor vm2, vm3  }
0xc6: {  	vm8 =	vmmov vm4;
	v15 =	vld [tilespmem:s19+$0x640];
	vm9 =	vmmov vm15;
	[tilespmem:s19+$0x270] =	vst v12;
	v11 =	vsel vm0, $0xFFFFFFFF, v11  }
0xc7: {  	v12 =	vnsel vm5, $0x0, v14;
	v14 =	vor.u32 s29, v8;
	[tilespmem:$0x1FF40] =	vst v11;
	v11 =	vor.u32 s26, v8  }
0xc8: {  	v57 =	vld [tilespmem:s19+$0x610];
	v13 =	vnsel vm6, $0x0, v13;
	vm2 =	vlt.s32 v11, v9;
	vm3 =	vge.s32 v11, v10  }
0xc9: {  	vm0 =	vmmov vm10;
	v11 =	vor.u32 s28, v8;
	vm2 =	vmor vm2, vm3  }
0xca: {  	vm3 =	vlt.s32 v11, v9;
	vm4 =	vge.s32 v11, v10;
	v11 =	vnsel vm15, $0x0, v58  }
0xcb: {  	vm15 =	vmmov vm6;
	vm6 =	vlt.s32 v61, v9;
	v15 =	vnsel vm10, $0x0, v15  }
0xcc: {  	[tilespmem:$0x1FEC0] =	vst v16;
	vm10 =	vlt.s32 v62, v9;
	vm3 =	vmor vm3, vm4;
	vm4 =	vlt.s32 v14, v9;
	v9 =	vld [tilespmem:$0x1FF50]  }
0xcd: {  	v60 =	vld [tilespmem:s19+$0x650];
	[tilespmem:s19+$0x600] =	vst v12;
	v12 =	vnsel vm14, $0x0, v57  }
0xce: {  	[tilespmem:s19+$0x610] =	vst v12;
	v12 =	vld [tilespmem:s19+$0x660]  }
0xcf: {  	vm13 =	vmmov vm5;
	vm7 =	vge.s32 v61, v10;
	vm5 =	vge.s32 v14, v10;
	[tilespmem:s19+$0x630] =	vst v13;
	v13 =	vld [tilespmem:s19+$0xA10]  }
0xd0: {  	[tilespmem:s19+$0x620] =	vst v11;
	v11 =	vld [tilespmem:s19+$0xA00];
	vm5 =	vmor vm4, vm5;
	vm4 =	vmor vm6, vm7;
	vm6 =	vge.s32 v63, v10  }
0xd1: {  	[tilespmem:$0x1FF10] =	vst v18;
	v14 =	vld [tilespmem:s19+$0x670];
	vm7 =	vge.s32 v62, v10;
	vm6 =	vmor vm11, vm6;
	vm11 =	vnez.u8 v9  }
0xd2: {  	s20 =	simm.s32 $0x1;
	[tilespmem:s19+$0x640] =	vst v15;
	vm7 =	vmor vm10, vm7;
	v9 =	vld [tilespmem:s19+$0xA20];
	vm10 =	vmmov vm11;
	v10 =	vnsel vm11, $0x0, v60  }
.LBB2_4:
0xd3: {  	[tilespmem:s19+$0x650] =	vst v10;
	v10 =	vld [tilespmem:$0x1FF10];
	_ =	sdelay $0x4  }
0xd4: {  	vm11 =	vnez.u8 v10  }
0xd5: {  	v10 =	vnsel vm11, $0x0, v12  }
0xd6: {  	[tilespmem:s19+$0x660] =	vst v10;
	v10 =	vld [tilespmem:$0x1FF20];
	_ =	sdelay $0x4  }
0xd7: {  	vm11 =	vnez.u8 v10  }
0xd8: {  	v10 =	vnsel vm11, $0x0, v14  }
0xd9: {  	[tilespmem:s19+$0x670] =	vst v10;
	v10 =	vnsel vm1, $0x0, v11  }
0xda: {  	[tilespmem:s19+$0xA00] =	vst v10;
	v10 =	vld [tilespmem:$0x1FF40];
	_ =	sdelay $0x2  }
0xdb: {  	s21 =	sshrl.u32 s20, $0x3;
	v12 =	vld [tilespmem:s19+$0xA30]  }
0xdc: {  	s21 =	smul.u32 $0x3000, s21;
	v14 =	vld [tilespmem:s19+$0xA40]  }
0xdd: {  	s17 =	sadd.s32 $0x80, s17;
	v11 =	vld [tilespmem:s19+$0xA50];
	vm11 =	vnez.u8 v10  }
0xde: {  	s22 =	sand.u32 $0x380, s17;
	s21 =	sshra.s32 s21, $0x2;
	v10 =	vnsel vm11, $0x0, v13;
	v13 =	vld [tilespmem:s19+$0xA60]  }
0xdf: {  	s21 =	sor.u32 s22, s21;
	v9 =	vnsel vm2, $0x0, v9;
	[tilespmem:s19+$0xA10] =	vst v10;
	v10 =	vld [tilespmem:s19+$0xA70]  }
0xe0: {  	v15 =	vld [tilespmem:s21+$0x200];
	[tilespmem:s19+$0xA20] =	vst v9;
	v9 =	vnsel vm3, $0x0, v12  }
0xe1: {  	v12 =	vld [tilespmem:s21+$0x210];
	[tilespmem:s19+$0xA30] =	vst v9;
	v9 =	vnsel vm5, $0x0, v14  }
0xe2: {  	v14 =	vld [tilespmem:s21+$0x220];
	[tilespmem:s19+$0xA40] =	vst v9;
	v9 =	vnsel vm4, $0x0, v11  }
0xe3: {  	v11 =	vld [tilespmem:s21+$0x230];
	[tilespmem:s19+$0xA50] =	vst v9  }
0xe4: {  	v9 =	vnsel vm7, $0x0, v13;
	v13 =	vld [tilespmem:s21+$0x240]  }
0xe5: {  	[tilespmem:s19+$0xA60] =	vst v9;
	v9 =	vnsel vm6, $0x0, v10;
	v10 =	vld [tilespmem:$0x1FEC0];
	_ =	sdelay $0x4  }
0xe6: {  	vm11 =	vnez.u8 v10  }
0xe7: {  	v10 =	vnsel vm11, $0x0, v15;
	v15 =	vld [tilespmem:s21+$0x250]  }
0xe8: {  	[tilespmem:s19+$0xA70] =	vst v9;
	v9 =	vld [tilespmem:$0x1FED0];
	_ =	sdelay $0x4  }
0xe9: {  	vm11 =	vnez.u8 v9  }
0xea: {  	s19 =	smov.u32 s21;
	v9 =	vnsel vm11, $0x0, v12  }
0xeb: {  	[tilespmem:s19+$0x210] =	vst v9;
	v9 =	vld [tilespmem:$0x1FEE0];
	_ =	sdelay $0x4  }
0xec: {  	vm11 =	vnez.u8 v9  }
0xed: {  	v9 =	vnsel vm11, $0x0, v14  }
0xee: {  	[tilespmem:s19+$0x220] =	vst v9;
	v9 =	vld [tilespmem:$0x1FEF0];
	_ =	sdelay $0x4  }
0xef: {  	vm11 =	vnez.u8 v9  }
0xf0: {  	v9 =	vnsel vm11, $0x0, v11  }
0xf1: {  	[tilespmem:s19+$0x230] =	vst v9;
	v9 =	vld [tilespmem:$0x1FF00];
	_ =	sdelay $0x4  }
0xf2: {  	vm11 =	vnez.u8 v9  }
0xf3: {  	v9 =	vnsel vm11, $0x0, v13  }
0xf4: {  	[tilespmem:s19+$0x240] =	vst v9;
	v9 =	vld [tilespmem:$0x1FF30];
	_ =	sdelay $0x1  }
0xf5: {  	[tilespmem:s19+$0x200] =	vst v10;
	v10 =	vld [tilespmem:s19+$0x260]  }
0xf6: {  	v12 =	vld [tilespmem:s19+$0x270]  }
0xf7: {  	v11 =	vld [tilespmem:s19+$0x600]  }
0xf8: {  	v13 =	vld [tilespmem:s19+$0x610];
	vm11 =	vnez.u8 v9  }
0xf9: {  	v14 =	vld [tilespmem:s19+$0x620];
	v9 =	vnsel vm11, $0x0, v15  }
0xfa: {  	[tilespmem:s19+$0x250] =	vst v9;
	v9 =	vnsel vm8, $0x0, v10;
	v10 =	vld [tilespmem:s19+$0x630]  }
0xfb: {  	v15 =	vld [tilespmem:s19+$0x640];
	[tilespmem:s19+$0x260] =	vst v9;
	v9 =	vnsel vm12, $0x0, v12  }
0xfc: {  	p0 =	sne.s32 s20, $0xF;
	v16 =	vld [tilespmem:s19+$0x650];
	[tilespmem:s19+$0x270] =	vst v9;
	v9 =	vnsel vm13, $0x0, v11  }
.Ltmp1:
0xfd: {  	v12 =	vld [tilespmem:s19+$0x660];
	[tilespmem:s19+$0x600] =	vst v9;
	v9 =	vnsel vm14, $0x0, v13;
	(pc) =	sbr.rel @p0 .LBB2_4-.Ltmp1, $4  }
0xfe: {  	v11 =	vld [tilespmem:s19+$0xA00];
	[tilespmem:s19+$0x610] =	vst v9;
	v9 =	vnsel vm9, $0x0, v14  }
0xff: {  	v13 =	vld [tilespmem:s19+$0xA10];
	[tilespmem:s19+$0x620] =	vst v9;
	v9 =	vnsel vm15, $0x0, v10  }
0x100: {  	v14 =	vld [tilespmem:s19+$0x670];
	[tilespmem:s19+$0x630] =	vst v9;
	v9 =	vnsel vm0, $0x0, v15  }
0x101: {  	s20 =	sadd.s32 $0x1, s20;
	v10 =	vnsel vm10, $0x0, v16;
	[tilespmem:s19+$0x640] =	vst v9;
	v9 =	vld [tilespmem:s19+$0xA20]  }
0x102: {  	[tilespmem:s19+$0x650] =	vst v10;
	v10 =	vld [tilespmem:$0x1FF10];
	_ =	sdelay $0x4  }
0x103: {  	vm0 =	vnez.u8 v10  }
0x104: {  	v10 =	vnsel vm0, $0x0, v12  }
0x105: {  	[tilespmem:s19+$0x660] =	vst v10;
	v10 =	vld [tilespmem:$0x1FF20];
	_ =	sdelay $0x4  }
0x106: {  	vm0 =	vnez.u8 v10  }
0x107: {  	v10 =	vnsel vm0, $0x0, v14  }
0x108: {  	[tilespmem:s19+$0x670] =	vst v10;
	v10 =	vnsel vm1, $0x0, v11  }
0x109: {  	[tilespmem:s19+$0xA00] =	vst v10;
	v10 =	vld [tilespmem:$0x1FF40];
	_ =	sdelay $0x2  }
0x10a: {  	v12 =	vld [tilespmem:s19+$0xA30]  }
0x10b: {  	v14 =	vld [tilespmem:s19+$0xA40]  }
0x10c: {  	v11 =	vld [tilespmem:s19+$0xA50];
	vm0 =	vnez.u8 v10  }
0x10d: {  	v10 =	vnsel vm0, $0x0, v13;
	v13 =	vld [tilespmem:s19+$0xA60]  }
0x10e: {  	v9 =	vnsel vm2, $0x0, v9;
	[tilespmem:s19+$0xA10] =	vst v10;
	v10 =	vld [tilespmem:s19+$0xA70]  }
0x10f: {  	[tilespmem:s19+$0xA20] =	vst v9;
	v9 =	vnsel vm3, $0x0, v12  }
0x110: {  	[tilespmem:s19+$0xA30] =	vst v9;
	v9 =	vnsel vm5, $0x0, v14  }
0x111: {  	[tilespmem:s19+$0xA40] =	vst v9;
	v9 =	vnsel vm4, $0x0, v11  }
0x112: {  	[tilespmem:s19+$0xA50] =	vst v9;
	v9 =	vnsel vm7, $0x0, v13  }
0x113: {  	[tilespmem:s19+$0xA60] =	vst v9;
	v9 =	vnsel vm6, $0x0, v10  }
0x114: {  	[tilespmem:s19+$0xA70] =	vst v9  }
0x115: {  	[hbm4b:s18+s13] =	stream.strided.scatter [tilespmem:s15], [sflag:$0x1], $0x1800, s14, s13, $0x38;
	[tilespmem:$0x1A00] =	vst v63  }
0x116: {  	_ =	swait.ge [sflag:s11], $0x1800  }
0x117: {  	[sflag:s11] =	ssyncset.done $0x0  }
0x118: {  	s17 =	simm.s32 $0x0;
	[sflag:s11] =	ssyncadd.s32 $0xFFFFE800  }
0x119: {  	v9 =	vld.idx.msk [tilespmem:v2+s17+$0x0], $0xffff;
	_ =	sdelay $0x4  }
0x11a: {  	(v2sf) =	vpush v9, $0x0;
	_ =	sdelay $0xe  }
0x11b: {  	s22 =	spop (v2sf)  }
0x11c: {  	s23 =	sand.u32 $0x7F, s22  }
0x11d: {  	s20 =	sshra.s32 s22, $0x1F;
	p0 =	slt.s32 s22, $0x1;
	p1 =	sne.s32 s23, $0x0  }
0x11e: {  	v10 =	vld.idx.msk [tilespmem:v2+s12+$0x0], $0xffff;
	s24 =	sshrl.u32 s20, $0x19;
	p0 =	por !p0, !p1  }
0x11f: {  	s19 =	simm.s32 $0x1;
	s18 =	sadd.s32 s24, s22;
	p0 =	por !p0, !p0  }
0x120: {  	s18 =	sshrl.u32 s18, $0x7;
	s19 =	simm.s32 @!p0 $0x0  }
0x121: {  	s18 =	ssub.s32 s18, s19  }
0x122: {  	s20 =	sshll.u32 s18, $0x7  }
0x123: {  	v10 =	vadd.s32 v9, v10;
	p0 =	slt.s32 s20, $0x3E80  }
0x124: {  	vm0 =	vlt.s32 v10, $0x4000;
	s20 =	simm.s32 @!p0 $0x3E80  }
0x125: {  	v16 =	vimm.s32 $0x0;
	v10 =	vnsel vm0, $0x4000, v10;
	v11 =	vor.u32 s20, v8  }
0x126: {  	v18 =	vimm.s32 $0x0;
	s26 =	sor.u32 $0x10, s20;
	s29 =	sor.u32 $0x30, s20;
	vm0 =	vlt.s32 v11, v9;
	vm1 =	vge.s32 v11, v10  }
0x127: {  	s28 =	sor.u32 $0x20, s20;
	v11 =	vor.u32 s26, v8;
	v12 =	vor.u32 s29, v8;
	vm6 =	vmor vm0, vm1  }
0x128: {  	s26 =	sadd.s32 $0x90, s20;
	vm0 =	vlt.s32 v11, v9;
	vm1 =	vge.s32 v11, v10;
	v11 =	vor.u32 s28, v8  }
0x129: {  	vm2 =	vlt.s32 v12, v9;
	vm3 =	vge.s32 v12, v10;
	v13 =	vor.u32 s26, v8  }
0x12a: {  	s25 =	sadd.s32 s7, s20;
	s30 =	sor.u32 $0x40, s20;
	vm7 =	vmor vm0, vm1;
	vm0 =	vlt.s32 v11, v9;
	vm1 =	vge.s32 v11, v10  }
0x12b: {  	s21 =	simm.s32 $0x0;
	s31 =	sor.u32 $0x50, s20;
	s18 =	sand.u32 $0x1FFFFF80, s25;
	vm13 =	vmor vm2, vm3;
	v11 =	vor.u32 s30, v8;
	vm12 =	vmor vm0, vm1  }
0x12c: {  	s21 =	smul.u32 $0x3000, s21;
	s22 =	sor.u32 $0x60, s20;
	s18 =	sadd.s32 s1, s18;
	vm0 =	vlt.s32 v11, v9;
	vm1 =	vge.s32 v11, v10;
	v11 =	vor.u32 s31, v8  }
0x12d: {  	[tilespmem:s15], [sflag:$0x1] =	stream.strided.gather [hbm4b:s18+s13], $0x1800, s14, s13, $0x38;
	vm2 =	vlt.s32 v11, v9;
	vm3 =	vge.s32 v11, v10;
	v11 =	vor.u32 s22, v8;
	[tilespmem:$0x1A00] =	vst v63  }
0x12e: {  	s21 =	sshra.s32 s21, $0x2;
	s23 =	sor.u32 $0x70, s20;
	_ =	swait.ge [sflag:s11], $0x1800;
	vm11 =	vmor vm0, vm1;
	vm4 =	vlt.s32 v11, v9;
	vm5 =	vge.s32 v11, v10  }
0x12f: {  	s24 =	sand.u32 $0x380, s17;
	s28 =	sadd.s32 $0xA0, s20;
	[sflag:s11] =	ssyncset.done $0x0;
	v11 =	vor.u32 s23, v8;
	vm8 =	vmor vm2, vm3;
	vm2 =	vlt.s32 v13, v9  }
0x130: {  	s19 =	sor.u32 s24, s21;
	s25 =	sadd.s32 $0x80, s20;
	[sflag:s11] =	ssyncadd.s32 $0xFFFFE800;
	vm3 =	vge.s32 v13, v10;
	v13 =	vor.u32 s28, v8;
	vm4 =	vmor vm4, vm5  }
0x131: {  	vm0 =	vlt.s32 v11, v9;
	vm1 =	vge.s32 v11, v10;
	v11 =	vor.u32 s25, v8;
	v12 =	vld [tilespmem:s19+$0x200]  }
0x132: {  	vm9 =	vmor vm0, vm1;
	vm0 =	vlt.s32 v11, v9;
	vm1 =	vge.s32 v11, v10;
	v11 =	vld [tilespmem:s19+$0x220]  }
0x133: {  	s29 =	sadd.s32 $0xB0, s20;
	vm5 =	vmor vm0, vm1;
	vm0 =	vlt.s32 v13, v9;
	vm1 =	vge.s32 v13, v10  }
0x134: {  	s30 =	sadd.s32 $0xC0, s20;
	v16 =	vsel vm6, $0xFFFFFFFF, v16;
	v13 =	vor.u32 s29, v8;
	vm15 =	vmor vm0, vm1  }
0x135: {  	v15 =	vld [tilespmem:s19+$0x230];
	vm0 =	vlt.s32 v13, v9;
	vm1 =	vge.s32 v13, v10;
	v13 =	vor.u32 s30, v8  }
0x136: {  	v14 =	vld [tilespmem:s19+$0x210];
	v12 =	vnsel vm6, $0x0, v12;
	vm6 =	vmor vm0, vm1;
	vm0 =	vlt.s32 v13, v9  }
0x137: {  	vm1 =	vge.s32 v13, v10;
	v13 =	vimm.s32 $0x0;
	[tilespmem:s19+$0x200] =	vst v12;
	v11 =	vnsel vm12, $0x0, v11  }
0x138: {  	vm14 =	vmor vm2, vm3;
	s25 =	sadd.s32 $0x110, s20;
	s30 =	sadd.s32 $0x150, s20;
	v12 =	vimm.s32 $0x0;
	v13 =	vsel vm13, $0xFFFFFFFF, v13;
	[tilespmem:s19+$0x220] =	vst v11  }
0x139: {  	s22 =	sadd.s32 $0xE0, s20;
	v59 =	vor.u32 s25, v8;
	v61 =	vor.u32 s30, v8;
	v12 =	vsel vm7, $0xFFFFFFFF, v12;
	[tilespmem:$0x1FE50] =	vst v13  }
0x13a: {  	s31 =	sadd.s32 $0xD0, s20;
	v56 =	vld [tilespmem:s19+$0x240];
	vm10 =	vmor vm0, vm1;
	v11 =	vor.u32 s22, v8;
	v13 =	vnsel vm13, $0x0, v15;
	[tilespmem:$0x1FE30] =	vst v12  }
0x13b: {  	s24 =	sadd.s32 $0x100, s20;
	v15 =	vimm.s32 $0x0;
	v12 =	vnsel vm7, $0x0, v14;
	v14 =	vor.u32 s31, v8;
	[tilespmem:s19+$0x230] =	vst v13  }
0x13c: {  	s26 =	sadd.s32 $0x120, s20;
	s23 =	sadd.s32 $0xF0, s20;
	s28 =	sadd.s32 $0x130, s20;
	vm1 =	vge.s32 v11, v10;
	v13 =	vimm.s32 $0x0;
	[tilespmem:s19+$0x210] =	vst v12;
	v12 =	vimm.s32 $0x0  }
0x13d: {  	s29 =	sadd.s32 $0x140, s20;
	s31 =	sadd.s32 $0x160, s20;
	s20 =	sadd.s32 $0x170, s20;
	vm2 =	vlt.s32 v14, v9;
	vm3 =	vge.s32 v14, v10;
	v13 =	vsel vm11, $0xFFFFFFFF, v13  }
0x13e: {  	v17 =	vld [tilespmem:s19+$0x250];
	v62 =	vor.u32 s31, v8;
	v63 =	vor.u32 s20, v8;
	v12 =	vsel vm12, $0xFFFFFFFF, v12  }
0x13f: {  	vm0 =	vmor vm2, vm3;
	[tilespmem:$0x1FE60] =	vst v13;
	v13 =	vnsel vm11, $0x0, v56;
	vm2 =	vlt.s32 v59, v9  }
0x140: {  	[tilespmem:$0x1FE40] =	vst v12;
	v12 =	vld [tilespmem:s19+$0x260];
	v15 =	vsel vm0, $0xFFFFFFFF, v15;
	vm0 =	vlt.s32 v11, v9;
	v11 =	vor.u32 s23, v8  }
0x141: {  	[tilespmem:s19+$0x240] =	vst v13;
	v13 =	vimm.s32 $0x0;
	vm0 =	vmor vm0, vm1;
	vm1 =	vge.s32 v11, v10  }
0x142: {  	[tilespmem:$0x1FEB0] =	vst v15;
	v15 =	vld [tilespmem:s19+$0x270];
	v13 =	vsel vm8, $0xFFFFFFFF, v13;
	v18 =	vsel vm0, $0xFFFFFFFF, v18;
	vm0 =	vlt.s32 v11, v9  }
0x143: {  	v11 =	vimm.s32 $0x0;
	[tilespmem:$0x1FE90] =	vst v13;
	v13 =	vnsel vm8, $0x0, v17;
	vm0 =	vmor vm0, vm1  }
0x144: {  	v14 =	vld [tilespmem:s19+$0x600];
	vm3 =	vge.s32 v59, v10;
	vm12 =	vmmov vm9;
	[tilespmem:s19+$0x250] =	vst v13;
	v11 =	vsel vm0, $0xFFFFFFFF, v11  }
0x145: {  	vm11 =	vlt.s32 v63, v9;
	v13 =	vld [tilespmem:s19+$0x630];
	[tilespmem:$0x1FE80] =	vst v11;
	v11 =	vor.u32 s24, v8;
	v12 =	vnsel vm4, $0x0, v12  }
0x146: {  	vm0 =	vlt.s32 v11, v9;
	vm1 =	vge.s32 v11, v10;
	v11 =	vimm.s32 $0x0  }
0x147: {  	v58 =	vld [tilespmem:s19+$0x620];
	[tilespmem:s19+$0x260] =	vst v12;
	v12 =	vnsel vm9, $0x0, v15;
	vm1 =	vmor vm0, vm1;
	vm0 =	vmor vm2, vm3  }
0x148: {  	vm8 =	vmmov vm4;
	v15 =	vld [tilespmem:s19+$0x640];
	vm9 =	vmmov vm15;
	[tilespmem:s19+$0x270] =	vst v12;
	v11 =	vsel vm0, $0xFFFFFFFF, v11  }
0x149: {  	v12 =	vnsel vm5, $0x0, v14;
	v14 =	vor.u32 s29, v8;
	[tilespmem:$0x1FEA0] =	vst v11;
	v11 =	vor.u32 s26, v8  }
0x14a: {  	v57 =	vld [tilespmem:s19+$0x610];
	v13 =	vnsel vm6, $0x0, v13;
	vm2 =	vlt.s32 v11, v9;
	vm3 =	vge.s32 v11, v10  }
0x14b: {  	vm0 =	vmmov vm10;
	v11 =	vor.u32 s28, v8;
	vm2 =	vmor vm2, vm3  }
0x14c: {  	vm3 =	vlt.s32 v11, v9;
	vm4 =	vge.s32 v11, v10;
	v11 =	vnsel vm15, $0x0, v58  }
0x14d: {  	vm15 =	vmmov vm6;
	vm6 =	vlt.s32 v61, v9;
	v15 =	vnsel vm10, $0x0, v15  }
0x14e: {  	[tilespmem:$0x1FE20] =	vst v16;
	vm10 =	vlt.s32 v62, v9;
	vm3 =	vmor vm3, vm4;
	vm4 =	vlt.s32 v14, v9;
	v9 =	vld [tilespmem:$0x1FEB0]  }
0x14f: {  	v60 =	vld [tilespmem:s19+$0x650];
	[tilespmem:s19+$0x600] =	vst v12;
	v12 =	vnsel vm14, $0x0, v57  }
0x150: {  	[tilespmem:s19+$0x610] =	vst v12;
	v12 =	vld [tilespmem:s19+$0x660]  }
0x151: {  	vm13 =	vmmov vm5;
	vm7 =	vge.s32 v61, v10;
	vm5 =	vge.s32 v14, v10;
	[tilespmem:s19+$0x630] =	vst v13;
	v13 =	vld [tilespmem:s19+$0xA10]  }
0x152: {  	[tilespmem:s19+$0x620] =	vst v11;
	v11 =	vld [tilespmem:s19+$0xA00];
	vm5 =	vmor vm4, vm5;
	vm4 =	vmor vm6, vm7;
	vm6 =	vge.s32 v63, v10  }
0x153: {  	[tilespmem:$0x1FE70] =	vst v18;
	v14 =	vld [tilespmem:s19+$0x670];
	vm7 =	vge.s32 v62, v10;
	vm6 =	vmor vm11, vm6;
	vm11 =	vnez.u8 v9  }
0x154: {  	s20 =	simm.s32 $0x1;
	[tilespmem:s19+$0x640] =	vst v15;
	vm7 =	vmor vm10, vm7;
	v9 =	vld [tilespmem:s19+$0xA20];
	vm10 =	vmmov vm11;
	v10 =	vnsel vm11, $0x0, v60  }
.LBB2_6:
0x155: {  	[tilespmem:s19+$0x650] =	vst v10;
	v10 =	vld [tilespmem:$0x1FE70];
	_ =	sdelay $0x4  }
0x156: {  	vm11 =	vnez.u8 v10  }
0x157: {  	v10 =	vnsel vm11, $0x0, v12  }
0x158: {  	[tilespmem:s19+$0x660] =	vst v10;
	v10 =	vld [tilespmem:$0x1FE80];
	_ =	sdelay $0x4  }
0x159: {  	vm11 =	vnez.u8 v10  }
0x15a: {  	v10 =	vnsel vm11, $0x0, v14  }
0x15b: {  	[tilespmem:s19+$0x670] =	vst v10;
	v10 =	vnsel vm1, $0x0, v11  }
0x15c: {  	[tilespmem:s19+$0xA00] =	vst v10;
	v10 =	vld [tilespmem:$0x1FEA0];
	_ =	sdelay $0x2  }
0x15d: {  	s21 =	sshrl.u32 s20, $0x3;
	v12 =	vld [tilespmem:s19+$0xA30]  }
0x15e: {  	s21 =	smul.u32 $0x3000, s21;
	v14 =	vld [tilespmem:s19+$0xA40]  }
0x15f: {  	s17 =	sadd.s32 $0x80, s17;
	v11 =	vld [tilespmem:s19+$0xA50];
	vm11 =	vnez.u8 v10  }
0x160: {  	s22 =	sand.u32 $0x380, s17;
	s21 =	sshra.s32 s21, $0x2;
	v10 =	vnsel vm11, $0x0, v13;
	v13 =	vld [tilespmem:s19+$0xA60]  }
0x161: {  	s21 =	sor.u32 s22, s21;
	v9 =	vnsel vm2, $0x0, v9;
	[tilespmem:s19+$0xA10] =	vst v10;
	v10 =	vld [tilespmem:s19+$0xA70]  }
0x162: {  	v15 =	vld [tilespmem:s21+$0x200];
	[tilespmem:s19+$0xA20] =	vst v9;
	v9 =	vnsel vm3, $0x0, v12  }
0x163: {  	v12 =	vld [tilespmem:s21+$0x210];
	[tilespmem:s19+$0xA30] =	vst v9;
	v9 =	vnsel vm5, $0x0, v14  }
0x164: {  	v14 =	vld [tilespmem:s21+$0x220];
	[tilespmem:s19+$0xA40] =	vst v9;
	v9 =	vnsel vm4, $0x0, v11  }
0x165: {  	v11 =	vld [tilespmem:s21+$0x230];
	[tilespmem:s19+$0xA50] =	vst v9  }
0x166: {  	v9 =	vnsel vm7, $0x0, v13;
	v13 =	vld [tilespmem:s21+$0x240]  }
0x167: {  	[tilespmem:s19+$0xA60] =	vst v9;
	v9 =	vnsel vm6, $0x0, v10;
	v10 =	vld [tilespmem:$0x1FE20];
	_ =	sdelay $0x4  }
0x168: {  	vm11 =	vnez.u8 v10  }
0x169: {  	v10 =	vnsel vm11, $0x0, v15;
	v15 =	vld [tilespmem:s21+$0x250]  }
0x16a: {  	[tilespmem:s19+$0xA70] =	vst v9;
	v9 =	vld [tilespmem:$0x1FE30];
	_ =	sdelay $0x4  }
0x16b: {  	vm11 =	vnez.u8 v9  }
0x16c: {  	s19 =	smov.u32 s21;
	v9 =	vnsel vm11, $0x0, v12  }
0x16d: {  	[tilespmem:s19+$0x210] =	vst v9;
	v9 =	vld [tilespmem:$0x1FE40];
	_ =	sdelay $0x4  }
0x16e: {  	vm11 =	vnez.u8 v9  }
0x16f: {  	v9 =	vnsel vm11, $0x0, v14  }
0x170: {  	[tilespmem:s19+$0x220] =	vst v9;
	v9 =	vld [tilespmem:$0x1FE50];
	_ =	sdelay $0x4  }
0x171: {  	vm11 =	vnez.u8 v9  }
0x172: {  	v9 =	vnsel vm11, $0x0, v11  }
0x173: {  	[tilespmem:s19+$0x230] =	vst v9;
	v9 =	vld [tilespmem:$0x1FE60];
	_ =	sdelay $0x4  }
0x174: {  	vm11 =	vnez.u8 v9  }
0x175: {  	v9 =	vnsel vm11, $0x0, v13  }
0x176: {  	[tilespmem:s19+$0x240] =	vst v9;
	v9 =	vld [tilespmem:$0x1FE90];
	_ =	sdelay $0x1  }
0x177: {  	[tilespmem:s19+$0x200] =	vst v10;
	v10 =	vld [tilespmem:s19+$0x260]  }
0x178: {  	v12 =	vld [tilespmem:s19+$0x270]  }
0x179: {  	v11 =	vld [tilespmem:s19+$0x600]  }
0x17a: {  	v13 =	vld [tilespmem:s19+$0x610];
	vm11 =	vnez.u8 v9  }
0x17b: {  	v14 =	vld [tilespmem:s19+$0x620];
	v9 =	vnsel vm11, $0x0, v15  }
0x17c: {  	[tilespmem:s19+$0x250] =	vst v9;
	v9 =	vnsel vm8, $0x0, v10;
	v10 =	vld [tilespmem:s19+$0x630]  }
0x17d: {  	v15 =	vld [tilespmem:s19+$0x640];
	[tilespmem:s19+$0x260] =	vst v9;
	v9 =	vnsel vm12, $0x0, v12  }
0x17e: {  	p0 =	sne.s32 s20, $0xF;
	v16 =	vld [tilespmem:s19+$0x650];
	[tilespmem:s19+$0x270] =	vst v9;
	v9 =	vnsel vm13, $0x0, v11  }
.Ltmp2:
0x17f: {  	v12 =	vld [tilespmem:s19+$0x660];
	[tilespmem:s19+$0x600] =	vst v9;
	v9 =	vnsel vm14, $0x0, v13;
	(pc) =	sbr.rel @p0 .LBB2_6-.Ltmp2, $4  }
0x180: {  	v11 =	vld [tilespmem:s19+$0xA00];
	[tilespmem:s19+$0x610] =	vst v9;
	v9 =	vnsel vm9, $0x0, v14  }
0x181: {  	v13 =	vld [tilespmem:s19+$0xA10];
	[tilespmem:s19+$0x620] =	vst v9;
	v9 =	vnsel vm15, $0x0, v10  }
0x182: {  	v14 =	vld [tilespmem:s19+$0x670];
	[tilespmem:s19+$0x630] =	vst v9;
	v9 =	vnsel vm0, $0x0, v15  }
0x183: {  	s20 =	sadd.s32 $0x1, s20;
	v10 =	vnsel vm10, $0x0, v16;
	[tilespmem:s19+$0x640] =	vst v9;
	v9 =	vld [tilespmem:s19+$0xA20]  }
0x184: {  	[tilespmem:s19+$0x650] =	vst v10;
	v10 =	vld [tilespmem:$0x1FE70];
	_ =	sdelay $0x4  }
0x185: {  	vm0 =	vnez.u8 v10  }
0x186: {  	v10 =	vnsel vm0, $0x0, v12  }
0x187: {  	[tilespmem:s19+$0x660] =	vst v10;
	v10 =	vld [tilespmem:$0x1FE80];
	_ =	sdelay $0x4  }
0x188: {  	vm0 =	vnez.u8 v10  }
0x189: {  	v10 =	vnsel vm0, $0x0, v14  }
0x18a: {  	[tilespmem:s19+$0x670] =	vst v10;
	v10 =	vnsel vm1, $0x0, v11  }
0x18b: {  	[tilespmem:s19+$0xA00] =	vst v10;
	v10 =	vld [tilespmem:$0x1FEA0];
	_ =	sdelay $0x2  }
0x18c: {  	v12 =	vld [tilespmem:s19+$0xA30]  }
0x18d: {  	v14 =	vld [tilespmem:s19+$0xA40]  }
0x18e: {  	v11 =	vld [tilespmem:s19+$0xA50];
	vm0 =	vnez.u8 v10  }
0x18f: {  	v10 =	vnsel vm0, $0x0, v13;
	v13 =	vld [tilespmem:s19+$0xA60]  }
0x190: {  	v9 =	vnsel vm2, $0x0, v9;
	[tilespmem:s19+$0xA10] =	vst v10;
	v10 =	vld [tilespmem:s19+$0xA70]  }
0x191: {  	[tilespmem:s19+$0xA20] =	vst v9;
	v9 =	vnsel vm3, $0x0, v12  }
0x192: {  	[tilespmem:s19+$0xA30] =	vst v9;
	v9 =	vnsel vm5, $0x0, v14  }
0x193: {  	[tilespmem:s19+$0xA40] =	vst v9;
	v9 =	vnsel vm4, $0x0, v11  }
0x194: {  	[tilespmem:s19+$0xA50] =	vst v9;
	v9 =	vnsel vm7, $0x0, v13  }
0x195: {  	[tilespmem:s19+$0xA60] =	vst v9;
	v9 =	vnsel vm6, $0x0, v10  }
0x196: {  	[tilespmem:s19+$0xA70] =	vst v9  }
0x197: {  	[hbm4b:s18+s13] =	stream.strided.scatter [tilespmem:s15], [sflag:$0x1], $0x1800, s14, s13, $0x38;
	[tilespmem:$0x1A00] =	vst v63  }
0x198: {  	_ =	swait.ge [sflag:s11], $0x1800  }
0x199: {  	[sflag:s11] =	ssyncset.done $0x0  }
0x19a: {  	s17 =	simm.s32 $0x0;
	[sflag:s11] =	ssyncadd.s32 $0xFFFFE800  }
0x19b: {  	v9 =	vld.idx.msk [tilespmem:v3+s17+$0x0], $0xffff;
	_ =	sdelay $0x4  }
0x19c: {  	(v2sf) =	vpush v9, $0x0;
	_ =	sdelay $0xe  }
0x19d: {  	s22 =	spop (v2sf)  }
0x19e: {  	s23 =	sand.u32 $0x7F, s22  }
0x19f: {  	s20 =	sshra.s32 s22, $0x1F;
	p0 =	slt.s32 s22, $0x1;
	p1 =	sne.s32 s23, $0x0  }
0x1a0: {  	v10 =	vld.idx.msk [tilespmem:v3+s12+$0x0], $0xffff;
	s24 =	sshrl.u32 s20, $0x19;
	p0 =	por !p0, !p1  }
0x1a1: {  	s19 =	simm.s32 $0x1;
	s18 =	sadd.s32 s24, s22;
	p0 =	por !p0, !p0  }
0x1a2: {  	s18 =	sshrl.u32 s18, $0x7;
	s19 =	simm.s32 @!p0 $0x0  }
0x1a3: {  	s18 =	ssub.s32 s18, s19  }
0x1a4: {  	s20 =	sshll.u32 s18, $0x7  }
0x1a5: {  	v10 =	vadd.s32 v9, v10;
	p0 =	slt.s32 s20, $0x3E80  }
0x1a6: {  	vm0 =	vlt.s32 v10, $0x4000;
	s20 =	simm.s32 @!p0 $0x3E80  }
0x1a7: {  	v16 =	vimm.s32 $0x0;
	v10 =	vnsel vm0, $0x4000, v10;
	v11 =	vor.u32 s20, v8  }
0x1a8: {  	v18 =	vimm.s32 $0x0;
	s26 =	sor.u32 $0x10, s20;
	s29 =	sor.u32 $0x30, s20;
	vm0 =	vlt.s32 v11, v9;
	vm1 =	vge.s32 v11, v10  }
0x1a9: {  	s28 =	sor.u32 $0x20, s20;
	v11 =	vor.u32 s26, v8;
	v12 =	vor.u32 s29, v8;
	vm6 =	vmor vm0, vm1  }
0x1aa: {  	s26 =	sadd.s32 $0x90, s20;
	vm0 =	vlt.s32 v11, v9;
	vm1 =	vge.s32 v11, v10;
	v11 =	vor.u32 s28, v8  }
0x1ab: {  	vm2 =	vlt.s32 v12, v9;
	vm3 =	vge.s32 v12, v10;
	v13 =	vor.u32 s26, v8  }
0x1ac: {  	s25 =	sadd.s32 s7, s20;
	s30 =	sor.u32 $0x40, s20;
	vm7 =	vmor vm0, vm1;
	vm0 =	vlt.s32 v11, v9;
	vm1 =	vge.s32 v11, v10  }
0x1ad: {  	s21 =	simm.s32 $0x0;
	s31 =	sor.u32 $0x50, s20;
	s18 =	sand.u32 $0x1FFFFF80, s25;
	vm13 =	vmor vm2, vm3;
	v11 =	vor.u32 s30, v8;
	vm12 =	vmor vm0, vm1  }
0x1ae: {  	s21 =	smul.u32 $0x3000, s21;
	s22 =	sor.u32 $0x60, s20;
	s18 =	sadd.s32 s1, s18;
	vm0 =	vlt.s32 v11, v9;
	vm1 =	vge.s32 v11, v10;
	v11 =	vor.u32 s31, v8  }
0x1af: {  	[tilespmem:s15], [sflag:$0x1] =	stream.strided.gather [hbm4b:s18+s13], $0x1800, s14, s13, $0x38;
	vm2 =	vlt.s32 v11, v9;
	vm3 =	vge.s32 v11, v10;
	v11 =	vor.u32 s22, v8;
	[tilespmem:$0x1A00] =	vst v63  }
0x1b0: {  	s21 =	sshra.s32 s21, $0x2;
	s23 =	sor.u32 $0x70, s20;
	_ =	swait.ge [sflag:s11], $0x1800;
	vm11 =	vmor vm0, vm1;
	vm4 =	vlt.s32 v11, v9;
	vm5 =	vge.s32 v11, v10  }
0x1b1: {  	s24 =	sand.u32 $0x380, s17;
	s28 =	sadd.s32 $0xA0, s20;
	[sflag:s11] =	ssyncset.done $0x0;
	v11 =	vor.u32 s23, v8;
	vm8 =	vmor vm2, vm3;
	vm2 =	vlt.s32 v13, v9  }
0x1b2: {  	s19 =	sor.u32 s24, s21;
	s25 =	sadd.s32 $0x80, s20;
	[sflag:s11] =	ssyncadd.s32 $0xFFFFE800;
	vm3 =	vge.s32 v13, v10;
	v13 =	vor.u32 s28, v8;
	vm4 =	vmor vm4, vm5  }
0x1b3: {  	vm0 =	vlt.s32 v11, v9;
	vm1 =	vge.s32 v11, v10;
	v11 =	vor.u32 s25, v8;
	v12 =	vld [tilespmem:s19+$0x200]  }
0x1b4: {  	vm9 =	vmor vm0, vm1;
	vm0 =	vlt.s32 v11, v9;
	vm1 =	vge.s32 v11, v10;
	v11 =	vld [tilespmem:s19+$0x220]  }
0x1b5: {  	s29 =	sadd.s32 $0xB0, s20;
	vm5 =	vmor vm0, vm1;
	vm0 =	vlt.s32 v13, v9;
	vm1 =	vge.s32 v13, v10  }
0x1b6: {  	s30 =	sadd.s32 $0xC0, s20;
	v16 =	vsel vm6, $0xFFFFFFFF, v16;
	v13 =	vor.u32 s29, v8;
	vm15 =	vmor vm0, vm1  }
0x1b7: {  	v15 =	vld [tilespmem:s19+$0x230];
	vm0 =	vlt.s32 v13, v9;
	vm1 =	vge.s32 v13, v10;
	v13 =	vor.u32 s30, v8  }
0x1b8: {  	v14 =	vld [tilespmem:s19+$0x210];
	v12 =	vnsel vm6, $0x0, v12;
	vm6 =	vmor vm0, vm1;
	vm0 =	vlt.s32 v13, v9  }
0x1b9: {  	vm1 =	vge.s32 v13, v10;
	v13 =	vimm.s32 $0x0;
	[tilespmem:s19+$0x200] =	vst v12;
	v11 =	vnsel vm12, $0x0, v11  }
0x1ba: {  	vm14 =	vmor vm2, vm3;
	s25 =	sadd.s32 $0x110, s20;
	s30 =	sadd.s32 $0x150, s20;
	v12 =	vimm.s32 $0x0;
	v13 =	vsel vm13, $0xFFFFFFFF, v13;
	[tilespmem:s19+$0x220] =	vst v11  }
0x1bb: {  	s22 =	sadd.s32 $0xE0, s20;
	v59 =	vor.u32 s25, v8;
	v61 =	vor.u32 s30, v8;
	v12 =	vsel vm7, $0xFFFFFFFF, v12;
	[tilespmem:$0x1FDB0] =	vst v13  }
0x1bc: {  	s31 =	sadd.s32 $0xD0, s20;
	v56 =	vld [tilespmem:s19+$0x240];
	vm10 =	vmor vm0, vm1;
	v11 =	vor.u32 s22, v8;
	v13 =	vnsel vm13, $0x0, v15;
	[tilespmem:$0x1FD90] =	vst v12  }
0x1bd: {  	s24 =	sadd.s32 $0x100, s20;
	v15 =	vimm.s32 $0x0;
	v12 =	vnsel vm7, $0x0, v14;
	v14 =	vor.u32 s31, v8;
	[tilespmem:s19+$0x230] =	vst v13  }
0x1be: {  	s26 =	sadd.s32 $0x120, s20;
	s23 =	sadd.s32 $0xF0, s20;
	s28 =	sadd.s32 $0x130, s20;
	vm1 =	vge.s32 v11, v10;
	v13 =	vimm.s32 $0x0;
	[tilespmem:s19+$0x210] =	vst v12;
	v12 =	vimm.s32 $0x0  }
0x1bf: {  	s29 =	sadd.s32 $0x140, s20;
	s31 =	sadd.s32 $0x160, s20;
	s20 =	sadd.s32 $0x170, s20;
	vm2 =	vlt.s32 v14, v9;
	vm3 =	vge.s32 v14, v10;
	v13 =	vsel vm11, $0xFFFFFFFF, v13  }
0x1c0: {  	v17 =	vld [tilespmem:s19+$0x250];
	v62 =	vor.u32 s31, v8;
	v63 =	vor.u32 s20, v8;
	v12 =	vsel vm12, $0xFFFFFFFF, v12  }
0x1c1: {  	vm0 =	vmor vm2, vm3;
	[tilespmem:$0x1FDC0] =	vst v13;
	v13 =	vnsel vm11, $0x0, v56;
	vm2 =	vlt.s32 v59, v9  }
0x1c2: {  	[tilespmem:$0x1FDA0] =	vst v12;
	v12 =	vld [tilespmem:s19+$0x260];
	v15 =	vsel vm0, $0xFFFFFFFF, v15;
	vm0 =	vlt.s32 v11, v9;
	v11 =	vor.u32 s23, v8  }
0x1c3: {  	[tilespmem:s19+$0x240] =	vst v13;
	v13 =	vimm.s32 $0x0;
	vm0 =	vmor vm0, vm1;
	vm1 =	vge.s32 v11, v10  }
0x1c4: {  	[tilespmem:$0x1FE10] =	vst v15;
	v15 =	vld [tilespmem:s19+$0x270];
	v13 =	vsel vm8, $0xFFFFFFFF, v13;
	v18 =	vsel vm0, $0xFFFFFFFF, v18;
	vm0 =	vlt.s32 v11, v9  }
0x1c5: {  	v11 =	vimm.s32 $0x0;
	[tilespmem:$0x1FDF0] =	vst v13;
	v13 =	vnsel vm8, $0x0, v17;
	vm0 =	vmor vm0, vm1  }
0x1c6: {  	v14 =	vld [tilespmem:s19+$0x600];
	vm3 =	vge.s32 v59, v10;
	vm12 =	vmmov vm9;
	[tilespmem:s19+$0x250] =	vst v13;
	v11 =	vsel vm0, $0xFFFFFFFF, v11  }
0x1c7: {  	vm11 =	vlt.s32 v63, v9;
	v13 =	vld [tilespmem:s19+$0x630];
	[tilespmem:$0x1FDE0] =	vst v11;
	v11 =	vor.u32 s24, v8;
	v12 =	vnsel vm4, $0x0, v12  }
0x1c8: {  	vm0 =	vlt.s32 v11, v9;
	vm1 =	vge.s32 v11, v10;
	v11 =	vimm.s32 $0x0  }
0x1c9: {  	v58 =	vld [tilespmem:s19+$0x620];
	[tilespmem:s19+$0x260] =	vst v12;
	v12 =	vnsel vm9, $0x0, v15;
	vm1 =	vmor vm0, vm1;
	vm0 =	vmor vm2, vm3  }
0x1ca: {  	vm8 =	vmmov vm4;
	v15 =	vld [tilespmem:s19+$0x640];
	vm9 =	vmmov vm15;
	[tilespmem:s19+$0x270] =	vst v12;
	v11 =	vsel vm0, $0xFFFFFFFF, v11  }
0x1cb: {  	v12 =	vnsel vm5, $0x0, v14;
	v14 =	vor.u32 s29, v8;
	[tilespmem:$0x1FE00] =	vst v11;
	v11 =	vor.u32 s26, v8  }
0x1cc: {  	v57 =	vld [tilespmem:s19+$0x610];
	v13 =	vnsel vm6, $0x0, v13;
	vm2 =	vlt.s32 v11, v9;
	vm3 =	vge.s32 v11, v10  }
0x1cd: {  	vm0 =	vmmov vm10;
	v11 =	vor.u32 s28, v8;
	vm2 =	vmor vm2, vm3  }
0x1ce: {  	vm3 =	vlt.s32 v11, v9;
	vm4 =	vge.s32 v11, v10;
	v11 =	vnsel vm15, $0x0, v58  }
0x1cf: {  	vm15 =	vmmov vm6;
	vm6 =	vlt.s32 v61, v9;
	v15 =	vnsel vm10, $0x0, v15  }
0x1d0: {  	[tilespmem:$0x1FD80] =	vst v16;
	vm10 =	vlt.s32 v62, v9;
	vm3 =	vmor vm3, vm4;
	vm4 =	vlt.s32 v14, v9;
	v9 =	vld [tilespmem:$0x1FE10]  }
0x1d1: {  	v60 =	vld [tilespmem:s19+$0x650];
	[tilespmem:s19+$0x600] =	vst v12;
	v12 =	vnsel vm14, $0x0, v57  }
0x1d2: {  	[tilespmem:s19+$0x610] =	vst v12;
	v12 =	vld [tilespmem:s19+$0x660]  }
0x1d3: {  	vm13 =	vmmov vm5;
	vm7 =	vge.s32 v61, v10;
	vm5 =	vge.s32 v14, v10;
	[tilespmem:s19+$0x630] =	vst v13;
	v13 =	vld [tilespmem:s19+$0xA10]  }
0x1d4: {  	[tilespmem:s19+$0x620] =	vst v11;
	v11 =	vld [tilespmem:s19+$0xA00];
	vm5 =	vmor vm4, vm5;
	vm4 =	vmor vm6, vm7;
	vm6 =	vge.s32 v63, v10  }
0x1d5: {  	[tilespmem:$0x1FDD0] =	vst v18;
	v14 =	vld [tilespmem:s19+$0x670];
	vm7 =	vge.s32 v62, v10;
	vm6 =	vmor vm11, vm6;
	vm11 =	vnez.u8 v9  }
0x1d6: {  	s20 =	simm.s32 $0x1;
	[tilespmem:s19+$0x640] =	vst v15;
	vm7 =	vmor vm10, vm7;
	v9 =	vld [tilespmem:s19+$0xA20];
	vm10 =	vmmov vm11;
	v10 =	vnsel vm11, $0x0, v60  }
.LBB2_8:
0x1d7: {  	[tilespmem:s19+$0x650] =	vst v10;
	v10 =	vld [tilespmem:$0x1FDD0];
	_ =	sdelay $0x4  }
0x1d8: {  	vm11 =	vnez.u8 v10  }
0x1d9: {  	v10 =	vnsel vm11, $0x0, v12  }
0x1da: {  	[tilespmem:s19+$0x660] =	vst v10;
	v10 =	vld [tilespmem:$0x1FDE0];
	_ =	sdelay $0x4  }
0x1db: {  	vm11 =	vnez.u8 v10  }
0x1dc: {  	v10 =	vnsel vm11, $0x0, v14  }
0x1dd: {  	[tilespmem:s19+$0x670] =	vst v10;
	v10 =	vnsel vm1, $0x0, v11  }
0x1de: {  	[tilespmem:s19+$0xA00] =	vst v10;
	v10 =	vld [tilespmem:$0x1FE00];
	_ =	sdelay $0x2  }
0x1df: {  	s21 =	sshrl.u32 s20, $0x3;
	v12 =	vld [tilespmem:s19+$0xA30]  }
0x1e0: {  	s21 =	smul.u32 $0x3000, s21;
	v14 =	vld [tilespmem:s19+$0xA40]  }
0x1e1: {  	s17 =	sadd.s32 $0x80, s17;
	v11 =	vld [tilespmem:s19+$0xA50];
	vm11 =	vnez.u8 v10  }
0x1e2: {  	s22 =	sand.u32 $0x380, s17;
	s21 =	sshra.s32 s21, $0x2;
	v10 =	vnsel vm11, $0x0, v13;
	v13 =	vld [tilespmem:s19+$0xA60]  }
0x1e3: {  	s21 =	sor.u32 s22, s21;
	v9 =	vnsel vm2, $0x0, v9;
	[tilespmem:s19+$0xA10] =	vst v10;
	v10 =	vld [tilespmem:s19+$0xA70]  }
0x1e4: {  	v15 =	vld [tilespmem:s21+$0x200];
	[tilespmem:s19+$0xA20] =	vst v9;
	v9 =	vnsel vm3, $0x0, v12  }
0x1e5: {  	v12 =	vld [tilespmem:s21+$0x210];
	[tilespmem:s19+$0xA30] =	vst v9;
	v9 =	vnsel vm5, $0x0, v14  }
0x1e6: {  	v14 =	vld [tilespmem:s21+$0x220];
	[tilespmem:s19+$0xA40] =	vst v9;
	v9 =	vnsel vm4, $0x0, v11  }
0x1e7: {  	v11 =	vld [tilespmem:s21+$0x230];
	[tilespmem:s19+$0xA50] =	vst v9  }
0x1e8: {  	v9 =	vnsel vm7, $0x0, v13;
	v13 =	vld [tilespmem:s21+$0x240]  }
0x1e9: {  	[tilespmem:s19+$0xA60] =	vst v9;
	v9 =	vnsel vm6, $0x0, v10;
	v10 =	vld [tilespmem:$0x1FD80];
	_ =	sdelay $0x4  }
0x1ea: {  	vm11 =	vnez.u8 v10  }
0x1eb: {  	v10 =	vnsel vm11, $0x0, v15;
	v15 =	vld [tilespmem:s21+$0x250]  }
0x1ec: {  	[tilespmem:s19+$0xA70] =	vst v9;
	v9 =	vld [tilespmem:$0x1FD90];
	_ =	sdelay $0x4  }
0x1ed: {  	vm11 =	vnez.u8 v9  }
0x1ee: {  	s19 =	smov.u32 s21;
	v9 =	vnsel vm11, $0x0, v12  }
0x1ef: {  	[tilespmem:s19+$0x210] =	vst v9;
	v9 =	vld [tilespmem:$0x1FDA0];
	_ =	sdelay $0x4  }
0x1f0: {  	vm11 =	vnez.u8 v9  }
0x1f1: {  	v9 =	vnsel vm11, $0x0, v14  }
0x1f2: {  	[tilespmem:s19+$0x220] =	vst v9;
	v9 =	vld [tilespmem:$0x1FDB0];
	_ =	sdelay $0x4  }
0x1f3: {  	vm11 =	vnez.u8 v9  }
0x1f4: {  	v9 =	vnsel vm11, $0x0, v11  }
0x1f5: {  	[tilespmem:s19+$0x230] =	vst v9;
	v9 =	vld [tilespmem:$0x1FDC0];
	_ =	sdelay $0x4  }
0x1f6: {  	vm11 =	vnez.u8 v9  }
0x1f7: {  	v9 =	vnsel vm11, $0x0, v13  }
0x1f8: {  	[tilespmem:s19+$0x240] =	vst v9;
	v9 =	vld [tilespmem:$0x1FDF0];
	_ =	sdelay $0x1  }
0x1f9: {  	[tilespmem:s19+$0x200] =	vst v10;
	v10 =	vld [tilespmem:s19+$0x260]  }
0x1fa: {  	v12 =	vld [tilespmem:s19+$0x270]  }
0x1fb: {  	v11 =	vld [tilespmem:s19+$0x600]  }
0x1fc: {  	v13 =	vld [tilespmem:s19+$0x610];
	vm11 =	vnez.u8 v9  }
0x1fd: {  	v14 =	vld [tilespmem:s19+$0x620];
	v9 =	vnsel vm11, $0x0, v15  }
0x1fe: {  	[tilespmem:s19+$0x250] =	vst v9;
	v9 =	vnsel vm8, $0x0, v10;
	v10 =	vld [tilespmem:s19+$0x630]  }
0x1ff: {  	v15 =	vld [tilespmem:s19+$0x640];
	[tilespmem:s19+$0x260] =	vst v9;
	v9 =	vnsel vm12, $0x0, v12  }
0x200: {  	p0 =	sne.s32 s20, $0xF;
	v16 =	vld [tilespmem:s19+$0x650];
	[tilespmem:s19+$0x270] =	vst v9;
	v9 =	vnsel vm13, $0x0, v11  }
.Ltmp3:
0x201: {  	v12 =	vld [tilespmem:s19+$0x660];
	[tilespmem:s19+$0x600] =	vst v9;
	v9 =	vnsel vm14, $0x0, v13;
	(pc) =	sbr.rel @p0 .LBB2_8-.Ltmp3, $4  }
0x202: {  	v11 =	vld [tilespmem:s19+$0xA00];
	[tilespmem:s19+$0x610] =	vst v9;
	v9 =	vnsel vm9, $0x0, v14  }
0x203: {  	v13 =	vld [tilespmem:s19+$0xA10];
	[tilespmem:s19+$0x620] =	vst v9;
	v9 =	vnsel vm15, $0x0, v10  }
0x204: {  	v14 =	vld [tilespmem:s19+$0x670];
	[tilespmem:s19+$0x630] =	vst v9;
	v9 =	vnsel vm0, $0x0, v15  }
0x205: {  	s20 =	sadd.s32 $0x1, s20;
	v10 =	vnsel vm10, $0x0, v16;
	[tilespmem:s19+$0x640] =	vst v9;
	v9 =	vld [tilespmem:s19+$0xA20]  }
0x206: {  	[tilespmem:s19+$0x650] =	vst v10;
	v10 =	vld [tilespmem:$0x1FDD0];
	_ =	sdelay $0x4  }
0x207: {  	vm0 =	vnez.u8 v10  }
0x208: {  	v10 =	vnsel vm0, $0x0, v12  }
0x209: {  	[tilespmem:s19+$0x660] =	vst v10;
	v10 =	vld [tilespmem:$0x1FDE0];
	_ =	sdelay $0x4  }
0x20a: {  	vm0 =	vnez.u8 v10  }
0x20b: {  	v10 =	vnsel vm0, $0x0, v14  }
0x20c: {  	[tilespmem:s19+$0x670] =	vst v10;
	v10 =	vnsel vm1, $0x0, v11  }
0x20d: {  	[tilespmem:s19+$0xA00] =	vst v10;
	v10 =	vld [tilespmem:$0x1FE00];
	_ =	sdelay $0x2  }
0x20e: {  	v12 =	vld [tilespmem:s19+$0xA30]  }
0x20f: {  	v14 =	vld [tilespmem:s19+$0xA40]  }
0x210: {  	v11 =	vld [tilespmem:s19+$0xA50];
	vm0 =	vnez.u8 v10  }
0x211: {  	v10 =	vnsel vm0, $0x0, v13;
	v13 =	vld [tilespmem:s19+$0xA60]  }
0x212: {  	v9 =	vnsel vm2, $0x0, v9;
	[tilespmem:s19+$0xA10] =	vst v10;
	v10 =	vld [tilespmem:s19+$0xA70]  }
0x213: {  	[tilespmem:s19+$0xA20] =	vst v9;
	v9 =	vnsel vm3, $0x0, v12  }
0x214: {  	[tilespmem:s19+$0xA30] =	vst v9;
	v9 =	vnsel vm5, $0x0, v14  }
0x215: {  	[tilespmem:s19+$0xA40] =	vst v9;
	v9 =	vnsel vm4, $0x0, v11  }
0x216: {  	[tilespmem:s19+$0xA50] =	vst v9;
	v9 =	vnsel vm7, $0x0, v13  }
0x217: {  	[tilespmem:s19+$0xA60] =	vst v9;
	v9 =	vnsel vm6, $0x0, v10  }
0x218: {  	[tilespmem:s19+$0xA70] =	vst v9  }
0x219: {  	[hbm4b:s18+s13] =	stream.strided.scatter [tilespmem:s15], [sflag:$0x1], $0x1800, s14, s13, $0x38;
	[tilespmem:$0x1A00] =	vst v63  }
0x21a: {  	_ =	swait.ge [sflag:s11], $0x1800  }
0x21b: {  	[sflag:s11] =	ssyncset.done $0x0  }
0x21c: {  	s17 =	simm.s32 $0x0;
	[sflag:s11] =	ssyncadd.s32 $0xFFFFE800  }
0x21d: {  	v9 =	vld.idx.msk [tilespmem:v4+s17+$0x0], $0xffff;
	_ =	sdelay $0x4  }
0x21e: {  	(v2sf) =	vpush v9, $0x0;
	_ =	sdelay $0xe  }
0x21f: {  	s22 =	spop (v2sf)  }
0x220: {  	s23 =	sand.u32 $0x7F, s22  }
0x221: {  	s20 =	sshra.s32 s22, $0x1F;
	p0 =	slt.s32 s22, $0x1;
	p1 =	sne.s32 s23, $0x0  }
0x222: {  	v10 =	vld.idx.msk [tilespmem:v4+s12+$0x0], $0xffff;
	s24 =	sshrl.u32 s20, $0x19;
	p0 =	por !p0, !p1  }
0x223: {  	s19 =	simm.s32 $0x1;
	s18 =	sadd.s32 s24, s22;
	p0 =	por !p0, !p0  }
0x224: {  	s18 =	sshrl.u32 s18, $0x7;
	s19 =	simm.s32 @!p0 $0x0  }
0x225: {  	s18 =	ssub.s32 s18, s19  }
0x226: {  	s20 =	sshll.u32 s18, $0x7  }
0x227: {  	v10 =	vadd.s32 v9, v10;
	p0 =	slt.s32 s20, $0x3E80  }
0x228: {  	vm0 =	vlt.s32 v10, $0x4000;
	s20 =	simm.s32 @!p0 $0x3E80  }
0x229: {  	v16 =	vimm.s32 $0x0;
	v10 =	vnsel vm0, $0x4000, v10;
	v11 =	vor.u32 s20, v8  }
0x22a: {  	v18 =	vimm.s32 $0x0;
	s26 =	sor.u32 $0x10, s20;
	s29 =	sor.u32 $0x30, s20;
	vm0 =	vlt.s32 v11, v9;
	vm1 =	vge.s32 v11, v10  }
0x22b: {  	s28 =	sor.u32 $0x20, s20;
	v11 =	vor.u32 s26, v8;
	v12 =	vor.u32 s29, v8;
	vm6 =	vmor vm0, vm1  }
0x22c: {  	s26 =	sadd.s32 $0x90, s20;
	vm0 =	vlt.s32 v11, v9;
	vm1 =	vge.s32 v11, v10;
	v11 =	vor.u32 s28, v8  }
0x22d: {  	vm2 =	vlt.s32 v12, v9;
	vm3 =	vge.s32 v12, v10;
	v13 =	vor.u32 s26, v8  }
0x22e: {  	s25 =	sadd.s32 s8, s20;
	s30 =	sor.u32 $0x40, s20;
	vm7 =	vmor vm0, vm1;
	vm0 =	vlt.s32 v11, v9;
	vm1 =	vge.s32 v11, v10  }
0x22f: {  	s21 =	simm.s32 $0x0;
	s31 =	sor.u32 $0x50, s20;
	s18 =	sand.u32 $0x1FFFFF80, s25;
	vm13 =	vmor vm2, vm3;
	v11 =	vor.u32 s30, v8;
	vm12 =	vmor vm0, vm1  }
0x230: {  	s21 =	smul.u32 $0x3000, s21;
	s22 =	sor.u32 $0x60, s20;
	s18 =	sadd.s32 s1, s18;
	vm0 =	vlt.s32 v11, v9;
	vm1 =	vge.s32 v11, v10;
	v11 =	vor.u32 s31, v8  }
0x231: {  	[tilespmem:s15], [sflag:$0x1] =	stream.strided.gather [hbm4b:s18+s13], $0x1800, s14, s13, $0x38;
	vm2 =	vlt.s32 v11, v9;
	vm3 =	vge.s32 v11, v10;
	v11 =	vor.u32 s22, v8;
	[tilespmem:$0x1A00] =	vst v63  }
0x232: {  	s21 =	sshra.s32 s21, $0x2;
	s23 =	sor.u32 $0x70, s20;
	_ =	swait.ge [sflag:s11], $0x1800;
	vm11 =	vmor vm0, vm1;
	vm4 =	vlt.s32 v11, v9;
	vm5 =	vge.s32 v11, v10  }
0x233: {  	s24 =	sand.u32 $0x380, s17;
	s28 =	sadd.s32 $0xA0, s20;
	[sflag:s11] =	ssyncset.done $0x0;
	v11 =	vor.u32 s23, v8;
	vm8 =	vmor vm2, vm3;
	vm2 =	vlt.s32 v13, v9  }
0x234: {  	s19 =	sor.u32 s24, s21;
	s25 =	sadd.s32 $0x80, s20;
	[sflag:s11] =	ssyncadd.s32 $0xFFFFE800;
	vm3 =	vge.s32 v13, v10;
	v13 =	vor.u32 s28, v8;
	vm4 =	vmor vm4, vm5  }
0x235: {  	vm0 =	vlt.s32 v11, v9;
	vm1 =	vge.s32 v11, v10;
	v11 =	vor.u32 s25, v8;
	v12 =	vld [tilespmem:s19+$0x200]  }
0x236: {  	vm9 =	vmor vm0, vm1;
	vm0 =	vlt.s32 v11, v9;
	vm1 =	vge.s32 v11, v10;
	v11 =	vld [tilespmem:s19+$0x220]  }
0x237: {  	s29 =	sadd.s32 $0xB0, s20;
	vm5 =	vmor vm0, vm1;
	vm0 =	vlt.s32 v13, v9;
	vm1 =	vge.s32 v13, v10  }
0x238: {  	s30 =	sadd.s32 $0xC0, s20;
	v16 =	vsel vm6, $0xFFFFFFFF, v16;
	v13 =	vor.u32 s29, v8;
	vm15 =	vmor vm0, vm1  }
0x239: {  	v15 =	vld [tilespmem:s19+$0x230];
	vm0 =	vlt.s32 v13, v9;
	vm1 =	vge.s32 v13, v10;
	v13 =	vor.u32 s30, v8  }
0x23a: {  	v14 =	vld [tilespmem:s19+$0x210];
	v12 =	vnsel vm6, $0x0, v12;
	vm6 =	vmor vm0, vm1;
	vm0 =	vlt.s32 v13, v9  }
0x23b: {  	vm1 =	vge.s32 v13, v10;
	v13 =	vimm.s32 $0x0;
	[tilespmem:s19+$0x200] =	vst v12;
	v11 =	vnsel vm12, $0x0, v11  }
0x23c: {  	vm14 =	vmor vm2, vm3;
	s25 =	sadd.s32 $0x110, s20;
	s30 =	sadd.s32 $0x150, s20;
	v12 =	vimm.s32 $0x0;
	v13 =	vsel vm13, $0xFFFFFFFF, v13;
	[tilespmem:s19+$0x220] =	vst v11  }
0x23d: {  	s22 =	sadd.s32 $0xE0, s20;
	v59 =	vor.u32 s25, v8;
	v61 =	vor.u32 s30, v8;
	v12 =	vsel vm7, $0xFFFFFFFF, v12;
	[tilespmem:$0x1FD10] =	vst v13  }
0x23e: {  	s31 =	sadd.s32 $0xD0, s20;
	v56 =	vld [tilespmem:s19+$0x240];
	vm10 =	vmor vm0, vm1;
	v11 =	vor.u32 s22, v8;
	v13 =	vnsel vm13, $0x0, v15;
	[tilespmem:$0x1FCF0] =	vst v12  }
0x23f: {  	s24 =	sadd.s32 $0x100, s20;
	v15 =	vimm.s32 $0x0;
	v12 =	vnsel vm7, $0x0, v14;
	v14 =	vor.u32 s31, v8;
	[tilespmem:s19+$0x230] =	vst v13  }
0x240: {  	s26 =	sadd.s32 $0x120, s20;
	s23 =	sadd.s32 $0xF0, s20;
	s28 =	sadd.s32 $0x130, s20;
	vm1 =	vge.s32 v11, v10;
	v13 =	vimm.s32 $0x0;
	[tilespmem:s19+$0x210] =	vst v12;
	v12 =	vimm.s32 $0x0  }
0x241: {  	s29 =	sadd.s32 $0x140, s20;
	s31 =	sadd.s32 $0x160, s20;
	s20 =	sadd.s32 $0x170, s20;
	vm2 =	vlt.s32 v14, v9;
	vm3 =	vge.s32 v14, v10;
	v13 =	vsel vm11, $0xFFFFFFFF, v13  }
0x242: {  	v17 =	vld [tilespmem:s19+$0x250];
	v62 =	vor.u32 s31, v8;
	v63 =	vor.u32 s20, v8;
	v12 =	vsel vm12, $0xFFFFFFFF, v12  }
0x243: {  	vm0 =	vmor vm2, vm3;
	[tilespmem:$0x1FD20] =	vst v13;
	v13 =	vnsel vm11, $0x0, v56;
	vm2 =	vlt.s32 v59, v9  }
0x244: {  	[tilespmem:$0x1FD00] =	vst v12;
	v12 =	vld [tilespmem:s19+$0x260];
	v15 =	vsel vm0, $0xFFFFFFFF, v15;
	vm0 =	vlt.s32 v11, v9;
	v11 =	vor.u32 s23, v8  }
0x245: {  	[tilespmem:s19+$0x240] =	vst v13;
	v13 =	vimm.s32 $0x0;
	vm0 =	vmor vm0, vm1;
	vm1 =	vge.s32 v11, v10  }
0x246: {  	[tilespmem:$0x1FD70] =	vst v15;
	v15 =	vld [tilespmem:s19+$0x270];
	v13 =	vsel vm8, $0xFFFFFFFF, v13;
	v18 =	vsel vm0, $0xFFFFFFFF, v18;
	vm0 =	vlt.s32 v11, v9  }
0x247: {  	v11 =	vimm.s32 $0x0;
	[tilespmem:$0x1FD50] =	vst v13;
	v13 =	vnsel vm8, $0x0, v17;
	vm0 =	vmor vm0, vm1  }
0x248: {  	v14 =	vld [tilespmem:s19+$0x600];
	vm3 =	vge.s32 v59, v10;
	vm12 =	vmmov vm9;
	[tilespmem:s19+$0x250] =	vst v13;
	v11 =	vsel vm0, $0xFFFFFFFF, v11  }
0x249: {  	vm11 =	vlt.s32 v63, v9;
	v13 =	vld [tilespmem:s19+$0x630];
	[tilespmem:$0x1FD40] =	vst v11;
	v11 =	vor.u32 s24, v8;
	v12 =	vnsel vm4, $0x0, v12  }
0x24a: {  	vm0 =	vlt.s32 v11, v9;
	vm1 =	vge.s32 v11, v10;
	v11 =	vimm.s32 $0x0  }
0x24b: {  	v58 =	vld [tilespmem:s19+$0x620];
	[tilespmem:s19+$0x260] =	vst v12;
	v12 =	vnsel vm9, $0x0, v15;
	vm1 =	vmor vm0, vm1;
	vm0 =	vmor vm2, vm3  }
0x24c: {  	vm8 =	vmmov vm4;
	v15 =	vld [tilespmem:s19+$0x640];
	vm9 =	vmmov vm15;
	[tilespmem:s19+$0x270] =	vst v12;
	v11 =	vsel vm0, $0xFFFFFFFF, v11  }
0x24d: {  	v12 =	vnsel vm5, $0x0, v14;
	v14 =	vor.u32 s29, v8;
	[tilespmem:$0x1FD60] =	vst v11;
	v11 =	vor.u32 s26, v8  }
0x24e: {  	v57 =	vld [tilespmem:s19+$0x610];
	v13 =	vnsel vm6, $0x0, v13;
	vm2 =	vlt.s32 v11, v9;
	vm3 =	vge.s32 v11, v10  }
0x24f: {  	vm0 =	vmmov vm10;
	v11 =	vor.u32 s28, v8;
	vm2 =	vmor vm2, vm3  }
0x250: {  	vm3 =	vlt.s32 v11, v9;
	vm4 =	vge.s32 v11, v10;
	v11 =	vnsel vm15, $0x0, v58  }
0x251: {  	vm15 =	vmmov vm6;
	vm6 =	vlt.s32 v61, v9;
	v15 =	vnsel vm10, $0x0, v15  }
0x252: {  	[tilespmem:$0x1FCE0] =	vst v16;
	vm10 =	vlt.s32 v62, v9;
	vm3 =	vmor vm3, vm4;
	vm4 =	vlt.s32 v14, v9;
	v9 =	vld [tilespmem:$0x1FD70]  }
0x253: {  	v60 =	vld [tilespmem:s19+$0x650];
	[tilespmem:s19+$0x600] =	vst v12;
	v12 =	vnsel vm14, $0x0, v57  }
0x254: {  	[tilespmem:s19+$0x610] =	vst v12;
	v12 =	vld [tilespmem:s19+$0x660]  }
0x255: {  	vm13 =	vmmov vm5;
	vm7 =	vge.s32 v61, v10;
	vm5 =	vge.s32 v14, v10;
	[tilespmem:s19+$0x630] =	vst v13;
	v13 =	vld [tilespmem:s19+$0xA10]  }
0x256: {  	[tilespmem:s19+$0x620] =	vst v11;
	v11 =	vld [tilespmem:s19+$0xA00];
	vm5 =	vmor vm4, vm5;
	vm4 =	vmor vm6, vm7;
	vm6 =	vge.s32 v63, v10  }
0x257: {  	[tilespmem:$0x1FD30] =	vst v18;
	v14 =	vld [tilespmem:s19+$0x670];
	vm7 =	vge.s32 v62, v10;
	vm6 =	vmor vm11, vm6;
	vm11 =	vnez.u8 v9  }
0x258: {  	s20 =	simm.s32 $0x1;
	[tilespmem:s19+$0x640] =	vst v15;
	vm7 =	vmor vm10, vm7;
	v9 =	vld [tilespmem:s19+$0xA20];
	vm10 =	vmmov vm11;
	v10 =	vnsel vm11, $0x0, v60  }
.LBB2_10:
0x259: {  	[tilespmem:s19+$0x650] =	vst v10;
	v10 =	vld [tilespmem:$0x1FD30];
	_ =	sdelay $0x4  }
0x25a: {  	vm11 =	vnez.u8 v10  }
0x25b: {  	v10 =	vnsel vm11, $0x0, v12  }
0x25c: {  	[tilespmem:s19+$0x660] =	vst v10;
	v10 =	vld [tilespmem:$0x1FD40];
	_ =	sdelay $0x4  }
0x25d: {  	vm11 =	vnez.u8 v10  }
0x25e: {  	v10 =	vnsel vm11, $0x0, v14  }
0x25f: {  	[tilespmem:s19+$0x670] =	vst v10;
	v10 =	vnsel vm1, $0x0, v11  }
0x260: {  	[tilespmem:s19+$0xA00] =	vst v10;
	v10 =	vld [tilespmem:$0x1FD60];
	_ =	sdelay $0x2  }
0x261: {  	s21 =	sshrl.u32 s20, $0x3;
	v12 =	vld [tilespmem:s19+$0xA30]  }
0x262: {  	s21 =	smul.u32 $0x3000, s21;
	v14 =	vld [tilespmem:s19+$0xA40]  }
0x263: {  	s17 =	sadd.s32 $0x80, s17;
	v11 =	vld [tilespmem:s19+$0xA50];
	vm11 =	vnez.u8 v10  }
0x264: {  	s22 =	sand.u32 $0x380, s17;
	s21 =	sshra.s32 s21, $0x2;
	v10 =	vnsel vm11, $0x0, v13;
	v13 =	vld [tilespmem:s19+$0xA60]  }
0x265: {  	s21 =	sor.u32 s22, s21;
	v9 =	vnsel vm2, $0x0, v9;
	[tilespmem:s19+$0xA10] =	vst v10;
	v10 =	vld [tilespmem:s19+$0xA70]  }
0x266: {  	v15 =	vld [tilespmem:s21+$0x200];
	[tilespmem:s19+$0xA20] =	vst v9;
	v9 =	vnsel vm3, $0x0, v12  }
0x267: {  	v12 =	vld [tilespmem:s21+$0x210];
	[tilespmem:s19+$0xA30] =	vst v9;
	v9 =	vnsel vm5, $0x0, v14  }
0x268: {  	v14 =	vld [tilespmem:s21+$0x220];
	[tilespmem:s19+$0xA40] =	vst v9;
	v9 =	vnsel vm4, $0x0, v11  }
0x269: {  	v11 =	vld [tilespmem:s21+$0x230];
	[tilespmem:s19+$0xA50] =	vst v9  }
0x26a: {  	v9 =	vnsel vm7, $0x0, v13;
	v13 =	vld [tilespmem:s21+$0x240]  }
0x26b: {  	[tilespmem:s19+$0xA60] =	vst v9;
	v9 =	vnsel vm6, $0x0, v10;
	v10 =	vld [tilespmem:$0x1FCE0];
	_ =	sdelay $0x4  }
0x26c: {  	vm11 =	vnez.u8 v10  }
0x26d: {  	v10 =	vnsel vm11, $0x0, v15;
	v15 =	vld [tilespmem:s21+$0x250]  }
0x26e: {  	[tilespmem:s19+$0xA70] =	vst v9;
	v9 =	vld [tilespmem:$0x1FCF0];
	_ =	sdelay $0x4  }
0x26f: {  	vm11 =	vnez.u8 v9  }
0x270: {  	s19 =	smov.u32 s21;
	v9 =	vnsel vm11, $0x0, v12  }
0x271: {  	[tilespmem:s19+$0x210] =	vst v9;
	v9 =	vld [tilespmem:$0x1FD00];
	_ =	sdelay $0x4  }
0x272: {  	vm11 =	vnez.u8 v9  }
0x273: {  	v9 =	vnsel vm11, $0x0, v14  }
0x274: {  	[tilespmem:s19+$0x220] =	vst v9;
	v9 =	vld [tilespmem:$0x1FD10];
	_ =	sdelay $0x4  }
0x275: {  	vm11 =	vnez.u8 v9  }
0x276: {  	v9 =	vnsel vm11, $0x0, v11  }
0x277: {  	[tilespmem:s19+$0x230] =	vst v9;
	v9 =	vld [tilespmem:$0x1FD20];
	_ =	sdelay $0x4  }
0x278: {  	vm11 =	vnez.u8 v9  }
0x279: {  	v9 =	vnsel vm11, $0x0, v13  }
0x27a: {  	[tilespmem:s19+$0x240] =	vst v9;
	v9 =	vld [tilespmem:$0x1FD50];
	_ =	sdelay $0x1  }
0x27b: {  	[tilespmem:s19+$0x200] =	vst v10;
	v10 =	vld [tilespmem:s19+$0x260]  }
0x27c: {  	v12 =	vld [tilespmem:s19+$0x270]  }
0x27d: {  	v11 =	vld [tilespmem:s19+$0x600]  }
0x27e: {  	v13 =	vld [tilespmem:s19+$0x610];
	vm11 =	vnez.u8 v9  }
0x27f: {  	v14 =	vld [tilespmem:s19+$0x620];
	v9 =	vnsel vm11, $0x0, v15  }
0x280: {  	[tilespmem:s19+$0x250] =	vst v9;
	v9 =	vnsel vm8, $0x0, v10;
	v10 =	vld [tilespmem:s19+$0x630]  }
0x281: {  	v15 =	vld [tilespmem:s19+$0x640];
	[tilespmem:s19+$0x260] =	vst v9;
	v9 =	vnsel vm12, $0x0, v12  }
0x282: {  	p0 =	sne.s32 s20, $0xF;
	v16 =	vld [tilespmem:s19+$0x650];
	[tilespmem:s19+$0x270] =	vst v9;
	v9 =	vnsel vm13, $0x0, v11  }
.Ltmp4:
0x283: {  	v12 =	vld [tilespmem:s19+$0x660];
	[tilespmem:s19+$0x600] =	vst v9;
	v9 =	vnsel vm14, $0x0, v13;
	(pc) =	sbr.rel @p0 .LBB2_10-.Ltmp4, $4  }
0x284: {  	v11 =	vld [tilespmem:s19+$0xA00];
	[tilespmem:s19+$0x610] =	vst v9;
	v9 =	vnsel vm9, $0x0, v14  }
0x285: {  	v13 =	vld [tilespmem:s19+$0xA10];
	[tilespmem:s19+$0x620] =	vst v9;
	v9 =	vnsel vm15, $0x0, v10  }
0x286: {  	v14 =	vld [tilespmem:s19+$0x670];
	[tilespmem:s19+$0x630] =	vst v9;
	v9 =	vnsel vm0, $0x0, v15  }
0x287: {  	s20 =	sadd.s32 $0x1, s20;
	v10 =	vnsel vm10, $0x0, v16;
	[tilespmem:s19+$0x640] =	vst v9;
	v9 =	vld [tilespmem:s19+$0xA20]  }
0x288: {  	[tilespmem:s19+$0x650] =	vst v10;
	v10 =	vld [tilespmem:$0x1FD30];
	_ =	sdelay $0x4  }
0x289: {  	vm0 =	vnez.u8 v10  }
0x28a: {  	v10 =	vnsel vm0, $0x0, v12  }
0x28b: {  	[tilespmem:s19+$0x660] =	vst v10;
	v10 =	vld [tilespmem:$0x1FD40];
	_ =	sdelay $0x4  }
0x28c: {  	vm0 =	vnez.u8 v10  }
0x28d: {  	v10 =	vnsel vm0, $0x0, v14  }
0x28e: {  	[tilespmem:s19+$0x670] =	vst v10;
	v10 =	vnsel vm1, $0x0, v11  }
0x28f: {  	[tilespmem:s19+$0xA00] =	vst v10;
	v10 =	vld [tilespmem:$0x1FD60];
	_ =	sdelay $0x2  }
0x290: {  	v12 =	vld [tilespmem:s19+$0xA30]  }
0x291: {  	v14 =	vld [tilespmem:s19+$0xA40]  }
0x292: {  	v11 =	vld [tilespmem:s19+$0xA50];
	vm0 =	vnez.u8 v10  }
0x293: {  	v10 =	vnsel vm0, $0x0, v13;
	v13 =	vld [tilespmem:s19+$0xA60]  }
0x294: {  	v9 =	vnsel vm2, $0x0, v9;
	[tilespmem:s19+$0xA10] =	vst v10;
	v10 =	vld [tilespmem:s19+$0xA70]  }
0x295: {  	[tilespmem:s19+$0xA20] =	vst v9;
	v9 =	vnsel vm3, $0x0, v12  }
0x296: {  	[tilespmem:s19+$0xA30] =	vst v9;
	v9 =	vnsel vm5, $0x0, v14  }
0x297: {  	[tilespmem:s19+$0xA40] =	vst v9;
	v9 =	vnsel vm4, $0x0, v11  }
0x298: {  	[tilespmem:s19+$0xA50] =	vst v9;
	v9 =	vnsel vm7, $0x0, v13  }
0x299: {  	[tilespmem:s19+$0xA60] =	vst v9;
	v9 =	vnsel vm6, $0x0, v10  }
0x29a: {  	[tilespmem:s19+$0xA70] =	vst v9  }
0x29b: {  	[hbm4b:s18+s13] =	stream.strided.scatter [tilespmem:s15], [sflag:$0x1], $0x1800, s14, s13, $0x38;
	[tilespmem:$0x1A00] =	vst v63  }
0x29c: {  	_ =	swait.ge [sflag:s11], $0x1800  }
0x29d: {  	[sflag:s11] =	ssyncset.done $0x0  }
0x29e: {  	s17 =	simm.s32 $0x0;
	[sflag:s11] =	ssyncadd.s32 $0xFFFFE800  }
0x29f: {  	v9 =	vld.idx.msk [tilespmem:v6+s17+$0x0], $0xffff;
	_ =	sdelay $0x4  }
0x2a0: {  	(v2sf) =	vpush v9, $0x0;
	_ =	sdelay $0xe  }
0x2a1: {  	s22 =	spop (v2sf)  }
0x2a2: {  	s23 =	sand.u32 $0x7F, s22  }
0x2a3: {  	s20 =	sshra.s32 s22, $0x1F;
	p0 =	slt.s32 s22, $0x1;
	p1 =	sne.s32 s23, $0x0  }
0x2a4: {  	v10 =	vld.idx.msk [tilespmem:v6+s12+$0x0], $0xffff;
	s24 =	sshrl.u32 s20, $0x19;
	p0 =	por !p0, !p1  }
0x2a5: {  	s19 =	simm.s32 $0x1;
	s18 =	sadd.s32 s24, s22;
	p0 =	por !p0, !p0  }
0x2a6: {  	s18 =	sshrl.u32 s18, $0x7;
	s19 =	simm.s32 @!p0 $0x0  }
0x2a7: {  	s18 =	ssub.s32 s18, s19  }
0x2a8: {  	s20 =	sshll.u32 s18, $0x7  }
0x2a9: {  	v10 =	vadd.s32 v9, v10;
	p0 =	slt.s32 s20, $0x3E80  }
0x2aa: {  	vm0 =	vlt.s32 v10, $0x4000;
	s20 =	simm.s32 @!p0 $0x3E80  }
0x2ab: {  	v16 =	vimm.s32 $0x0;
	v10 =	vnsel vm0, $0x4000, v10;
	v11 =	vor.u32 s20, v8  }
0x2ac: {  	v18 =	vimm.s32 $0x0;
	s26 =	sor.u32 $0x10, s20;
	s29 =	sor.u32 $0x30, s20;
	vm0 =	vlt.s32 v11, v9;
	vm1 =	vge.s32 v11, v10  }
0x2ad: {  	s28 =	sor.u32 $0x20, s20;
	v11 =	vor.u32 s26, v8;
	v12 =	vor.u32 s29, v8;
	vm6 =	vmor vm0, vm1  }
0x2ae: {  	s26 =	sadd.s32 $0x90, s20;
	vm0 =	vlt.s32 v11, v9;
	vm1 =	vge.s32 v11, v10;
	v11 =	vor.u32 s28, v8  }
0x2af: {  	vm2 =	vlt.s32 v12, v9;
	vm3 =	vge.s32 v12, v10;
	v13 =	vor.u32 s26, v8  }
0x2b0: {  	s25 =	sadd.s32 s8, s20;
	s30 =	sor.u32 $0x40, s20;
	vm7 =	vmor vm0, vm1;
	vm0 =	vlt.s32 v11, v9;
	vm1 =	vge.s32 v11, v10  }
0x2b1: {  	s21 =	simm.s32 $0x0;
	s31 =	sor.u32 $0x50, s20;
	s18 =	sand.u32 $0x1FFFFF80, s25;
	vm13 =	vmor vm2, vm3;
	v11 =	vor.u32 s30, v8;
	vm12 =	vmor vm0, vm1  }
0x2b2: {  	s21 =	smul.u32 $0x3000, s21;
	s22 =	sor.u32 $0x60, s20;
	s18 =	sadd.s32 s1, s18;
	vm0 =	vlt.s32 v11, v9;
	vm1 =	vge.s32 v11, v10;
	v11 =	vor.u32 s31, v8  }
0x2b3: {  	[tilespmem:s15], [sflag:$0x1] =	stream.strided.gather [hbm4b:s18+s13], $0x1800, s14, s13, $0x38;
	vm2 =	vlt.s32 v11, v9;
	vm3 =	vge.s32 v11, v10;
	v11 =	vor.u32 s22, v8;
	[tilespmem:$0x1A00] =	vst v63  }
0x2b4: {  	s21 =	sshra.s32 s21, $0x2;
	s23 =	sor.u32 $0x70, s20;
	_ =	swait.ge [sflag:s11], $0x1800;
	vm11 =	vmor vm0, vm1;
	vm4 =	vlt.s32 v11, v9;
	vm5 =	vge.s32 v11, v10  }
0x2b5: {  	s24 =	sand.u32 $0x380, s17;
	s28 =	sadd.s32 $0xA0, s20;
	[sflag:s11] =	ssyncset.done $0x0;
	v11 =	vor.u32 s23, v8;
	vm8 =	vmor vm2, vm3;
	vm2 =	vlt.s32 v13, v9  }
0x2b6: {  	s19 =	sor.u32 s24, s21;
	s25 =	sadd.s32 $0x80, s20;
	[sflag:s11] =	ssyncadd.s32 $0xFFFFE800;
	vm3 =	vge.s32 v13, v10;
	v13 =	vor.u32 s28, v8;
	vm4 =	vmor vm4, vm5  }
0x2b7: {  	vm0 =	vlt.s32 v11, v9;
	vm1 =	vge.s32 v11, v10;
	v11 =	vor.u32 s25, v8;
	v12 =	vld [tilespmem:s19+$0x200]  }
0x2b8: {  	vm9 =	vmor vm0, vm1;
	vm0 =	vlt.s32 v11, v9;
	vm1 =	vge.s32 v11, v10;
	v11 =	vld [tilespmem:s19+$0x220]  }
0x2b9: {  	s29 =	sadd.s32 $0xB0, s20;
	vm5 =	vmor vm0, vm1;
	vm0 =	vlt.s32 v13, v9;
	vm1 =	vge.s32 v13, v10  }
0x2ba: {  	s30 =	sadd.s32 $0xC0, s20;
	v16 =	vsel vm6, $0xFFFFFFFF, v16;
	v13 =	vor.u32 s29, v8;
	vm15 =	vmor vm0, vm1  }
0x2bb: {  	v15 =	vld [tilespmem:s19+$0x230];
	vm0 =	vlt.s32 v13, v9;
	vm1 =	vge.s32 v13, v10;
	v13 =	vor.u32 s30, v8  }
0x2bc: {  	v14 =	vld [tilespmem:s19+$0x210];
	v12 =	vnsel vm6, $0x0, v12;
	vm6 =	vmor vm0, vm1;
	vm0 =	vlt.s32 v13, v9  }
0x2bd: {  	vm1 =	vge.s32 v13, v10;
	v13 =	vimm.s32 $0x0;
	[tilespmem:s19+$0x200] =	vst v12;
	v11 =	vnsel vm12, $0x0, v11  }
0x2be: {  	vm14 =	vmor vm2, vm3;
	s25 =	sadd.s32 $0x110, s20;
	s30 =	sadd.s32 $0x150, s20;
	v12 =	vimm.s32 $0x0;
	v13 =	vsel vm13, $0xFFFFFFFF, v13;
	[tilespmem:s19+$0x220] =	vst v11  }
0x2bf: {  	s22 =	sadd.s32 $0xE0, s20;
	v59 =	vor.u32 s25, v8;
	v61 =	vor.u32 s30, v8;
	v12 =	vsel vm7, $0xFFFFFFFF, v12;
	[tilespmem:$0x1FC70] =	vst v13  }
0x2c0: {  	s31 =	sadd.s32 $0xD0, s20;
	v56 =	vld [tilespmem:s19+$0x240];
	vm10 =	vmor vm0, vm1;
	v11 =	vor.u32 s22, v8;
	v13 =	vnsel vm13, $0x0, v15;
	[tilespmem:$0x1FC50] =	vst v12  }
0x2c1: {  	s24 =	sadd.s32 $0x100, s20;
	v15 =	vimm.s32 $0x0;
	v12 =	vnsel vm7, $0x0, v14;
	v14 =	vor.u32 s31, v8;
	[tilespmem:s19+$0x230] =	vst v13  }
0x2c2: {  	s26 =	sadd.s32 $0x120, s20;
	s23 =	sadd.s32 $0xF0, s20;
	s28 =	sadd.s32 $0x130, s20;
	vm1 =	vge.s32 v11, v10;
	v13 =	vimm.s32 $0x0;
	[tilespmem:s19+$0x210] =	vst v12;
	v12 =	vimm.s32 $0x0  }
0x2c3: {  	s29 =	sadd.s32 $0x140, s20;
	s31 =	sadd.s32 $0x160, s20;
	s20 =	sadd.s32 $0x170, s20;
	vm2 =	vlt.s32 v14, v9;
	vm3 =	vge.s32 v14, v10;
	v13 =	vsel vm11, $0xFFFFFFFF, v13  }
0x2c4: {  	v17 =	vld [tilespmem:s19+$0x250];
	v62 =	vor.u32 s31, v8;
	v63 =	vor.u32 s20, v8;
	v12 =	vsel vm12, $0xFFFFFFFF, v12  }
0x2c5: {  	vm0 =	vmor vm2, vm3;
	[tilespmem:$0x1FC80] =	vst v13;
	v13 =	vnsel vm11, $0x0, v56;
	vm2 =	vlt.s32 v59, v9  }
0x2c6: {  	[tilespmem:$0x1FC60] =	vst v12;
	v12 =	vld [tilespmem:s19+$0x260];
	v15 =	vsel vm0, $0xFFFFFFFF, v15;
	vm0 =	vlt.s32 v11, v9;
	v11 =	vor.u32 s23, v8  }
0x2c7: {  	[tilespmem:s19+$0x240] =	vst v13;
	v13 =	vimm.s32 $0x0;
	vm0 =	vmor vm0, vm1;
	vm1 =	vge.s32 v11, v10  }
0x2c8: {  	[tilespmem:$0x1FCD0] =	vst v15;
	v15 =	vld [tilespmem:s19+$0x270];
	v13 =	vsel vm8, $0xFFFFFFFF, v13;
	v18 =	vsel vm0, $0xFFFFFFFF, v18;
	vm0 =	vlt.s32 v11, v9  }
0x2c9: {  	v11 =	vimm.s32 $0x0;
	[tilespmem:$0x1FCB0] =	vst v13;
	v13 =	vnsel vm8, $0x0, v17;
	vm0 =	vmor vm0, vm1  }
0x2ca: {  	v14 =	vld [tilespmem:s19+$0x600];
	vm3 =	vge.s32 v59, v10;
	vm12 =	vmmov vm9;
	[tilespmem:s19+$0x250] =	vst v13;
	v11 =	vsel vm0, $0xFFFFFFFF, v11  }
0x2cb: {  	vm11 =	vlt.s32 v63, v9;
	v13 =	vld [tilespmem:s19+$0x630];
	[tilespmem:$0x1FCA0] =	vst v11;
	v11 =	vor.u32 s24, v8;
	v12 =	vnsel vm4, $0x0, v12  }
0x2cc: {  	vm0 =	vlt.s32 v11, v9;
	vm1 =	vge.s32 v11, v10;
	v11 =	vimm.s32 $0x0  }
0x2cd: {  	v58 =	vld [tilespmem:s19+$0x620];
	[tilespmem:s19+$0x260] =	vst v12;
	v12 =	vnsel vm9, $0x0, v15;
	vm1 =	vmor vm0, vm1;
	vm0 =	vmor vm2, vm3  }
0x2ce: {  	vm8 =	vmmov vm4;
	v15 =	vld [tilespmem:s19+$0x640];
	vm9 =	vmmov vm15;
	[tilespmem:s19+$0x270] =	vst v12;
	v11 =	vsel vm0, $0xFFFFFFFF, v11  }
0x2cf: {  	v12 =	vnsel vm5, $0x0, v14;
	v14 =	vor.u32 s29, v8;
	[tilespmem:$0x1FCC0] =	vst v11;
	v11 =	vor.u32 s26, v8  }
0x2d0: {  	v57 =	vld [tilespmem:s19+$0x610];
	v13 =	vnsel vm6, $0x0, v13;
	vm2 =	vlt.s32 v11, v9;
	vm3 =	vge.s32 v11, v10  }
0x2d1: {  	vm0 =	vmmov vm10;
	v11 =	vor.u32 s28, v8;
	vm2 =	vmor vm2, vm3  }
0x2d2: {  	vm3 =	vlt.s32 v11, v9;
	vm4 =	vge.s32 v11, v10;
	v11 =	vnsel vm15, $0x0, v58  }
0x2d3: {  	vm15 =	vmmov vm6;
	vm6 =	vlt.s32 v61, v9;
	v15 =	vnsel vm10, $0x0, v15  }
0x2d4: {  	[tilespmem:$0x1FC40] =	vst v16;
	vm10 =	vlt.s32 v62, v9;
	vm3 =	vmor vm3, vm4;
	vm4 =	vlt.s32 v14, v9;
	v9 =	vld [tilespmem:$0x1FCD0]  }
0x2d5: {  	v60 =	vld [tilespmem:s19+$0x650];
	[tilespmem:s19+$0x600] =	vst v12;
	v12 =	vnsel vm14, $0x0, v57  }
0x2d6: {  	[tilespmem:s19+$0x610] =	vst v12;
	v12 =	vld [tilespmem:s19+$0x660]  }
0x2d7: {  	vm13 =	vmmov vm5;
	vm7 =	vge.s32 v61, v10;
	vm5 =	vge.s32 v14, v10;
	[tilespmem:s19+$0x630] =	vst v13;
	v13 =	vld [tilespmem:s19+$0xA10]  }
0x2d8: {  	[tilespmem:s19+$0x620] =	vst v11;
	v11 =	vld [tilespmem:s19+$0xA00];
	vm5 =	vmor vm4, vm5;
	vm4 =	vmor vm6, vm7;
	vm6 =	vge.s32 v63, v10  }
0x2d9: {  	[tilespmem:$0x1FC90] =	vst v18;
	v14 =	vld [tilespmem:s19+$0x670];
	vm7 =	vge.s32 v62, v10;
	vm6 =	vmor vm11, vm6;
	vm11 =	vnez.u8 v9  }
0x2da: {  	s20 =	simm.s32 $0x1;
	[tilespmem:s19+$0x640] =	vst v15;
	vm7 =	vmor vm10, vm7;
	v9 =	vld [tilespmem:s19+$0xA20];
	vm10 =	vmmov vm11;
	v10 =	vnsel vm11, $0x0, v60  }
.LBB2_12:
0x2db: {  	[tilespmem:s19+$0x650] =	vst v10;
	v10 =	vld [tilespmem:$0x1FC90];
	_ =	sdelay $0x4  }
0x2dc: {  	vm11 =	vnez.u8 v10  }
0x2dd: {  	v10 =	vnsel vm11, $0x0, v12  }
0x2de: {  	[tilespmem:s19+$0x660] =	vst v10;
	v10 =	vld [tilespmem:$0x1FCA0];
	_ =	sdelay $0x4  }
0x2df: {  	vm11 =	vnez.u8 v10  }
0x2e0: {  	v10 =	vnsel vm11, $0x0, v14  }
0x2e1: {  	[tilespmem:s19+$0x670] =	vst v10;
	v10 =	vnsel vm1, $0x0, v11  }
0x2e2: {  	[tilespmem:s19+$0xA00] =	vst v10;
	v10 =	vld [tilespmem:$0x1FCC0];
	_ =	sdelay $0x2  }
0x2e3: {  	s21 =	sshrl.u32 s20, $0x3;
	v12 =	vld [tilespmem:s19+$0xA30]  }
0x2e4: {  	s21 =	smul.u32 $0x3000, s21;
	v14 =	vld [tilespmem:s19+$0xA40]  }
0x2e5: {  	s17 =	sadd.s32 $0x80, s17;
	v11 =	vld [tilespmem:s19+$0xA50];
	vm11 =	vnez.u8 v10  }
0x2e6: {  	s22 =	sand.u32 $0x380, s17;
	s21 =	sshra.s32 s21, $0x2;
	v10 =	vnsel vm11, $0x0, v13;
	v13 =	vld [tilespmem:s19+$0xA60]  }
0x2e7: {  	s21 =	sor.u32 s22, s21;
	v9 =	vnsel vm2, $0x0, v9;
	[tilespmem:s19+$0xA10] =	vst v10;
	v10 =	vld [tilespmem:s19+$0xA70]  }
0x2e8: {  	v15 =	vld [tilespmem:s21+$0x200];
	[tilespmem:s19+$0xA20] =	vst v9;
	v9 =	vnsel vm3, $0x0, v12  }
0x2e9: {  	v12 =	vld [tilespmem:s21+$0x210];
	[tilespmem:s19+$0xA30] =	vst v9;
	v9 =	vnsel vm5, $0x0, v14  }
0x2ea: {  	v14 =	vld [tilespmem:s21+$0x220];
	[tilespmem:s19+$0xA40] =	vst v9;
	v9 =	vnsel vm4, $0x0, v11  }
0x2eb: {  	v11 =	vld [tilespmem:s21+$0x230];
	[tilespmem:s19+$0xA50] =	vst v9  }
0x2ec: {  	v9 =	vnsel vm7, $0x0, v13;
	v13 =	vld [tilespmem:s21+$0x240]  }
0x2ed: {  	[tilespmem:s19+$0xA60] =	vst v9;
	v9 =	vnsel vm6, $0x0, v10;
	v10 =	vld [tilespmem:$0x1FC40];
	_ =	sdelay $0x4  }
0x2ee: {  	vm11 =	vnez.u8 v10  }
0x2ef: {  	v10 =	vnsel vm11, $0x0, v15;
	v15 =	vld [tilespmem:s21+$0x250]  }
0x2f0: {  	[tilespmem:s19+$0xA70] =	vst v9;
	v9 =	vld [tilespmem:$0x1FC50];
	_ =	sdelay $0x4  }
0x2f1: {  	vm11 =	vnez.u8 v9  }
0x2f2: {  	s19 =	smov.u32 s21;
	v9 =	vnsel vm11, $0x0, v12  }
0x2f3: {  	[tilespmem:s19+$0x210] =	vst v9;
	v9 =	vld [tilespmem:$0x1FC60];
	_ =	sdelay $0x4  }
0x2f4: {  	vm11 =	vnez.u8 v9  }
0x2f5: {  	v9 =	vnsel vm11, $0x0, v14  }
0x2f6: {  	[tilespmem:s19+$0x220] =	vst v9;
	v9 =	vld [tilespmem:$0x1FC70];
	_ =	sdelay $0x4  }
0x2f7: {  	vm11 =	vnez.u8 v9  }
0x2f8: {  	v9 =	vnsel vm11, $0x0, v11  }
0x2f9: {  	[tilespmem:s19+$0x230] =	vst v9;
	v9 =	vld [tilespmem:$0x1FC80];
	_ =	sdelay $0x4  }
0x2fa: {  	vm11 =	vnez.u8 v9  }
0x2fb: {  	v9 =	vnsel vm11, $0x0, v13  }
0x2fc: {  	[tilespmem:s19+$0x240] =	vst v9;
	v9 =	vld [tilespmem:$0x1FCB0];
	_ =	sdelay $0x1  }
0x2fd: {  	[tilespmem:s19+$0x200] =	vst v10;
	v10 =	vld [tilespmem:s19+$0x260]  }
0x2fe: {  	v12 =	vld [tilespmem:s19+$0x270]  }
0x2ff: {  	v11 =	vld [tilespmem:s19+$0x600]  }
0x300: {  	v13 =	vld [tilespmem:s19+$0x610];
	vm11 =	vnez.u8 v9  }
0x301: {  	v14 =	vld [tilespmem:s19+$0x620];
	v9 =	vnsel vm11, $0x0, v15  }
0x302: {  	[tilespmem:s19+$0x250] =	vst v9;
	v9 =	vnsel vm8, $0x0, v10;
	v10 =	vld [tilespmem:s19+$0x630]  }
0x303: {  	v15 =	vld [tilespmem:s19+$0x640];
	[tilespmem:s19+$0x260] =	vst v9;
	v9 =	vnsel vm12, $0x0, v12  }
0x304: {  	p0 =	sne.s32 s20, $0xF;
	v16 =	vld [tilespmem:s19+$0x650];
	[tilespmem:s19+$0x270] =	vst v9;
	v9 =	vnsel vm13, $0x0, v11  }
.Ltmp5:
0x305: {  	v12 =	vld [tilespmem:s19+$0x660];
	[tilespmem:s19+$0x600] =	vst v9;
	v9 =	vnsel vm14, $0x0, v13;
	(pc) =	sbr.rel @p0 .LBB2_12-.Ltmp5, $4  }
0x306: {  	v11 =	vld [tilespmem:s19+$0xA00];
	[tilespmem:s19+$0x610] =	vst v9;
	v9 =	vnsel vm9, $0x0, v14  }
0x307: {  	v13 =	vld [tilespmem:s19+$0xA10];
	[tilespmem:s19+$0x620] =	vst v9;
	v9 =	vnsel vm15, $0x0, v10  }
0x308: {  	v14 =	vld [tilespmem:s19+$0x670];
	[tilespmem:s19+$0x630] =	vst v9;
	v9 =	vnsel vm0, $0x0, v15  }
0x309: {  	s20 =	sadd.s32 $0x1, s20;
	v10 =	vnsel vm10, $0x0, v16;
	[tilespmem:s19+$0x640] =	vst v9;
	v9 =	vld [tilespmem:s19+$0xA20]  }
0x30a: {  	[tilespmem:s19+$0x650] =	vst v10;
	v10 =	vld [tilespmem:$0x1FC90];
	_ =	sdelay $0x4  }
0x30b: {  	vm0 =	vnez.u8 v10  }
0x30c: {  	v10 =	vnsel vm0, $0x0, v12  }
0x30d: {  	[tilespmem:s19+$0x660] =	vst v10;
	v10 =	vld [tilespmem:$0x1FCA0];
	_ =	sdelay $0x4  }
0x30e: {  	vm0 =	vnez.u8 v10  }
0x30f: {  	v10 =	vnsel vm0, $0x0, v14  }
0x310: {  	[tilespmem:s19+$0x670] =	vst v10;
	v10 =	vnsel vm1, $0x0, v11  }
0x311: {  	[tilespmem:s19+$0xA00] =	vst v10;
	v10 =	vld [tilespmem:$0x1FCC0];
	_ =	sdelay $0x2  }
0x312: {  	v12 =	vld [tilespmem:s19+$0xA30]  }
0x313: {  	v14 =	vld [tilespmem:s19+$0xA40]  }
0x314: {  	v11 =	vld [tilespmem:s19+$0xA50];
	vm0 =	vnez.u8 v10  }
0x315: {  	v10 =	vnsel vm0, $0x0, v13;
	v13 =	vld [tilespmem:s19+$0xA60]  }
0x316: {  	v9 =	vnsel vm2, $0x0, v9;
	[tilespmem:s19+$0xA10] =	vst v10;
	v10 =	vld [tilespmem:s19+$0xA70]  }
0x317: {  	[tilespmem:s19+$0xA20] =	vst v9;
	v9 =	vnsel vm3, $0x0, v12  }
0x318: {  	[tilespmem:s19+$0xA30] =	vst v9;
	v9 =	vnsel vm5, $0x0, v14  }
0x319: {  	[tilespmem:s19+$0xA40] =	vst v9;
	v9 =	vnsel vm4, $0x0, v11  }
0x31a: {  	[tilespmem:s19+$0xA50] =	vst v9;
	v9 =	vnsel vm7, $0x0, v13  }
0x31b: {  	[tilespmem:s19+$0xA60] =	vst v9;
	v9 =	vnsel vm6, $0x0, v10  }
0x31c: {  	[tilespmem:s19+$0xA70] =	vst v9  }
0x31d: {  	[hbm4b:s18+s13] =	stream.strided.scatter [tilespmem:s15], [sflag:$0x1], $0x1800, s14, s13, $0x38;
	[tilespmem:$0x1A00] =	vst v63  }
0x31e: {  	_ =	swait.ge [sflag:s11], $0x1800  }
0x31f: {  	[sflag:s11] =	ssyncset.done $0x0  }
0x320: {  	s17 =	simm.s32 $0x0;
	[sflag:s11] =	ssyncadd.s32 $0xFFFFE800  }
0x321: {  	v9 =	vld.idx.msk [tilespmem:v5+s17+$0x0], $0xffff;
	_ =	sdelay $0x4  }
0x322: {  	(v2sf) =	vpush v9, $0x0;
	_ =	sdelay $0xe  }
0x323: {  	s22 =	spop (v2sf)  }
0x324: {  	s23 =	sand.u32 $0x7F, s22  }
0x325: {  	s20 =	sshra.s32 s22, $0x1F;
	p0 =	slt.s32 s22, $0x1;
	p1 =	sne.s32 s23, $0x0  }
0x326: {  	v10 =	vld.idx.msk [tilespmem:v5+s12+$0x0], $0xffff;
	s24 =	sshrl.u32 s20, $0x19;
	p0 =	por !p0, !p1  }
0x327: {  	s19 =	simm.s32 $0x1;
	s18 =	sadd.s32 s24, s22;
	p0 =	por !p0, !p0  }
0x328: {  	s18 =	sshrl.u32 s18, $0x7;
	s19 =	simm.s32 @!p0 $0x0  }
0x329: {  	s18 =	ssub.s32 s18, s19  }
0x32a: {  	s20 =	sshll.u32 s18, $0x7  }
0x32b: {  	v10 =	vadd.s32 v9, v10;
	p0 =	slt.s32 s20, $0x3E80  }
0x32c: {  	vm0 =	vlt.s32 v10, $0x4000;
	s20 =	simm.s32 @!p0 $0x3E80  }
0x32d: {  	v16 =	vimm.s32 $0x0;
	v10 =	vnsel vm0, $0x4000, v10;
	v11 =	vor.u32 s20, v8  }
0x32e: {  	v18 =	vimm.s32 $0x0;
	s26 =	sor.u32 $0x10, s20;
	s29 =	sor.u32 $0x30, s20;
	vm0 =	vlt.s32 v11, v9;
	vm1 =	vge.s32 v11, v10  }
0x32f: {  	s28 =	sor.u32 $0x20, s20;
	v11 =	vor.u32 s26, v8;
	v12 =	vor.u32 s29, v8;
	vm6 =	vmor vm0, vm1  }
0x330: {  	s26 =	sadd.s32 $0x90, s20;
	vm0 =	vlt.s32 v11, v9;
	vm1 =	vge.s32 v11, v10;
	v11 =	vor.u32 s28, v8  }
0x331: {  	vm2 =	vlt.s32 v12, v9;
	vm3 =	vge.s32 v12, v10;
	v13 =	vor.u32 s26, v8  }
0x332: {  	s25 =	sadd.s32 s9, s20;
	s30 =	sor.u32 $0x40, s20;
	vm7 =	vmor vm0, vm1;
	vm0 =	vlt.s32 v11, v9;
	vm1 =	vge.s32 v11, v10  }
0x333: {  	s21 =	simm.s32 $0x0;
	s31 =	sor.u32 $0x50, s20;
	s18 =	sand.u32 $0x1FFFFF80, s25;
	vm13 =	vmor vm2, vm3;
	v11 =	vor.u32 s30, v8;
	vm12 =	vmor vm0, vm1  }
0x334: {  	s21 =	smul.u32 $0x3000, s21;
	s22 =	sor.u32 $0x60, s20;
	s18 =	sadd.s32 s1, s18;
	vm0 =	vlt.s32 v11, v9;
	vm1 =	vge.s32 v11, v10;
	v11 =	vor.u32 s31, v8  }
0x335: {  	[tilespmem:s15], [sflag:$0x1] =	stream.strided.gather [hbm4b:s18+s13], $0x1800, s14, s13, $0x38;
	vm2 =	vlt.s32 v11, v9;
	vm3 =	vge.s32 v11, v10;
	v11 =	vor.u32 s22, v8;
	[tilespmem:$0x1A00] =	vst v63  }
0x336: {  	s21 =	sshra.s32 s21, $0x2;
	s23 =	sor.u32 $0x70, s20;
	_ =	swait.ge [sflag:s11], $0x1800;
	vm11 =	vmor vm0, vm1;
	vm4 =	vlt.s32 v11, v9;
	vm5 =	vge.s32 v11, v10  }
0x337: {  	s24 =	sand.u32 $0x380, s17;
	s28 =	sadd.s32 $0xA0, s20;
	[sflag:s11] =	ssyncset.done $0x0;
	v11 =	vor.u32 s23, v8;
	vm8 =	vmor vm2, vm3;
	vm2 =	vlt.s32 v13, v9  }
0x338: {  	s19 =	sor.u32 s24, s21;
	s25 =	sadd.s32 $0x80, s20;
	[sflag:s11] =	ssyncadd.s32 $0xFFFFE800;
	vm3 =	vge.s32 v13, v10;
	v13 =	vor.u32 s28, v8;
	vm4 =	vmor vm4, vm5  }
0x339: {  	vm0 =	vlt.s32 v11, v9;
	vm1 =	vge.s32 v11, v10;
	v11 =	vor.u32 s25, v8;
	v12 =	vld [tilespmem:s19+$0x200]  }
0x33a: {  	vm9 =	vmor vm0, vm1;
	vm0 =	vlt.s32 v11, v9;
	vm1 =	vge.s32 v11, v10;
	v11 =	vld [tilespmem:s19+$0x220]  }
0x33b: {  	s29 =	sadd.s32 $0xB0, s20;
	vm5 =	vmor vm0, vm1;
	vm0 =	vlt.s32 v13, v9;
	vm1 =	vge.s32 v13, v10  }
0x33c: {  	s30 =	sadd.s32 $0xC0, s20;
	v16 =	vsel vm6, $0xFFFFFFFF, v16;
	v13 =	vor.u32 s29, v8;
	vm15 =	vmor vm0, vm1  }
0x33d: {  	v15 =	vld [tilespmem:s19+$0x230];
	vm0 =	vlt.s32 v13, v9;
	vm1 =	vge.s32 v13, v10;
	v13 =	vor.u32 s30, v8  }
0x33e: {  	v14 =	vld [tilespmem:s19+$0x210];
	v12 =	vnsel vm6, $0x0, v12;
	vm6 =	vmor vm0, vm1;
	vm0 =	vlt.s32 v13, v9  }
0x33f: {  	vm1 =	vge.s32 v13, v10;
	v13 =	vimm.s32 $0x0;
	[tilespmem:s19+$0x200] =	vst v12;
	v11 =	vnsel vm12, $0x0, v11  }
0x340: {  	vm14 =	vmor vm2, vm3;
	s25 =	sadd.s32 $0x110, s20;
	s30 =	sadd.s32 $0x150, s20;
	v12 =	vimm.s32 $0x0;
	v13 =	vsel vm13, $0xFFFFFFFF, v13;
	[tilespmem:s19+$0x220] =	vst v11  }
0x341: {  	s22 =	sadd.s32 $0xE0, s20;
	v59 =	vor.u32 s25, v8;
	v61 =	vor.u32 s30, v8;
	v12 =	vsel vm7, $0xFFFFFFFF, v12;
	[tilespmem:$0x1FBD0] =	vst v13  }
0x342: {  	s31 =	sadd.s32 $0xD0, s20;
	v56 =	vld [tilespmem:s19+$0x240];
	vm10 =	vmor vm0, vm1;
	v11 =	vor.u32 s22, v8;
	v13 =	vnsel vm13, $0x0, v15;
	[tilespmem:$0x1FBB0] =	vst v12  }
0x343: {  	s24 =	sadd.s32 $0x100, s20;
	v15 =	vimm.s32 $0x0;
	v12 =	vnsel vm7, $0x0, v14;
	v14 =	vor.u32 s31, v8;
	[tilespmem:s19+$0x230] =	vst v13  }
0x344: {  	s26 =	sadd.s32 $0x120, s20;
	s23 =	sadd.s32 $0xF0, s20;
	s28 =	sadd.s32 $0x130, s20;
	vm1 =	vge.s32 v11, v10;
	v13 =	vimm.s32 $0x0;
	[tilespmem:s19+$0x210] =	vst v12;
	v12 =	vimm.s32 $0x0  }
0x345: {  	s29 =	sadd.s32 $0x140, s20;
	s31 =	sadd.s32 $0x160, s20;
	s20 =	sadd.s32 $0x170, s20;
	vm2 =	vlt.s32 v14, v9;
	vm3 =	vge.s32 v14, v10;
	v13 =	vsel vm11, $0xFFFFFFFF, v13  }
0x346: {  	v17 =	vld [tilespmem:s19+$0x250];
	v62 =	vor.u32 s31, v8;
	v63 =	vor.u32 s20, v8;
	v12 =	vsel vm12, $0xFFFFFFFF, v12  }
0x347: {  	vm0 =	vmor vm2, vm3;
	[tilespmem:$0x1FBE0] =	vst v13;
	v13 =	vnsel vm11, $0x0, v56;
	vm2 =	vlt.s32 v59, v9  }
0x348: {  	[tilespmem:$0x1FBC0] =	vst v12;
	v12 =	vld [tilespmem:s19+$0x260];
	v15 =	vsel vm0, $0xFFFFFFFF, v15;
	vm0 =	vlt.s32 v11, v9;
	v11 =	vor.u32 s23, v8  }
0x349: {  	[tilespmem:s19+$0x240] =	vst v13;
	v13 =	vimm.s32 $0x0;
	vm0 =	vmor vm0, vm1;
	vm1 =	vge.s32 v11, v10  }
0x34a: {  	[tilespmem:$0x1FC30] =	vst v15;
	v15 =	vld [tilespmem:s19+$0x270];
	v13 =	vsel vm8, $0xFFFFFFFF, v13;
	v18 =	vsel vm0, $0xFFFFFFFF, v18;
	vm0 =	vlt.s32 v11, v9  }
0x34b: {  	v11 =	vimm.s32 $0x0;
	[tilespmem:$0x1FC10] =	vst v13;
	v13 =	vnsel vm8, $0x0, v17;
	vm0 =	vmor vm0, vm1  }
0x34c: {  	v14 =	vld [tilespmem:s19+$0x600];
	vm3 =	vge.s32 v59, v10;
	vm12 =	vmmov vm9;
	[tilespmem:s19+$0x250] =	vst v13;
	v11 =	vsel vm0, $0xFFFFFFFF, v11  }
0x34d: {  	vm11 =	vlt.s32 v63, v9;
	v13 =	vld [tilespmem:s19+$0x630];
	[tilespmem:$0x1FC00] =	vst v11;
	v11 =	vor.u32 s24, v8;
	v12 =	vnsel vm4, $0x0, v12  }
0x34e: {  	vm0 =	vlt.s32 v11, v9;
	vm1 =	vge.s32 v11, v10;
	v11 =	vimm.s32 $0x0  }
0x34f: {  	v58 =	vld [tilespmem:s19+$0x620];
	[tilespmem:s19+$0x260] =	vst v12;
	v12 =	vnsel vm9, $0x0, v15;
	vm1 =	vmor vm0, vm1;
	vm0 =	vmor vm2, vm3  }
0x350: {  	vm8 =	vmmov vm4;
	v15 =	vld [tilespmem:s19+$0x640];
	vm9 =	vmmov vm15;
	[tilespmem:s19+$0x270] =	vst v12;
	v11 =	vsel vm0, $0xFFFFFFFF, v11  }
0x351: {  	v12 =	vnsel vm5, $0x0, v14;
	v14 =	vor.u32 s29, v8;
	[tilespmem:$0x1FC20] =	vst v11;
	v11 =	vor.u32 s26, v8  }
0x352: {  	v57 =	vld [tilespmem:s19+$0x610];
	v13 =	vnsel vm6, $0x0, v13;
	vm2 =	vlt.s32 v11, v9;
	vm3 =	vge.s32 v11, v10  }
0x353: {  	vm0 =	vmmov vm10;
	v11 =	vor.u32 s28, v8;
	vm2 =	vmor vm2, vm3  }
0x354: {  	vm3 =	vlt.s32 v11, v9;
	vm4 =	vge.s32 v11, v10;
	v11 =	vnsel vm15, $0x0, v58  }
0x355: {  	vm15 =	vmmov vm6;
	vm6 =	vlt.s32 v61, v9;
	v15 =	vnsel vm10, $0x0, v15  }
0x356: {  	[tilespmem:$0x1FBA0] =	vst v16;
	vm10 =	vlt.s32 v62, v9;
	vm3 =	vmor vm3, vm4;
	vm4 =	vlt.s32 v14, v9;
	v9 =	vld [tilespmem:$0x1FC30]  }
0x357: {  	v60 =	vld [tilespmem:s19+$0x650];
	[tilespmem:s19+$0x600] =	vst v12;
	v12 =	vnsel vm14, $0x0, v57  }
0x358: {  	[tilespmem:s19+$0x610] =	vst v12;
	v12 =	vld [tilespmem:s19+$0x660]  }
0x359: {  	vm13 =	vmmov vm5;
	vm7 =	vge.s32 v61, v10;
	vm5 =	vge.s32 v14, v10;
	[tilespmem:s19+$0x630] =	vst v13;
	v13 =	vld [tilespmem:s19+$0xA10]  }
0x35a: {  	[tilespmem:s19+$0x620] =	vst v11;
	v11 =	vld [tilespmem:s19+$0xA00];
	vm5 =	vmor vm4, vm5;
	vm4 =	vmor vm6, vm7;
	vm6 =	vge.s32 v63, v10  }
0x35b: {  	[tilespmem:$0x1FBF0] =	vst v18;
	v14 =	vld [tilespmem:s19+$0x670];
	vm7 =	vge.s32 v62, v10;
	vm6 =	vmor vm11, vm6;
	vm11 =	vnez.u8 v9  }
0x35c: {  	s20 =	simm.s32 $0x1;
	[tilespmem:s19+$0x640] =	vst v15;
	vm7 =	vmor vm10, vm7;
	v9 =	vld [tilespmem:s19+$0xA20];
	vm10 =	vmmov vm11;
	v10 =	vnsel vm11, $0x0, v60  }
.LBB2_14:
0x35d: {  	[tilespmem:s19+$0x650] =	vst v10;
	v10 =	vld [tilespmem:$0x1FBF0];
	_ =	sdelay $0x4  }
0x35e: {  	vm11 =	vnez.u8 v10  }
0x35f: {  	v10 =	vnsel vm11, $0x0, v12  }
0x360: {  	[tilespmem:s19+$0x660] =	vst v10;
	v10 =	vld [tilespmem:$0x1FC00];
	_ =	sdelay $0x4  }
0x361: {  	vm11 =	vnez.u8 v10  }
0x362: {  	v10 =	vnsel vm11, $0x0, v14  }
0x363: {  	[tilespmem:s19+$0x670] =	vst v10;
	v10 =	vnsel vm1, $0x0, v11  }
0x364: {  	[tilespmem:s19+$0xA00] =	vst v10;
	v10 =	vld [tilespmem:$0x1FC20];
	_ =	sdelay $0x2  }
0x365: {  	s21 =	sshrl.u32 s20, $0x3;
	v12 =	vld [tilespmem:s19+$0xA30]  }
0x366: {  	s21 =	smul.u32 $0x3000, s21;
	v14 =	vld [tilespmem:s19+$0xA40]  }
0x367: {  	s17 =	sadd.s32 $0x80, s17;
	v11 =	vld [tilespmem:s19+$0xA50];
	vm11 =	vnez.u8 v10  }
0x368: {  	s22 =	sand.u32 $0x380, s17;
	s21 =	sshra.s32 s21, $0x2;
	v10 =	vnsel vm11, $0x0, v13;
	v13 =	vld [tilespmem:s19+$0xA60]  }
0x369: {  	s21 =	sor.u32 s22, s21;
	v9 =	vnsel vm2, $0x0, v9;
	[tilespmem:s19+$0xA10] =	vst v10;
	v10 =	vld [tilespmem:s19+$0xA70]  }
0x36a: {  	v15 =	vld [tilespmem:s21+$0x200];
	[tilespmem:s19+$0xA20] =	vst v9;
	v9 =	vnsel vm3, $0x0, v12  }
0x36b: {  	v12 =	vld [tilespmem:s21+$0x210];
	[tilespmem:s19+$0xA30] =	vst v9;
	v9 =	vnsel vm5, $0x0, v14  }
0x36c: {  	v14 =	vld [tilespmem:s21+$0x220];
	[tilespmem:s19+$0xA40] =	vst v9;
	v9 =	vnsel vm4, $0x0, v11  }
0x36d: {  	v11 =	vld [tilespmem:s21+$0x230];
	[tilespmem:s19+$0xA50] =	vst v9  }
0x36e: {  	v9 =	vnsel vm7, $0x0, v13;
	v13 =	vld [tilespmem:s21+$0x240]  }
0x36f: {  	[tilespmem:s19+$0xA60] =	vst v9;
	v9 =	vnsel vm6, $0x0, v10;
	v10 =	vld [tilespmem:$0x1FBA0];
	_ =	sdelay $0x4  }
0x370: {  	vm11 =	vnez.u8 v10  }
0x371: {  	v10 =	vnsel vm11, $0x0, v15;
	v15 =	vld [tilespmem:s21+$0x250]  }
0x372: {  	[tilespmem:s19+$0xA70] =	vst v9;
	v9 =	vld [tilespmem:$0x1FBB0];
	_ =	sdelay $0x4  }
0x373: {  	vm11 =	vnez.u8 v9  }
0x374: {  	s19 =	smov.u32 s21;
	v9 =	vnsel vm11, $0x0, v12  }
0x375: {  	[tilespmem:s19+$0x210] =	vst v9;
	v9 =	vld [tilespmem:$0x1FBC0];
	_ =	sdelay $0x4  }
0x376: {  	vm11 =	vnez.u8 v9  }
0x377: {  	v9 =	vnsel vm11, $0x0, v14  }
0x378: {  	[tilespmem:s19+$0x220] =	vst v9;
	v9 =	vld [tilespmem:$0x1FBD0];
	_ =	sdelay $0x4  }
0x379: {  	vm11 =	vnez.u8 v9  }
0x37a: {  	v9 =	vnsel vm11, $0x0, v11  }
0x37b: {  	[tilespmem:s19+$0x230] =	vst v9;
	v9 =	vld [tilespmem:$0x1FBE0];
	_ =	sdelay $0x4  }
0x37c: {  	vm11 =	vnez.u8 v9  }
0x37d: {  	v9 =	vnsel vm11, $0x0, v13  }
0x37e: {  	[tilespmem:s19+$0x240] =	vst v9;
	v9 =	vld [tilespmem:$0x1FC10];
	_ =	sdelay $0x1  }
0x37f: {  	[tilespmem:s19+$0x200] =	vst v10;
	v10 =	vld [tilespmem:s19+$0x260]  }
0x380: {  	v12 =	vld [tilespmem:s19+$0x270]  }
0x381: {  	v11 =	vld [tilespmem:s19+$0x600]  }
0x382: {  	v13 =	vld [tilespmem:s19+$0x610];
	vm11 =	vnez.u8 v9  }
0x383: {  	v14 =	vld [tilespmem:s19+$0x620];
	v9 =	vnsel vm11, $0x0, v15  }
0x384: {  	[tilespmem:s19+$0x250] =	vst v9;
	v9 =	vnsel vm8, $0x0, v10;
	v10 =	vld [tilespmem:s19+$0x630]  }
0x385: {  	v15 =	vld [tilespmem:s19+$0x640];
	[tilespmem:s19+$0x260] =	vst v9;
	v9 =	vnsel vm12, $0x0, v12  }
0x386: {  	p0 =	sne.s32 s20, $0xF;
	v16 =	vld [tilespmem:s19+$0x650];
	[tilespmem:s19+$0x270] =	vst v9;
	v9 =	vnsel vm13, $0x0, v11  }
.Ltmp6:
0x387: {  	v12 =	vld [tilespmem:s19+$0x660];
	[tilespmem:s19+$0x600] =	vst v9;
	v9 =	vnsel vm14, $0x0, v13;
	(pc) =	sbr.rel @p0 .LBB2_14-.Ltmp6, $4  }
0x388: {  	v11 =	vld [tilespmem:s19+$0xA00];
	[tilespmem:s19+$0x610] =	vst v9;
	v9 =	vnsel vm9, $0x0, v14  }
0x389: {  	v13 =	vld [tilespmem:s19+$0xA10];
	[tilespmem:s19+$0x620] =	vst v9;
	v9 =	vnsel vm15, $0x0, v10  }
0x38a: {  	v14 =	vld [tilespmem:s19+$0x670];
	[tilespmem:s19+$0x630] =	vst v9;
	v9 =	vnsel vm0, $0x0, v15  }
0x38b: {  	s20 =	sadd.s32 $0x1, s20;
	v10 =	vnsel vm10, $0x0, v16;
	[tilespmem:s19+$0x640] =	vst v9;
	v9 =	vld [tilespmem:s19+$0xA20]  }
0x38c: {  	[tilespmem:s19+$0x650] =	vst v10;
	v10 =	vld [tilespmem:$0x1FBF0];
	_ =	sdelay $0x4  }
0x38d: {  	vm0 =	vnez.u8 v10  }
0x38e: {  	v10 =	vnsel vm0, $0x0, v12  }
0x38f: {  	[tilespmem:s19+$0x660] =	vst v10;
	v10 =	vld [tilespmem:$0x1FC00];
	_ =	sdelay $0x4  }
0x390: {  	vm0 =	vnez.u8 v10  }
0x391: {  	v10 =	vnsel vm0, $0x0, v14  }
0x392: {  	[tilespmem:s19+$0x670] =	vst v10;
	v10 =	vnsel vm1, $0x0, v11  }
0x393: {  	[tilespmem:s19+$0xA00] =	vst v10;
	v10 =	vld [tilespmem:$0x1FC20];
	_ =	sdelay $0x2  }
0x394: {  	v12 =	vld [tilespmem:s19+$0xA30]  }
0x395: {  	v14 =	vld [tilespmem:s19+$0xA40]  }
0x396: {  	v11 =	vld [tilespmem:s19+$0xA50];
	vm0 =	vnez.u8 v10  }
0x397: {  	v10 =	vnsel vm0, $0x0, v13;
	v13 =	vld [tilespmem:s19+$0xA60]  }
0x398: {  	v9 =	vnsel vm2, $0x0, v9;
	[tilespmem:s19+$0xA10] =	vst v10;
	v10 =	vld [tilespmem:s19+$0xA70]  }
0x399: {  	[tilespmem:s19+$0xA20] =	vst v9;
	v9 =	vnsel vm3, $0x0, v12  }
0x39a: {  	[tilespmem:s19+$0xA30] =	vst v9;
	v9 =	vnsel vm5, $0x0, v14  }
0x39b: {  	[tilespmem:s19+$0xA40] =	vst v9;
	v9 =	vnsel vm4, $0x0, v11  }
0x39c: {  	[tilespmem:s19+$0xA50] =	vst v9;
	v9 =	vnsel vm7, $0x0, v13  }
0x39d: {  	[tilespmem:s19+$0xA60] =	vst v9;
	v9 =	vnsel vm6, $0x0, v10  }
0x39e: {  	[tilespmem:s19+$0xA70] =	vst v9  }
0x39f: {  	[hbm4b:s18+s13] =	stream.strided.scatter [tilespmem:s15], [sflag:$0x1], $0x1800, s14, s13, $0x38;
	[tilespmem:$0x1A00] =	vst v63  }
0x3a0: {  	_ =	swait.ge [sflag:s11], $0x1800  }
0x3a1: {  	[sflag:s11] =	ssyncset.done $0x0  }
0x3a2: {  	s17 =	simm.s32 $0x0;
	[sflag:s11] =	ssyncadd.s32 $0xFFFFE800  }
0x3a3: {  	v9 =	vld.idx.msk [tilespmem:v7+s17+$0x0], $0xffff;
	_ =	sdelay $0x4  }
0x3a4: {  	(v2sf) =	vpush v9, $0x0;
	_ =	sdelay $0xe  }
0x3a5: {  	s22 =	spop (v2sf)  }
0x3a6: {  	s23 =	sand.u32 $0x7F, s22  }
0x3a7: {  	s20 =	sshra.s32 s22, $0x1F;
	p0 =	slt.s32 s22, $0x1;
	p1 =	sne.s32 s23, $0x0  }
0x3a8: {  	v10 =	vld.idx.msk [tilespmem:v7+s12+$0x0], $0xffff;
	s24 =	sshrl.u32 s20, $0x19;
	p0 =	por !p0, !p1  }
0x3a9: {  	s19 =	simm.s32 $0x1;
	s18 =	sadd.s32 s24, s22;
	p0 =	por !p0, !p0  }
0x3aa: {  	s18 =	sshrl.u32 s18, $0x7;
	s19 =	simm.s32 @!p0 $0x0  }
0x3ab: {  	s18 =	ssub.s32 s18, s19  }
0x3ac: {  	s20 =	sshll.u32 s18, $0x7  }
0x3ad: {  	v10 =	vadd.s32 v9, v10;
	p0 =	slt.s32 s20, $0x3E80  }
0x3ae: {  	vm0 =	vlt.s32 v10, $0x4000;
	s20 =	simm.s32 @!p0 $0x3E80  }
0x3af: {  	v16 =	vimm.s32 $0x0;
	v10 =	vnsel vm0, $0x4000, v10;
	v11 =	vor.u32 s20, v8  }
0x3b0: {  	v18 =	vimm.s32 $0x0;
	s26 =	sor.u32 $0x10, s20;
	s29 =	sor.u32 $0x30, s20;
	vm0 =	vlt.s32 v11, v9;
	vm1 =	vge.s32 v11, v10  }
0x3b1: {  	s28 =	sor.u32 $0x20, s20;
	v11 =	vor.u32 s26, v8;
	v12 =	vor.u32 s29, v8;
	vm6 =	vmor vm0, vm1  }
0x3b2: {  	s26 =	sadd.s32 $0x90, s20;
	vm0 =	vlt.s32 v11, v9;
	vm1 =	vge.s32 v11, v10;
	v11 =	vor.u32 s28, v8  }
0x3b3: {  	vm2 =	vlt.s32 v12, v9;
	vm3 =	vge.s32 v12, v10;
	v13 =	vor.u32 s26, v8  }
0x3b4: {  	s25 =	sadd.s32 s9, s20;
	s30 =	sor.u32 $0x40, s20;
	vm7 =	vmor vm0, vm1;
	vm0 =	vlt.s32 v11, v9;
	vm1 =	vge.s32 v11, v10  }
0x3b5: {  	s21 =	simm.s32 $0x0;
	s31 =	sor.u32 $0x50, s20;
	s18 =	sand.u32 $0x1FFFFF80, s25;
	vm13 =	vmor vm2, vm3;
	v11 =	vor.u32 s30, v8;
	vm12 =	vmor vm0, vm1  }
0x3b6: {  	s21 =	smul.u32 $0x3000, s21;
	s22 =	sor.u32 $0x60, s20;
	s18 =	sadd.s32 s1, s18;
	vm0 =	vlt.s32 v11, v9;
	vm1 =	vge.s32 v11, v10;
	v11 =	vor.u32 s31, v8  }
0x3b7: {  	[tilespmem:s15], [sflag:$0x1] =	stream.strided.gather [hbm4b:s18+s13], $0x1800, s14, s13, $0x38;
	vm2 =	vlt.s32 v11, v9;
	vm3 =	vge.s32 v11, v10;
	v11 =	vor.u32 s22, v8;
	[tilespmem:$0x1A00] =	vst v63  }
0x3b8: {  	s21 =	sshra.s32 s21, $0x2;
	s23 =	sor.u32 $0x70, s20;
	_ =	swait.ge [sflag:s11], $0x1800;
	vm11 =	vmor vm0, vm1;
	vm4 =	vlt.s32 v11, v9;
	vm5 =	vge.s32 v11, v10  }
0x3b9: {  	s24 =	sand.u32 $0x380, s17;
	s28 =	sadd.s32 $0xA0, s20;
	[sflag:s11] =	ssyncset.done $0x0;
	v11 =	vor.u32 s23, v8;
	vm8 =	vmor vm2, vm3;
	vm2 =	vlt.s32 v13, v9  }
0x3ba: {  	s19 =	sor.u32 s24, s21;
	s25 =	sadd.s32 $0x80, s20;
	[sflag:s11] =	ssyncadd.s32 $0xFFFFE800;
	vm3 =	vge.s32 v13, v10;
	v13 =	vor.u32 s28, v8;
	vm4 =	vmor vm4, vm5  }
0x3bb: {  	vm0 =	vlt.s32 v11, v9;
	vm1 =	vge.s32 v11, v10;
	v11 =	vor.u32 s25, v8;
	v12 =	vld [tilespmem:s19+$0x200]  }
0x3bc: {  	vm9 =	vmor vm0, vm1;
	vm0 =	vlt.s32 v11, v9;
	vm1 =	vge.s32 v11, v10;
	v11 =	vld [tilespmem:s19+$0x220]  }
0x3bd: {  	s29 =	sadd.s32 $0xB0, s20;
	vm5 =	vmor vm0, vm1;
	vm0 =	vlt.s32 v13, v9;
	vm1 =	vge.s32 v13, v10  }
0x3be: {  	s30 =	sadd.s32 $0xC0, s20;
	v16 =	vsel vm6, $0xFFFFFFFF, v16;
	v13 =	vor.u32 s29, v8;
	vm15 =	vmor vm0, vm1  }
0x3bf: {  	v15 =	vld [tilespmem:s19+$0x230];
	vm0 =	vlt.s32 v13, v9;
	vm1 =	vge.s32 v13, v10;
	v13 =	vor.u32 s30, v8  }
0x3c0: {  	v14 =	vld [tilespmem:s19+$0x210];
	v12 =	vnsel vm6, $0x0, v12;
	vm6 =	vmor vm0, vm1;
	vm0 =	vlt.s32 v13, v9  }
0x3c1: {  	vm1 =	vge.s32 v13, v10;
	v13 =	vimm.s32 $0x0;
	[tilespmem:s19+$0x200] =	vst v12;
	v11 =	vnsel vm12, $0x0, v11  }
0x3c2: {  	vm14 =	vmor vm2, vm3;
	s25 =	sadd.s32 $0x110, s20;
	s30 =	sadd.s32 $0x150, s20;
	v12 =	vimm.s32 $0x0;
	v13 =	vsel vm13, $0xFFFFFFFF, v13;
	[tilespmem:s19+$0x220] =	vst v11  }
0x3c3: {  	s22 =	sadd.s32 $0xE0, s20;
	v59 =	vor.u32 s25, v8;
	v61 =	vor.u32 s30, v8;
	v12 =	vsel vm7, $0xFFFFFFFF, v12;
	[tilespmem:$0x1FB30] =	vst v13  }
0x3c4: {  	s31 =	sadd.s32 $0xD0, s20;
	v56 =	vld [tilespmem:s19+$0x240];
	vm10 =	vmor vm0, vm1;
	v11 =	vor.u32 s22, v8;
	v13 =	vnsel vm13, $0x0, v15;
	[tilespmem:$0x1FB10] =	vst v12  }
0x3c5: {  	s24 =	sadd.s32 $0x100, s20;
	v15 =	vimm.s32 $0x0;
	v12 =	vnsel vm7, $0x0, v14;
	v14 =	vor.u32 s31, v8;
	[tilespmem:s19+$0x230] =	vst v13  }
0x3c6: {  	s26 =	sadd.s32 $0x120, s20;
	s23 =	sadd.s32 $0xF0, s20;
	s28 =	sadd.s32 $0x130, s20;
	vm1 =	vge.s32 v11, v10;
	v13 =	vimm.s32 $0x0;
	[tilespmem:s19+$0x210] =	vst v12;
	v12 =	vimm.s32 $0x0  }
0x3c7: {  	s29 =	sadd.s32 $0x140, s20;
	s31 =	sadd.s32 $0x160, s20;
	s20 =	sadd.s32 $0x170, s20;
	vm2 =	vlt.s32 v14, v9;
	vm3 =	vge.s32 v14, v10;
	v13 =	vsel vm11, $0xFFFFFFFF, v13  }
0x3c8: {  	v17 =	vld [tilespmem:s19+$0x250];
	v62 =	vor.u32 s31, v8;
	v63 =	vor.u32 s20, v8;
	v12 =	vsel vm12, $0xFFFFFFFF, v12  }
0x3c9: {  	vm0 =	vmor vm2, vm3;
	[tilespmem:$0x1FB40] =	vst v13;
	v13 =	vnsel vm11, $0x0, v56;
	vm2 =	vlt.s32 v59, v9  }
0x3ca: {  	[tilespmem:$0x1FB20] =	vst v12;
	v12 =	vld [tilespmem:s19+$0x260];
	v15 =	vsel vm0, $0xFFFFFFFF, v15;
	vm0 =	vlt.s32 v11, v9;
	v11 =	vor.u32 s23, v8  }
0x3cb: {  	[tilespmem:s19+$0x240] =	vst v13;
	v13 =	vimm.s32 $0x0;
	vm0 =	vmor vm0, vm1;
	vm1 =	vge.s32 v11, v10  }
0x3cc: {  	[tilespmem:$0x1FB90] =	vst v15;
	v15 =	vld [tilespmem:s19+$0x270];
	v13 =	vsel vm8, $0xFFFFFFFF, v13;
	v18 =	vsel vm0, $0xFFFFFFFF, v18;
	vm0 =	vlt.s32 v11, v9  }
0x3cd: {  	v11 =	vimm.s32 $0x0;
	[tilespmem:$0x1FB70] =	vst v13;
	v13 =	vnsel vm8, $0x0, v17;
	vm0 =	vmor vm0, vm1  }
0x3ce: {  	v14 =	vld [tilespmem:s19+$0x600];
	vm3 =	vge.s32 v59, v10;
	vm12 =	vmmov vm9;
	[tilespmem:s19+$0x250] =	vst v13;
	v11 =	vsel vm0, $0xFFFFFFFF, v11  }
0x3cf: {  	vm11 =	vlt.s32 v63, v9;
	v13 =	vld [tilespmem:s19+$0x630];
	[tilespmem:$0x1FB60] =	vst v11;
	v11 =	vor.u32 s24, v8;
	v12 =	vnsel vm4, $0x0, v12  }
0x3d0: {  	vm0 =	vlt.s32 v11, v9;
	vm1 =	vge.s32 v11, v10;
	v11 =	vimm.s32 $0x0  }
0x3d1: {  	v58 =	vld [tilespmem:s19+$0x620];
	[tilespmem:s19+$0x260] =	vst v12;
	v12 =	vnsel vm9, $0x0, v15;
	vm1 =	vmor vm0, vm1;
	vm0 =	vmor vm2, vm3  }
0x3d2: {  	vm8 =	vmmov vm4;
	v15 =	vld [tilespmem:s19+$0x640];
	vm9 =	vmmov vm15;
	[tilespmem:s19+$0x270] =	vst v12;
	v11 =	vsel vm0, $0xFFFFFFFF, v11  }
0x3d3: {  	v12 =	vnsel vm5, $0x0, v14;
	v14 =	vor.u32 s29, v8;
	[tilespmem:$0x1FB80] =	vst v11;
	v11 =	vor.u32 s26, v8  }
0x3d4: {  	v57 =	vld [tilespmem:s19+$0x610];
	v13 =	vnsel vm6, $0x0, v13;
	vm2 =	vlt.s32 v11, v9;
	vm3 =	vge.s32 v11, v10  }
0x3d5: {  	vm0 =	vmmov vm10;
	v11 =	vor.u32 s28, v8;
	vm2 =	vmor vm2, vm3  }
0x3d6: {  	vm3 =	vlt.s32 v11, v9;
	vm4 =	vge.s32 v11, v10;
	v11 =	vnsel vm15, $0x0, v58  }
0x3d7: {  	vm15 =	vmmov vm6;
	vm6 =	vlt.s32 v61, v9;
	v15 =	vnsel vm10, $0x0, v15  }
0x3d8: {  	[tilespmem:$0x1FB00] =	vst v16;
	vm10 =	vlt.s32 v62, v9;
	vm3 =	vmor vm3, vm4;
	vm4 =	vlt.s32 v14, v9;
	v9 =	vld [tilespmem:$0x1FB90]  }
0x3d9: {  	v60 =	vld [tilespmem:s19+$0x650];
	[tilespmem:s19+$0x600] =	vst v12;
	v12 =	vnsel vm14, $0x0, v57  }
0x3da: {  	[tilespmem:s19+$0x610] =	vst v12;
	v12 =	vld [tilespmem:s19+$0x660]  }
0x3db: {  	vm13 =	vmmov vm5;
	vm7 =	vge.s32 v61, v10;
	vm5 =	vge.s32 v14, v10;
	[tilespmem:s19+$0x630] =	vst v13;
	v13 =	vld [tilespmem:s19+$0xA10]  }
0x3dc: {  	[tilespmem:s19+$0x620] =	vst v11;
	v11 =	vld [tilespmem:s19+$0xA00];
	vm5 =	vmor vm4, vm5;
	vm4 =	vmor vm6, vm7;
	vm6 =	vge.s32 v63, v10  }
0x3dd: {  	[tilespmem:$0x1FB50] =	vst v18;
	v14 =	vld [tilespmem:s19+$0x670];
	vm7 =	vge.s32 v62, v10;
	vm6 =	vmor vm11, vm6;
	vm11 =	vnez.u8 v9  }
0x3de: {  	s20 =	simm.s32 $0x1;
	[tilespmem:s19+$0x640] =	vst v15;
	vm7 =	vmor vm10, vm7;
	v9 =	vld [tilespmem:s19+$0xA20];
	vm10 =	vmmov vm11;
	v10 =	vnsel vm11, $0x0, v60  }
.LBB2_16:
0x3df: {  	[tilespmem:s19+$0x650] =	vst v10;
	v10 =	vld [tilespmem:$0x1FB50];
	_ =	sdelay $0x4  }
0x3e0: {  	vm11 =	vnez.u8 v10  }
0x3e1: {  	v10 =	vnsel vm11, $0x0, v12  }
0x3e2: {  	[tilespmem:s19+$0x660] =	vst v10;
	v10 =	vld [tilespmem:$0x1FB60];
	_ =	sdelay $0x4  }
0x3e3: {  	vm11 =	vnez.u8 v10  }
0x3e4: {  	v10 =	vnsel vm11, $0x0, v14  }
0x3e5: {  	[tilespmem:s19+$0x670] =	vst v10;
	v10 =	vnsel vm1, $0x0, v11  }
0x3e6: {  	[tilespmem:s19+$0xA00] =	vst v10;
	v10 =	vld [tilespmem:$0x1FB80];
	_ =	sdelay $0x2  }
0x3e7: {  	s21 =	sshrl.u32 s20, $0x3;
	v12 =	vld [tilespmem:s19+$0xA30]  }
0x3e8: {  	s21 =	smul.u32 $0x3000, s21;
	v14 =	vld [tilespmem:s19+$0xA40]  }
0x3e9: {  	s17 =	sadd.s32 $0x80, s17;
	v11 =	vld [tilespmem:s19+$0xA50];
	vm11 =	vnez.u8 v10  }
0x3ea: {  	s22 =	sand.u32 $0x380, s17;
	s21 =	sshra.s32 s21, $0x2;
	v10 =	vnsel vm11, $0x0, v13;
	v13 =	vld [tilespmem:s19+$0xA60]  }
0x3eb: {  	s21 =	sor.u32 s22, s21;
	v9 =	vnsel vm2, $0x0, v9;
	[tilespmem:s19+$0xA10] =	vst v10;
	v10 =	vld [tilespmem:s19+$0xA70]  }
0x3ec: {  	v15 =	vld [tilespmem:s21+$0x200];
	[tilespmem:s19+$0xA20] =	vst v9;
	v9 =	vnsel vm3, $0x0, v12  }
0x3ed: {  	v12 =	vld [tilespmem:s21+$0x210];
	[tilespmem:s19+$0xA30] =	vst v9;
	v9 =	vnsel vm5, $0x0, v14  }
0x3ee: {  	v14 =	vld [tilespmem:s21+$0x220];
	[tilespmem:s19+$0xA40] =	vst v9;
	v9 =	vnsel vm4, $0x0, v11  }
0x3ef: {  	v11 =	vld [tilespmem:s21+$0x230];
	[tilespmem:s19+$0xA50] =	vst v9  }
0x3f0: {  	v9 =	vnsel vm7, $0x0, v13;
	v13 =	vld [tilespmem:s21+$0x240]  }
0x3f1: {  	[tilespmem:s19+$0xA60] =	vst v9;
	v9 =	vnsel vm6, $0x0, v10;
	v10 =	vld [tilespmem:$0x1FB00];
	_ =	sdelay $0x4  }
0x3f2: {  	vm11 =	vnez.u8 v10  }
0x3f3: {  	v10 =	vnsel vm11, $0x0, v15;
	v15 =	vld [tilespmem:s21+$0x250]  }
0x3f4: {  	[tilespmem:s19+$0xA70] =	vst v9;
	v9 =	vld [tilespmem:$0x1FB10];
	_ =	sdelay $0x4  }
0x3f5: {  	vm11 =	vnez.u8 v9  }
0x3f6: {  	s19 =	smov.u32 s21;
	v9 =	vnsel vm11, $0x0, v12  }
0x3f7: {  	[tilespmem:s19+$0x210] =	vst v9;
	v9 =	vld [tilespmem:$0x1FB20];
	_ =	sdelay $0x4  }
0x3f8: {  	vm11 =	vnez.u8 v9  }
0x3f9: {  	v9 =	vnsel vm11, $0x0, v14  }
0x3fa: {  	[tilespmem:s19+$0x220] =	vst v9;
	v9 =	vld [tilespmem:$0x1FB30];
	_ =	sdelay $0x4  }
0x3fb: {  	vm11 =	vnez.u8 v9  }
0x3fc: {  	v9 =	vnsel vm11, $0x0, v11  }
0x3fd: {  	[tilespmem:s19+$0x230] =	vst v9;
	v9 =	vld [tilespmem:$0x1FB40];
	_ =	sdelay $0x4  }
0x3fe: {  	vm11 =	vnez.u8 v9  }
0x3ff: {  	v9 =	vnsel vm11, $0x0, v13  }
0x400: {  	[tilespmem:s19+$0x240] =	vst v9;
	v9 =	vld [tilespmem:$0x1FB70];
	_ =	sdelay $0x1  }
0x401: {  	[tilespmem:s19+$0x200] =	vst v10;
	v10 =	vld [tilespmem:s19+$0x260]  }
0x402: {  	v12 =	vld [tilespmem:s19+$0x270]  }
0x403: {  	v11 =	vld [tilespmem:s19+$0x600]  }
0x404: {  	v13 =	vld [tilespmem:s19+$0x610];
	vm11 =	vnez.u8 v9  }
0x405: {  	v14 =	vld [tilespmem:s19+$0x620];
	v9 =	vnsel vm11, $0x0, v15  }
0x406: {  	[tilespmem:s19+$0x250] =	vst v9;
	v9 =	vnsel vm8, $0x0, v10;
	v10 =	vld [tilespmem:s19+$0x630]  }
0x407: {  	v15 =	vld [tilespmem:s19+$0x640];
	[tilespmem:s19+$0x260] =	vst v9;
	v9 =	vnsel vm12, $0x0, v12  }
0x408: {  	p0 =	sne.s32 s20, $0xF;
	v16 =	vld [tilespmem:s19+$0x650];
	[tilespmem:s19+$0x270] =	vst v9;
	v9 =	vnsel vm13, $0x0, v11  }
.Ltmp7:
0x409: {  	v12 =	vld [tilespmem:s19+$0x660];
	[tilespmem:s19+$0x600] =	vst v9;
	v9 =	vnsel vm14, $0x0, v13;
	(pc) =	sbr.rel @p0 .LBB2_16-.Ltmp7, $4  }
0x40a: {  	v11 =	vld [tilespmem:s19+$0xA00];
	[tilespmem:s19+$0x610] =	vst v9;
	v9 =	vnsel vm9, $0x0, v14  }
0x40b: {  	v13 =	vld [tilespmem:s19+$0xA10];
	[tilespmem:s19+$0x620] =	vst v9;
	v9 =	vnsel vm15, $0x0, v10  }
0x40c: {  	v14 =	vld [tilespmem:s19+$0x670];
	[tilespmem:s19+$0x630] =	vst v9;
	v9 =	vnsel vm0, $0x0, v15  }
0x40d: {  	s20 =	sadd.s32 $0x1, s20;
	v10 =	vnsel vm10, $0x0, v16;
	[tilespmem:s19+$0x640] =	vst v9;
	v9 =	vld [tilespmem:s19+$0xA20]  }
0x40e: {  	[tilespmem:s19+$0x650] =	vst v10;
	v10 =	vld [tilespmem:$0x1FB50];
	_ =	sdelay $0x4  }
0x40f: {  	vm0 =	vnez.u8 v10  }
0x410: {  	v10 =	vnsel vm0, $0x0, v12  }
0x411: {  	[tilespmem:s19+$0x660] =	vst v10;
	v10 =	vld [tilespmem:$0x1FB60];
	_ =	sdelay $0x4  }
0x412: {  	vm14 =	vnez.u8 v10  }
0x413: {  	v10 =	vnsel vm14, $0x0, v14  }
0x414: {  	[tilespmem:s19+$0x670] =	vst v10;
	v10 =	vnsel vm1, $0x0, v11  }
0x415: {  	[tilespmem:s19+$0xA00] =	vst v10;
	v10 =	vld [tilespmem:$0x1FB80];
	_ =	sdelay $0x2  }
0x416: {  	v61 =	vld [tilespmem:s19+$0xA30]  }
0x417: {  	v62 =	vld [tilespmem:s19+$0xA40]  }
0x418: {  	v11 =	vld [tilespmem:s19+$0xA50];
	vm15 =	vnez.u8 v10  }
0x419: {  	v63 =	vld [tilespmem:s19+$0xA60];
	v10 =	vnsel vm15, $0x0, v13  }
0x41a: {  	v9 =	vnsel vm2, $0x0, v9;
	[tilespmem:s19+$0xA10] =	vst v10;
	v10 =	vld [tilespmem:s19+$0xA70]  }
0x41b: {  	[tilespmem:s19+$0xA20] =	vst v9;
	v9 =	vnsel vm3, $0x0, v61  }
0x41c: {  	[tilespmem:s19+$0xA30] =	vst v9;
	v9 =	vnsel vm5, $0x0, v62  }
0x41d: {  	[tilespmem:s19+$0xA40] =	vst v9;
	v9 =	vnsel vm4, $0x0, v11  }
0x41e: {  	s16 =	sadd.s32 $0x1, s16;
	[tilespmem:s19+$0xA50] =	vst v9;
	v9 =	vnsel vm7, $0x0, v63  }
0x41f: {  	p0 =	sne.s32 s16, s10;
	[tilespmem:s19+$0xA60] =	vst v9;
	v9 =	vnsel vm6, $0x0, v10  }
.Ltmp8:
0x420: {  	[tilespmem:s19+$0xA70] =	vst v9;
	(pc) =	sbr.rel @p0 .LBB2_1-.Ltmp8, $4  }
0x421: {  	[hbm4b:s18+s13] =	stream.strided.scatter [tilespmem:s15], [sflag:$0x1], $0x1800, s14, s13, $0x38;
	[tilespmem:$0x1A00] =	vst v63  }
0x422: {  	_ =	swait.ge [sflag:s11], $0x1800  }
0x423: {  	[sflag:s11] =	ssyncset.done $0x0  }
0x424: {  	[sflag:s11] =	ssyncadd.s32 $0xFFFFE800  }
0x425: {  	_ =	sfence.sel $0x180000  }
0x426: {  	[bflag:$0x0] =	sbarrier.arrive $0xFFFF  }
0x427: {  	p0 =	sne.s32 s4, $0x0;
	_ =	strace $0x90000047  }
0x428: {  	s0 =	sadd.s32 @!p0 $0x100000, s0;
	[bflag:$0x2] =	sbarrier.arrive $0xFFFF  }
0x429: {  	[sflag:s0] =	ssyncadd.tile.s32 @!p0 $0x1;
	_ =	shalt  }
.Lfunc_end2:
_tile_overlayer_lowered:
.L_overlay_start_2:
0x42a: {  	(tag) =	ssettag $0x2  }
0x42b: {  	s0 =	rddreg [dreg:$0x0];
	s2 =	stileid.u32  }
0x42c: {  	s1 =	rddreg [dreg:$0x1];
	p0 =	sne.s32 s2, $0x0  }
0x42d: {  	s3 =	rddreg [dreg:$0x2];
	[bflag:$0x3] =	sbarrier.arrive $0xFFFF;
	s2 =	simm.s32 @!p0 $0x1C01  }
0x42e: {  	[timem:s3], [sflag:s2] =	dma.local @!p0 [hbm:s0], s1  }
0x42f: {  	s0 =	simm.s32 @!p0 $0x1  }
0x430: {  	_ =	swait.ge @!p0 [sflag:s0], s1  }
0x431: {  	s1 =	ssub.s32 @!p0 $0x0, s1;
	[sflag:s0] =	ssyncset.done @!p0 $0x0  }
0x432: {  	[sflag:s0] =	ssyncadd.s32 @!p0 s1  }
0x433: {  	[bflag:$0x3] =	sbarrier.arrive $0xFFFF  }
0x434: {  	_ =	shalt  }

</sc_bundles>
